<compile_context>
chip_gen: v7x
topology: tpu7x:2x2x1
jax: 0.10.2.dev20260603
libtpu: 0.0.44.dev20260713+nightly
codegen_flags: <defaults>
</compile_context>

<pallas_src>
import functools

import jax
import jax.numpy as jnp
from jax import lax
from jax.experimental import pallas as pl
from jax.experimental.pallas import tpu as pltpu
from jax.experimental.pallas import tpu_sc as plsc

N = 10000
E = 320000
NC = 2
NS = 16
NW = NC * NS
EPW = E // NW
CH = 80
NCH = EPW // CH
NP = 10240
RPT = NP // NS

_F32 = jnp.float32


def _mesh():
  return plsc.VectorSubcoreMesh(core_axis_name="c", subcore_axis_name="s",
                                num_cores=NC, num_subcores=NS)


@functools.lru_cache(maxsize=None)
def _make_seg_sum(W):
  out_type = jax.ShapeDtypeStruct((NC, NP, W), _F32)
  scratch = [
      pltpu.VMEM((EPW,), jnp.int32),
      pltpu.VMEM((NCH, CH), jnp.int32),
      pltpu.VMEM((CH, W), _F32),
      pltpu.VMEM((CH, W), _F32),
      pltpu.VMEM_SHARED((NP, W), _F32),
      pltpu.SemaphoreType.DMA,
      pltpu.SemaphoreType.DMA,
  ]

  def body(table, src, dst, zrows, out, src_v, dst_v, buf0, buf1, acc,
           gsem0, gsem1):
    cid = lax.axis_index("c")
    sid = lax.axis_index("s")
    wid = cid * NS + sid
    r0 = sid * RPT
    pltpu.sync_copy(zrows, acc.at[pl.ds(r0, RPT)])
    pltpu.sync_copy(src.at[pl.ds(wid * EPW, EPW)], src_v)
    pltpu.sync_copy(dst.at[wid], dst_v)
    plsc.subcore_barrier()

    def gather(c, buf, gsem):
      base = pl.multiple_of(c * CH, 8)
      pltpu.async_copy(table.at[src_v.at[pl.ds(base, CH)]], buf, gsem)

    def gwait(buf, gsem):
      pltpu.make_async_copy(table.at[src_v.at[pl.ds(0, CH)]], buf, gsem).wait()

    gather(0, buf0, gsem0)
    gather(1, buf1, gsem1)

    def pair(g, carry):
      c0 = g * 2
      gwait(buf0, gsem0)
      pltpu.sync_copy(buf0, acc.at[dst_v.at[c0]], add=True)

      @pl.when(c0 + 2 < NCH)
      def _():
        gather(c0 + 2, buf0, gsem0)

      @pl.when(c0 + 1 < NCH)
      def _():
        gwait(buf1, gsem1)
        pltpu.sync_copy(buf1, acc.at[dst_v.at[c0 + 1]], add=True)

        @pl.when(c0 + 3 < NCH)
        def _():
          gather(c0 + 3, buf1, gsem1)

      return carry

    lax.fori_loop(0, (NCH + 1) // 2, pair, 0)
    plsc.subcore_barrier()
    pltpu.sync_copy(acc.at[pl.ds(r0, RPT)], out.at[cid, pl.ds(r0, RPT)])

  return pl.kernel(body, out_type=out_type, mesh=_mesh(),
                   scratch_types=scratch, name=f"seg_sum_w{W}")


@functools.lru_cache(maxsize=None)
def _make_deg():
  out_type = jax.ShapeDtypeStruct((NC, NP, 128), _F32)
  scratch = [
      pltpu.VMEM((NCH, CH), jnp.int32),
      pltpu.VMEM((CH, 128), _F32),
      pltpu.VMEM_SHARED((NP, 128), _F32),
  ]

  def body(dst, ones, zrows, dout, dst_v, ones_v, dacc):
    cid = lax.axis_index("c")
    sid = lax.axis_index("s")
    wid = cid * NS + sid
    r0 = sid * RPT
    pltpu.sync_copy(zrows, dacc.at[pl.ds(r0, RPT)])
    pltpu.sync_copy(ones, ones_v)
    pltpu.sync_copy(dst.at[wid], dst_v)
    plsc.subcore_barrier()

    def chunk(c, carry):
      pltpu.sync_copy(ones_v, dacc.at[dst_v.at[c]], add=True)
      return carry

    lax.fori_loop(0, NCH, chunk, 0)
    plsc.subcore_barrier()
    pltpu.sync_copy(dacc.at[pl.ds(r0, RPT)], dout.at[cid, pl.ds(r0, RPT)])

  return pl.kernel(body, out_type=out_type, mesh=_mesh(),
                   scratch_types=scratch, name="deg_count")


def _seg128(*a):
  return _make_seg_sum(128)(*a)


def _dot(a, b):
  return jnp.dot(a, b, preferred_element_type=_F32,
                 precision=lax.Precision.HIGHEST)



BR = 1000
GRID = N // BR

def _b2(w):
  return pl.BlockSpec((BR, w), lambda i: (i, 0))


def _bp(w):
  return pl.BlockSpec((NC, BR, w), lambda i: (0, i, 0))


def _full(*shape):
  return pl.BlockSpec(shape, lambda i: tuple(0 for _ in shape))


def _tc(body, in_specs, out_specs, out_shapes):
  return pl.pallas_call(
      body, grid=(GRID,),
      in_specs=in_specs, out_specs=out_specs,
      out_shape=[jax.ShapeDtypeStruct(s, _F32) for s in out_shapes],
      compiler_params=pltpu.CompilerParams(
          dimension_semantics=("arbitrary",)))


def _acc_stats(i, h, s_ref, q_ref):
  ps = jnp.sum(h, axis=0, keepdims=True)
  pq = jnp.sum(h * h, axis=0, keepdims=True)

  @pl.when(i == 0)
  def _():
    s_ref[...] = ps
    q_ref[...] = pq

  @pl.when(i > 0)
  def _():
    s_ref[...] += ps
    q_ref[...] += pq


def _norm_apply(h, s_ref, q_ref, g_ref, b_ref):
  mu = s_ref[...] / N
  var = q_ref[...] / N - mu * mu
  return (h - mu) * lax.rsqrt(var + 1e-5) * g_ref[...] + b_ref[...]


def _dis_of(d_ref):
  deg = d_ref[0] + d_ref[1]
  return jnp.where(deg > 0, lax.rsqrt(jnp.maximum(deg, 1e-12)), 0.0)


def _invc_of(d_ref):
  return 1.0 / jnp.maximum(d_ref[0] + d_ref[1], 1.0)


def _tc1a_body(p_ref, x_ref, wr_ref, wo_ref, b_ref, h_ref, s_ref, q_ref):
  i = pl.program_id(0)
  h = (_dot(p_ref[0] + p_ref[1], wr_ref[...]) +
       _dot(x_ref[...], wo_ref[...]) + b_ref[...])
  h_ref[...] = h
  _acc_stats(i, h, s_ref, q_ref)


def _tc1b_body(h_ref, s_ref, q_ref, g_ref, b_ref, d_ref, h2_ref, hs_ref):
  h2 = jnp.maximum(_norm_apply(h_ref[...], s_ref, q_ref, g_ref, b_ref), 0.0)
  h2_ref[...] = h2
  hs_ref[...] = h2 * _dis_of(d_ref)


def _tc2_body(p_ref, d_ref, tx1_ref, hs2_ref):
  dis = _dis_of(d_ref)
  tx1 = (-dis) * (p_ref[0] + p_ref[1])
  tx1_ref[...] = tx1
  hs2_ref[...] = tx1 * dis


def _tc3_body(p_ref, d_ref, h2_ref, tx1_ref, w0_ref, w1_ref, w2_ref, b_ref,
              h3_ref):
  h2 = h2_ref[...]
  tx2 = 2.0 * ((-_dis_of(d_ref)) * (p_ref[0] + p_ref[1])) - h2
  h = (_dot(h2, w0_ref[...]) + _dot(tx1_ref[...], w1_ref[...]) +
       _dot(tx2, w2_ref[...]) + b_ref[...])
  h3_ref[...] = jnp.maximum(h, 0.0)


def _sage_a_body(p_ref, d_ref, h_ref, wl_ref, bl_ref, wr_ref,
                 o_ref, s_ref, q_ref):
  i = pl.program_id(0)
  mean = (p_ref[0] + p_ref[1]) * _invc_of(d_ref)
  o = _dot(mean, wl_ref[...]) + bl_ref[...] + _dot(h_ref[...], wr_ref[...])
  nrm = jnp.sqrt(jnp.sum(o * o, axis=-1, keepdims=True))
  o = o / jnp.maximum(nrm, 1e-12)
  o_ref[...] = o
  _acc_stats(i, o, s_ref, q_ref)


def _sage_b_body(o_ref, s_ref, q_ref, g_ref, b_ref, h_ref):
  h_ref[...] = jnp.maximum(
      _norm_apply(o_ref[...], s_ref, q_ref, g_ref, b_ref), 0.0)


def _tc5b_body(o_ref, s_ref, q_ref, g_ref, b_ref, wfo_ref, bf_ref,
               h7_ref, r_ref):
  h7 = jnp.maximum(_norm_apply(o_ref[...], s_ref, q_ref, g_ref, b_ref), 0.0)
  h7_ref[...] = h7
  r_ref[...] = _dot(h7, wfo_ref[...]) + bf_ref[...]


def _tc6_body(p_ref, wfr_ref, r_ref, o_ref):
  o_ref[...] = _dot(p_ref[0] + p_ref[1], wfr_ref[...]) + r_ref[...]


def _bd():
  return pl.BlockSpec((NC, BR, 128), lambda i: (0, i, 0))


def _sage_a(p, d, h, wl, bl, wr):
  return _tc(_sage_a_body,
             [_bp(128), _bd(), _b2(128), _full(128, 128), _full(1, 128),
              _full(128, 128)],
             [_b2(128), _full(1, 128), _full(1, 128)],
             [(N, 128), (1, 128), (1, 128)])(p, d, h, wl, bl, wr)


def kernel(x, edge_index, W1_rel, W1_root, b1, bn_g, bn_b, Wc0, Wc1, Wc2, bc,
           Ws1_l, bs1, Ws1_r, Ws2_l, bs2, Ws2_r, in_g, in_b, Wf_rel, Wf_root,
           bf):
  src1 = edge_index[0]
  dst2d = edge_index[1].reshape(NW, NCH, CH)
  z128 = jnp.zeros((RPT, 128), _F32)
  ones_ch = jnp.ones((CH, 128), _F32)
  b1, bn_g, bn_b, bc, bs1, bs2, in_g, in_b = (
      a.reshape(1, 128) for a in (b1, bn_g, bn_b, bc, bs1, bs2, in_g, in_b))
  bf = bf.reshape(1, 64)

  d = _make_deg()(dst2d, ones_ch, z128)

  p1 = _seg128(x, src1, dst2d, z128)
  hpre, s1, q1 = _tc(
      _tc1a_body,
      [_bp(128), _b2(128), _full(128, 128), _full(128, 128), _full(1, 128)],
      [_b2(128), _full(1, 128), _full(1, 128)],
      [(N, 128), (1, 128), (1, 128)])(p1, x, W1_rel, W1_root, b1)
  h2, hs1 = _tc(
      _tc1b_body,
      [_b2(128), _full(1, 128), _full(1, 128), _full(1, 128), _full(1, 128),
       _bd()],
      [_b2(128), _b2(128)],
      [(N, 128), (N, 128)])(hpre, s1, q1, bn_g, bn_b, d)

  p2 = _seg128(hs1, src1, dst2d, z128)
  tx1, hs2 = _tc(
      _tc2_body, [_bp(128), _bd()], [_b2(128), _b2(128)],
      [(N, 128), (N, 128)])(p2, d)

  p3 = _seg128(hs2, src1, dst2d, z128)
  (h3,) = _tc(
      _tc3_body,
      [_bp(128), _bd(), _b2(128), _b2(128), _full(128, 128),
       _full(128, 128), _full(128, 128), _full(1, 128)],
      [_b2(128)], [(N, 128)])(p3, d, h2, tx1, Wc0, Wc1, Wc2, bc)

  p4 = _seg128(h3, src1, dst2d, z128)
  o4, s4, q4 = _sage_a(p4, d, h3, Ws1_l, bs1, Ws1_r)
  (h5,) = _tc(
      _sage_b_body,
      [_b2(128), _full(1, 128), _full(1, 128), _full(1, 128), _full(1, 128)],
      [_b2(128)], [(N, 128)])(o4, s4, q4, in_g, in_b)

  p5 = _seg128(h5, src1, dst2d, z128)
  o5, s5, q5 = _sage_a(p5, d, h5, Ws2_l, bs2, Ws2_r)
  h7, r = _tc(
      _tc5b_body,
      [_b2(128), _full(1, 128), _full(1, 128), _full(1, 128), _full(1, 128),
       _full(128, 64), _full(1, 64)],
      [_b2(128), _b2(64)], [(N, 128), (N, 64)])(o5, s5, q5, in_g, in_b,
                                                Wf_root, bf)

  p6 = _seg128(h7, src1, dst2d, z128)
  (out,) = _tc(
      _tc6_body, [_bp(128), _full(128, 64), _b2(64)],
      [_b2(64)], [(N, 64)])(p6, Wf_rel, r)
  return out

# --- scband reference (transcript-rebuilt; emitter-appended) ---
"""Pipeline reference for scband-net-80564996538547 (READ-ONLY COPY).

The authoritative reference and input builder live on the scoring server;
editing this copy changes nothing except your own understanding.
"""

import jax, jax.numpy as jnp
import numpy as np

N = 10000
E = 320000
F = 128
H = 128
C = 64

def setup_inputs(seed: int = 0):
    key = jax.random.key(seed)
    ks = jax.random.split(key, 24)
    w = lambda k, s: jax.random.normal(k, s, dtype=jnp.float32) * 0.05
    inp = {}
    inp['x'] = jax.random.normal(ks[0], (N, F), dtype=jnp.float32)
    inp['edge_index'] = jax.random.randint(ks[1], (2, E), 0, N, dtype=jnp.int32)
    inp['W1_rel'] = w(ks[2], (F, H)); inp['W1_root'] = w(ks[3], (F, H)); inp['b1'] = jnp.zeros((H,), jnp.float32)
    inp['bn_g'] = jnp.ones((H,), jnp.float32); inp['bn_b'] = jnp.zeros((H,), jnp.float32)
    inp['Wc0'] = w(ks[4], (H, H)); inp['Wc1'] = w(ks[5], (H, H)); inp['Wc2'] = w(ks[6], (H, H)); inp['bc'] = jnp.zeros((H,), jnp.float32)
    inp['Ws1_l'] = w(ks[7], (H, H)); inp['bs1'] = jnp.zeros((H,), jnp.float32); inp['Ws1_r'] = w(ks[8], (H, H))
    inp['Ws2_l'] = w(ks[9], (H, H)); inp['bs2'] = jnp.zeros((H,), jnp.float32); inp['Ws2_r'] = w(ks[10], (H, H))
    inp['in_g'] = jnp.ones((H,), jnp.float32); inp['in_b'] = jnp.zeros((H,), jnp.float32)
    inp['Wf_rel'] = w(ks[11], (H, C)); inp['Wf_root'] = w(ks[12], (H, C)); inp['bf'] = jnp.zeros((C,), jnp.float32)
    return inp

def _forward(x, edge_index, W1_rel, W1_root, b1, bn_g, bn_b, Wc0, Wc1, Wc2, bc, Ws1_l, bs1, Ws1_r, Ws2_l, bs2, Ws2_r, in_g, in_b, Wf_rel, Wf_root, bf):
    src = edge_index[0]
    dst = edge_index[1]
    n = x.shape[0]
    def graph_conv(h, Wr, Wro, b):
        aggr = jax.ops.segment_sum(h[src], dst, num_segments=n)
        return aggr @ Wr + h @ Wro + b
    def sage_conv(h, Wl, bl, Wr):
        s = jax.ops.segment_sum(h[src], dst, num_segments=n)
        cnt = jax.ops.segment_sum(jnp.ones((src.shape[0],), h.dtype), dst, num_segments=n)
        mean = s / jnp.clip(cnt, 1.0)[:, None]
        out = mean @ Wl + bl + h @ Wr
        nrm = jnp.sqrt(jnp.sum(out * out, axis=-1, keepdims=True))
        return out / jnp.maximum(nrm, 1e-12)
    def batch_norm(h):
        mu = jnp.mean(h, axis=0)
        var = jnp.var(h, axis=0)
        return (h - mu) / jnp.sqrt(var + 1e-5) * bn_g + bn_b
    def inst_norm(h):
        mu = jnp.mean(h, axis=0)
        var = jnp.var(h, axis=0)
        return (h - mu) / jnp.sqrt(var + 1e-5) * in_g + in_b
    def cheb_conv(h):
        deg = jax.ops.segment_sum(jnp.ones((src.shape[0],), h.dtype), dst, num_segments=n)
        dis = jnp.where(deg > 0, jax.lax.rsqrt(jnp.maximum(deg, 1e-12)), 0.0)
        norm = -dis[src] * dis[dst]
        def lap(t):
            return jax.ops.segment_sum(norm[:, None] * t[src], dst, num_segments=n)
        Tx0 = h
        Tx1 = lap(Tx0)
        Tx2 = 2.0 * lap(Tx1) - Tx0
        return Tx0 @ Wc0 + Tx1 @ Wc1 + Tx2 @ Wc2 + bc
    h = graph_conv(x, W1_rel, W1_root, b1)
    h = batch_norm(h)
    h = jax.nn.relu(h)
    h = cheb_conv(h)
    h = jax.nn.relu(h)
    h = sage_conv(h, Ws1_l, bs1, Ws1_r)
    h = inst_norm(h)
    h = jax.nn.relu(h)
    h = sage_conv(h, Ws2_l, bs2, Ws2_r)
    h = inst_norm(h)
    h = jax.nn.relu(h)
    return graph_conv(h, Wf_rel, Wf_root, bf)

def reference(x, edge_index, W1_rel, W1_root, b1, bn_g, bn_b, Wc0, Wc1, Wc2, bc, Ws1_l, bs1, Ws1_r, Ws2_l, bs2, Ws2_r, in_g, in_b, Wf_rel, Wf_root, bf):
    return _forward(x, edge_index, W1_rel, W1_root, b1, bn_g, bn_b, Wc0, Wc1, Wc2, bc, Ws1_l, bs1, Ws1_r, Ws2_l, bs2, Ws2_r, in_g, in_b, Wf_rel, Wf_root, bf)

if __name__ == "__main__":
    import jax
    _d = setup_inputs()
    print(jax.jit(kernel)(*tuple(_d.values())))

</pallas_src>

<mosaic_0001>
#map = affine_map<(d0, d1) -> (0, 0, 0)>
#map1 = affine_map<(d0, d1) -> (0, 0)>
module attributes {stable_mosaic.version = 14 : i64} {
  func.func @deg_count(%arg0: i32, %arg1: i32, %arg2: memref<32x125x80xi32, #tpu.memory_space<hbm>>, %arg3: memref<80x128xf32, #tpu.memory_space<hbm>>, %arg4: memref<640x128xf32, #tpu.memory_space<hbm>>, %arg5: memref<2x10240x128xf32, #tpu.memory_space<hbm>>, %arg6: memref<125x80xi32, #tpu.memory_space<vmem>>, %arg7: memref<80x128xf32, #tpu.memory_space<vmem>>, %arg8: memref<10240x128xf32, #tpu.memory_space<vmem_shared>>) attributes {dimension_semantics = [#tpu.dimension_semantics<core_parallel>, #tpu.dimension_semantics<subcore_parallel>], iteration_bounds = array<i64: 2, 16>, scalar_prefetch = 0 : i64, scratch_operands = 3 : i64, tpu.core_type = #tpu.core_type<sc_vector_subcore>, window_params = [{transform_indices = #map}, {transform_indices = #map1}, {transform_indices = #map1}, {transform_indices = #map}]} {
    %mul3A = arith.constant 16 : i32
    %mul3A_0 = arith.muli %arg0, %mul3A : i32
    %add3A = arith.addi %mul3A_0, %arg1 : i32
    %mul3A_1 = arith.constant 640 : i32
    %mul3A_2 = arith.muli %arg1, %mul3A_1 : i32
    "tpu.region"() ({
      %run_scoped3A = tpu.sem_alloc : memref<!tpu.dma_semaphore, #tpu.memory_space<semaphore_mem>>
      %dma_start3A = arith.constant 0 : i32
      %dma_start3A_9 = tpu.memref_slice %arg8[%mul3A_2, %dma_start3A] : memref<10240x128xf32, #tpu.memory_space<vmem_shared>> -> memref<640x128xf32, #tpu.memory_space<vmem_shared>>
      tpu.enqueue_dma source(%arg4 : memref<640x128xf32, #tpu.memory_space<hbm>>) target(%dma_start3A_9 : memref<640x128xf32, #tpu.memory_space<vmem_shared>>) target_semaphore(%run_scoped3A : memref<!tpu.dma_semaphore, #tpu.memory_space<semaphore_mem>>)
      %dma_wait3A = arith.constant 0 : i32
      %dma_wait3A_10 = tpu.memref_slice %arg8[%mul3A_2, %dma_wait3A] : memref<10240x128xf32, #tpu.memory_space<vmem_shared>> -> memref<640x128xf32, #tpu.memory_space<vmem_shared>>
      tpu.wait_dma2 semaphore(%run_scoped3A : memref<!tpu.dma_semaphore, #tpu.memory_space<semaphore_mem>>) src(%arg4 : memref<640x128xf32, #tpu.memory_space<hbm>>) dst(%dma_wait3A_10 : memref<640x128xf32, #tpu.memory_space<vmem_shared>>)
      tpu.yield
    }) : () -> ()
    "tpu.region"() ({
      %run_scoped3A = tpu.sem_alloc : memref<!tpu.dma_semaphore, #tpu.memory_space<semaphore_mem>>
      tpu.enqueue_dma source(%arg3 : memref<80x128xf32, #tpu.memory_space<hbm>>) target(%arg7 : memref<80x128xf32, #tpu.memory_space<vmem>>) target_semaphore(%run_scoped3A : memref<!tpu.dma_semaphore, #tpu.memory_space<semaphore_mem>>)
      tpu.wait_dma2 semaphore(%run_scoped3A : memref<!tpu.dma_semaphore, #tpu.memory_space<semaphore_mem>>) src(%arg3 : memref<80x128xf32, #tpu.memory_space<hbm>>) dst(%arg7 : memref<80x128xf32, #tpu.memory_space<vmem>>)
      tpu.yield
    }) : () -> ()
    "tpu.region"() ({
      %run_scoped3A = tpu.sem_alloc : memref<!tpu.dma_semaphore, #tpu.memory_space<semaphore_mem>>
      %dma_start3A = arith.constant 0 : i32
      %dma_start3A_9 = arith.constant 0 : i32
      %dma_start3A_10 = tpu.memref_slice %arg2[%add3A, %dma_start3A, %dma_start3A_9] : memref<32x125x80xi32, #tpu.memory_space<hbm>> -> memref<1x125x80xi32, #tpu.memory_space<hbm>>
      %dma_start3A_11 = tpu.memref_squeeze %dma_start3A_10 : memref<1x125x80xi32, #tpu.memory_space<hbm>> -> memref<125x80xi32, #tpu.memory_space<hbm>>
      %dma_start3A_12 = arith.constant 0 : i32
      %dma_start3A_13 = arith.constant 0 : i32
      %dma_start3A_14 = tpu.memref_slice %arg2[%add3A, %dma_start3A_12, %dma_start3A_13] : memref<32x125x80xi32, #tpu.memory_space<hbm>> -> memref<1x125x80xi32, #tpu.memory_space<hbm>>
      %dma_start3A_15 = tpu.memref_squeeze %dma_start3A_14 : memref<1x125x80xi32, #tpu.memory_space<hbm>> -> memref<125x80xi32, #tpu.memory_space<hbm>>
      tpu.enqueue_dma source(%dma_start3A_15 : memref<125x80xi32, #tpu.memory_space<hbm>>) target(%arg6 : memref<125x80xi32, #tpu.memory_space<vmem>>) target_semaphore(%run_scoped3A : memref<!tpu.dma_semaphore, #tpu.memory_space<semaphore_mem>>)
      %dma_wait3A = arith.constant 0 : i32
      %dma_wait3A_16 = arith.constant 0 : i32
      %dma_wait3A_17 = tpu.memref_slice %arg2[%add3A, %dma_wait3A, %dma_wait3A_16] : memref<32x125x80xi32, #tpu.memory_space<hbm>> -> memref<1x125x80xi32, #tpu.memory_space<hbm>>
      %dma_wait3A_18 = tpu.memref_squeeze %dma_wait3A_17 : memref<1x125x80xi32, #tpu.memory_space<hbm>> -> memref<125x80xi32, #tpu.memory_space<hbm>>
      %dma_wait3A_19 = arith.constant 0 : i32
      %dma_wait3A_20 = arith.constant 0 : i32
      %dma_wait3A_21 = tpu.memref_slice %arg2[%add3A, %dma_wait3A_19, %dma_wait3A_20] : memref<32x125x80xi32, #tpu.memory_space<hbm>> -> memref<1x125x80xi32, #tpu.memory_space<hbm>>
      %dma_wait3A_22 = tpu.memref_squeeze %dma_wait3A_21 : memref<1x125x80xi32, #tpu.memory_space<hbm>> -> memref<125x80xi32, #tpu.memory_space<hbm>>
      tpu.wait_dma2 semaphore(%run_scoped3A : memref<!tpu.dma_semaphore, #tpu.memory_space<semaphore_mem>>) src(%dma_wait3A_22 : memref<125x80xi32, #tpu.memory_space<hbm>>) dst(%arg6 : memref<125x80xi32, #tpu.memory_space<vmem>>)
      tpu.yield
    }) : () -> ()
    %barrier3A = arith.constant 0 : index
    tpu.barrier barrier_id(%barrier3A)
    %scan3A = arith.constant 0 : i32
    %scan3A_3 = arith.constant 0 : i32
    %scan3A_4 = arith.constant 125 : i32
    %scan3A_5 = arith.addi %scan3A_3, %scan3A_4 : i32
    %scan3A_6 = arith.constant 1 : i32
    scf.for %scan3A_9 = %scan3A_3 to %scan3A_5 step %scan3A_6  : i32 {
      "tpu.region"() ({
        %run_scoped3A = tpu.sem_alloc : memref<!tpu.dma_semaphore, #tpu.memory_space<semaphore_mem>>
        %dma_start3A = arith.constant 0 : i32
        %dma_start3A_10 = tpu.memref_slice %arg6[%scan3A_9, %dma_start3A] : memref<125x80xi32, #tpu.memory_space<vmem>> -> memref<1x80xi32, #tpu.memory_space<vmem>>
        %dma_start3A_11 = tpu.memref_squeeze %dma_start3A_10 : memref<1x80xi32, #tpu.memory_space<vmem>> -> memref<80xi32, #tpu.memory_space<vmem>>
        %dma_start3A_12 = arith.constant 0 : i32
        %dma_start3A_13 = arith.constant 0 : i32
        %dma_start3A_14 = tpu.memref_slice %arg8[%dma_start3A_12, %dma_start3A_13] : memref<10240x128xf32, #tpu.memory_space<vmem_shared>> -> memref<10240x128xf32, #tpu.memory_space<vmem_shared>>
        tpu.enqueue_indirect_dma source(%arg7 : memref<80x128xf32, #tpu.memory_space<vmem>>) target(%dma_start3A_14 : memref<10240x128xf32, #tpu.memory_space<vmem_shared>>) offsets(%dma_start3A_11 : memref<80xi32, #tpu.memory_space<vmem>>) semaphore(%run_scoped3A : memref<!tpu.dma_semaphore, #tpu.memory_space<semaphore_mem>>) {add = true}
        %dma_wait3A = arith.constant 0 : i32
        %dma_wait3A_15 = tpu.memref_slice %arg6[%scan3A_9, %dma_wait3A] : memref<125x80xi32, #tpu.memory_space<vmem>> -> memref<1x80xi32, #tpu.memory_space<vmem>>
        %dma_wait3A_16 = tpu.memref_squeeze %dma_wait3A_15 : memref<1x80xi32, #tpu.memory_space<vmem>> -> memref<80xi32, #tpu.memory_space<vmem>>
        %dma_wait3A_17 = arith.constant 0 : i32
        %dma_wait3A_18 = arith.constant 0 : i32
        %dma_wait3A_19 = tpu.memref_slice %arg8[%dma_wait3A_17, %dma_wait3A_18] : memref<10240x128xf32, #tpu.memory_space<vmem_shared>> -> memref<10240x128xf32, #tpu.memory_space<vmem_shared>>
        tpu.wait_indirect_dma semaphore(%run_scoped3A : memref<!tpu.dma_semaphore, #tpu.memory_space<semaphore_mem>>) src(%arg7 : memref<80x128xf32, #tpu.memory_space<vmem>>) dst(%dma_wait3A_19 : memref<10240x128xf32, #tpu.memory_space<vmem_shared>>)
        tpu.yield
      }) : () -> ()
    }
    %scan3A_7 = arith.constant 125 : i32
    %barrier3A_8 = arith.constant 0 : index
    tpu.barrier barrier_id(%barrier3A_8)
    "tpu.region"() ({
      %run_scoped3A = tpu.sem_alloc : memref<!tpu.dma_semaphore, #tpu.memory_space<semaphore_mem>>
      %dma_start3A = arith.constant 0 : i32
      %dma_start3A_9 = tpu.memref_slice %arg5[%arg0, %mul3A_2, %dma_start3A] : memref<2x10240x128xf32, #tpu.memory_space<hbm>> -> memref<1x640x128xf32, #tpu.memory_space<hbm>>
      %dma_start3A_10 = tpu.memref_squeeze %dma_start3A_9 : memref<1x640x128xf32, #tpu.memory_space<hbm>> -> memref<640x128xf32, #tpu.memory_space<hbm>>
      %dma_start3A_11 = arith.constant 0 : i32
      %dma_start3A_12 = tpu.memref_slice %arg8[%mul3A_2, %dma_start3A_11] : memref<10240x128xf32, #tpu.memory_space<vmem_shared>> -> memref<640x128xf32, #tpu.memory_space<vmem_shared>>
      tpu.enqueue_dma source(%dma_start3A_12 : memref<640x128xf32, #tpu.memory_space<vmem_shared>>) target(%dma_start3A_10 : memref<640x128xf32, #tpu.memory_space<hbm>>) target_semaphore(%run_scoped3A : memref<!tpu.dma_semaphore, #tpu.memory_space<semaphore_mem>>)
      %dma_wait3A = arith.constant 0 : i32
      %dma_wait3A_13 = tpu.memref_slice %arg5[%arg0, %mul3A_2, %dma_wait3A] : memref<2x10240x128xf32, #tpu.memory_space<hbm>> -> memref<1x640x128xf32, #tpu.memory_space<hbm>>
      %dma_wait3A_14 = tpu.memref_squeeze %dma_wait3A_13 : memref<1x640x128xf32, #tpu.memory_space<hbm>> -> memref<640x128xf32, #tpu.memory_space<hbm>>
      %dma_wait3A_15 = arith.constant 0 : i32
      %dma_wait3A_16 = tpu.memref_slice %arg8[%mul3A_2, %dma_wait3A_15] : memref<10240x128xf32, #tpu.memory_space<vmem_shared>> -> memref<640x128xf32, #tpu.memory_space<vmem_shared>>
      tpu.wait_dma2 semaphore(%run_scoped3A : memref<!tpu.dma_semaphore, #tpu.memory_space<semaphore_mem>>) src(%dma_wait3A_16 : memref<640x128xf32, #tpu.memory_space<vmem_shared>>) dst(%dma_wait3A_14 : memref<640x128xf32, #tpu.memory_space<hbm>>)
      tpu.yield
    }) : () -> ()
    return
  }
}

#map = affine_map<(d0, d1) -> (0, 0)>
#map1 = affine_map<(d0, d1) -> (0)>
#map2 = affine_map<(d0, d1) -> (0, 0, 0)>
module attributes {stable_mosaic.version = 14 : i64} {
  func.func @seg_sum_w128(%arg0: i32, %arg1: i32, %arg2: memref<10000x128xf32, #tpu.memory_space<hbm>>, %arg3: memref<320000xi32, #tpu.memory_space<hbm>>, %arg4: memref<32x125x80xi32, #tpu.memory_space<hbm>>, %arg5: memref<640x128xf32, #tpu.memory_space<hbm>>, %arg6: memref<2x10240x128xf32, #tpu.memory_space<hbm>>, %arg7: memref<10000xi32, #tpu.memory_space<vmem>>, %arg8: memref<125x80xi32, #tpu.memory_space<vmem>>, %arg9: memref<80x128xf32, #tpu.memory_space<vmem>>, %arg10: memref<80x128xf32, #tpu.memory_space<vmem>>, %arg11: memref<10240x128xf32, #tpu.memory_space<vmem_shared>>, %arg12: memref<!tpu.dma_semaphore, #tpu.memory_space<semaphore_mem>>, %arg13: memref<!tpu.dma_semaphore, #tpu.memory_space<semaphore_mem>>) attributes {dimension_semantics = [#tpu.dimension_semantics<core_parallel>, #tpu.dimension_semantics<subcore_parallel>], iteration_bounds = array<i64: 2, 16>, scalar_prefetch = 0 : i64, scratch_operands = 7 : i64, tpu.core_type = #tpu.core_type<sc_vector_subcore>, window_params = [{transform_indices = #map}, {transform_indices = #map1}, {transform_indices = #map2}, {transform_indices = #map}, {transform_indices = #map2}]} {
    %mul3A = arith.constant 16 : i32
    %mul3A_0 = arith.muli %arg0, %mul3A : i32
    %add3A = arith.addi %mul3A_0, %arg1 : i32
    %mul3A_1 = arith.constant 640 : i32
    %mul3A_2 = arith.muli %arg1, %mul3A_1 : i32
    "tpu.region"() ({
      %run_scoped3A = tpu.sem_alloc : memref<!tpu.dma_semaphore, #tpu.memory_space<semaphore_mem>>
      %dma_start3A_21 = arith.constant 0 : i32
      %dma_start3A_22 = tpu.memref_slice %arg11[%mul3A_2, %dma_start3A_21] : memref<10240x128xf32, #tpu.memory_space<vmem_shared>> -> memref<640x128xf32, #tpu.memory_space<vmem_shared>>
      tpu.enqueue_dma source(%arg5 : memref<640x128xf32, #tpu.memory_space<hbm>>) target(%dma_start3A_22 : memref<640x128xf32, #tpu.memory_space<vmem_shared>>) target_semaphore(%run_scoped3A : memref<!tpu.dma_semaphore, #tpu.memory_space<semaphore_mem>>)
      %dma_wait3A = arith.constant 0 : i32
      %dma_wait3A_23 = tpu.memref_slice %arg11[%mul3A_2, %dma_wait3A] : memref<10240x128xf32, #tpu.memory_space<vmem_shared>> -> memref<640x128xf32, #tpu.memory_space<vmem_shared>>
      tpu.wait_dma2 semaphore(%run_scoped3A : memref<!tpu.dma_semaphore, #tpu.memory_space<semaphore_mem>>) src(%arg5 : memref<640x128xf32, #tpu.memory_space<hbm>>) dst(%dma_wait3A_23 : memref<640x128xf32, #tpu.memory_space<vmem_shared>>)
      tpu.yield
    }) : () -> ()
    %mul3A_3 = arith.constant 10000 : i32
    %mul3A_4 = arith.muli %add3A, %mul3A_3 : i32
    "tpu.region"() ({
      %run_scoped3A = tpu.sem_alloc : memref<!tpu.dma_semaphore, #tpu.memory_space<semaphore_mem>>
      %dma_start3A_21 = tpu.memref_slice %arg3[%mul3A_4] : memref<320000xi32, #tpu.memory_space<hbm>> -> memref<10000xi32, #tpu.memory_space<hbm>>
      %dma_start3A_22 = tpu.memref_slice %arg3[%mul3A_4] : memref<320000xi32, #tpu.memory_space<hbm>> -> memref<10000xi32, #tpu.memory_space<hbm>>
      tpu.enqueue_dma source(%dma_start3A_22 : memref<10000xi32, #tpu.memory_space<hbm>>) target(%arg7 : memref<10000xi32, #tpu.memory_space<vmem>>) target_semaphore(%run_scoped3A : memref<!tpu.dma_semaphore, #tpu.memory_space<semaphore_mem>>)
      %dma_wait3A = tpu.memref_slice %arg3[%mul3A_4] : memref<320000xi32, #tpu.memory_space<hbm>> -> memref<10000xi32, #tpu.memory_space<hbm>>
      %dma_wait3A_23 = tpu.memref_slice %arg3[%mul3A_4] : memref<320000xi32, #tpu.memory_space<hbm>> -> memref<10000xi32, #tpu.memory_space<hbm>>
      tpu.wait_dma2 semaphore(%run_scoped3A : memref<!tpu.dma_semaphore, #tpu.memory_space<semaphore_mem>>) src(%dma_wait3A_23 : memref<10000xi32, #tpu.memory_space<hbm>>) dst(%arg7 : memref<10000xi32, #tpu.memory_space<vmem>>)
      tpu.yield
    }) : () -> ()
    "tpu.region"() ({
      %run_scoped3A = tpu.sem_alloc : memref<!tpu.dma_semaphore, #tpu.memory_space<semaphore_mem>>
      %dma_start3A_21 = arith.constant 0 : i32
      %dma_start3A_22 = arith.constant 0 : i32
      %dma_start3A_23 = tpu.memref_slice %arg4[%add3A, %dma_start3A_21, %dma_start3A_22] : memref<32x125x80xi32, #tpu.memory_space<hbm>> -> memref<1x125x80xi32, #tpu.memory_space<hbm>>
      %dma_start3A_24 = tpu.memref_squeeze %dma_start3A_23 : memref<1x125x80xi32, #tpu.memory_space<hbm>> -> memref<125x80xi32, #tpu.memory_space<hbm>>
      %dma_start3A_25 = arith.constant 0 : i32
      %dma_start3A_26 = arith.constant 0 : i32
      %dma_start3A_27 = tpu.memref_slice %arg4[%add3A, %dma_start3A_25, %dma_start3A_26] : memref<32x125x80xi32, #tpu.memory_space<hbm>> -> memref<1x125x80xi32, #tpu.memory_space<hbm>>
      %dma_start3A_28 = tpu.memref_squeeze %dma_start3A_27 : memref<1x125x80xi32, #tpu.memory_space<hbm>> -> memref<125x80xi32, #tpu.memory_space<hbm>>
      tpu.enqueue_dma source(%dma_start3A_28 : memref<125x80xi32, #tpu.memory_space<hbm>>) target(%arg8 : memref<125x80xi32, #tpu.memory_space<vmem>>) target_semaphore(%run_scoped3A : memref<!tpu.dma_semaphore, #tpu.memory_space<semaphore_mem>>)
      %dma_wait3A = arith.constant 0 : i32
      %dma_wait3A_29 = arith.constant 0 : i32
      %dma_wait3A_30 = tpu.memref_slice %arg4[%add3A, %dma_wait3A, %dma_wait3A_29] : memref<32x125x80xi32, #tpu.memory_space<hbm>> -> memref<1x125x80xi32, #tpu.memory_space<hbm>>
      %dma_wait3A_31 = tpu.memref_squeeze %dma_wait3A_30 : memref<1x125x80xi32, #tpu.memory_space<hbm>> -> memref<125x80xi32, #tpu.memory_space<hbm>>
      %dma_wait3A_32 = arith.constant 0 : i32
      %dma_wait3A_33 = arith.constant 0 : i32
      %dma_wait3A_34 = tpu.memref_slice %arg4[%add3A, %dma_wait3A_32, %dma_wait3A_33] : memref<32x125x80xi32, #tpu.memory_space<hbm>> -> memref<1x125x80xi32, #tpu.memory_space<hbm>>
      %dma_wait3A_35 = tpu.memref_squeeze %dma_wait3A_34 : memref<1x125x80xi32, #tpu.memory_space<hbm>> -> memref<125x80xi32, #tpu.memory_space<hbm>>
      tpu.wait_dma2 semaphore(%run_scoped3A : memref<!tpu.dma_semaphore, #tpu.memory_space<semaphore_mem>>) src(%dma_wait3A_35 : memref<125x80xi32, #tpu.memory_space<hbm>>) dst(%arg8 : memref<125x80xi32, #tpu.memory_space<vmem>>)
      tpu.yield
    }) : () -> ()
    %barrier3A = arith.constant 0 : index
    tpu.barrier barrier_id(%barrier3A)
    %multiple_of3A = arith.constant 0 : i32
    %multiple_of3A_5 = tpu.assume_multiple %multiple_of3A, 8 : i32
    %dma_start3A = tpu.memref_slice %arg7[%multiple_of3A_5] : memref<10000xi32, #tpu.memory_space<vmem>> -> memref<80xi32, #tpu.memory_space<vmem>>
    %dma_start3A_6 = arith.constant 0 : i32
    %dma_start3A_7 = arith.constant 0 : i32
    %dma_start3A_8 = tpu.memref_slice %arg2[%dma_start3A_6, %dma_start3A_7] : memref<10000x128xf32, #tpu.memory_space<hbm>> -> memref<10000x128xf32, #tpu.memory_space<hbm>>
    tpu.enqueue_indirect_dma source(%dma_start3A_8 : memref<10000x128xf32, #tpu.memory_space<hbm>>) target(%arg9 : memref<80x128xf32, #tpu.memory_space<vmem>>) offsets(%dma_start3A : memref<80xi32, #tpu.memory_space<vmem>>) semaphore(%arg12 : memref<!tpu.dma_semaphore, #tpu.memory_space<semaphore_mem>>)
    %multiple_of3A_9 = arith.constant 80 : i32
    %multiple_of3A_10 = tpu.assume_multiple %multiple_of3A_9, 8 : i32
    %dma_start3A_11 = tpu.memref_slice %arg7[%multiple_of3A_10] : memref<10000xi32, #tpu.memory_space<vmem>> -> memref<80xi32, #tpu.memory_space<vmem>>
    %dma_start3A_12 = arith.constant 0 : i32
    %dma_start3A_13 = arith.constant 0 : i32
    %dma_start3A_14 = tpu.memref_slice %arg2[%dma_start3A_12, %dma_start3A_13] : memref<10000x128xf32, #tpu.memory_space<hbm>> -> memref<10000x128xf32, #tpu.memory_space<hbm>>
    tpu.enqueue_indirect_dma source(%dma_start3A_14 : memref<10000x128xf32, #tpu.memory_space<hbm>>) target(%arg10 : memref<80x128xf32, #tpu.memory_space<vmem>>) offsets(%dma_start3A_11 : memref<80xi32, #tpu.memory_space<vmem>>) semaphore(%arg13 : memref<!tpu.dma_semaphore, #tpu.memory_space<semaphore_mem>>)
    %scan3A = arith.constant 0 : i32
    %scan3A_15 = arith.constant 0 : i32
    %scan3A_16 = arith.constant 63 : i32
    %scan3A_17 = arith.addi %scan3A_15, %scan3A_16 : i32
    %scan3A_18 = arith.constant 1 : i32
    scf.for %scan3A_21 = %scan3A_15 to %scan3A_17 step %scan3A_18  : i32 {
      %mul3A_22 = arith.constant 2 : i32
      %mul3A_23 = arith.muli %scan3A_21, %mul3A_22 : i32
      %dma_wait3A = arith.constant 0 : i32
      %dma_wait3A_24 = tpu.memref_slice %arg7[%dma_wait3A] : memref<10000xi32, #tpu.memory_space<vmem>> -> memref<80xi32, #tpu.memory_space<vmem>>
      %dma_wait3A_25 = arith.constant 0 : i32
      %dma_wait3A_26 = arith.constant 0 : i32
      %dma_wait3A_27 = tpu.memref_slice %arg2[%dma_wait3A_25, %dma_wait3A_26] : memref<10000x128xf32, #tpu.memory_space<hbm>> -> memref<10000x128xf32, #tpu.memory_space<hbm>>
      tpu.wait_indirect_dma semaphore(%arg12 : memref<!tpu.dma_semaphore, #tpu.memory_space<semaphore_mem>>) src(%dma_wait3A_27 : memref<10000x128xf32, #tpu.memory_space<hbm>>) dst(%arg9 : memref<80x128xf32, #tpu.memory_space<vmem>>)
      "tpu.region"() ({
        %run_scoped3A = tpu.sem_alloc : memref<!tpu.dma_semaphore, #tpu.memory_space<semaphore_mem>>
        %dma_start3A_39 = arith.constant 0 : i32
        %dma_start3A_40 = tpu.memref_slice %arg8[%mul3A_23, %dma_start3A_39] : memref<125x80xi32, #tpu.memory_space<vmem>> -> memref<1x80xi32, #tpu.memory_space<vmem>>
        %dma_start3A_41 = tpu.memref_squeeze %dma_start3A_40 : memref<1x80xi32, #tpu.memory_space<vmem>> -> memref<80xi32, #tpu.memory_space<vmem>>
        %dma_start3A_42 = arith.constant 0 : i32
        %dma_start3A_43 = arith.constant 0 : i32
        %dma_start3A_44 = tpu.memref_slice %arg11[%dma_start3A_42, %dma_start3A_43] : memref<10240x128xf32, #tpu.memory_space<vmem_shared>> -> memref<10240x128xf32, #tpu.memory_space<vmem_shared>>
        tpu.enqueue_indirect_dma source(%arg9 : memref<80x128xf32, #tpu.memory_space<vmem>>) target(%dma_start3A_44 : memref<10240x128xf32, #tpu.memory_space<vmem_shared>>) offsets(%dma_start3A_41 : memref<80xi32, #tpu.memory_space<vmem>>) semaphore(%run_scoped3A : memref<!tpu.dma_semaphore, #tpu.memory_space<semaphore_mem>>) {add = true}
        %dma_wait3A_45 = arith.constant 0 : i32
        %dma_wait3A_46 = tpu.memref_slice %arg8[%mul3A_23, %dma_wait3A_45] : memref<125x80xi32, #tpu.memory_space<vmem>> -> memref<1x80xi32, #tpu.memory_space<vmem>>
        %dma_wait3A_47 = tpu.memref_squeeze %dma_wait3A_46 : memref<1x80xi32, #tpu.memory_space<vmem>> -> memref<80xi32, #tpu.memory_space<vmem>>
        %dma_wait3A_48 = arith.constant 0 : i32
        %dma_wait3A_49 = arith.constant 0 : i32
        %dma_wait3A_50 = tpu.memref_slice %arg11[%dma_wait3A_48, %dma_wait3A_49] : memref<10240x128xf32, #tpu.memory_space<vmem_shared>> -> memref<10240x128xf32, #tpu.memory_space<vmem_shared>>
        tpu.wait_indirect_dma semaphore(%run_scoped3A : memref<!tpu.dma_semaphore, #tpu.memory_space<semaphore_mem>>) src(%arg9 : memref<80x128xf32, #tpu.memory_space<vmem>>) dst(%dma_wait3A_50 : memref<10240x128xf32, #tpu.memory_space<vmem_shared>>)
        tpu.yield
      }) : () -> ()
      %add3A_28 = arith.constant 2 : i32
      %add3A_29 = arith.addi %mul3A_23, %add3A_28 : i32
      %lt3A = arith.constant 125 : i32
      %lt3A_30 = arith.cmpi slt, %add3A_29, %lt3A : i32
      %convert_element_type3A = arith.extui %lt3A_30 : i1 to i32
      %cond3A = arith.constant 0 : i32
      %cond3A_31 = arith.cmpi ne, %convert_element_type3A, %cond3A : i32
      scf.if %cond3A_31 {
        %add3A_39 = arith.constant 2 : i32
        %add3A_40 = arith.addi %mul3A_23, %add3A_39 : i32
        %mul3A_41 = arith.constant 80 : i32
        %mul3A_42 = arith.muli %add3A_40, %mul3A_41 : i32
        %multiple_of3A_43 = tpu.assume_multiple %mul3A_42, 8 : i32
        %dma_start3A_44 = tpu.memref_slice %arg7[%multiple_of3A_43] : memref<10000xi32, #tpu.memory_space<vmem>> -> memref<80xi32, #tpu.memory_space<vmem>>
        %dma_start3A_45 = arith.constant 0 : i32
        %dma_start3A_46 = arith.constant 0 : i32
        %dma_start3A_47 = tpu.memref_slice %arg2[%dma_start3A_45, %dma_start3A_46] : memref<10000x128xf32, #tpu.memory_space<hbm>> -> memref<10000x128xf32, #tpu.memory_space<hbm>>
        tpu.enqueue_indirect_dma source(%dma_start3A_47 : memref<10000x128xf32, #tpu.memory_space<hbm>>) target(%arg9 : memref<80x128xf32, #tpu.memory_space<vmem>>) offsets(%dma_start3A_44 : memref<80xi32, #tpu.memory_space<vmem>>) semaphore(%arg12 : memref<!tpu.dma_semaphore, #tpu.memory_space<semaphore_mem>>)
      } else {
      }
      %add3A_32 = arith.constant 1 : i32
      %add3A_33 = arith.addi %mul3A_23, %add3A_32 : i32
      %lt3A_34 = arith.constant 125 : i32
      %lt3A_35 = arith.cmpi slt, %add3A_33, %lt3A_34 : i32
      %convert_element_type3A_36 = arith.extui %lt3A_35 : i1 to i32
      %cond3A_37 = arith.constant 0 : i32
      %cond3A_38 = arith.cmpi ne, %convert_element_type3A_36, %cond3A_37 : i32
      scf.if %cond3A_38 {
        %dma_wait3A_39 = arith.constant 0 : i32
        %dma_wait3A_40 = tpu.memref_slice %arg7[%dma_wait3A_39] : memref<10000xi32, #tpu.memory_space<vmem>> -> memref<80xi32, #tpu.memory_space<vmem>>
        %dma_wait3A_41 = arith.constant 0 : i32
        %dma_wait3A_42 = arith.constant 0 : i32
        %dma_wait3A_43 = tpu.memref_slice %arg2[%dma_wait3A_41, %dma_wait3A_42] : memref<10000x128xf32, #tpu.memory_space<hbm>> -> memref<10000x128xf32, #tpu.memory_space<hbm>>
        tpu.wait_indirect_dma semaphore(%arg13 : memref<!tpu.dma_semaphore, #tpu.memory_space<semaphore_mem>>) src(%dma_wait3A_43 : memref<10000x128xf32, #tpu.memory_space<hbm>>) dst(%arg10 : memref<80x128xf32, #tpu.memory_space<vmem>>)
        %add3A_44 = arith.constant 1 : i32
        %add3A_45 = arith.addi %mul3A_23, %add3A_44 : i32
        "tpu.region"() ({
          %run_scoped3A = tpu.sem_alloc : memref<!tpu.dma_semaphore, #tpu.memory_space<semaphore_mem>>
          %dma_start3A_53 = arith.constant 0 : i32
          %dma_start3A_54 = tpu.memref_slice %arg8[%add3A_45, %dma_start3A_53] : memref<125x80xi32, #tpu.memory_space<vmem>> -> memref<1x80xi32, #tpu.memory_space<vmem>>
          %dma_start3A_55 = tpu.memref_squeeze %dma_start3A_54 : memref<1x80xi32, #tpu.memory_space<vmem>> -> memref<80xi32, #tpu.memory_space<vmem>>
          %dma_start3A_56 = arith.constant 0 : i32
          %dma_start3A_57 = arith.constant 0 : i32
          %dma_start3A_58 = tpu.memref_slice %arg11[%dma_start3A_56, %dma_start3A_57] : memref<10240x128xf32, #tpu.memory_space<vmem_shared>> -> memref<10240x128xf32, #tpu.memory_space<vmem_shared>>
          tpu.enqueue_indirect_dma source(%arg10 : memref<80x128xf32, #tpu.memory_space<vmem>>) target(%dma_start3A_58 : memref<10240x128xf32, #tpu.memory_space<vmem_shared>>) offsets(%dma_start3A_55 : memref<80xi32, #tpu.memory_space<vmem>>) semaphore(%run_scoped3A : memref<!tpu.dma_semaphore, #tpu.memory_space<semaphore_mem>>) {add = true}
          %dma_wait3A_59 = arith.constant 0 : i32
          %dma_wait3A_60 = tpu.memref_slice %arg8[%add3A_45, %dma_wait3A_59] : memref<125x80xi32, #tpu.memory_space<vmem>> -> memref<1x80xi32, #tpu.memory_space<vmem>>
          %dma_wait3A_61 = tpu.memref_squeeze %dma_wait3A_60 : memref<1x80xi32, #tpu.memory_space<vmem>> -> memref<80xi32, #tpu.memory_space<vmem>>
          %dma_wait3A_62 = arith.constant 0 : i32
          %dma_wait3A_63 = arith.constant 0 : i32
          %dma_wait3A_64 = tpu.memref_slice %arg11[%dma_wait3A_62, %dma_wait3A_63] : memref<10240x128xf32, #tpu.memory_space<vmem_shared>> -> memref<10240x128xf32, #tpu.memory_space<vmem_shared>>
          tpu.wait_indirect_dma semaphore(%run_scoped3A : memref<!tpu.dma_semaphore, #tpu.memory_space<semaphore_mem>>) src(%arg10 : memref<80x128xf32, #tpu.memory_space<vmem>>) dst(%dma_wait3A_64 : memref<10240x128xf32, #tpu.memory_space<vmem_shared>>)
          tpu.yield
        }) : () -> ()
        %add3A_46 = arith.constant 3 : i32
        %add3A_47 = arith.addi %mul3A_23, %add3A_46 : i32
        %lt3A_48 = arith.constant 125 : i32
        %lt3A_49 = arith.cmpi slt, %add3A_47, %lt3A_48 : i32
        %convert_element_type3A_50 = arith.extui %lt3A_49 : i1 to i32
        %cond3A_51 = arith.constant 0 : i32
        %cond3A_52 = arith.cmpi ne, %convert_element_type3A_50, %cond3A_51 : i32
        scf.if %cond3A_52 {
          %add3A_53 = arith.constant 3 : i32
          %add3A_54 = arith.addi %mul3A_23, %add3A_53 : i32
          %mul3A_55 = arith.constant 80 : i32
          %mul3A_56 = arith.muli %add3A_54, %mul3A_55 : i32
          %multiple_of3A_57 = tpu.assume_multiple %mul3A_56, 8 : i32
          %dma_start3A_58 = tpu.memref_slice %arg7[%multiple_of3A_57] : memref<10000xi32, #tpu.memory_space<vmem>> -> memref<80xi32, #tpu.memory_space<vmem>>
          %dma_start3A_59 = arith.constant 0 : i32
          %dma_start3A_60 = arith.constant 0 : i32
          %dma_start3A_61 = tpu.memref_slice %arg2[%dma_start3A_59, %dma_start3A_60] : memref<10000x128xf32, #tpu.memory_space<hbm>> -> memref<10000x128xf32, #tpu.memory_space<hbm>>
          tpu.enqueue_indirect_dma source(%dma_start3A_61 : memref<10000x128xf32, #tpu.memory_space<hbm>>) target(%arg10 : memref<80x128xf32, #tpu.memory_space<vmem>>) offsets(%dma_start3A_58 : memref<80xi32, #tpu.memory_space<vmem>>) semaphore(%arg13 : memref<!tpu.dma_semaphore, #tpu.memory_space<semaphore_mem>>)
        } else {
        }
      } else {
      }
    }
    %scan3A_19 = arith.constant 63 : i32
    %barrier3A_20 = arith.constant 0 : index
    tpu.barrier barrier_id(%barrier3A_20)
    "tpu.region"() ({
      %run_scoped3A = tpu.sem_alloc : memref<!tpu.dma_semaphore, #tpu.memory_space<semaphore_mem>>
      %dma_start3A_21 = arith.constant 0 : i32
      %dma_start3A_22 = tpu.memref_slice %arg6[%arg0, %mul3A_2, %dma_start3A_21] : memref<2x10240x128xf32, #tpu.memory_space<hbm>> -> memref<1x640x128xf32, #tpu.memory_space<hbm>>
      %dma_start3A_23 = tpu.memref_squeeze %dma_start3A_22 : memref<1x640x128xf32, #tpu.memory_space<hbm>> -> memref<640x128xf32, #tpu.memory_space<hbm>>
      %dma_start3A_24 = arith.constant 0 : i32
      %dma_start3A_25 = tpu.memref_slice %arg11[%mul3A_2, %dma_start3A_24] : memref<10240x128xf32, #tpu.memory_space<vmem_shared>> -> memref<640x128xf32, #tpu.memory_space<vmem_shared>>
      tpu.enqueue_dma source(%dma_start3A_25 : memref<640x128xf32, #tpu.memory_space<vmem_shared>>) target(%dma_start3A_23 : memref<640x128xf32, #tpu.memory_space<hbm>>) target_semaphore(%run_scoped3A : memref<!tpu.dma_semaphore, #tpu.memory_space<semaphore_mem>>)
      %dma_wait3A = arith.constant 0 : i32
      %dma_wait3A_26 = tpu.memref_slice %arg6[%arg0, %mul3A_2, %dma_wait3A] : memref<2x10240x128xf32, #tpu.memory_space<hbm>> -> memref<1x640x128xf32, #tpu.memory_space<hbm>>
      %dma_wait3A_27 = tpu.memref_squeeze %dma_wait3A_26 : memref<1x640x128xf32, #tpu.memory_space<hbm>> -> memref<640x128xf32, #tpu.memory_space<hbm>>
      %dma_wait3A_28 = arith.constant 0 : i32
      %dma_wait3A_29 = tpu.memref_slice %arg11[%mul3A_2, %dma_wait3A_28] : memref<10240x128xf32, #tpu.memory_space<vmem_shared>> -> memref<640x128xf32, #tpu.memory_space<vmem_shared>>
      tpu.wait_dma2 semaphore(%run_scoped3A : memref<!tpu.dma_semaphore, #tpu.memory_space<semaphore_mem>>) src(%dma_wait3A_29 : memref<640x128xf32, #tpu.memory_space<vmem_shared>>) dst(%dma_wait3A_27 : memref<640x128xf32, #tpu.memory_space<hbm>>)
      tpu.yield
    }) : () -> ()
    return
  }
}

#map = affine_map<(d0, d1) -> (0, 0)>
#map1 = affine_map<(d0, d1) -> (0)>
#map2 = affine_map<(d0, d1) -> (0, 0, 0)>
module attributes {stable_mosaic.version = 14 : i64} {
  func.func @seg_sum_w128(%arg0: i32, %arg1: i32, %arg2: memref<10000x128xf32, #tpu.memory_space<hbm>>, %arg3: memref<320000xi32, #tpu.memory_space<hbm>>, %arg4: memref<32x125x80xi32, #tpu.memory_space<hbm>>, %arg5: memref<640x128xf32, #tpu.memory_space<hbm>>, %arg6: memref<2x10240x128xf32, #tpu.memory_space<hbm>>, %arg7: memref<10000xi32, #tpu.memory_space<vmem>>, %arg8: memref<125x80xi32, #tpu.memory_space<vmem>>, %arg9: memref<80x128xf32, #tpu.memory_space<vmem>>, %arg10: memref<80x128xf32, #tpu.memory_space<vmem>>, %arg11: memref<10240x128xf32, #tpu.memory_space<vmem_shared>>, %arg12: memref<!tpu.dma_semaphore, #tpu.memory_space<semaphore_mem>>, %arg13: memref<!tpu.dma_semaphore, #tpu.memory_space<semaphore_mem>>) attributes {dimension_semantics = [#tpu.dimension_semantics<core_parallel>, #tpu.dimension_semantics<subcore_parallel>], iteration_bounds = array<i64: 2, 16>, scalar_prefetch = 0 : i64, scratch_operands = 7 : i64, tpu.core_type = #tpu.core_type<sc_vector_subcore>, window_params = [{transform_indices = #map}, {transform_indices = #map1}, {transform_indices = #map2}, {transform_indices = #map}, {transform_indices = #map2}]} {
    %mul3A = arith.constant 16 : i32
    %mul3A_0 = arith.muli %arg0, %mul3A : i32
    %add3A = arith.addi %mul3A_0, %arg1 : i32
    %mul3A_1 = arith.constant 640 : i32
    %mul3A_2 = arith.muli %arg1, %mul3A_1 : i32
    "tpu.region"() ({
      %run_scoped3A = tpu.sem_alloc : memref<!tpu.dma_semaphore, #tpu.memory_space<semaphore_mem>>
      %dma_start3A_21 = arith.constant 0 : i32
      %dma_start3A_22 = tpu.memref_slice %arg11[%mul3A_2, %dma_start3A_21] : memref<10240x128xf32, #tpu.memory_space<vmem_shared>> -> memref<640x128xf32, #tpu.memory_space<vmem_shared>>
      tpu.enqueue_dma source(%arg5 : memref<640x128xf32, #tpu.memory_space<hbm>>) target(%dma_start3A_22 : memref<640x128xf32, #tpu.memory_space<vmem_shared>>) target_semaphore(%run_scoped3A : memref<!tpu.dma_semaphore, #tpu.memory_space<semaphore_mem>>)
      %dma_wait3A = arith.constant 0 : i32
      %dma_wait3A_23 = tpu.memref_slice %arg11[%mul3A_2, %dma_wait3A] : memref<10240x128xf32, #tpu.memory_space<vmem_shared>> -> memref<640x128xf32, #tpu.memory_space<vmem_shared>>
      tpu.wait_dma2 semaphore(%run_scoped3A : memref<!tpu.dma_semaphore, #tpu.memory_space<semaphore_mem>>) src(%arg5 : memref<640x128xf32, #tpu.memory_space<hbm>>) dst(%dma_wait3A_23 : memref<640x128xf32, #tpu.memory_space<vmem_shared>>)
      tpu.yield
    }) : () -> ()
    %mul3A_3 = arith.constant 10000 : i32
    %mul3A_4 = arith.muli %add3A, %mul3A_3 : i32
    "tpu.region"() ({
      %run_scoped3A = tpu.sem_alloc : memref<!tpu.dma_semaphore, #tpu.memory_space<semaphore_mem>>
      %dma_start3A_21 = tpu.memref_slice %arg3[%mul3A_4] : memref<320000xi32, #tpu.memory_space<hbm>> -> memref<10000xi32, #tpu.memory_space<hbm>>
      %dma_start3A_22 = tpu.memref_slice %arg3[%mul3A_4] : memref<320000xi32, #tpu.memory_space<hbm>> -> memref<10000xi32, #tpu.memory_space<hbm>>
      tpu.enqueue_dma source(%dma_start3A_22 : memref<10000xi32, #tpu.memory_space<hbm>>) target(%arg7 : memref<10000xi32, #tpu.memory_space<vmem>>) target_semaphore(%run_scoped3A : memref<!tpu.dma_semaphore, #tpu.memory_space<semaphore_mem>>)
      %dma_wait3A = tpu.memref_slice %arg3[%mul3A_4] : memref<320000xi32, #tpu.memory_space<hbm>> -> memref<10000xi32, #tpu.memory_space<hbm>>
      %dma_wait3A_23 = tpu.memref_slice %arg3[%mul3A_4] : memref<320000xi32, #tpu.memory_space<hbm>> -> memref<10000xi32, #tpu.memory_space<hbm>>
      tpu.wait_dma2 semaphore(%run_scoped3A : memref<!tpu.dma_semaphore, #tpu.memory_space<semaphore_mem>>) src(%dma_wait3A_23 : memref<10000xi32, #tpu.memory_space<hbm>>) dst(%arg7 : memref<10000xi32, #tpu.memory_space<vmem>>)
      tpu.yield
    }) : () -> ()
    "tpu.region"() ({
      %run_scoped3A = tpu.sem_alloc : memref<!tpu.dma_semaphore, #tpu.memory_space<semaphore_mem>>
      %dma_start3A_21 = arith.constant 0 : i32
      %dma_start3A_22 = arith.constant 0 : i32
      %dma_start3A_23 = tpu.memref_slice %arg4[%add3A, %dma_start3A_21, %dma_start3A_22] : memref<32x125x80xi32, #tpu.memory_space<hbm>> -> memref<1x125x80xi32, #tpu.memory_space<hbm>>
      %dma_start3A_24 = tpu.memref_squeeze %dma_start3A_23 : memref<1x125x80xi32, #tpu.memory_space<hbm>> -> memref<125x80xi32, #tpu.memory_space<hbm>>
      %dma_start3A_25 = arith.constant 0 : i32
      %dma_start3A_26 = arith.constant 0 : i32
      %dma_start3A_27 = tpu.memref_slice %arg4[%add3A, %dma_start3A_25, %dma_start3A_26] : memref<32x125x80xi32, #tpu.memory_space<hbm>> -> memref<1x125x80xi32, #tpu.memory_space<hbm>>
      %dma_start3A_28 = tpu.memref_squeeze %dma_start3A_27 : memref<1x125x80xi32, #tpu.memory_space<hbm>> -> memref<125x80xi32, #tpu.memory_space<hbm>>
      tpu.enqueue_dma source(%dma_start3A_28 : memref<125x80xi32, #tpu.memory_space<hbm>>) target(%arg8 : memref<125x80xi32, #tpu.memory_space<vmem>>) target_semaphore(%run_scoped3A : memref<!tpu.dma_semaphore, #tpu.memory_space<semaphore_mem>>)
      %dma_wait3A = arith.constant 0 : i32
      %dma_wait3A_29 = arith.constant 0 : i32
      %dma_wait3A_30 = tpu.memref_slice %arg4[%add3A, %dma_wait3A, %dma_wait3A_29] : memref<32x125x80xi32, #tpu.memory_space<hbm>> -> memref<1x125x80xi32, #tpu.memory_space<hbm>>
      %dma_wait3A_31 = tpu.memref_squeeze %dma_wait3A_30 : memref<1x125x80xi32, #tpu.memory_space<hbm>> -> memref<125x80xi32, #tpu.memory_space<hbm>>
      %dma_wait3A_32 = arith.constant 0 : i32
      %dma_wait3A_33 = arith.constant 0 : i32
      %dma_wait3A_34 = tpu.memref_slice %arg4[%add3A, %dma_wait3A_32, %dma_wait3A_33] : memref<32x125x80xi32, #tpu.memory_space<hbm>> -> memref<1x125x80xi32, #tpu.memory_space<hbm>>
      %dma_wait3A_35 = tpu.memref_squeeze %dma_wait3A_34 : memref<1x125x80xi32, #tpu.memory_space<hbm>> -> memref<125x80xi32, #tpu.memory_space<hbm>>
      tpu.wait_dma2 semaphore(%run_scoped3A : memref<!tpu.dma_semaphore, #tpu.memory_space<semaphore_mem>>) src(%dma_wait3A_35 : memref<125x80xi32, #tpu.memory_space<hbm>>) dst(%arg8 : memref<125x80xi32, #tpu.memory_space<vmem>>)
      tpu.yield
    }) : () -> ()
    %barrier3A = arith.constant 0 : index
    tpu.barrier barrier_id(%barrier3A)
    %multiple_of3A = arith.constant 0 : i32
    %multiple_of3A_5 = tpu.assume_multiple %multiple_of3A, 8 : i32
    %dma_start3A = tpu.memref_slice %arg7[%multiple_of3A_5] : memref<10000xi32, #tpu.memory_space<vmem>> -> memref<80xi32, #tpu.memory_space<vmem>>
    %dma_start3A_6 = arith.constant 0 : i32
    %dma_start3A_7 = arith.constant 0 : i32
    %dma_start3A_8 = tpu.memref_slice %arg2[%dma_start3A_6, %dma_start3A_7] : memref<10000x128xf32, #tpu.memory_space<hbm>> -> memref<10000x128xf32, #tpu.memory_space<hbm>>
    tpu.enqueue_indirect_dma source(%dma_start3A_8 : memref<10000x128xf32, #tpu.memory_space<hbm>>) target(%arg9 : memref<80x128xf32, #tpu.memory_space<vmem>>) offsets(%dma_start3A : memref<80xi32, #tpu.memory_space<vmem>>) semaphore(%arg12 : memref<!tpu.dma_semaphore, #tpu.memory_space<semaphore_mem>>)
    %multiple_of3A_9 = arith.constant 80 : i32
    %multiple_of3A_10 = tpu.assume_multiple %multiple_of3A_9, 8 : i32
    %dma_start3A_11 = tpu.memref_slice %arg7[%multiple_of3A_10] : memref<10000xi32, #tpu.memory_space<vmem>> -> memref<80xi32, #tpu.memory_space<vmem>>
    %dma_start3A_12 = arith.constant 0 : i32
    %dma_start3A_13 = arith.constant 0 : i32
    %dma_start3A_14 = tpu.memref_slice %arg2[%dma_start3A_12, %dma_start3A_13] : memref<10000x128xf32, #tpu.memory_space<hbm>> -> memref<10000x128xf32, #tpu.memory_space<hbm>>
    tpu.enqueue_indirect_dma source(%dma_start3A_14 : memref<10000x128xf32, #tpu.memory_space<hbm>>) target(%arg10 : memref<80x128xf32, #tpu.memory_space<vmem>>) offsets(%dma_start3A_11 : memref<80xi32, #tpu.memory_space<vmem>>) semaphore(%arg13 : memref<!tpu.dma_semaphore, #tpu.memory_space<semaphore_mem>>)
    %scan3A = arith.constant 0 : i32
    %scan3A_15 = arith.constant 0 : i32
    %scan3A_16 = arith.constant 63 : i32
    %scan3A_17 = arith.addi %scan3A_15, %scan3A_16 : i32
    %scan3A_18 = arith.constant 1 : i32
    scf.for %scan3A_21 = %scan3A_15 to %scan3A_17 step %scan3A_18  : i32 {
      %mul3A_22 = arith.constant 2 : i32
      %mul3A_23 = arith.muli %scan3A_21, %mul3A_22 : i32
      %dma_wait3A = arith.constant 0 : i32
      %dma_wait3A_24 = tpu.memref_slice %arg7[%dma_wait3A] : memref<10000xi32, #tpu.memory_space<vmem>> -> memref<80xi32, #tpu.memory_space<vmem>>
      %dma_wait3A_25 = arith.constant 0 : i32
      %dma_wait3A_26 = arith.constant 0 : i32
      %dma_wait3A_27 = tpu.memref_slice %arg2[%dma_wait3A_25, %dma_wait3A_26] : memref<10000x128xf32, #tpu.memory_space<hbm>> -> memref<10000x128xf32, #tpu.memory_space<hbm>>
      tpu.wait_indirect_dma semaphore(%arg12 : memref<!tpu.dma_semaphore, #tpu.memory_space<semaphore_mem>>) src(%dma_wait3A_27 : memref<10000x128xf32, #tpu.memory_space<hbm>>) dst(%arg9 : memref<80x128xf32, #tpu.memory_space<vmem>>)
      "tpu.region"() ({
        %run_scoped3A = tpu.sem_alloc : memref<!tpu.dma_semaphore, #tpu.memory_space<semaphore_mem>>
        %dma_start3A_39 = arith.constant 0 : i32
        %dma_start3A_40 = tpu.memref_slice %arg8[%mul3A_23, %dma_start3A_39] : memref<125x80xi32, #tpu.memory_space<vmem>> -> memref<1x80xi32, #tpu.memory_space<vmem>>
        %dma_start3A_41 = tpu.memref_squeeze %dma_start3A_40 : memref<1x80xi32, #tpu.memory_space<vmem>> -> memref<80xi32, #tpu.memory_space<vmem>>
        %dma_start3A_42 = arith.constant 0 : i32
        %dma_start3A_43 = arith.constant 0 : i32
        %dma_start3A_44 = tpu.memref_slice %arg11[%dma_start3A_42, %dma_start3A_43] : memref<10240x128xf32, #tpu.memory_space<vmem_shared>> -> memref<10240x128xf32, #tpu.memory_space<vmem_shared>>
        tpu.enqueue_indirect_dma source(%arg9 : memref<80x128xf32, #tpu.memory_space<vmem>>) target(%dma_start3A_44 : memref<10240x128xf32, #tpu.memory_space<vmem_shared>>) offsets(%dma_start3A_41 : memref<80xi32, #tpu.memory_space<vmem>>) semaphore(%run_scoped3A : memref<!tpu.dma_semaphore, #tpu.memory_space<semaphore_mem>>) {add = true}
        %dma_wait3A_45 = arith.constant 0 : i32
        %dma_wait3A_46 = tpu.memref_slice %arg8[%mul3A_23, %dma_wait3A_45] : memref<125x80xi32, #tpu.memory_space<vmem>> -> memref<1x80xi32, #tpu.memory_space<vmem>>
        %dma_wait3A_47 = tpu.memref_squeeze %dma_wait3A_46 : memref<1x80xi32, #tpu.memory_space<vmem>> -> memref<80xi32, #tpu.memory_space<vmem>>
        %dma_wait3A_48 = arith.constant 0 : i32
        %dma_wait3A_49 = arith.constant 0 : i32
        %dma_wait3A_50 = tpu.memref_slice %arg11[%dma_wait3A_48, %dma_wait3A_49] : memref<10240x128xf32, #tpu.memory_space<vmem_shared>> -> memref<10240x128xf32, #tpu.memory_space<vmem_shared>>
        tpu.wait_indirect_dma semaphore(%run_scoped3A : memref<!tpu.dma_semaphore, #tpu.memory_space<semaphore_mem>>) src(%arg9 : memref<80x128xf32, #tpu.memory_space<vmem>>) dst(%dma_wait3A_50 : memref<10240x128xf32, #tpu.memory_space<vmem_shared>>)
        tpu.yield
      }) : () -> ()
      %add3A_28 = arith.constant 2 : i32
      %add3A_29 = arith.addi %mul3A_23, %add3A_28 : i32
      %lt3A = arith.constant 125 : i32
      %lt3A_30 = arith.cmpi slt, %add3A_29, %lt3A : i32
      %convert_element_type3A = arith.extui %lt3A_30 : i1 to i32
      %cond3A = arith.constant 0 : i32
      %cond3A_31 = arith.cmpi ne, %convert_element_type3A, %cond3A : i32
      scf.if %cond3A_31 {
        %add3A_39 = arith.constant 2 : i32
        %add3A_40 = arith.addi %mul3A_23, %add3A_39 : i32
        %mul3A_41 = arith.constant 80 : i32
        %mul3A_42 = arith.muli %add3A_40, %mul3A_41 : i32
        %multiple_of3A_43 = tpu.assume_multiple %mul3A_42, 8 : i32
        %dma_start3A_44 = tpu.memref_slice %arg7[%multiple_of3A_43] : memref<10000xi32, #tpu.memory_space<vmem>> -> memref<80xi32, #tpu.memory_space<vmem>>
        %dma_start3A_45 = arith.constant 0 : i32
        %dma_start3A_46 = arith.constant 0 : i32
        %dma_start3A_47 = tpu.memref_slice %arg2[%dma_start3A_45, %dma_start3A_46] : memref<10000x128xf32, #tpu.memory_space<hbm>> -> memref<10000x128xf32, #tpu.memory_space<hbm>>
        tpu.enqueue_indirect_dma source(%dma_start3A_47 : memref<10000x128xf32, #tpu.memory_space<hbm>>) target(%arg9 : memref<80x128xf32, #tpu.memory_space<vmem>>) offsets(%dma_start3A_44 : memref<80xi32, #tpu.memory_space<vmem>>) semaphore(%arg12 : memref<!tpu.dma_semaphore, #tpu.memory_space<semaphore_mem>>)
      } else {
      }
      %add3A_32 = arith.constant 1 : i32
      %add3A_33 = arith.addi %mul3A_23, %add3A_32 : i32
      %lt3A_34 = arith.constant 125 : i32
      %lt3A_35 = arith.cmpi slt, %add3A_33, %lt3A_34 : i32
      %convert_element_type3A_36 = arith.extui %lt3A_35 : i1 to i32
      %cond3A_37 = arith.constant 0 : i32
      %cond3A_38 = arith.cmpi ne, %convert_element_type3A_36, %cond3A_37 : i32
      scf.if %cond3A_38 {
        %dma_wait3A_39 = arith.constant 0 : i32
        %dma_wait3A_40 = tpu.memref_slice %arg7[%dma_wait3A_39] : memref<10000xi32, #tpu.memory_space<vmem>> -> memref<80xi32, #tpu.memory_space<vmem>>
        %dma_wait3A_41 = arith.constant 0 : i32
        %dma_wait3A_42 = arith.constant 0 : i32
        %dma_wait3A_43 = tpu.memref_slice %arg2[%dma_wait3A_41, %dma_wait3A_42] : memref<10000x128xf32, #tpu.memory_space<hbm>> -> memref<10000x128xf32, #tpu.memory_space<hbm>>
        tpu.wait_indirect_dma semaphore(%arg13 : memref<!tpu.dma_semaphore, #tpu.memory_space<semaphore_mem>>) src(%dma_wait3A_43 : memref<10000x128xf32, #tpu.memory_space<hbm>>) dst(%arg10 : memref<80x128xf32, #tpu.memory_space<vmem>>)
        %add3A_44 = arith.constant 1 : i32
        %add3A_45 = arith.addi %mul3A_23, %add3A_44 : i32
        "tpu.region"() ({
          %run_scoped3A = tpu.sem_alloc : memref<!tpu.dma_semaphore, #tpu.memory_space<semaphore_mem>>
          %dma_start3A_53 = arith.constant 0 : i32
          %dma_start3A_54 = tpu.memref_slice %arg8[%add3A_45, %dma_start3A_53] : memref<125x80xi32, #tpu.memory_space<vmem>> -> memref<1x80xi32, #tpu.memory_space<vmem>>
          %dma_start3A_55 = tpu.memref_squeeze %dma_start3A_54 : memref<1x80xi32, #tpu.memory_space<vmem>> -> memref<80xi32, #tpu.memory_space<vmem>>
          %dma_start3A_56 = arith.constant 0 : i32
          %dma_start3A_57 = arith.constant 0 : i32
          %dma_start3A_58 = tpu.memref_slice %arg11[%dma_start3A_56, %dma_start3A_57] : memref<10240x128xf32, #tpu.memory_space<vmem_shared>> -> memref<10240x128xf32, #tpu.memory_space<vmem_shared>>
          tpu.enqueue_indirect_dma source(%arg10 : memref<80x128xf32, #tpu.memory_space<vmem>>) target(%dma_start3A_58 : memref<10240x128xf32, #tpu.memory_space<vmem_shared>>) offsets(%dma_start3A_55 : memref<80xi32, #tpu.memory_space<vmem>>) semaphore(%run_scoped3A : memref<!tpu.dma_semaphore, #tpu.memory_space<semaphore_mem>>) {add = true}
          %dma_wait3A_59 = arith.constant 0 : i32
          %dma_wait3A_60 = tpu.memref_slice %arg8[%add3A_45, %dma_wait3A_59] : memref<125x80xi32, #tpu.memory_space<vmem>> -> memref<1x80xi32, #tpu.memory_space<vmem>>
          %dma_wait3A_61 = tpu.memref_squeeze %dma_wait3A_60 : memref<1x80xi32, #tpu.memory_space<vmem>> -> memref<80xi32, #tpu.memory_space<vmem>>
          %dma_wait3A_62 = arith.constant 0 : i32
          %dma_wait3A_63 = arith.constant 0 : i32
          %dma_wait3A_64 = tpu.memref_slice %arg11[%dma_wait3A_62, %dma_wait3A_63] : memref<10240x128xf32, #tpu.memory_space<vmem_shared>> -> memref<10240x128xf32, #tpu.memory_space<vmem_shared>>
          tpu.wait_indirect_dma semaphore(%run_scoped3A : memref<!tpu.dma_semaphore, #tpu.memory_space<semaphore_mem>>) src(%arg10 : memref<80x128xf32, #tpu.memory_space<vmem>>) dst(%dma_wait3A_64 : memref<10240x128xf32, #tpu.memory_space<vmem_shared>>)
          tpu.yield
        }) : () -> ()
        %add3A_46 = arith.constant 3 : i32
        %add3A_47 = arith.addi %mul3A_23, %add3A_46 : i32
        %lt3A_48 = arith.constant 125 : i32
        %lt3A_49 = arith.cmpi slt, %add3A_47, %lt3A_48 : i32
        %convert_element_type3A_50 = arith.extui %lt3A_49 : i1 to i32
        %cond3A_51 = arith.constant 0 : i32
        %cond3A_52 = arith.cmpi ne, %convert_element_type3A_50, %cond3A_51 : i32
        scf.if %cond3A_52 {
          %add3A_53 = arith.constant 3 : i32
          %add3A_54 = arith.addi %mul3A_23, %add3A_53 : i32
          %mul3A_55 = arith.constant 80 : i32
          %mul3A_56 = arith.muli %add3A_54, %mul3A_55 : i32
          %multiple_of3A_57 = tpu.assume_multiple %mul3A_56, 8 : i32
          %dma_start3A_58 = tpu.memref_slice %arg7[%multiple_of3A_57] : memref<10000xi32, #tpu.memory_space<vmem>> -> memref<80xi32, #tpu.memory_space<vmem>>
          %dma_start3A_59 = arith.constant 0 : i32
          %dma_start3A_60 = arith.constant 0 : i32
          %dma_start3A_61 = tpu.memref_slice %arg2[%dma_start3A_59, %dma_start3A_60] : memref<10000x128xf32, #tpu.memory_space<hbm>> -> memref<10000x128xf32, #tpu.memory_space<hbm>>
          tpu.enqueue_indirect_dma source(%dma_start3A_61 : memref<10000x128xf32, #tpu.memory_space<hbm>>) target(%arg10 : memref<80x128xf32, #tpu.memory_space<vmem>>) offsets(%dma_start3A_58 : memref<80xi32, #tpu.memory_space<vmem>>) semaphore(%arg13 : memref<!tpu.dma_semaphore, #tpu.memory_space<semaphore_mem>>)
        } else {
        }
      } else {
      }
    }
    %scan3A_19 = arith.constant 63 : i32
    %barrier3A_20 = arith.constant 0 : index
    tpu.barrier barrier_id(%barrier3A_20)
    "tpu.region"() ({
      %run_scoped3A = tpu.sem_alloc : memref<!tpu.dma_semaphore, #tpu.memory_space<semaphore_mem>>
      %dma_start3A_21 = arith.constant 0 : i32
      %dma_start3A_22 = tpu.memref_slice %arg6[%arg0, %mul3A_2, %dma_start3A_21] : memref<2x10240x128xf32, #tpu.memory_space<hbm>> -> memref<1x640x128xf32, #tpu.memory_space<hbm>>
      %dma_start3A_23 = tpu.memref_squeeze %dma_start3A_22 : memref<1x640x128xf32, #tpu.memory_space<hbm>> -> memref<640x128xf32, #tpu.memory_space<hbm>>
      %dma_start3A_24 = arith.constant 0 : i32
      %dma_start3A_25 = tpu.memref_slice %arg11[%mul3A_2, %dma_start3A_24] : memref<10240x128xf32, #tpu.memory_space<vmem_shared>> -> memref<640x128xf32, #tpu.memory_space<vmem_shared>>
      tpu.enqueue_dma source(%dma_start3A_25 : memref<640x128xf32, #tpu.memory_space<vmem_shared>>) target(%dma_start3A_23 : memref<640x128xf32, #tpu.memory_space<hbm>>) target_semaphore(%run_scoped3A : memref<!tpu.dma_semaphore, #tpu.memory_space<semaphore_mem>>)
      %dma_wait3A = arith.constant 0 : i32
      %dma_wait3A_26 = tpu.memref_slice %arg6[%arg0, %mul3A_2, %dma_wait3A] : memref<2x10240x128xf32, #tpu.memory_space<hbm>> -> memref<1x640x128xf32, #tpu.memory_space<hbm>>
      %dma_wait3A_27 = tpu.memref_squeeze %dma_wait3A_26 : memref<1x640x128xf32, #tpu.memory_space<hbm>> -> memref<640x128xf32, #tpu.memory_space<hbm>>
      %dma_wait3A_28 = arith.constant 0 : i32
      %dma_wait3A_29 = tpu.memref_slice %arg11[%mul3A_2, %dma_wait3A_28] : memref<10240x128xf32, #tpu.memory_space<vmem_shared>> -> memref<640x128xf32, #tpu.memory_space<vmem_shared>>
      tpu.wait_dma2 semaphore(%run_scoped3A : memref<!tpu.dma_semaphore, #tpu.memory_space<semaphore_mem>>) src(%dma_wait3A_29 : memref<640x128xf32, #tpu.memory_space<vmem_shared>>) dst(%dma_wait3A_27 : memref<640x128xf32, #tpu.memory_space<hbm>>)
      tpu.yield
    }) : () -> ()
    return
  }
}

#map = affine_map<(d0, d1) -> (0, 0)>
#map1 = affine_map<(d0, d1) -> (0)>
#map2 = affine_map<(d0, d1) -> (0, 0, 0)>
module attributes {stable_mosaic.version = 14 : i64} {
  func.func @seg_sum_w128(%arg0: i32, %arg1: i32, %arg2: memref<10000x128xf32, #tpu.memory_space<hbm>>, %arg3: memref<320000xi32, #tpu.memory_space<hbm>>, %arg4: memref<32x125x80xi32, #tpu.memory_space<hbm>>, %arg5: memref<640x128xf32, #tpu.memory_space<hbm>>, %arg6: memref<2x10240x128xf32, #tpu.memory_space<hbm>>, %arg7: memref<10000xi32, #tpu.memory_space<vmem>>, %arg8: memref<125x80xi32, #tpu.memory_space<vmem>>, %arg9: memref<80x128xf32, #tpu.memory_space<vmem>>, %arg10: memref<80x128xf32, #tpu.memory_space<vmem>>, %arg11: memref<10240x128xf32, #tpu.memory_space<vmem_shared>>, %arg12: memref<!tpu.dma_semaphore, #tpu.memory_space<semaphore_mem>>, %arg13: memref<!tpu.dma_semaphore, #tpu.memory_space<semaphore_mem>>) attributes {dimension_semantics = [#tpu.dimension_semantics<core_parallel>, #tpu.dimension_semantics<subcore_parallel>], iteration_bounds = array<i64: 2, 16>, scalar_prefetch = 0 : i64, scratch_operands = 7 : i64, tpu.core_type = #tpu.core_type<sc_vector_subcore>, window_params = [{transform_indices = #map}, {transform_indices = #map1}, {transform_indices = #map2}, {transform_indices = #map}, {transform_indices = #map2}]} {
    %mul3A = arith.constant 16 : i32
    %mul3A_0 = arith.muli %arg0, %mul3A : i32
    %add3A = arith.addi %mul3A_0, %arg1 : i32
    %mul3A_1 = arith.constant 640 : i32
    %mul3A_2 = arith.muli %arg1, %mul3A_1 : i32
    "tpu.region"() ({
      %run_scoped3A = tpu.sem_alloc : memref<!tpu.dma_semaphore, #tpu.memory_space<semaphore_mem>>
      %dma_start3A_21 = arith.constant 0 : i32
      %dma_start3A_22 = tpu.memref_slice %arg11[%mul3A_2, %dma_start3A_21] : memref<10240x128xf32, #tpu.memory_space<vmem_shared>> -> memref<640x128xf32, #tpu.memory_space<vmem_shared>>
      tpu.enqueue_dma source(%arg5 : memref<640x128xf32, #tpu.memory_space<hbm>>) target(%dma_start3A_22 : memref<640x128xf32, #tpu.memory_space<vmem_shared>>) target_semaphore(%run_scoped3A : memref<!tpu.dma_semaphore, #tpu.memory_space<semaphore_mem>>)
      %dma_wait3A = arith.constant 0 : i32
      %dma_wait3A_23 = tpu.memref_slice %arg11[%mul3A_2, %dma_wait3A] : memref<10240x128xf32, #tpu.memory_space<vmem_shared>> -> memref<640x128xf32, #tpu.memory_space<vmem_shared>>
      tpu.wait_dma2 semaphore(%run_scoped3A : memref<!tpu.dma_semaphore, #tpu.memory_space<semaphore_mem>>) src(%arg5 : memref<640x128xf32, #tpu.memory_space<hbm>>) dst(%dma_wait3A_23 : memref<640x128xf32, #tpu.memory_space<vmem_shared>>)
      tpu.yield
    }) : () -> ()
    %mul3A_3 = arith.constant 10000 : i32
    %mul3A_4 = arith.muli %add3A, %mul3A_3 : i32
    "tpu.region"() ({
      %run_scoped3A = tpu.sem_alloc : memref<!tpu.dma_semaphore, #tpu.memory_space<semaphore_mem>>
      %dma_start3A_21 = tpu.memref_slice %arg3[%mul3A_4] : memref<320000xi32, #tpu.memory_space<hbm>> -> memref<10000xi32, #tpu.memory_space<hbm>>
      %dma_start3A_22 = tpu.memref_slice %arg3[%mul3A_4] : memref<320000xi32, #tpu.memory_space<hbm>> -> memref<10000xi32, #tpu.memory_space<hbm>>
      tpu.enqueue_dma source(%dma_start3A_22 : memref<10000xi32, #tpu.memory_space<hbm>>) target(%arg7 : memref<10000xi32, #tpu.memory_space<vmem>>) target_semaphore(%run_scoped3A : memref<!tpu.dma_semaphore, #tpu.memory_space<semaphore_mem>>)
      %dma_wait3A = tpu.memref_slice %arg3[%mul3A_4] : memref<320000xi32, #tpu.memory_space<hbm>> -> memref<10000xi32, #tpu.memory_space<hbm>>
      %dma_wait3A_23 = tpu.memref_slice %arg3[%mul3A_4] : memref<320000xi32, #tpu.memory_space<hbm>> -> memref<10000xi32, #tpu.memory_space<hbm>>
      tpu.wait_dma2 semaphore(%run_scoped3A : memref<!tpu.dma_semaphore, #tpu.memory_space<semaphore_mem>>) src(%dma_wait3A_23 : memref<10000xi32, #tpu.memory_space<hbm>>) dst(%arg7 : memref<10000xi32, #tpu.memory_space<vmem>>)
      tpu.yield
    }) : () -> ()
    "tpu.region"() ({
      %run_scoped3A = tpu.sem_alloc : memref<!tpu.dma_semaphore, #tpu.memory_space<semaphore_mem>>
      %dma_start3A_21 = arith.constant 0 : i32
      %dma_start3A_22 = arith.constant 0 : i32
      %dma_start3A_23 = tpu.memref_slice %arg4[%add3A, %dma_start3A_21, %dma_start3A_22] : memref<32x125x80xi32, #tpu.memory_space<hbm>> -> memref<1x125x80xi32, #tpu.memory_space<hbm>>
      %dma_start3A_24 = tpu.memref_squeeze %dma_start3A_23 : memref<1x125x80xi32, #tpu.memory_space<hbm>> -> memref<125x80xi32, #tpu.memory_space<hbm>>
      %dma_start3A_25 = arith.constant 0 : i32
      %dma_start3A_26 = arith.constant 0 : i32
      %dma_start3A_27 = tpu.memref_slice %arg4[%add3A, %dma_start3A_25, %dma_start3A_26] : memref<32x125x80xi32, #tpu.memory_space<hbm>> -> memref<1x125x80xi32, #tpu.memory_space<hbm>>
      %dma_start3A_28 = tpu.memref_squeeze %dma_start3A_27 : memref<1x125x80xi32, #tpu.memory_space<hbm>> -> memref<125x80xi32, #tpu.memory_space<hbm>>
      tpu.enqueue_dma source(%dma_start3A_28 : memref<125x80xi32, #tpu.memory_space<hbm>>) target(%arg8 : memref<125x80xi32, #tpu.memory_space<vmem>>) target_semaphore(%run_scoped3A : memref<!tpu.dma_semaphore, #tpu.memory_space<semaphore_mem>>)
      %dma_wait3A = arith.constant 0 : i32
      %dma_wait3A_29 = arith.constant 0 : i32
      %dma_wait3A_30 = tpu.memref_slice %arg4[%add3A, %dma_wait3A, %dma_wait3A_29] : memref<32x125x80xi32, #tpu.memory_space<hbm>> -> memref<1x125x80xi32, #tpu.memory_space<hbm>>
      %dma_wait3A_31 = tpu.memref_squeeze %dma_wait3A_30 : memref<1x125x80xi32, #tpu.memory_space<hbm>> -> memref<125x80xi32, #tpu.memory_space<hbm>>
      %dma_wait3A_32 = arith.constant 0 : i32
      %dma_wait3A_33 = arith.constant 0 : i32
      %dma_wait3A_34 = tpu.memref_slice %arg4[%add3A, %dma_wait3A_32, %dma_wait3A_33] : memref<32x125x80xi32, #tpu.memory_space<hbm>> -> memref<1x125x80xi32, #tpu.memory_space<hbm>>
      %dma_wait3A_35 = tpu.memref_squeeze %dma_wait3A_34 : memref<1x125x80xi32, #tpu.memory_space<hbm>> -> memref<125x80xi32, #tpu.memory_space<hbm>>
      tpu.wait_dma2 semaphore(%run_scoped3A : memref<!tpu.dma_semaphore, #tpu.memory_space<semaphore_mem>>) src(%dma_wait3A_35 : memref<125x80xi32, #tpu.memory_space<hbm>>) dst(%arg8 : memref<125x80xi32, #tpu.memory_space<vmem>>)
      tpu.yield
    }) : () -> ()
    %barrier3A = arith.constant 0 : index
    tpu.barrier barrier_id(%barrier3A)
    %multiple_of3A = arith.constant 0 : i32
    %multiple_of3A_5 = tpu.assume_multiple %multiple_of3A, 8 : i32
    %dma_start3A = tpu.memref_slice %arg7[%multiple_of3A_5] : memref<10000xi32, #tpu.memory_space<vmem>> -> memref<80xi32, #tpu.memory_space<vmem>>
    %dma_start3A_6 = arith.constant 0 : i32
    %dma_start3A_7 = arith.constant 0 : i32
    %dma_start3A_8 = tpu.memref_slice %arg2[%dma_start3A_6, %dma_start3A_7] : memref<10000x128xf32, #tpu.memory_space<hbm>> -> memref<10000x128xf32, #tpu.memory_space<hbm>>
    tpu.enqueue_indirect_dma source(%dma_start3A_8 : memref<10000x128xf32, #tpu.memory_space<hbm>>) target(%arg9 : memref<80x128xf32, #tpu.memory_space<vmem>>) offsets(%dma_start3A : memref<80xi32, #tpu.memory_space<vmem>>) semaphore(%arg12 : memref<!tpu.dma_semaphore, #tpu.memory_space<semaphore_mem>>)
    %multiple_of3A_9 = arith.constant 80 : i32
    %multiple_of3A_10 = tpu.assume_multiple %multiple_of3A_9, 8 : i32
    %dma_start3A_11 = tpu.memref_slice %arg7[%multiple_of3A_10] : memref<10000xi32, #tpu.memory_space<vmem>> -> memref<80xi32, #tpu.memory_space<vmem>>
    %dma_start3A_12 = arith.constant 0 : i32
    %dma_start3A_13 = arith.constant 0 : i32
    %dma_start3A_14 = tpu.memref_slice %arg2[%dma_start3A_12, %dma_start3A_13] : memref<10000x128xf32, #tpu.memory_space<hbm>> -> memref<10000x128xf32, #tpu.memory_space<hbm>>
    tpu.enqueue_indirect_dma source(%dma_start3A_14 : memref<10000x128xf32, #tpu.memory_space<hbm>>) target(%arg10 : memref<80x128xf32, #tpu.memory_space<vmem>>) offsets(%dma_start3A_11 : memref<80xi32, #tpu.memory_space<vmem>>) semaphore(%arg13 : memref<!tpu.dma_semaphore, #tpu.memory_space<semaphore_mem>>)
    %scan3A = arith.constant 0 : i32
    %scan3A_15 = arith.constant 0 : i32
    %scan3A_16 = arith.constant 63 : i32
    %scan3A_17 = arith.addi %scan3A_15, %scan3A_16 : i32
    %scan3A_18 = arith.constant 1 : i32
    scf.for %scan3A_21 = %scan3A_15 to %scan3A_17 step %scan3A_18  : i32 {
      %mul3A_22 = arith.constant 2 : i32
      %mul3A_23 = arith.muli %scan3A_21, %mul3A_22 : i32
      %dma_wait3A = arith.constant 0 : i32
      %dma_wait3A_24 = tpu.memref_slice %arg7[%dma_wait3A] : memref<10000xi32, #tpu.memory_space<vmem>> -> memref<80xi32, #tpu.memory_space<vmem>>
      %dma_wait3A_25 = arith.constant 0 : i32
      %dma_wait3A_26 = arith.constant 0 : i32
      %dma_wait3A_27 = tpu.memref_slice %arg2[%dma_wait3A_25, %dma_wait3A_26] : memref<10000x128xf32, #tpu.memory_space<hbm>> -> memref<10000x128xf32, #tpu.memory_space<hbm>>
      tpu.wait_indirect_dma semaphore(%arg12 : memref<!tpu.dma_semaphore, #tpu.memory_space<semaphore_mem>>) src(%dma_wait3A_27 : memref<10000x128xf32, #tpu.memory_space<hbm>>) dst(%arg9 : memref<80x128xf32, #tpu.memory_space<vmem>>)
      "tpu.region"() ({
        %run_scoped3A = tpu.sem_alloc : memref<!tpu.dma_semaphore, #tpu.memory_space<semaphore_mem>>
        %dma_start3A_39 = arith.constant 0 : i32
        %dma_start3A_40 = tpu.memref_slice %arg8[%mul3A_23, %dma_start3A_39] : memref<125x80xi32, #tpu.memory_space<vmem>> -> memref<1x80xi32, #tpu.memory_space<vmem>>
        %dma_start3A_41 = tpu.memref_squeeze %dma_start3A_40 : memref<1x80xi32, #tpu.memory_space<vmem>> -> memref<80xi32, #tpu.memory_space<vmem>>
        %dma_start3A_42 = arith.constant 0 : i32
        %dma_start3A_43 = arith.constant 0 : i32
        %dma_start3A_44 = tpu.memref_slice %arg11[%dma_start3A_42, %dma_start3A_43] : memref<10240x128xf32, #tpu.memory_space<vmem_shared>> -> memref<10240x128xf32, #tpu.memory_space<vmem_shared>>
        tpu.enqueue_indirect_dma source(%arg9 : memref<80x128xf32, #tpu.memory_space<vmem>>) target(%dma_start3A_44 : memref<10240x128xf32, #tpu.memory_space<vmem_shared>>) offsets(%dma_start3A_41 : memref<80xi32, #tpu.memory_space<vmem>>) semaphore(%run_scoped3A : memref<!tpu.dma_semaphore, #tpu.memory_space<semaphore_mem>>) {add = true}
        %dma_wait3A_45 = arith.constant 0 : i32
        %dma_wait3A_46 = tpu.memref_slice %arg8[%mul3A_23, %dma_wait3A_45] : memref<125x80xi32, #tpu.memory_space<vmem>> -> memref<1x80xi32, #tpu.memory_space<vmem>>
        %dma_wait3A_47 = tpu.memref_squeeze %dma_wait3A_46 : memref<1x80xi32, #tpu.memory_space<vmem>> -> memref<80xi32, #tpu.memory_space<vmem>>
        %dma_wait3A_48 = arith.constant 0 : i32
        %dma_wait3A_49 = arith.constant 0 : i32
        %dma_wait3A_50 = tpu.memref_slice %arg11[%dma_wait3A_48, %dma_wait3A_49] : memref<10240x128xf32, #tpu.memory_space<vmem_shared>> -> memref<10240x128xf32, #tpu.memory_space<vmem_shared>>
        tpu.wait_indirect_dma semaphore(%run_scoped3A : memref<!tpu.dma_semaphore, #tpu.memory_space<semaphore_mem>>) src(%arg9 : memref<80x128xf32, #tpu.memory_space<vmem>>) dst(%dma_wait3A_50 : memref<10240x128xf32, #tpu.memory_space<vmem_shared>>)
        tpu.yield
      }) : () -> ()
      %add3A_28 = arith.constant 2 : i32
      %add3A_29 = arith.addi %mul3A_23, %add3A_28 : i32
      %lt3A = arith.constant 125 : i32
      %lt3A_30 = arith.cmpi slt, %add3A_29, %lt3A : i32
      %convert_element_type3A = arith.extui %lt3A_30 : i1 to i32
      %cond3A = arith.constant 0 : i32
      %cond3A_31 = arith.cmpi ne, %convert_element_type3A, %cond3A : i32
      scf.if %cond3A_31 {
        %add3A_39 = arith.constant 2 : i32
        %add3A_40 = arith.addi %mul3A_23, %add3A_39 : i32
        %mul3A_41 = arith.constant 80 : i32
        %mul3A_42 = arith.muli %add3A_40, %mul3A_41 : i32
        %multiple_of3A_43 = tpu.assume_multiple %mul3A_42, 8 : i32
        %dma_start3A_44 = tpu.memref_slice %arg7[%multiple_of3A_43] : memref<10000xi32, #tpu.memory_space<vmem>> -> memref<80xi32, #tpu.memory_space<vmem>>
        %dma_start3A_45 = arith.constant 0 : i32
        %dma_start3A_46 = arith.constant 0 : i32
        %dma_start3A_47 = tpu.memref_slice %arg2[%dma_start3A_45, %dma_start3A_46] : memref<10000x128xf32, #tpu.memory_space<hbm>> -> memref<10000x128xf32, #tpu.memory_space<hbm>>
        tpu.enqueue_indirect_dma source(%dma_start3A_47 : memref<10000x128xf32, #tpu.memory_space<hbm>>) target(%arg9 : memref<80x128xf32, #tpu.memory_space<vmem>>) offsets(%dma_start3A_44 : memref<80xi32, #tpu.memory_space<vmem>>) semaphore(%arg12 : memref<!tpu.dma_semaphore, #tpu.memory_space<semaphore_mem>>)
      } else {
      }
      %add3A_32 = arith.constant 1 : i32
      %add3A_33 = arith.addi %mul3A_23, %add3A_32 : i32
      %lt3A_34 = arith.constant 125 : i32
      %lt3A_35 = arith.cmpi slt, %add3A_33, %lt3A_34 : i32
      %convert_element_type3A_36 = arith.extui %lt3A_35 : i1 to i32
      %cond3A_37 = arith.constant 0 : i32
      %cond3A_38 = arith.cmpi ne, %convert_element_type3A_36, %cond3A_37 : i32
      scf.if %cond3A_38 {
        %dma_wait3A_39 = arith.constant 0 : i32
        %dma_wait3A_40 = tpu.memref_slice %arg7[%dma_wait3A_39] : memref<10000xi32, #tpu.memory_space<vmem>> -> memref<80xi32, #tpu.memory_space<vmem>>
        %dma_wait3A_41 = arith.constant 0 : i32
        %dma_wait3A_42 = arith.constant 0 : i32
        %dma_wait3A_43 = tpu.memref_slice %arg2[%dma_wait3A_41, %dma_wait3A_42] : memref<10000x128xf32, #tpu.memory_space<hbm>> -> memref<10000x128xf32, #tpu.memory_space<hbm>>
        tpu.wait_indirect_dma semaphore(%arg13 : memref<!tpu.dma_semaphore, #tpu.memory_space<semaphore_mem>>) src(%dma_wait3A_43 : memref<10000x128xf32, #tpu.memory_space<hbm>>) dst(%arg10 : memref<80x128xf32, #tpu.memory_space<vmem>>)
        %add3A_44 = arith.constant 1 : i32
        %add3A_45 = arith.addi %mul3A_23, %add3A_44 : i32
        "tpu.region"() ({
          %run_scoped3A = tpu.sem_alloc : memref<!tpu.dma_semaphore, #tpu.memory_space<semaphore_mem>>
          %dma_start3A_53 = arith.constant 0 : i32
          %dma_start3A_54 = tpu.memref_slice %arg8[%add3A_45, %dma_start3A_53] : memref<125x80xi32, #tpu.memory_space<vmem>> -> memref<1x80xi32, #tpu.memory_space<vmem>>
          %dma_start3A_55 = tpu.memref_squeeze %dma_start3A_54 : memref<1x80xi32, #tpu.memory_space<vmem>> -> memref<80xi32, #tpu.memory_space<vmem>>
          %dma_start3A_56 = arith.constant 0 : i32
          %dma_start3A_57 = arith.constant 0 : i32
          %dma_start3A_58 = tpu.memref_slice %arg11[%dma_start3A_56, %dma_start3A_57] : memref<10240x128xf32, #tpu.memory_space<vmem_shared>> -> memref<10240x128xf32, #tpu.memory_space<vmem_shared>>
          tpu.enqueue_indirect_dma source(%arg10 : memref<80x128xf32, #tpu.memory_space<vmem>>) target(%dma_start3A_58 : memref<10240x128xf32, #tpu.memory_space<vmem_shared>>) offsets(%dma_start3A_55 : memref<80xi32, #tpu.memory_space<vmem>>) semaphore(%run_scoped3A : memref<!tpu.dma_semaphore, #tpu.memory_space<semaphore_mem>>) {add = true}
          %dma_wait3A_59 = arith.constant 0 : i32
          %dma_wait3A_60 = tpu.memref_slice %arg8[%add3A_45, %dma_wait3A_59] : memref<125x80xi32, #tpu.memory_space<vmem>> -> memref<1x80xi32, #tpu.memory_space<vmem>>
          %dma_wait3A_61 = tpu.memref_squeeze %dma_wait3A_60 : memref<1x80xi32, #tpu.memory_space<vmem>> -> memref<80xi32, #tpu.memory_space<vmem>>
          %dma_wait3A_62 = arith.constant 0 : i32
          %dma_wait3A_63 = arith.constant 0 : i32
          %dma_wait3A_64 = tpu.memref_slice %arg11[%dma_wait3A_62, %dma_wait3A_63] : memref<10240x128xf32, #tpu.memory_space<vmem_shared>> -> memref<10240x128xf32, #tpu.memory_space<vmem_shared>>
          tpu.wait_indirect_dma semaphore(%run_scoped3A : memref<!tpu.dma_semaphore, #tpu.memory_space<semaphore_mem>>) src(%arg10 : memref<80x128xf32, #tpu.memory_space<vmem>>) dst(%dma_wait3A_64 : memref<10240x128xf32, #tpu.memory_space<vmem_shared>>)
          tpu.yield
        }) : () -> ()
        %add3A_46 = arith.constant 3 : i32
        %add3A_47 = arith.addi %mul3A_23, %add3A_46 : i32
        %lt3A_48 = arith.constant 125 : i32
        %lt3A_49 = arith.cmpi slt, %add3A_47, %lt3A_48 : i32
        %convert_element_type3A_50 = arith.extui %lt3A_49 : i1 to i32
        %cond3A_51 = arith.constant 0 : i32
        %cond3A_52 = arith.cmpi ne, %convert_element_type3A_50, %cond3A_51 : i32
        scf.if %cond3A_52 {
          %add3A_53 = arith.constant 3 : i32
          %add3A_54 = arith.addi %mul3A_23, %add3A_53 : i32
          %mul3A_55 = arith.constant 80 : i32
          %mul3A_56 = arith.muli %add3A_54, %mul3A_55 : i32
          %multiple_of3A_57 = tpu.assume_multiple %mul3A_56, 8 : i32
          %dma_start3A_58 = tpu.memref_slice %arg7[%multiple_of3A_57] : memref<10000xi32, #tpu.memory_space<vmem>> -> memref<80xi32, #tpu.memory_space<vmem>>
          %dma_start3A_59 = arith.constant 0 : i32
          %dma_start3A_60 = arith.constant 0 : i32
          %dma_start3A_61 = tpu.memref_slice %arg2[%dma_start3A_59, %dma_start3A_60] : memref<10000x128xf32, #tpu.memory_space<hbm>> -> memref<10000x128xf32, #tpu.memory_space<hbm>>
          tpu.enqueue_indirect_dma source(%dma_start3A_61 : memref<10000x128xf32, #tpu.memory_space<hbm>>) target(%arg10 : memref<80x128xf32, #tpu.memory_space<vmem>>) offsets(%dma_start3A_58 : memref<80xi32, #tpu.memory_space<vmem>>) semaphore(%arg13 : memref<!tpu.dma_semaphore, #tpu.memory_space<semaphore_mem>>)
        } else {
        }
      } else {
      }
    }
    %scan3A_19 = arith.constant 63 : i32
    %barrier3A_20 = arith.constant 0 : index
    tpu.barrier barrier_id(%barrier3A_20)
    "tpu.region"() ({
      %run_scoped3A = tpu.sem_alloc : memref<!tpu.dma_semaphore, #tpu.memory_space<semaphore_mem>>
      %dma_start3A_21 = arith.constant 0 : i32
      %dma_start3A_22 = tpu.memref_slice %arg6[%arg0, %mul3A_2, %dma_start3A_21] : memref<2x10240x128xf32, #tpu.memory_space<hbm>> -> memref<1x640x128xf32, #tpu.memory_space<hbm>>
      %dma_start3A_23 = tpu.memref_squeeze %dma_start3A_22 : memref<1x640x128xf32, #tpu.memory_space<hbm>> -> memref<640x128xf32, #tpu.memory_space<hbm>>
      %dma_start3A_24 = arith.constant 0 : i32
      %dma_start3A_25 = tpu.memref_slice %arg11[%mul3A_2, %dma_start3A_24] : memref<10240x128xf32, #tpu.memory_space<vmem_shared>> -> memref<640x128xf32, #tpu.memory_space<vmem_shared>>
      tpu.enqueue_dma source(%dma_start3A_25 : memref<640x128xf32, #tpu.memory_space<vmem_shared>>) target(%dma_start3A_23 : memref<640x128xf32, #tpu.memory_space<hbm>>) target_semaphore(%run_scoped3A : memref<!tpu.dma_semaphore, #tpu.memory_space<semaphore_mem>>)
      %dma_wait3A = arith.constant 0 : i32
      %dma_wait3A_26 = tpu.memref_slice %arg6[%arg0, %mul3A_2, %dma_wait3A] : memref<2x10240x128xf32, #tpu.memory_space<hbm>> -> memref<1x640x128xf32, #tpu.memory_space<hbm>>
      %dma_wait3A_27 = tpu.memref_squeeze %dma_wait3A_26 : memref<1x640x128xf32, #tpu.memory_space<hbm>> -> memref<640x128xf32, #tpu.memory_space<hbm>>
      %dma_wait3A_28 = arith.constant 0 : i32
      %dma_wait3A_29 = tpu.memref_slice %arg11[%mul3A_2, %dma_wait3A_28] : memref<10240x128xf32, #tpu.memory_space<vmem_shared>> -> memref<640x128xf32, #tpu.memory_space<vmem_shared>>
      tpu.wait_dma2 semaphore(%run_scoped3A : memref<!tpu.dma_semaphore, #tpu.memory_space<semaphore_mem>>) src(%dma_wait3A_29 : memref<640x128xf32, #tpu.memory_space<vmem_shared>>) dst(%dma_wait3A_27 : memref<640x128xf32, #tpu.memory_space<hbm>>)
      tpu.yield
    }) : () -> ()
    return
  }
}

#map = affine_map<(d0, d1) -> (0, 0)>
#map1 = affine_map<(d0, d1) -> (0)>
#map2 = affine_map<(d0, d1) -> (0, 0, 0)>
module attributes {stable_mosaic.version = 14 : i64} {
  func.func @seg_sum_w128(%arg0: i32, %arg1: i32, %arg2: memref<10000x128xf32, #tpu.memory_space<hbm>>, %arg3: memref<320000xi32, #tpu.memory_space<hbm>>, %arg4: memref<32x125x80xi32, #tpu.memory_space<hbm>>, %arg5: memref<640x128xf32, #tpu.memory_space<hbm>>, %arg6: memref<2x10240x128xf32, #tpu.memory_space<hbm>>, %arg7: memref<10000xi32, #tpu.memory_space<vmem>>, %arg8: memref<125x80xi32, #tpu.memory_space<vmem>>, %arg9: memref<80x128xf32, #tpu.memory_space<vmem>>, %arg10: memref<80x128xf32, #tpu.memory_space<vmem>>, %arg11: memref<10240x128xf32, #tpu.memory_space<vmem_shared>>, %arg12: memref<!tpu.dma_semaphore, #tpu.memory_space<semaphore_mem>>, %arg13: memref<!tpu.dma_semaphore, #tpu.memory_space<semaphore_mem>>) attributes {dimension_semantics = [#tpu.dimension_semantics<core_parallel>, #tpu.dimension_semantics<subcore_parallel>], iteration_bounds = array<i64: 2, 16>, scalar_prefetch = 0 : i64, scratch_operands = 7 : i64, tpu.core_type = #tpu.core_type<sc_vector_subcore>, window_params = [{transform_indices = #map}, {transform_indices = #map1}, {transform_indices = #map2}, {transform_indices = #map}, {transform_indices = #map2}]} {
    %mul3A = arith.constant 16 : i32
    %mul3A_0 = arith.muli %arg0, %mul3A : i32
    %add3A = arith.addi %mul3A_0, %arg1 : i32
    %mul3A_1 = arith.constant 640 : i32
    %mul3A_2 = arith.muli %arg1, %mul3A_1 : i32
    "tpu.region"() ({
      %run_scoped3A = tpu.sem_alloc : memref<!tpu.dma_semaphore, #tpu.memory_space<semaphore_mem>>
      %dma_start3A_21 = arith.constant 0 : i32
      %dma_start3A_22 = tpu.memref_slice %arg11[%mul3A_2, %dma_start3A_21] : memref<10240x128xf32, #tpu.memory_space<vmem_shared>> -> memref<640x128xf32, #tpu.memory_space<vmem_shared>>
      tpu.enqueue_dma source(%arg5 : memref<640x128xf32, #tpu.memory_space<hbm>>) target(%dma_start3A_22 : memref<640x128xf32, #tpu.memory_space<vmem_shared>>) target_semaphore(%run_scoped3A : memref<!tpu.dma_semaphore, #tpu.memory_space<semaphore_mem>>)
      %dma_wait3A = arith.constant 0 : i32
      %dma_wait3A_23 = tpu.memref_slice %arg11[%mul3A_2, %dma_wait3A] : memref<10240x128xf32, #tpu.memory_space<vmem_shared>> -> memref<640x128xf32, #tpu.memory_space<vmem_shared>>
      tpu.wait_dma2 semaphore(%run_scoped3A : memref<!tpu.dma_semaphore, #tpu.memory_space<semaphore_mem>>) src(%arg5 : memref<640x128xf32, #tpu.memory_space<hbm>>) dst(%dma_wait3A_23 : memref<640x128xf32, #tpu.memory_space<vmem_shared>>)
      tpu.yield
    }) : () -> ()
    %mul3A_3 = arith.constant 10000 : i32
    %mul3A_4 = arith.muli %add3A, %mul3A_3 : i32
    "tpu.region"() ({
      %run_scoped3A = tpu.sem_alloc : memref<!tpu.dma_semaphore, #tpu.memory_space<semaphore_mem>>
      %dma_start3A_21 = tpu.memref_slice %arg3[%mul3A_4] : memref<320000xi32, #tpu.memory_space<hbm>> -> memref<10000xi32, #tpu.memory_space<hbm>>
      %dma_start3A_22 = tpu.memref_slice %arg3[%mul3A_4] : memref<320000xi32, #tpu.memory_space<hbm>> -> memref<10000xi32, #tpu.memory_space<hbm>>
      tpu.enqueue_dma source(%dma_start3A_22 : memref<10000xi32, #tpu.memory_space<hbm>>) target(%arg7 : memref<10000xi32, #tpu.memory_space<vmem>>) target_semaphore(%run_scoped3A : memref<!tpu.dma_semaphore, #tpu.memory_space<semaphore_mem>>)
      %dma_wait3A = tpu.memref_slice %arg3[%mul3A_4] : memref<320000xi32, #tpu.memory_space<hbm>> -> memref<10000xi32, #tpu.memory_space<hbm>>
      %dma_wait3A_23 = tpu.memref_slice %arg3[%mul3A_4] : memref<320000xi32, #tpu.memory_space<hbm>> -> memref<10000xi32, #tpu.memory_space<hbm>>
      tpu.wait_dma2 semaphore(%run_scoped3A : memref<!tpu.dma_semaphore, #tpu.memory_space<semaphore_mem>>) src(%dma_wait3A_23 : memref<10000xi32, #tpu.memory_space<hbm>>) dst(%arg7 : memref<10000xi32, #tpu.memory_space<vmem>>)
      tpu.yield
    }) : () -> ()
    "tpu.region"() ({
      %run_scoped3A = tpu.sem_alloc : memref<!tpu.dma_semaphore, #tpu.memory_space<semaphore_mem>>
      %dma_start3A_21 = arith.constant 0 : i32
      %dma_start3A_22 = arith.constant 0 : i32
      %dma_start3A_23 = tpu.memref_slice %arg4[%add3A, %dma_start3A_21, %dma_start3A_22] : memref<32x125x80xi32, #tpu.memory_space<hbm>> -> memref<1x125x80xi32, #tpu.memory_space<hbm>>
      %dma_start3A_24 = tpu.memref_squeeze %dma_start3A_23 : memref<1x125x80xi32, #tpu.memory_space<hbm>> -> memref<125x80xi32, #tpu.memory_space<hbm>>
      %dma_start3A_25 = arith.constant 0 : i32
      %dma_start3A_26 = arith.constant 0 : i32
      %dma_start3A_27 = tpu.memref_slice %arg4[%add3A, %dma_start3A_25, %dma_start3A_26] : memref<32x125x80xi32, #tpu.memory_space<hbm>> -> memref<1x125x80xi32, #tpu.memory_space<hbm>>
      %dma_start3A_28 = tpu.memref_squeeze %dma_start3A_27 : memref<1x125x80xi32, #tpu.memory_space<hbm>> -> memref<125x80xi32, #tpu.memory_space<hbm>>
      tpu.enqueue_dma source(%dma_start3A_28 : memref<125x80xi32, #tpu.memory_space<hbm>>) target(%arg8 : memref<125x80xi32, #tpu.memory_space<vmem>>) target_semaphore(%run_scoped3A : memref<!tpu.dma_semaphore, #tpu.memory_space<semaphore_mem>>)
      %dma_wait3A = arith.constant 0 : i32
      %dma_wait3A_29 = arith.constant 0 : i32
      %dma_wait3A_30 = tpu.memref_slice %arg4[%add3A, %dma_wait3A, %dma_wait3A_29] : memref<32x125x80xi32, #tpu.memory_space<hbm>> -> memref<1x125x80xi32, #tpu.memory_space<hbm>>
      %dma_wait3A_31 = tpu.memref_squeeze %dma_wait3A_30 : memref<1x125x80xi32, #tpu.memory_space<hbm>> -> memref<125x80xi32, #tpu.memory_space<hbm>>
      %dma_wait3A_32 = arith.constant 0 : i32
      %dma_wait3A_33 = arith.constant 0 : i32
      %dma_wait3A_34 = tpu.memref_slice %arg4[%add3A, %dma_wait3A_32, %dma_wait3A_33] : memref<32x125x80xi32, #tpu.memory_space<hbm>> -> memref<1x125x80xi32, #tpu.memory_space<hbm>>
      %dma_wait3A_35 = tpu.memref_squeeze %dma_wait3A_34 : memref<1x125x80xi32, #tpu.memory_space<hbm>> -> memref<125x80xi32, #tpu.memory_space<hbm>>
      tpu.wait_dma2 semaphore(%run_scoped3A : memref<!tpu.dma_semaphore, #tpu.memory_space<semaphore_mem>>) src(%dma_wait3A_35 : memref<125x80xi32, #tpu.memory_space<hbm>>) dst(%arg8 : memref<125x80xi32, #tpu.memory_space<vmem>>)
      tpu.yield
    }) : () -> ()
    %barrier3A = arith.constant 0 : index
    tpu.barrier barrier_id(%barrier3A)
    %multiple_of3A = arith.constant 0 : i32
    %multiple_of3A_5 = tpu.assume_multiple %multiple_of3A, 8 : i32
    %dma_start3A = tpu.memref_slice %arg7[%multiple_of3A_5] : memref<10000xi32, #tpu.memory_space<vmem>> -> memref<80xi32, #tpu.memory_space<vmem>>
    %dma_start3A_6 = arith.constant 0 : i32
    %dma_start3A_7 = arith.constant 0 : i32
    %dma_start3A_8 = tpu.memref_slice %arg2[%dma_start3A_6, %dma_start3A_7] : memref<10000x128xf32, #tpu.memory_space<hbm>> -> memref<10000x128xf32, #tpu.memory_space<hbm>>
    tpu.enqueue_indirect_dma source(%dma_start3A_8 : memref<10000x128xf32, #tpu.memory_space<hbm>>) target(%arg9 : memref<80x128xf32, #tpu.memory_space<vmem>>) offsets(%dma_start3A : memref<80xi32, #tpu.memory_space<vmem>>) semaphore(%arg12 : memref<!tpu.dma_semaphore, #tpu.memory_space<semaphore_mem>>)
    %multiple_of3A_9 = arith.constant 80 : i32
    %multiple_of3A_10 = tpu.assume_multiple %multiple_of3A_9, 8 : i32
    %dma_start3A_11 = tpu.memref_slice %arg7[%multiple_of3A_10] : memref<10000xi32, #tpu.memory_space<vmem>> -> memref<80xi32, #tpu.memory_space<vmem>>
    %dma_start3A_12 = arith.constant 0 : i32
    %dma_start3A_13 = arith.constant 0 : i32
    %dma_start3A_14 = tpu.memref_slice %arg2[%dma_start3A_12, %dma_start3A_13] : memref<10000x128xf32, #tpu.memory_space<hbm>> -> memref<10000x128xf32, #tpu.memory_space<hbm>>
    tpu.enqueue_indirect_dma source(%dma_start3A_14 : memref<10000x128xf32, #tpu.memory_space<hbm>>) target(%arg10 : memref<80x128xf32, #tpu.memory_space<vmem>>) offsets(%dma_start3A_11 : memref<80xi32, #tpu.memory_space<vmem>>) semaphore(%arg13 : memref<!tpu.dma_semaphore, #tpu.memory_space<semaphore_mem>>)
    %scan3A = arith.constant 0 : i32
    %scan3A_15 = arith.constant 0 : i32
    %scan3A_16 = arith.constant 63 : i32
    %scan3A_17 = arith.addi %scan3A_15, %scan3A_16 : i32
    %scan3A_18 = arith.constant 1 : i32
    scf.for %scan3A_21 = %scan3A_15 to %scan3A_17 step %scan3A_18  : i32 {
      %mul3A_22 = arith.constant 2 : i32
      %mul3A_23 = arith.muli %scan3A_21, %mul3A_22 : i32
      %dma_wait3A = arith.constant 0 : i32
      %dma_wait3A_24 = tpu.memref_slice %arg7[%dma_wait3A] : memref<10000xi32, #tpu.memory_space<vmem>> -> memref<80xi32, #tpu.memory_space<vmem>>
      %dma_wait3A_25 = arith.constant 0 : i32
      %dma_wait3A_26 = arith.constant 0 : i32
      %dma_wait3A_27 = tpu.memref_slice %arg2[%dma_wait3A_25, %dma_wait3A_26] : memref<10000x128xf32, #tpu.memory_space<hbm>> -> memref<10000x128xf32, #tpu.memory_space<hbm>>
      tpu.wait_indirect_dma semaphore(%arg12 : memref<!tpu.dma_semaphore, #tpu.memory_space<semaphore_mem>>) src(%dma_wait3A_27 : memref<10000x128xf32, #tpu.memory_space<hbm>>) dst(%arg9 : memref<80x128xf32, #tpu.memory_space<vmem>>)
      "tpu.region"() ({
        %run_scoped3A = tpu.sem_alloc : memref<!tpu.dma_semaphore, #tpu.memory_space<semaphore_mem>>
        %dma_start3A_39 = arith.constant 0 : i32
        %dma_start3A_40 = tpu.memref_slice %arg8[%mul3A_23, %dma_start3A_39] : memref<125x80xi32, #tpu.memory_space<vmem>> -> memref<1x80xi32, #tpu.memory_space<vmem>>
        %dma_start3A_41 = tpu.memref_squeeze %dma_start3A_40 : memref<1x80xi32, #tpu.memory_space<vmem>> -> memref<80xi32, #tpu.memory_space<vmem>>
        %dma_start3A_42 = arith.constant 0 : i32
        %dma_start3A_43 = arith.constant 0 : i32
        %dma_start3A_44 = tpu.memref_slice %arg11[%dma_start3A_42, %dma_start3A_43] : memref<10240x128xf32, #tpu.memory_space<vmem_shared>> -> memref<10240x128xf32, #tpu.memory_space<vmem_shared>>
        tpu.enqueue_indirect_dma source(%arg9 : memref<80x128xf32, #tpu.memory_space<vmem>>) target(%dma_start3A_44 : memref<10240x128xf32, #tpu.memory_space<vmem_shared>>) offsets(%dma_start3A_41 : memref<80xi32, #tpu.memory_space<vmem>>) semaphore(%run_scoped3A : memref<!tpu.dma_semaphore, #tpu.memory_space<semaphore_mem>>) {add = true}
        %dma_wait3A_45 = arith.constant 0 : i32
        %dma_wait3A_46 = tpu.memref_slice %arg8[%mul3A_23, %dma_wait3A_45] : memref<125x80xi32, #tpu.memory_space<vmem>> -> memref<1x80xi32, #tpu.memory_space<vmem>>
        %dma_wait3A_47 = tpu.memref_squeeze %dma_wait3A_46 : memref<1x80xi32, #tpu.memory_space<vmem>> -> memref<80xi32, #tpu.memory_space<vmem>>
        %dma_wait3A_48 = arith.constant 0 : i32
        %dma_wait3A_49 = arith.constant 0 : i32
        %dma_wait3A_50 = tpu.memref_slice %arg11[%dma_wait3A_48, %dma_wait3A_49] : memref<10240x128xf32, #tpu.memory_space<vmem_shared>> -> memref<10240x128xf32, #tpu.memory_space<vmem_shared>>
        tpu.wait_indirect_dma semaphore(%run_scoped3A : memref<!tpu.dma_semaphore, #tpu.memory_space<semaphore_mem>>) src(%arg9 : memref<80x128xf32, #tpu.memory_space<vmem>>) dst(%dma_wait3A_50 : memref<10240x128xf32, #tpu.memory_space<vmem_shared>>)
        tpu.yield
      }) : () -> ()
      %add3A_28 = arith.constant 2 : i32
      %add3A_29 = arith.addi %mul3A_23, %add3A_28 : i32
      %lt3A = arith.constant 125 : i32
      %lt3A_30 = arith.cmpi slt, %add3A_29, %lt3A : i32
      %convert_element_type3A = arith.extui %lt3A_30 : i1 to i32
      %cond3A = arith.constant 0 : i32
      %cond3A_31 = arith.cmpi ne, %convert_element_type3A, %cond3A : i32
      scf.if %cond3A_31 {
        %add3A_39 = arith.constant 2 : i32
        %add3A_40 = arith.addi %mul3A_23, %add3A_39 : i32
        %mul3A_41 = arith.constant 80 : i32
        %mul3A_42 = arith.muli %add3A_40, %mul3A_41 : i32
        %multiple_of3A_43 = tpu.assume_multiple %mul3A_42, 8 : i32
        %dma_start3A_44 = tpu.memref_slice %arg7[%multiple_of3A_43] : memref<10000xi32, #tpu.memory_space<vmem>> -> memref<80xi32, #tpu.memory_space<vmem>>
        %dma_start3A_45 = arith.constant 0 : i32
        %dma_start3A_46 = arith.constant 0 : i32
        %dma_start3A_47 = tpu.memref_slice %arg2[%dma_start3A_45, %dma_start3A_46] : memref<10000x128xf32, #tpu.memory_space<hbm>> -> memref<10000x128xf32, #tpu.memory_space<hbm>>
        tpu.enqueue_indirect_dma source(%dma_start3A_47 : memref<10000x128xf32, #tpu.memory_space<hbm>>) target(%arg9 : memref<80x128xf32, #tpu.memory_space<vmem>>) offsets(%dma_start3A_44 : memref<80xi32, #tpu.memory_space<vmem>>) semaphore(%arg12 : memref<!tpu.dma_semaphore, #tpu.memory_space<semaphore_mem>>)
      } else {
      }
      %add3A_32 = arith.constant 1 : i32
      %add3A_33 = arith.addi %mul3A_23, %add3A_32 : i32
      %lt3A_34 = arith.constant 125 : i32
      %lt3A_35 = arith.cmpi slt, %add3A_33, %lt3A_34 : i32
      %convert_element_type3A_36 = arith.extui %lt3A_35 : i1 to i32
      %cond3A_37 = arith.constant 0 : i32
      %cond3A_38 = arith.cmpi ne, %convert_element_type3A_36, %cond3A_37 : i32
      scf.if %cond3A_38 {
        %dma_wait3A_39 = arith.constant 0 : i32
        %dma_wait3A_40 = tpu.memref_slice %arg7[%dma_wait3A_39] : memref<10000xi32, #tpu.memory_space<vmem>> -> memref<80xi32, #tpu.memory_space<vmem>>
        %dma_wait3A_41 = arith.constant 0 : i32
        %dma_wait3A_42 = arith.constant 0 : i32
        %dma_wait3A_43 = tpu.memref_slice %arg2[%dma_wait3A_41, %dma_wait3A_42] : memref<10000x128xf32, #tpu.memory_space<hbm>> -> memref<10000x128xf32, #tpu.memory_space<hbm>>
        tpu.wait_indirect_dma semaphore(%arg13 : memref<!tpu.dma_semaphore, #tpu.memory_space<semaphore_mem>>) src(%dma_wait3A_43 : memref<10000x128xf32, #tpu.memory_space<hbm>>) dst(%arg10 : memref<80x128xf32, #tpu.memory_space<vmem>>)
        %add3A_44 = arith.constant 1 : i32
        %add3A_45 = arith.addi %mul3A_23, %add3A_44 : i32
        "tpu.region"() ({
          %run_scoped3A = tpu.sem_alloc : memref<!tpu.dma_semaphore, #tpu.memory_space<semaphore_mem>>
          %dma_start3A_53 = arith.constant 0 : i32
          %dma_start3A_54 = tpu.memref_slice %arg8[%add3A_45, %dma_start3A_53] : memref<125x80xi32, #tpu.memory_space<vmem>> -> memref<1x80xi32, #tpu.memory_space<vmem>>
          %dma_start3A_55 = tpu.memref_squeeze %dma_start3A_54 : memref<1x80xi32, #tpu.memory_space<vmem>> -> memref<80xi32, #tpu.memory_space<vmem>>
          %dma_start3A_56 = arith.constant 0 : i32
          %dma_start3A_57 = arith.constant 0 : i32
          %dma_start3A_58 = tpu.memref_slice %arg11[%dma_start3A_56, %dma_start3A_57] : memref<10240x128xf32, #tpu.memory_space<vmem_shared>> -> memref<10240x128xf32, #tpu.memory_space<vmem_shared>>
          tpu.enqueue_indirect_dma source(%arg10 : memref<80x128xf32, #tpu.memory_space<vmem>>) target(%dma_start3A_58 : memref<10240x128xf32, #tpu.memory_space<vmem_shared>>) offsets(%dma_start3A_55 : memref<80xi32, #tpu.memory_space<vmem>>) semaphore(%run_scoped3A : memref<!tpu.dma_semaphore, #tpu.memory_space<semaphore_mem>>) {add = true}
          %dma_wait3A_59 = arith.constant 0 : i32
          %dma_wait3A_60 = tpu.memref_slice %arg8[%add3A_45, %dma_wait3A_59] : memref<125x80xi32, #tpu.memory_space<vmem>> -> memref<1x80xi32, #tpu.memory_space<vmem>>
          %dma_wait3A_61 = tpu.memref_squeeze %dma_wait3A_60 : memref<1x80xi32, #tpu.memory_space<vmem>> -> memref<80xi32, #tpu.memory_space<vmem>>
          %dma_wait3A_62 = arith.constant 0 : i32
          %dma_wait3A_63 = arith.constant 0 : i32
          %dma_wait3A_64 = tpu.memref_slice %arg11[%dma_wait3A_62, %dma_wait3A_63] : memref<10240x128xf32, #tpu.memory_space<vmem_shared>> -> memref<10240x128xf32, #tpu.memory_space<vmem_shared>>
          tpu.wait_indirect_dma semaphore(%run_scoped3A : memref<!tpu.dma_semaphore, #tpu.memory_space<semaphore_mem>>) src(%arg10 : memref<80x128xf32, #tpu.memory_space<vmem>>) dst(%dma_wait3A_64 : memref<10240x128xf32, #tpu.memory_space<vmem_shared>>)
          tpu.yield
        }) : () -> ()
        %add3A_46 = arith.constant 3 : i32
        %add3A_47 = arith.addi %mul3A_23, %add3A_46 : i32
        %lt3A_48 = arith.constant 125 : i32
        %lt3A_49 = arith.cmpi slt, %add3A_47, %lt3A_48 : i32
        %convert_element_type3A_50 = arith.extui %lt3A_49 : i1 to i32
        %cond3A_51 = arith.constant 0 : i32
        %cond3A_52 = arith.cmpi ne, %convert_element_type3A_50, %cond3A_51 : i32
        scf.if %cond3A_52 {
          %add3A_53 = arith.constant 3 : i32
          %add3A_54 = arith.addi %mul3A_23, %add3A_53 : i32
          %mul3A_55 = arith.constant 80 : i32
          %mul3A_56 = arith.muli %add3A_54, %mul3A_55 : i32
          %multiple_of3A_57 = tpu.assume_multiple %mul3A_56, 8 : i32
          %dma_start3A_58 = tpu.memref_slice %arg7[%multiple_of3A_57] : memref<10000xi32, #tpu.memory_space<vmem>> -> memref<80xi32, #tpu.memory_space<vmem>>
          %dma_start3A_59 = arith.constant 0 : i32
          %dma_start3A_60 = arith.constant 0 : i32
          %dma_start3A_61 = tpu.memref_slice %arg2[%dma_start3A_59, %dma_start3A_60] : memref<10000x128xf32, #tpu.memory_space<hbm>> -> memref<10000x128xf32, #tpu.memory_space<hbm>>
          tpu.enqueue_indirect_dma source(%dma_start3A_61 : memref<10000x128xf32, #tpu.memory_space<hbm>>) target(%arg10 : memref<80x128xf32, #tpu.memory_space<vmem>>) offsets(%dma_start3A_58 : memref<80xi32, #tpu.memory_space<vmem>>) semaphore(%arg13 : memref<!tpu.dma_semaphore, #tpu.memory_space<semaphore_mem>>)
        } else {
        }
      } else {
      }
    }
    %scan3A_19 = arith.constant 63 : i32
    %barrier3A_20 = arith.constant 0 : index
    tpu.barrier barrier_id(%barrier3A_20)
    "tpu.region"() ({
      %run_scoped3A = tpu.sem_alloc : memref<!tpu.dma_semaphore, #tpu.memory_space<semaphore_mem>>
      %dma_start3A_21 = arith.constant 0 : i32
      %dma_start3A_22 = tpu.memref_slice %arg6[%arg0, %mul3A_2, %dma_start3A_21] : memref<2x10240x128xf32, #tpu.memory_space<hbm>> -> memref<1x640x128xf32, #tpu.memory_space<hbm>>
      %dma_start3A_23 = tpu.memref_squeeze %dma_start3A_22 : memref<1x640x128xf32, #tpu.memory_space<hbm>> -> memref<640x128xf32, #tpu.memory_space<hbm>>
      %dma_start3A_24 = arith.constant 0 : i32
      %dma_start3A_25 = tpu.memref_slice %arg11[%mul3A_2, %dma_start3A_24] : memref<10240x128xf32, #tpu.memory_space<vmem_shared>> -> memref<640x128xf32, #tpu.memory_space<vmem_shared>>
      tpu.enqueue_dma source(%dma_start3A_25 : memref<640x128xf32, #tpu.memory_space<vmem_shared>>) target(%dma_start3A_23 : memref<640x128xf32, #tpu.memory_space<hbm>>) target_semaphore(%run_scoped3A : memref<!tpu.dma_semaphore, #tpu.memory_space<semaphore_mem>>)
      %dma_wait3A = arith.constant 0 : i32
      %dma_wait3A_26 = tpu.memref_slice %arg6[%arg0, %mul3A_2, %dma_wait3A] : memref<2x10240x128xf32, #tpu.memory_space<hbm>> -> memref<1x640x128xf32, #tpu.memory_space<hbm>>
      %dma_wait3A_27 = tpu.memref_squeeze %dma_wait3A_26 : memref<1x640x128xf32, #tpu.memory_space<hbm>> -> memref<640x128xf32, #tpu.memory_space<hbm>>
      %dma_wait3A_28 = arith.constant 0 : i32
      %dma_wait3A_29 = tpu.memref_slice %arg11[%mul3A_2, %dma_wait3A_28] : memref<10240x128xf32, #tpu.memory_space<vmem_shared>> -> memref<640x128xf32, #tpu.memory_space<vmem_shared>>
      tpu.wait_dma2 semaphore(%run_scoped3A : memref<!tpu.dma_semaphore, #tpu.memory_space<semaphore_mem>>) src(%dma_wait3A_29 : memref<640x128xf32, #tpu.memory_space<vmem_shared>>) dst(%dma_wait3A_27 : memref<640x128xf32, #tpu.memory_space<hbm>>)
      tpu.yield
    }) : () -> ()
    return
  }
}

#map = affine_map<(d0, d1) -> (0, 0)>
#map1 = affine_map<(d0, d1) -> (0)>
#map2 = affine_map<(d0, d1) -> (0, 0, 0)>
module attributes {stable_mosaic.version = 14 : i64} {
  func.func @seg_sum_w128(%arg0: i32, %arg1: i32, %arg2: memref<10000x128xf32, #tpu.memory_space<hbm>>, %arg3: memref<320000xi32, #tpu.memory_space<hbm>>, %arg4: memref<32x125x80xi32, #tpu.memory_space<hbm>>, %arg5: memref<640x128xf32, #tpu.memory_space<hbm>>, %arg6: memref<2x10240x128xf32, #tpu.memory_space<hbm>>, %arg7: memref<10000xi32, #tpu.memory_space<vmem>>, %arg8: memref<125x80xi32, #tpu.memory_space<vmem>>, %arg9: memref<80x128xf32, #tpu.memory_space<vmem>>, %arg10: memref<80x128xf32, #tpu.memory_space<vmem>>, %arg11: memref<10240x128xf32, #tpu.memory_space<vmem_shared>>, %arg12: memref<!tpu.dma_semaphore, #tpu.memory_space<semaphore_mem>>, %arg13: memref<!tpu.dma_semaphore, #tpu.memory_space<semaphore_mem>>) attributes {dimension_semantics = [#tpu.dimension_semantics<core_parallel>, #tpu.dimension_semantics<subcore_parallel>], iteration_bounds = array<i64: 2, 16>, scalar_prefetch = 0 : i64, scratch_operands = 7 : i64, tpu.core_type = #tpu.core_type<sc_vector_subcore>, window_params = [{transform_indices = #map}, {transform_indices = #map1}, {transform_indices = #map2}, {transform_indices = #map}, {transform_indices = #map2}]} {
    %mul3A = arith.constant 16 : i32
    %mul3A_0 = arith.muli %arg0, %mul3A : i32
    %add3A = arith.addi %mul3A_0, %arg1 : i32
    %mul3A_1 = arith.constant 640 : i32
    %mul3A_2 = arith.muli %arg1, %mul3A_1 : i32
    "tpu.region"() ({
      %run_scoped3A = tpu.sem_alloc : memref<!tpu.dma_semaphore, #tpu.memory_space<semaphore_mem>>
      %dma_start3A_21 = arith.constant 0 : i32
      %dma_start3A_22 = tpu.memref_slice %arg11[%mul3A_2, %dma_start3A_21] : memref<10240x128xf32, #tpu.memory_space<vmem_shared>> -> memref<640x128xf32, #tpu.memory_space<vmem_shared>>
      tpu.enqueue_dma source(%arg5 : memref<640x128xf32, #tpu.memory_space<hbm>>) target(%dma_start3A_22 : memref<640x128xf32, #tpu.memory_space<vmem_shared>>) target_semaphore(%run_scoped3A : memref<!tpu.dma_semaphore, #tpu.memory_space<semaphore_mem>>)
      %dma_wait3A = arith.constant 0 : i32
      %dma_wait3A_23 = tpu.memref_slice %arg11[%mul3A_2, %dma_wait3A] : memref<10240x128xf32, #tpu.memory_space<vmem_shared>> -> memref<640x128xf32, #tpu.memory_space<vmem_shared>>
      tpu.wait_dma2 semaphore(%run_scoped3A : memref<!tpu.dma_semaphore, #tpu.memory_space<semaphore_mem>>) src(%arg5 : memref<640x128xf32, #tpu.memory_space<hbm>>) dst(%dma_wait3A_23 : memref<640x128xf32, #tpu.memory_space<vmem_shared>>)
      tpu.yield
    }) : () -> ()
    %mul3A_3 = arith.constant 10000 : i32
    %mul3A_4 = arith.muli %add3A, %mul3A_3 : i32
    "tpu.region"() ({
      %run_scoped3A = tpu.sem_alloc : memref<!tpu.dma_semaphore, #tpu.memory_space<semaphore_mem>>
      %dma_start3A_21 = tpu.memref_slice %arg3[%mul3A_4] : memref<320000xi32, #tpu.memory_space<hbm>> -> memref<10000xi32, #tpu.memory_space<hbm>>
      %dma_start3A_22 = tpu.memref_slice %arg3[%mul3A_4] : memref<320000xi32, #tpu.memory_space<hbm>> -> memref<10000xi32, #tpu.memory_space<hbm>>
      tpu.enqueue_dma source(%dma_start3A_22 : memref<10000xi32, #tpu.memory_space<hbm>>) target(%arg7 : memref<10000xi32, #tpu.memory_space<vmem>>) target_semaphore(%run_scoped3A : memref<!tpu.dma_semaphore, #tpu.memory_space<semaphore_mem>>)
      %dma_wait3A = tpu.memref_slice %arg3[%mul3A_4] : memref<320000xi32, #tpu.memory_space<hbm>> -> memref<10000xi32, #tpu.memory_space<hbm>>
      %dma_wait3A_23 = tpu.memref_slice %arg3[%mul3A_4] : memref<320000xi32, #tpu.memory_space<hbm>> -> memref<10000xi32, #tpu.memory_space<hbm>>
      tpu.wait_dma2 semaphore(%run_scoped3A : memref<!tpu.dma_semaphore, #tpu.memory_space<semaphore_mem>>) src(%dma_wait3A_23 : memref<10000xi32, #tpu.memory_space<hbm>>) dst(%arg7 : memref<10000xi32, #tpu.memory_space<vmem>>)
      tpu.yield
    }) : () -> ()
    "tpu.region"() ({
      %run_scoped3A = tpu.sem_alloc : memref<!tpu.dma_semaphore, #tpu.memory_space<semaphore_mem>>
      %dma_start3A_21 = arith.constant 0 : i32
      %dma_start3A_22 = arith.constant 0 : i32
      %dma_start3A_23 = tpu.memref_slice %arg4[%add3A, %dma_start3A_21, %dma_start3A_22] : memref<32x125x80xi32, #tpu.memory_space<hbm>> -> memref<1x125x80xi32, #tpu.memory_space<hbm>>
      %dma_start3A_24 = tpu.memref_squeeze %dma_start3A_23 : memref<1x125x80xi32, #tpu.memory_space<hbm>> -> memref<125x80xi32, #tpu.memory_space<hbm>>
      %dma_start3A_25 = arith.constant 0 : i32
      %dma_start3A_26 = arith.constant 0 : i32
      %dma_start3A_27 = tpu.memref_slice %arg4[%add3A, %dma_start3A_25, %dma_start3A_26] : memref<32x125x80xi32, #tpu.memory_space<hbm>> -> memref<1x125x80xi32, #tpu.memory_space<hbm>>
      %dma_start3A_28 = tpu.memref_squeeze %dma_start3A_27 : memref<1x125x80xi32, #tpu.memory_space<hbm>> -> memref<125x80xi32, #tpu.memory_space<hbm>>
      tpu.enqueue_dma source(%dma_start3A_28 : memref<125x80xi32, #tpu.memory_space<hbm>>) target(%arg8 : memref<125x80xi32, #tpu.memory_space<vmem>>) target_semaphore(%run_scoped3A : memref<!tpu.dma_semaphore, #tpu.memory_space<semaphore_mem>>)
      %dma_wait3A = arith.constant 0 : i32
      %dma_wait3A_29 = arith.constant 0 : i32
      %dma_wait3A_30 = tpu.memref_slice %arg4[%add3A, %dma_wait3A, %dma_wait3A_29] : memref<32x125x80xi32, #tpu.memory_space<hbm>> -> memref<1x125x80xi32, #tpu.memory_space<hbm>>
      %dma_wait3A_31 = tpu.memref_squeeze %dma_wait3A_30 : memref<1x125x80xi32, #tpu.memory_space<hbm>> -> memref<125x80xi32, #tpu.memory_space<hbm>>
      %dma_wait3A_32 = arith.constant 0 : i32
      %dma_wait3A_33 = arith.constant 0 : i32
      %dma_wait3A_34 = tpu.memref_slice %arg4[%add3A, %dma_wait3A_32, %dma_wait3A_33] : memref<32x125x80xi32, #tpu.memory_space<hbm>> -> memref<1x125x80xi32, #tpu.memory_space<hbm>>
      %dma_wait3A_35 = tpu.memref_squeeze %dma_wait3A_34 : memref<1x125x80xi32, #tpu.memory_space<hbm>> -> memref<125x80xi32, #tpu.memory_space<hbm>>
      tpu.wait_dma2 semaphore(%run_scoped3A : memref<!tpu.dma_semaphore, #tpu.memory_space<semaphore_mem>>) src(%dma_wait3A_35 : memref<125x80xi32, #tpu.memory_space<hbm>>) dst(%arg8 : memref<125x80xi32, #tpu.memory_space<vmem>>)
      tpu.yield
    }) : () -> ()
    %barrier3A = arith.constant 0 : index
    tpu.barrier barrier_id(%barrier3A)
    %multiple_of3A = arith.constant 0 : i32
    %multiple_of3A_5 = tpu.assume_multiple %multiple_of3A, 8 : i32
    %dma_start3A = tpu.memref_slice %arg7[%multiple_of3A_5] : memref<10000xi32, #tpu.memory_space<vmem>> -> memref<80xi32, #tpu.memory_space<vmem>>
    %dma_start3A_6 = arith.constant 0 : i32
    %dma_start3A_7 = arith.constant 0 : i32
    %dma_start3A_8 = tpu.memref_slice %arg2[%dma_start3A_6, %dma_start3A_7] : memref<10000x128xf32, #tpu.memory_space<hbm>> -> memref<10000x128xf32, #tpu.memory_space<hbm>>
    tpu.enqueue_indirect_dma source(%dma_start3A_8 : memref<10000x128xf32, #tpu.memory_space<hbm>>) target(%arg9 : memref<80x128xf32, #tpu.memory_space<vmem>>) offsets(%dma_start3A : memref<80xi32, #tpu.memory_space<vmem>>) semaphore(%arg12 : memref<!tpu.dma_semaphore, #tpu.memory_space<semaphore_mem>>)
    %multiple_of3A_9 = arith.constant 80 : i32
    %multiple_of3A_10 = tpu.assume_multiple %multiple_of3A_9, 8 : i32
    %dma_start3A_11 = tpu.memref_slice %arg7[%multiple_of3A_10] : memref<10000xi32, #tpu.memory_space<vmem>> -> memref<80xi32, #tpu.memory_space<vmem>>
    %dma_start3A_12 = arith.constant 0 : i32
    %dma_start3A_13 = arith.constant 0 : i32
    %dma_start3A_14 = tpu.memref_slice %arg2[%dma_start3A_12, %dma_start3A_13] : memref<10000x128xf32, #tpu.memory_space<hbm>> -> memref<10000x128xf32, #tpu.memory_space<hbm>>
    tpu.enqueue_indirect_dma source(%dma_start3A_14 : memref<10000x128xf32, #tpu.memory_space<hbm>>) target(%arg10 : memref<80x128xf32, #tpu.memory_space<vmem>>) offsets(%dma_start3A_11 : memref<80xi32, #tpu.memory_space<vmem>>) semaphore(%arg13 : memref<!tpu.dma_semaphore, #tpu.memory_space<semaphore_mem>>)
    %scan3A = arith.constant 0 : i32
    %scan3A_15 = arith.constant 0 : i32
    %scan3A_16 = arith.constant 63 : i32
    %scan3A_17 = arith.addi %scan3A_15, %scan3A_16 : i32
    %scan3A_18 = arith.constant 1 : i32
    scf.for %scan3A_21 = %scan3A_15 to %scan3A_17 step %scan3A_18  : i32 {
      %mul3A_22 = arith.constant 2 : i32
      %mul3A_23 = arith.muli %scan3A_21, %mul3A_22 : i32
      %dma_wait3A = arith.constant 0 : i32
      %dma_wait3A_24 = tpu.memref_slice %arg7[%dma_wait3A] : memref<10000xi32, #tpu.memory_space<vmem>> -> memref<80xi32, #tpu.memory_space<vmem>>
      %dma_wait3A_25 = arith.constant 0 : i32
      %dma_wait3A_26 = arith.constant 0 : i32
      %dma_wait3A_27 = tpu.memref_slice %arg2[%dma_wait3A_25, %dma_wait3A_26] : memref<10000x128xf32, #tpu.memory_space<hbm>> -> memref<10000x128xf32, #tpu.memory_space<hbm>>
      tpu.wait_indirect_dma semaphore(%arg12 : memref<!tpu.dma_semaphore, #tpu.memory_space<semaphore_mem>>) src(%dma_wait3A_27 : memref<10000x128xf32, #tpu.memory_space<hbm>>) dst(%arg9 : memref<80x128xf32, #tpu.memory_space<vmem>>)
      "tpu.region"() ({
        %run_scoped3A = tpu.sem_alloc : memref<!tpu.dma_semaphore, #tpu.memory_space<semaphore_mem>>
        %dma_start3A_39 = arith.constant 0 : i32
        %dma_start3A_40 = tpu.memref_slice %arg8[%mul3A_23, %dma_start3A_39] : memref<125x80xi32, #tpu.memory_space<vmem>> -> memref<1x80xi32, #tpu.memory_space<vmem>>
        %dma_start3A_41 = tpu.memref_squeeze %dma_start3A_40 : memref<1x80xi32, #tpu.memory_space<vmem>> -> memref<80xi32, #tpu.memory_space<vmem>>
        %dma_start3A_42 = arith.constant 0 : i32
        %dma_start3A_43 = arith.constant 0 : i32
        %dma_start3A_44 = tpu.memref_slice %arg11[%dma_start3A_42, %dma_start3A_43] : memref<10240x128xf32, #tpu.memory_space<vmem_shared>> -> memref<10240x128xf32, #tpu.memory_space<vmem_shared>>
        tpu.enqueue_indirect_dma source(%arg9 : memref<80x128xf32, #tpu.memory_space<vmem>>) target(%dma_start3A_44 : memref<10240x128xf32, #tpu.memory_space<vmem_shared>>) offsets(%dma_start3A_41 : memref<80xi32, #tpu.memory_space<vmem>>) semaphore(%run_scoped3A : memref<!tpu.dma_semaphore, #tpu.memory_space<semaphore_mem>>) {add = true}
        %dma_wait3A_45 = arith.constant 0 : i32
        %dma_wait3A_46 = tpu.memref_slice %arg8[%mul3A_23, %dma_wait3A_45] : memref<125x80xi32, #tpu.memory_space<vmem>> -> memref<1x80xi32, #tpu.memory_space<vmem>>
        %dma_wait3A_47 = tpu.memref_squeeze %dma_wait3A_46 : memref<1x80xi32, #tpu.memory_space<vmem>> -> memref<80xi32, #tpu.memory_space<vmem>>
        %dma_wait3A_48 = arith.constant 0 : i32
        %dma_wait3A_49 = arith.constant 0 : i32
        %dma_wait3A_50 = tpu.memref_slice %arg11[%dma_wait3A_48, %dma_wait3A_49] : memref<10240x128xf32, #tpu.memory_space<vmem_shared>> -> memref<10240x128xf32, #tpu.memory_space<vmem_shared>>
        tpu.wait_indirect_dma semaphore(%run_scoped3A : memref<!tpu.dma_semaphore, #tpu.memory_space<semaphore_mem>>) src(%arg9 : memref<80x128xf32, #tpu.memory_space<vmem>>) dst(%dma_wait3A_50 : memref<10240x128xf32, #tpu.memory_space<vmem_shared>>)
        tpu.yield
      }) : () -> ()
      %add3A_28 = arith.constant 2 : i32
      %add3A_29 = arith.addi %mul3A_23, %add3A_28 : i32
      %lt3A = arith.constant 125 : i32
      %lt3A_30 = arith.cmpi slt, %add3A_29, %lt3A : i32
      %convert_element_type3A = arith.extui %lt3A_30 : i1 to i32
      %cond3A = arith.constant 0 : i32
      %cond3A_31 = arith.cmpi ne, %convert_element_type3A, %cond3A : i32
      scf.if %cond3A_31 {
        %add3A_39 = arith.constant 2 : i32
        %add3A_40 = arith.addi %mul3A_23, %add3A_39 : i32
        %mul3A_41 = arith.constant 80 : i32
        %mul3A_42 = arith.muli %add3A_40, %mul3A_41 : i32
        %multiple_of3A_43 = tpu.assume_multiple %mul3A_42, 8 : i32
        %dma_start3A_44 = tpu.memref_slice %arg7[%multiple_of3A_43] : memref<10000xi32, #tpu.memory_space<vmem>> -> memref<80xi32, #tpu.memory_space<vmem>>
        %dma_start3A_45 = arith.constant 0 : i32
        %dma_start3A_46 = arith.constant 0 : i32
        %dma_start3A_47 = tpu.memref_slice %arg2[%dma_start3A_45, %dma_start3A_46] : memref<10000x128xf32, #tpu.memory_space<hbm>> -> memref<10000x128xf32, #tpu.memory_space<hbm>>
        tpu.enqueue_indirect_dma source(%dma_start3A_47 : memref<10000x128xf32, #tpu.memory_space<hbm>>) target(%arg9 : memref<80x128xf32, #tpu.memory_space<vmem>>) offsets(%dma_start3A_44 : memref<80xi32, #tpu.memory_space<vmem>>) semaphore(%arg12 : memref<!tpu.dma_semaphore, #tpu.memory_space<semaphore_mem>>)
      } else {
      }
      %add3A_32 = arith.constant 1 : i32
      %add3A_33 = arith.addi %mul3A_23, %add3A_32 : i32
      %lt3A_34 = arith.constant 125 : i32
      %lt3A_35 = arith.cmpi slt, %add3A_33, %lt3A_34 : i32
      %convert_element_type3A_36 = arith.extui %lt3A_35 : i1 to i32
      %cond3A_37 = arith.constant 0 : i32
      %cond3A_38 = arith.cmpi ne, %convert_element_type3A_36, %cond3A_37 : i32
      scf.if %cond3A_38 {
        %dma_wait3A_39 = arith.constant 0 : i32
        %dma_wait3A_40 = tpu.memref_slice %arg7[%dma_wait3A_39] : memref<10000xi32, #tpu.memory_space<vmem>> -> memref<80xi32, #tpu.memory_space<vmem>>
        %dma_wait3A_41 = arith.constant 0 : i32
        %dma_wait3A_42 = arith.constant 0 : i32
        %dma_wait3A_43 = tpu.memref_slice %arg2[%dma_wait3A_41, %dma_wait3A_42] : memref<10000x128xf32, #tpu.memory_space<hbm>> -> memref<10000x128xf32, #tpu.memory_space<hbm>>
        tpu.wait_indirect_dma semaphore(%arg13 : memref<!tpu.dma_semaphore, #tpu.memory_space<semaphore_mem>>) src(%dma_wait3A_43 : memref<10000x128xf32, #tpu.memory_space<hbm>>) dst(%arg10 : memref<80x128xf32, #tpu.memory_space<vmem>>)
        %add3A_44 = arith.constant 1 : i32
        %add3A_45 = arith.addi %mul3A_23, %add3A_44 : i32
        "tpu.region"() ({
          %run_scoped3A = tpu.sem_alloc : memref<!tpu.dma_semaphore, #tpu.memory_space<semaphore_mem>>
          %dma_start3A_53 = arith.constant 0 : i32
          %dma_start3A_54 = tpu.memref_slice %arg8[%add3A_45, %dma_start3A_53] : memref<125x80xi32, #tpu.memory_space<vmem>> -> memref<1x80xi32, #tpu.memory_space<vmem>>
          %dma_start3A_55 = tpu.memref_squeeze %dma_start3A_54 : memref<1x80xi32, #tpu.memory_space<vmem>> -> memref<80xi32, #tpu.memory_space<vmem>>
          %dma_start3A_56 = arith.constant 0 : i32
          %dma_start3A_57 = arith.constant 0 : i32
          %dma_start3A_58 = tpu.memref_slice %arg11[%dma_start3A_56, %dma_start3A_57] : memref<10240x128xf32, #tpu.memory_space<vmem_shared>> -> memref<10240x128xf32, #tpu.memory_space<vmem_shared>>
          tpu.enqueue_indirect_dma source(%arg10 : memref<80x128xf32, #tpu.memory_space<vmem>>) target(%dma_start3A_58 : memref<10240x128xf32, #tpu.memory_space<vmem_shared>>) offsets(%dma_start3A_55 : memref<80xi32, #tpu.memory_space<vmem>>) semaphore(%run_scoped3A : memref<!tpu.dma_semaphore, #tpu.memory_space<semaphore_mem>>) {add = true}
          %dma_wait3A_59 = arith.constant 0 : i32
          %dma_wait3A_60 = tpu.memref_slice %arg8[%add3A_45, %dma_wait3A_59] : memref<125x80xi32, #tpu.memory_space<vmem>> -> memref<1x80xi32, #tpu.memory_space<vmem>>
          %dma_wait3A_61 = tpu.memref_squeeze %dma_wait3A_60 : memref<1x80xi32, #tpu.memory_space<vmem>> -> memref<80xi32, #tpu.memory_space<vmem>>
          %dma_wait3A_62 = arith.constant 0 : i32
          %dma_wait3A_63 = arith.constant 0 : i32
          %dma_wait3A_64 = tpu.memref_slice %arg11[%dma_wait3A_62, %dma_wait3A_63] : memref<10240x128xf32, #tpu.memory_space<vmem_shared>> -> memref<10240x128xf32, #tpu.memory_space<vmem_shared>>
          tpu.wait_indirect_dma semaphore(%run_scoped3A : memref<!tpu.dma_semaphore, #tpu.memory_space<semaphore_mem>>) src(%arg10 : memref<80x128xf32, #tpu.memory_space<vmem>>) dst(%dma_wait3A_64 : memref<10240x128xf32, #tpu.memory_space<vmem_shared>>)
          tpu.yield
        }) : () -> ()
        %add3A_46 = arith.constant 3 : i32
        %add3A_47 = arith.addi %mul3A_23, %add3A_46 : i32
        %lt3A_48 = arith.constant 125 : i32
        %lt3A_49 = arith.cmpi slt, %add3A_47, %lt3A_48 : i32
        %convert_element_type3A_50 = arith.extui %lt3A_49 : i1 to i32
        %cond3A_51 = arith.constant 0 : i32
        %cond3A_52 = arith.cmpi ne, %convert_element_type3A_50, %cond3A_51 : i32
        scf.if %cond3A_52 {
          %add3A_53 = arith.constant 3 : i32
          %add3A_54 = arith.addi %mul3A_23, %add3A_53 : i32
          %mul3A_55 = arith.constant 80 : i32
          %mul3A_56 = arith.muli %add3A_54, %mul3A_55 : i32
          %multiple_of3A_57 = tpu.assume_multiple %mul3A_56, 8 : i32
          %dma_start3A_58 = tpu.memref_slice %arg7[%multiple_of3A_57] : memref<10000xi32, #tpu.memory_space<vmem>> -> memref<80xi32, #tpu.memory_space<vmem>>
          %dma_start3A_59 = arith.constant 0 : i32
          %dma_start3A_60 = arith.constant 0 : i32
          %dma_start3A_61 = tpu.memref_slice %arg2[%dma_start3A_59, %dma_start3A_60] : memref<10000x128xf32, #tpu.memory_space<hbm>> -> memref<10000x128xf32, #tpu.memory_space<hbm>>
          tpu.enqueue_indirect_dma source(%dma_start3A_61 : memref<10000x128xf32, #tpu.memory_space<hbm>>) target(%arg10 : memref<80x128xf32, #tpu.memory_space<vmem>>) offsets(%dma_start3A_58 : memref<80xi32, #tpu.memory_space<vmem>>) semaphore(%arg13 : memref<!tpu.dma_semaphore, #tpu.memory_space<semaphore_mem>>)
        } else {
        }
      } else {
      }
    }
    %scan3A_19 = arith.constant 63 : i32
    %barrier3A_20 = arith.constant 0 : index
    tpu.barrier barrier_id(%barrier3A_20)
    "tpu.region"() ({
      %run_scoped3A = tpu.sem_alloc : memref<!tpu.dma_semaphore, #tpu.memory_space<semaphore_mem>>
      %dma_start3A_21 = arith.constant 0 : i32
      %dma_start3A_22 = tpu.memref_slice %arg6[%arg0, %mul3A_2, %dma_start3A_21] : memref<2x10240x128xf32, #tpu.memory_space<hbm>> -> memref<1x640x128xf32, #tpu.memory_space<hbm>>
      %dma_start3A_23 = tpu.memref_squeeze %dma_start3A_22 : memref<1x640x128xf32, #tpu.memory_space<hbm>> -> memref<640x128xf32, #tpu.memory_space<hbm>>
      %dma_start3A_24 = arith.constant 0 : i32
      %dma_start3A_25 = tpu.memref_slice %arg11[%mul3A_2, %dma_start3A_24] : memref<10240x128xf32, #tpu.memory_space<vmem_shared>> -> memref<640x128xf32, #tpu.memory_space<vmem_shared>>
      tpu.enqueue_dma source(%dma_start3A_25 : memref<640x128xf32, #tpu.memory_space<vmem_shared>>) target(%dma_start3A_23 : memref<640x128xf32, #tpu.memory_space<hbm>>) target_semaphore(%run_scoped3A : memref<!tpu.dma_semaphore, #tpu.memory_space<semaphore_mem>>)
      %dma_wait3A = arith.constant 0 : i32
      %dma_wait3A_26 = tpu.memref_slice %arg6[%arg0, %mul3A_2, %dma_wait3A] : memref<2x10240x128xf32, #tpu.memory_space<hbm>> -> memref<1x640x128xf32, #tpu.memory_space<hbm>>
      %dma_wait3A_27 = tpu.memref_squeeze %dma_wait3A_26 : memref<1x640x128xf32, #tpu.memory_space<hbm>> -> memref<640x128xf32, #tpu.memory_space<hbm>>
      %dma_wait3A_28 = arith.constant 0 : i32
      %dma_wait3A_29 = tpu.memref_slice %arg11[%mul3A_2, %dma_wait3A_28] : memref<10240x128xf32, #tpu.memory_space<vmem_shared>> -> memref<640x128xf32, #tpu.memory_space<vmem_shared>>
      tpu.wait_dma2 semaphore(%run_scoped3A : memref<!tpu.dma_semaphore, #tpu.memory_space<semaphore_mem>>) src(%dma_wait3A_29 : memref<640x128xf32, #tpu.memory_space<vmem_shared>>) dst(%dma_wait3A_27 : memref<640x128xf32, #tpu.memory_space<hbm>>)
      tpu.yield
    }) : () -> ()
    return
  }
}

#map = affine_map<(d0, d1) -> (0, 0)>
#map1 = affine_map<(d0, d1) -> (0)>
#map2 = affine_map<(d0, d1) -> (0, 0, 0)>
module attributes {stable_mosaic.version = 14 : i64} {
  func.func @seg_sum_w128(%arg0: i32, %arg1: i32, %arg2: memref<10000x128xf32, #tpu.memory_space<hbm>>, %arg3: memref<320000xi32, #tpu.memory_space<hbm>>, %arg4: memref<32x125x80xi32, #tpu.memory_space<hbm>>, %arg5: memref<640x128xf32, #tpu.memory_space<hbm>>, %arg6: memref<2x10240x128xf32, #tpu.memory_space<hbm>>, %arg7: memref<10000xi32, #tpu.memory_space<vmem>>, %arg8: memref<125x80xi32, #tpu.memory_space<vmem>>, %arg9: memref<80x128xf32, #tpu.memory_space<vmem>>, %arg10: memref<80x128xf32, #tpu.memory_space<vmem>>, %arg11: memref<10240x128xf32, #tpu.memory_space<vmem_shared>>, %arg12: memref<!tpu.dma_semaphore, #tpu.memory_space<semaphore_mem>>, %arg13: memref<!tpu.dma_semaphore, #tpu.memory_space<semaphore_mem>>) attributes {dimension_semantics = [#tpu.dimension_semantics<core_parallel>, #tpu.dimension_semantics<subcore_parallel>], iteration_bounds = array<i64: 2, 16>, scalar_prefetch = 0 : i64, scratch_operands = 7 : i64, tpu.core_type = #tpu.core_type<sc_vector_subcore>, window_params = [{transform_indices = #map}, {transform_indices = #map1}, {transform_indices = #map2}, {transform_indices = #map}, {transform_indices = #map2}]} {
    %mul3A = arith.constant 16 : i32
    %mul3A_0 = arith.muli %arg0, %mul3A : i32
    %add3A = arith.addi %mul3A_0, %arg1 : i32
    %mul3A_1 = arith.constant 640 : i32
    %mul3A_2 = arith.muli %arg1, %mul3A_1 : i32
    "tpu.region"() ({
      %run_scoped3A = tpu.sem_alloc : memref<!tpu.dma_semaphore, #tpu.memory_space<semaphore_mem>>
      %dma_start3A_21 = arith.constant 0 : i32
      %dma_start3A_22 = tpu.memref_slice %arg11[%mul3A_2, %dma_start3A_21] : memref<10240x128xf32, #tpu.memory_space<vmem_shared>> -> memref<640x128xf32, #tpu.memory_space<vmem_shared>>
      tpu.enqueue_dma source(%arg5 : memref<640x128xf32, #tpu.memory_space<hbm>>) target(%dma_start3A_22 : memref<640x128xf32, #tpu.memory_space<vmem_shared>>) target_semaphore(%run_scoped3A : memref<!tpu.dma_semaphore, #tpu.memory_space<semaphore_mem>>)
      %dma_wait3A = arith.constant 0 : i32
      %dma_wait3A_23 = tpu.memref_slice %arg11[%mul3A_2, %dma_wait3A] : memref<10240x128xf32, #tpu.memory_space<vmem_shared>> -> memref<640x128xf32, #tpu.memory_space<vmem_shared>>
      tpu.wait_dma2 semaphore(%run_scoped3A : memref<!tpu.dma_semaphore, #tpu.memory_space<semaphore_mem>>) src(%arg5 : memref<640x128xf32, #tpu.memory_space<hbm>>) dst(%dma_wait3A_23 : memref<640x128xf32, #tpu.memory_space<vmem_shared>>)
      tpu.yield
    }) : () -> ()
    %mul3A_3 = arith.constant 10000 : i32
    %mul3A_4 = arith.muli %add3A, %mul3A_3 : i32
    "tpu.region"() ({
      %run_scoped3A = tpu.sem_alloc : memref<!tpu.dma_semaphore, #tpu.memory_space<semaphore_mem>>
      %dma_start3A_21 = tpu.memref_slice %arg3[%mul3A_4] : memref<320000xi32, #tpu.memory_space<hbm>> -> memref<10000xi32, #tpu.memory_space<hbm>>
      %dma_start3A_22 = tpu.memref_slice %arg3[%mul3A_4] : memref<320000xi32, #tpu.memory_space<hbm>> -> memref<10000xi32, #tpu.memory_space<hbm>>
      tpu.enqueue_dma source(%dma_start3A_22 : memref<10000xi32, #tpu.memory_space<hbm>>) target(%arg7 : memref<10000xi32, #tpu.memory_space<vmem>>) target_semaphore(%run_scoped3A : memref<!tpu.dma_semaphore, #tpu.memory_space<semaphore_mem>>)
      %dma_wait3A = tpu.memref_slice %arg3[%mul3A_4] : memref<320000xi32, #tpu.memory_space<hbm>> -> memref<10000xi32, #tpu.memory_space<hbm>>
      %dma_wait3A_23 = tpu.memref_slice %arg3[%mul3A_4] : memref<320000xi32, #tpu.memory_space<hbm>> -> memref<10000xi32, #tpu.memory_space<hbm>>
      tpu.wait_dma2 semaphore(%run_scoped3A : memref<!tpu.dma_semaphore, #tpu.memory_space<semaphore_mem>>) src(%dma_wait3A_23 : memref<10000xi32, #tpu.memory_space<hbm>>) dst(%arg7 : memref<10000xi32, #tpu.memory_space<vmem>>)
      tpu.yield
    }) : () -> ()
    "tpu.region"() ({
      %run_scoped3A = tpu.sem_alloc : memref<!tpu.dma_semaphore, #tpu.memory_space<semaphore_mem>>
      %dma_start3A_21 = arith.constant 0 : i32
      %dma_start3A_22 = arith.constant 0 : i32
      %dma_start3A_23 = tpu.memref_slice %arg4[%add3A, %dma_start3A_21, %dma_start3A_22] : memref<32x125x80xi32, #tpu.memory_space<hbm>> -> memref<1x125x80xi32, #tpu.memory_space<hbm>>
      %dma_start3A_24 = tpu.memref_squeeze %dma_start3A_23 : memref<1x125x80xi32, #tpu.memory_space<hbm>> -> memref<125x80xi32, #tpu.memory_space<hbm>>
      %dma_start3A_25 = arith.constant 0 : i32
      %dma_start3A_26 = arith.constant 0 : i32
      %dma_start3A_27 = tpu.memref_slice %arg4[%add3A, %dma_start3A_25, %dma_start3A_26] : memref<32x125x80xi32, #tpu.memory_space<hbm>> -> memref<1x125x80xi32, #tpu.memory_space<hbm>>
      %dma_start3A_28 = tpu.memref_squeeze %dma_start3A_27 : memref<1x125x80xi32, #tpu.memory_space<hbm>> -> memref<125x80xi32, #tpu.memory_space<hbm>>
      tpu.enqueue_dma source(%dma_start3A_28 : memref<125x80xi32, #tpu.memory_space<hbm>>) target(%arg8 : memref<125x80xi32, #tpu.memory_space<vmem>>) target_semaphore(%run_scoped3A : memref<!tpu.dma_semaphore, #tpu.memory_space<semaphore_mem>>)
      %dma_wait3A = arith.constant 0 : i32
      %dma_wait3A_29 = arith.constant 0 : i32
      %dma_wait3A_30 = tpu.memref_slice %arg4[%add3A, %dma_wait3A, %dma_wait3A_29] : memref<32x125x80xi32, #tpu.memory_space<hbm>> -> memref<1x125x80xi32, #tpu.memory_space<hbm>>
      %dma_wait3A_31 = tpu.memref_squeeze %dma_wait3A_30 : memref<1x125x80xi32, #tpu.memory_space<hbm>> -> memref<125x80xi32, #tpu.memory_space<hbm>>
      %dma_wait3A_32 = arith.constant 0 : i32
      %dma_wait3A_33 = arith.constant 0 : i32
      %dma_wait3A_34 = tpu.memref_slice %arg4[%add3A, %dma_wait3A_32, %dma_wait3A_33] : memref<32x125x80xi32, #tpu.memory_space<hbm>> -> memref<1x125x80xi32, #tpu.memory_space<hbm>>
      %dma_wait3A_35 = tpu.memref_squeeze %dma_wait3A_34 : memref<1x125x80xi32, #tpu.memory_space<hbm>> -> memref<125x80xi32, #tpu.memory_space<hbm>>
      tpu.wait_dma2 semaphore(%run_scoped3A : memref<!tpu.dma_semaphore, #tpu.memory_space<semaphore_mem>>) src(%dma_wait3A_35 : memref<125x80xi32, #tpu.memory_space<hbm>>) dst(%arg8 : memref<125x80xi32, #tpu.memory_space<vmem>>)
      tpu.yield
    }) : () -> ()
    %barrier3A = arith.constant 0 : index
    tpu.barrier barrier_id(%barrier3A)
    %multiple_of3A = arith.constant 0 : i32
    %multiple_of3A_5 = tpu.assume_multiple %multiple_of3A, 8 : i32
    %dma_start3A = tpu.memref_slice %arg7[%multiple_of3A_5] : memref<10000xi32, #tpu.memory_space<vmem>> -> memref<80xi32, #tpu.memory_space<vmem>>
    %dma_start3A_6 = arith.constant 0 : i32
    %dma_start3A_7 = arith.constant 0 : i32
    %dma_start3A_8 = tpu.memref_slice %arg2[%dma_start3A_6, %dma_start3A_7] : memref<10000x128xf32, #tpu.memory_space<hbm>> -> memref<10000x128xf32, #tpu.memory_space<hbm>>
    tpu.enqueue_indirect_dma source(%dma_start3A_8 : memref<10000x128xf32, #tpu.memory_space<hbm>>) target(%arg9 : memref<80x128xf32, #tpu.memory_space<vmem>>) offsets(%dma_start3A : memref<80xi32, #tpu.memory_space<vmem>>) semaphore(%arg12 : memref<!tpu.dma_semaphore, #tpu.memory_space<semaphore_mem>>)
    %multiple_of3A_9 = arith.constant 80 : i32
    %multiple_of3A_10 = tpu.assume_multiple %multiple_of3A_9, 8 : i32
    %dma_start3A_11 = tpu.memref_slice %arg7[%multiple_of3A_10] : memref<10000xi32, #tpu.memory_space<vmem>> -> memref<80xi32, #tpu.memory_space<vmem>>
    %dma_start3A_12 = arith.constant 0 : i32
    %dma_start3A_13 = arith.constant 0 : i32
    %dma_start3A_14 = tpu.memref_slice %arg2[%dma_start3A_12, %dma_start3A_13] : memref<10000x128xf32, #tpu.memory_space<hbm>> -> memref<10000x128xf32, #tpu.memory_space<hbm>>
    tpu.enqueue_indirect_dma source(%dma_start3A_14 : memref<10000x128xf32, #tpu.memory_space<hbm>>) target(%arg10 : memref<80x128xf32, #tpu.memory_space<vmem>>) offsets(%dma_start3A_11 : memref<80xi32, #tpu.memory_space<vmem>>) semaphore(%arg13 : memref<!tpu.dma_semaphore, #tpu.memory_space<semaphore_mem>>)
    %scan3A = arith.constant 0 : i32
    %scan3A_15 = arith.constant 0 : i32
    %scan3A_16 = arith.constant 63 : i32
    %scan3A_17 = arith.addi %scan3A_15, %scan3A_16 : i32
    %scan3A_18 = arith.constant 1 : i32
    scf.for %scan3A_21 = %scan3A_15 to %scan3A_17 step %scan3A_18  : i32 {
      %mul3A_22 = arith.constant 2 : i32
      %mul3A_23 = arith.muli %scan3A_21, %mul3A_22 : i32
      %dma_wait3A = arith.constant 0 : i32
      %dma_wait3A_24 = tpu.memref_slice %arg7[%dma_wait3A] : memref<10000xi32, #tpu.memory_space<vmem>> -> memref<80xi32, #tpu.memory_space<vmem>>
      %dma_wait3A_25 = arith.constant 0 : i32
      %dma_wait3A_26 = arith.constant 0 : i32
      %dma_wait3A_27 = tpu.memref_slice %arg2[%dma_wait3A_25, %dma_wait3A_26] : memref<10000x128xf32, #tpu.memory_space<hbm>> -> memref<10000x128xf32, #tpu.memory_space<hbm>>
      tpu.wait_indirect_dma semaphore(%arg12 : memref<!tpu.dma_semaphore, #tpu.memory_space<semaphore_mem>>) src(%dma_wait3A_27 : memref<10000x128xf32, #tpu.memory_space<hbm>>) dst(%arg9 : memref<80x128xf32, #tpu.memory_space<vmem>>)
      "tpu.region"() ({
        %run_scoped3A = tpu.sem_alloc : memref<!tpu.dma_semaphore, #tpu.memory_space<semaphore_mem>>
        %dma_start3A_39 = arith.constant 0 : i32
        %dma_start3A_40 = tpu.memref_slice %arg8[%mul3A_23, %dma_start3A_39] : memref<125x80xi32, #tpu.memory_space<vmem>> -> memref<1x80xi32, #tpu.memory_space<vmem>>
        %dma_start3A_41 = tpu.memref_squeeze %dma_start3A_40 : memref<1x80xi32, #tpu.memory_space<vmem>> -> memref<80xi32, #tpu.memory_space<vmem>>
        %dma_start3A_42 = arith.constant 0 : i32
        %dma_start3A_43 = arith.constant 0 : i32
        %dma_start3A_44 = tpu.memref_slice %arg11[%dma_start3A_42, %dma_start3A_43] : memref<10240x128xf32, #tpu.memory_space<vmem_shared>> -> memref<10240x128xf32, #tpu.memory_space<vmem_shared>>
        tpu.enqueue_indirect_dma source(%arg9 : memref<80x128xf32, #tpu.memory_space<vmem>>) target(%dma_start3A_44 : memref<10240x128xf32, #tpu.memory_space<vmem_shared>>) offsets(%dma_start3A_41 : memref<80xi32, #tpu.memory_space<vmem>>) semaphore(%run_scoped3A : memref<!tpu.dma_semaphore, #tpu.memory_space<semaphore_mem>>) {add = true}
        %dma_wait3A_45 = arith.constant 0 : i32
        %dma_wait3A_46 = tpu.memref_slice %arg8[%mul3A_23, %dma_wait3A_45] : memref<125x80xi32, #tpu.memory_space<vmem>> -> memref<1x80xi32, #tpu.memory_space<vmem>>
        %dma_wait3A_47 = tpu.memref_squeeze %dma_wait3A_46 : memref<1x80xi32, #tpu.memory_space<vmem>> -> memref<80xi32, #tpu.memory_space<vmem>>
        %dma_wait3A_48 = arith.constant 0 : i32
        %dma_wait3A_49 = arith.constant 0 : i32
        %dma_wait3A_50 = tpu.memref_slice %arg11[%dma_wait3A_48, %dma_wait3A_49] : memref<10240x128xf32, #tpu.memory_space<vmem_shared>> -> memref<10240x128xf32, #tpu.memory_space<vmem_shared>>
        tpu.wait_indirect_dma semaphore(%run_scoped3A : memref<!tpu.dma_semaphore, #tpu.memory_space<semaphore_mem>>) src(%arg9 : memref<80x128xf32, #tpu.memory_space<vmem>>) dst(%dma_wait3A_50 : memref<10240x128xf32, #tpu.memory_space<vmem_shared>>)
        tpu.yield
      }) : () -> ()
      %add3A_28 = arith.constant 2 : i32
      %add3A_29 = arith.addi %mul3A_23, %add3A_28 : i32
      %lt3A = arith.constant 125 : i32
      %lt3A_30 = arith.cmpi slt, %add3A_29, %lt3A : i32
      %convert_element_type3A = arith.extui %lt3A_30 : i1 to i32
      %cond3A = arith.constant 0 : i32
      %cond3A_31 = arith.cmpi ne, %convert_element_type3A, %cond3A : i32
      scf.if %cond3A_31 {
        %add3A_39 = arith.constant 2 : i32
        %add3A_40 = arith.addi %mul3A_23, %add3A_39 : i32
        %mul3A_41 = arith.constant 80 : i32
        %mul3A_42 = arith.muli %add3A_40, %mul3A_41 : i32
        %multiple_of3A_43 = tpu.assume_multiple %mul3A_42, 8 : i32
        %dma_start3A_44 = tpu.memref_slice %arg7[%multiple_of3A_43] : memref<10000xi32, #tpu.memory_space<vmem>> -> memref<80xi32, #tpu.memory_space<vmem>>
        %dma_start3A_45 = arith.constant 0 : i32
        %dma_start3A_46 = arith.constant 0 : i32
        %dma_start3A_47 = tpu.memref_slice %arg2[%dma_start3A_45, %dma_start3A_46] : memref<10000x128xf32, #tpu.memory_space<hbm>> -> memref<10000x128xf32, #tpu.memory_space<hbm>>
        tpu.enqueue_indirect_dma source(%dma_start3A_47 : memref<10000x128xf32, #tpu.memory_space<hbm>>) target(%arg9 : memref<80x128xf32, #tpu.memory_space<vmem>>) offsets(%dma_start3A_44 : memref<80xi32, #tpu.memory_space<vmem>>) semaphore(%arg12 : memref<!tpu.dma_semaphore, #tpu.memory_space<semaphore_mem>>)
      } else {
      }
      %add3A_32 = arith.constant 1 : i32
      %add3A_33 = arith.addi %mul3A_23, %add3A_32 : i32
      %lt3A_34 = arith.constant 125 : i32
      %lt3A_35 = arith.cmpi slt, %add3A_33, %lt3A_34 : i32
      %convert_element_type3A_36 = arith.extui %lt3A_35 : i1 to i32
      %cond3A_37 = arith.constant 0 : i32
      %cond3A_38 = arith.cmpi ne, %convert_element_type3A_36, %cond3A_37 : i32
      scf.if %cond3A_38 {
        %dma_wait3A_39 = arith.constant 0 : i32
        %dma_wait3A_40 = tpu.memref_slice %arg7[%dma_wait3A_39] : memref<10000xi32, #tpu.memory_space<vmem>> -> memref<80xi32, #tpu.memory_space<vmem>>
        %dma_wait3A_41 = arith.constant 0 : i32
        %dma_wait3A_42 = arith.constant 0 : i32
        %dma_wait3A_43 = tpu.memref_slice %arg2[%dma_wait3A_41, %dma_wait3A_42] : memref<10000x128xf32, #tpu.memory_space<hbm>> -> memref<10000x128xf32, #tpu.memory_space<hbm>>
        tpu.wait_indirect_dma semaphore(%arg13 : memref<!tpu.dma_semaphore, #tpu.memory_space<semaphore_mem>>) src(%dma_wait3A_43 : memref<10000x128xf32, #tpu.memory_space<hbm>>) dst(%arg10 : memref<80x128xf32, #tpu.memory_space<vmem>>)
        %add3A_44 = arith.constant 1 : i32
        %add3A_45 = arith.addi %mul3A_23, %add3A_44 : i32
        "tpu.region"() ({
          %run_scoped3A = tpu.sem_alloc : memref<!tpu.dma_semaphore, #tpu.memory_space<semaphore_mem>>
          %dma_start3A_53 = arith.constant 0 : i32
          %dma_start3A_54 = tpu.memref_slice %arg8[%add3A_45, %dma_start3A_53] : memref<125x80xi32, #tpu.memory_space<vmem>> -> memref<1x80xi32, #tpu.memory_space<vmem>>
          %dma_start3A_55 = tpu.memref_squeeze %dma_start3A_54 : memref<1x80xi32, #tpu.memory_space<vmem>> -> memref<80xi32, #tpu.memory_space<vmem>>
          %dma_start3A_56 = arith.constant 0 : i32
          %dma_start3A_57 = arith.constant 0 : i32
          %dma_start3A_58 = tpu.memref_slice %arg11[%dma_start3A_56, %dma_start3A_57] : memref<10240x128xf32, #tpu.memory_space<vmem_shared>> -> memref<10240x128xf32, #tpu.memory_space<vmem_shared>>
          tpu.enqueue_indirect_dma source(%arg10 : memref<80x128xf32, #tpu.memory_space<vmem>>) target(%dma_start3A_58 : memref<10240x128xf32, #tpu.memory_space<vmem_shared>>) offsets(%dma_start3A_55 : memref<80xi32, #tpu.memory_space<vmem>>) semaphore(%run_scoped3A : memref<!tpu.dma_semaphore, #tpu.memory_space<semaphore_mem>>) {add = true}
          %dma_wait3A_59 = arith.constant 0 : i32
          %dma_wait3A_60 = tpu.memref_slice %arg8[%add3A_45, %dma_wait3A_59] : memref<125x80xi32, #tpu.memory_space<vmem>> -> memref<1x80xi32, #tpu.memory_space<vmem>>
          %dma_wait3A_61 = tpu.memref_squeeze %dma_wait3A_60 : memref<1x80xi32, #tpu.memory_space<vmem>> -> memref<80xi32, #tpu.memory_space<vmem>>
          %dma_wait3A_62 = arith.constant 0 : i32
          %dma_wait3A_63 = arith.constant 0 : i32
          %dma_wait3A_64 = tpu.memref_slice %arg11[%dma_wait3A_62, %dma_wait3A_63] : memref<10240x128xf32, #tpu.memory_space<vmem_shared>> -> memref<10240x128xf32, #tpu.memory_space<vmem_shared>>
          tpu.wait_indirect_dma semaphore(%run_scoped3A : memref<!tpu.dma_semaphore, #tpu.memory_space<semaphore_mem>>) src(%arg10 : memref<80x128xf32, #tpu.memory_space<vmem>>) dst(%dma_wait3A_64 : memref<10240x128xf32, #tpu.memory_space<vmem_shared>>)
          tpu.yield
        }) : () -> ()
        %add3A_46 = arith.constant 3 : i32
        %add3A_47 = arith.addi %mul3A_23, %add3A_46 : i32
        %lt3A_48 = arith.constant 125 : i32
        %lt3A_49 = arith.cmpi slt, %add3A_47, %lt3A_48 : i32
        %convert_element_type3A_50 = arith.extui %lt3A_49 : i1 to i32
        %cond3A_51 = arith.constant 0 : i32
        %cond3A_52 = arith.cmpi ne, %convert_element_type3A_50, %cond3A_51 : i32
        scf.if %cond3A_52 {
          %add3A_53 = arith.constant 3 : i32
          %add3A_54 = arith.addi %mul3A_23, %add3A_53 : i32
          %mul3A_55 = arith.constant 80 : i32
          %mul3A_56 = arith.muli %add3A_54, %mul3A_55 : i32
          %multiple_of3A_57 = tpu.assume_multiple %mul3A_56, 8 : i32
          %dma_start3A_58 = tpu.memref_slice %arg7[%multiple_of3A_57] : memref<10000xi32, #tpu.memory_space<vmem>> -> memref<80xi32, #tpu.memory_space<vmem>>
          %dma_start3A_59 = arith.constant 0 : i32
          %dma_start3A_60 = arith.constant 0 : i32
          %dma_start3A_61 = tpu.memref_slice %arg2[%dma_start3A_59, %dma_start3A_60] : memref<10000x128xf32, #tpu.memory_space<hbm>> -> memref<10000x128xf32, #tpu.memory_space<hbm>>
          tpu.enqueue_indirect_dma source(%dma_start3A_61 : memref<10000x128xf32, #tpu.memory_space<hbm>>) target(%arg10 : memref<80x128xf32, #tpu.memory_space<vmem>>) offsets(%dma_start3A_58 : memref<80xi32, #tpu.memory_space<vmem>>) semaphore(%arg13 : memref<!tpu.dma_semaphore, #tpu.memory_space<semaphore_mem>>)
        } else {
        }
      } else {
      }
    }
    %scan3A_19 = arith.constant 63 : i32
    %barrier3A_20 = arith.constant 0 : index
    tpu.barrier barrier_id(%barrier3A_20)
    "tpu.region"() ({
      %run_scoped3A = tpu.sem_alloc : memref<!tpu.dma_semaphore, #tpu.memory_space<semaphore_mem>>
      %dma_start3A_21 = arith.constant 0 : i32
      %dma_start3A_22 = tpu.memref_slice %arg6[%arg0, %mul3A_2, %dma_start3A_21] : memref<2x10240x128xf32, #tpu.memory_space<hbm>> -> memref<1x640x128xf32, #tpu.memory_space<hbm>>
      %dma_start3A_23 = tpu.memref_squeeze %dma_start3A_22 : memref<1x640x128xf32, #tpu.memory_space<hbm>> -> memref<640x128xf32, #tpu.memory_space<hbm>>
      %dma_start3A_24 = arith.constant 0 : i32
      %dma_start3A_25 = tpu.memref_slice %arg11[%mul3A_2, %dma_start3A_24] : memref<10240x128xf32, #tpu.memory_space<vmem_shared>> -> memref<640x128xf32, #tpu.memory_space<vmem_shared>>
      tpu.enqueue_dma source(%dma_start3A_25 : memref<640x128xf32, #tpu.memory_space<vmem_shared>>) target(%dma_start3A_23 : memref<640x128xf32, #tpu.memory_space<hbm>>) target_semaphore(%run_scoped3A : memref<!tpu.dma_semaphore, #tpu.memory_space<semaphore_mem>>)
      %dma_wait3A = arith.constant 0 : i32
      %dma_wait3A_26 = tpu.memref_slice %arg6[%arg0, %mul3A_2, %dma_wait3A] : memref<2x10240x128xf32, #tpu.memory_space<hbm>> -> memref<1x640x128xf32, #tpu.memory_space<hbm>>
      %dma_wait3A_27 = tpu.memref_squeeze %dma_wait3A_26 : memref<1x640x128xf32, #tpu.memory_space<hbm>> -> memref<640x128xf32, #tpu.memory_space<hbm>>
      %dma_wait3A_28 = arith.constant 0 : i32
      %dma_wait3A_29 = tpu.memref_slice %arg11[%mul3A_2, %dma_wait3A_28] : memref<10240x128xf32, #tpu.memory_space<vmem_shared>> -> memref<640x128xf32, #tpu.memory_space<vmem_shared>>
      tpu.wait_dma2 semaphore(%run_scoped3A : memref<!tpu.dma_semaphore, #tpu.memory_space<semaphore_mem>>) src(%dma_wait3A_29 : memref<640x128xf32, #tpu.memory_space<vmem_shared>>) dst(%dma_wait3A_27 : memref<640x128xf32, #tpu.memory_space<hbm>>)
      tpu.yield
    }) : () -> ()
    return
  }
}

module attributes {stable_mosaic.version = 14 : i64} {
  func.func @_tc1a_body(%arg0: i32, %arg1: memref<2x1000x128xf32, #tpu.memory_space<vmem>>, %arg2: memref<1000x128xf32, #tpu.memory_space<vmem>>, %arg3: memref<128x128xf32, #tpu.memory_space<vmem>>, %arg4: memref<128x128xf32, #tpu.memory_space<vmem>>, %arg5: memref<1x128xf32, #tpu.memory_space<vmem>>, %arg6: memref<1000x128xf32, #tpu.memory_space<vmem>>, %arg7: memref<1x128xf32, #tpu.memory_space<vmem>>, %arg8: memref<1x128xf32, #tpu.memory_space<vmem>>) attributes {dimension_semantics = [#tpu.dimension_semantics<arbitrary>], iteration_bounds = array<i64: 10>, scalar_prefetch = 0 : i64, scratch_operands = 0 : i64, tpu.core_type = #tpu.core_type<tc>, window_params = [{transform_indices = @transform_0, window_bounds = array<i64: 2, 1000, 128>}, {transform_indices = @transform_1, window_bounds = array<i64: 1000, 128>}, {pipeline_mode = #tpu.pipeline_mode<synchronous>, transform_indices = @transform_2, window_bounds = array<i64: 128, 128>}, {pipeline_mode = #tpu.pipeline_mode<synchronous>, transform_indices = @transform_3, window_bounds = array<i64: 128, 128>}, {pipeline_mode = #tpu.pipeline_mode<synchronous>, transform_indices = @transform_4, window_bounds = array<i64: 1, 128>}, {transform_indices = @transform_5, window_bounds = array<i64: 1000, 128>}, {pipeline_mode = #tpu.pipeline_mode<synchronous>, transform_indices = @transform_6, window_bounds = array<i64: 1, 128>}, {pipeline_mode = #tpu.pipeline_mode<synchronous>, transform_indices = @transform_7, window_bounds = array<i64: 1, 128>}]} {
    %get3A = arith.constant 0 : index
    %get3A_0 = arith.constant 0 : index
    %get3A_1 = arith.constant 0 : index
    %get3A_2 = vector.load %arg1[%get3A, %get3A_0, %get3A_1] : memref<2x1000x128xf32, #tpu.memory_space<vmem>>, vector<1x1000x128xf32>
    %get3A_3 = vector.shape_cast %get3A_2 : vector<1x1000x128xf32> to vector<1000x128xf32>
    %get3A_4 = arith.constant 1 : index
    %get3A_5 = arith.constant 0 : index
    %get3A_6 = arith.constant 0 : index
    %get3A_7 = vector.load %arg1[%get3A_4, %get3A_5, %get3A_6] : memref<2x1000x128xf32, #tpu.memory_space<vmem>>, vector<1x1000x128xf32>
    %get3A_8 = vector.shape_cast %get3A_7 : vector<1x1000x128xf32> to vector<1000x128xf32>
    %add3A = arith.addf %get3A_3, %get3A_8 : vector<1000x128xf32>
    %get3A_9 = arith.constant 0 : index
    %get3A_10 = arith.constant 0 : index
    %get3A_11 = vector.load %arg3[%get3A_9, %get3A_10] : memref<128x128xf32, #tpu.memory_space<vmem>>, vector<128x128xf32>
    %dot_general3A = arith.constant dense<0.000000e+00> : vector<1000x128xf32>
    %dot_general3A_12 = tpu.matmul %add3A, %get3A_11, %dot_general3A {dimension_numbers = #tpu.dot_dimension_numbers<[1], [0], [0], [1], [0, 0, 1, 1], [], []>, precision = #tpu.contract_precision<fp32>, transpose_lhs_hint = false} : vector<1000x128xf32>, vector<128x128xf32>, vector<1000x128xf32> -> vector<1000x128xf32>
    %get3A_13 = arith.constant 0 : index
    %get3A_14 = arith.constant 0 : index
    %get3A_15 = vector.load %arg2[%get3A_13, %get3A_14] : memref<1000x128xf32, #tpu.memory_space<vmem>>, vector<1000x128xf32>
    %get3A_16 = arith.constant 0 : index
    %get3A_17 = arith.constant 0 : index
    %get3A_18 = vector.load %arg4[%get3A_16, %get3A_17] : memref<128x128xf32, #tpu.memory_space<vmem>>, vector<128x128xf32>
    %dot_general3A_19 = arith.constant dense<0.000000e+00> : vector<1000x128xf32>
    %dot_general3A_20 = tpu.matmul %get3A_15, %get3A_18, %dot_general3A_19 {dimension_numbers = #tpu.dot_dimension_numbers<[1], [0], [0], [1], [0, 0, 1, 1], [], []>, precision = #tpu.contract_precision<fp32>, transpose_lhs_hint = false} : vector<1000x128xf32>, vector<128x128xf32>, vector<1000x128xf32> -> vector<1000x128xf32>
    %add3A_21 = arith.addf %dot_general3A_12, %dot_general3A_20 : vector<1000x128xf32>
    %get3A_22 = arith.constant 0 : index
    %get3A_23 = arith.constant 0 : index
    %get3A_24 = vector.load %arg5[%get3A_22, %get3A_23] : memref<1x128xf32, #tpu.memory_space<vmem>>, vector<1x128xf32>
    %add3A_25 = vector.broadcast %get3A_24 : vector<1x128xf32> to vector<1000x128xf32>
    %add3A_26 = arith.addf %add3A_21, %add3A_25 : vector<1000x128xf32>
    %swap3A = arith.constant 0 : index
    %swap3A_27 = arith.constant 0 : index
    %swap3A_28 = vector.load %arg6[%swap3A, %swap3A_27] : memref<1000x128xf32, #tpu.memory_space<vmem>>, vector<1000x128xf32>
    tpu.vector_store %arg6[%swap3A, %swap3A_27], %add3A_26 {strides = array<i32>} : memref<1000x128xf32, #tpu.memory_space<vmem>>, vector<1000x128xf32>,
    %reduce_sum3A = arith.constant dense<0.000000e+00> : vector<128xf32>
    %reduce_sum3A_29 = vector.multi_reduction <add>, %add3A_26, %reduce_sum3A [0] : vector<1000x128xf32> to vector<128xf32>
    %broadcast_in_dim3A = vector.shape_cast %reduce_sum3A_29 : vector<128xf32> to vector<1x128xf32>
    %mul3A = arith.mulf %add3A_26, %add3A_26 : vector<1000x128xf32>
    %reduce_sum3A_30 = arith.constant dense<0.000000e+00> : vector<128xf32>
    %reduce_sum3A_31 = vector.multi_reduction <add>, %mul3A, %reduce_sum3A_30 [0] : vector<1000x128xf32> to vector<128xf32>
    %broadcast_in_dim3A_32 = vector.shape_cast %reduce_sum3A_31 : vector<128xf32> to vector<1x128xf32>
    %eq3A = arith.constant 0 : i32
    %eq3A_33 = arith.cmpi eq, %arg0, %eq3A : i32
    %convert_element_type3A = arith.extui %eq3A_33 : i1 to i32
    %cond3A = arith.constant 0 : i32
    %cond3A_34 = arith.cmpi ne, %convert_element_type3A, %cond3A : i32
    scf.if %cond3A_34 {
      %swap3A_39 = arith.constant 0 : index
      %swap3A_40 = arith.constant 0 : index
      %swap3A_41 = vector.load %arg7[%swap3A_39, %swap3A_40] : memref<1x128xf32, #tpu.memory_space<vmem>>, vector<1x128xf32>
      tpu.vector_store %arg7[%swap3A_39, %swap3A_40], %broadcast_in_dim3A {strides = array<i32>} : memref<1x128xf32, #tpu.memory_space<vmem>>, vector<1x128xf32>,
      %swap3A_42 = arith.constant 0 : index
      %swap3A_43 = arith.constant 0 : index
      %swap3A_44 = vector.load %arg8[%swap3A_42, %swap3A_43] : memref<1x128xf32, #tpu.memory_space<vmem>>, vector<1x128xf32>
      tpu.vector_store %arg8[%swap3A_42, %swap3A_43], %broadcast_in_dim3A_32 {strides = array<i32>} : memref<1x128xf32, #tpu.memory_space<vmem>>, vector<1x128xf32>,
    } else {
    }
    %gt3A = arith.constant 0 : i32
    %gt3A_35 = arith.cmpi sgt, %arg0, %gt3A : i32
    %convert_element_type3A_36 = arith.extui %gt3A_35 : i1 to i32
    %cond3A_37 = arith.constant 0 : i32
    %cond3A_38 = arith.cmpi ne, %convert_element_type3A_36, %cond3A_37 : i32
    scf.if %cond3A_38 {
      %get3A_39 = arith.constant 0 : index
      %get3A_40 = arith.constant 0 : index
      %get3A_41 = vector.load %arg7[%get3A_39, %get3A_40] : memref<1x128xf32, #tpu.memory_space<vmem>>, vector<1x128xf32>
      %add3A_42 = arith.addf %get3A_41, %broadcast_in_dim3A : vector<1x128xf32>
      %swap3A_43 = arith.constant 0 : index
      %swap3A_44 = arith.constant 0 : index
      %swap3A_45 = vector.load %arg7[%swap3A_43, %swap3A_44] : memref<1x128xf32, #tpu.memory_space<vmem>>, vector<1x128xf32>
      tpu.vector_store %arg7[%swap3A_43, %swap3A_44], %add3A_42 {strides = array<i32>} : memref<1x128xf32, #tpu.memory_space<vmem>>, vector<1x128xf32>,
      %get3A_46 = arith.constant 0 : index
      %get3A_47 = arith.constant 0 : index
      %get3A_48 = vector.load %arg8[%get3A_46, %get3A_47] : memref<1x128xf32, #tpu.memory_space<vmem>>, vector<1x128xf32>
      %add3A_49 = arith.addf %get3A_48, %broadcast_in_dim3A_32 : vector<1x128xf32>
      %swap3A_50 = arith.constant 0 : index
      %swap3A_51 = arith.constant 0 : index
      %swap3A_52 = vector.load %arg8[%swap3A_50, %swap3A_51] : memref<1x128xf32, #tpu.memory_space<vmem>>, vector<1x128xf32>
      tpu.vector_store %arg8[%swap3A_50, %swap3A_51], %add3A_49 {strides = array<i32>} : memref<1x128xf32, #tpu.memory_space<vmem>>, vector<1x128xf32>,
    } else {
    }
    return
  }
  func.func @transform_0(%arg0: i32) -> (i32, i32, i32) {
    %c0_i32 = arith.constant 0 : i32
    %c0_i32_0 = arith.constant 0 : i32
    %c0_i32_1 = arith.constant 0 : i32
    return %c0_i32, %arg0, %c0_i32_0 : i32, i32, i32
  }
  func.func @transform_1(%arg0: i32) -> (i32, i32) {
    %c0_i32 = arith.constant 0 : i32
    %c0_i32_0 = arith.constant 0 : i32
    return %arg0, %c0_i32 : i32, i32
  }
  func.func @transform_2(%arg0: i32) -> (i32, i32) {
    %c0_i32 = arith.constant 0 : i32
    %c0_i32_0 = arith.constant 0 : i32
    %c0_i32_1 = arith.constant 0 : i32
    return %c0_i32, %c0_i32_0 : i32, i32
  }
  func.func @transform_3(%arg0: i32) -> (i32, i32) {
    %c0_i32 = arith.constant 0 : i32
    %c0_i32_0 = arith.constant 0 : i32
    %c0_i32_1 = arith.constant 0 : i32
    return %c0_i32, %c0_i32_0 : i32, i32
  }
  func.func @transform_4(%arg0: i32) -> (i32, i32) {
    %c0_i32 = arith.constant 0 : i32
    %c0_i32_0 = arith.constant 0 : i32
    %c0_i32_1 = arith.constant 0 : i32
    return %c0_i32, %c0_i32_0 : i32, i32
  }
  func.func @transform_5(%arg0: i32) -> (i32, i32) {
    %c0_i32 = arith.constant 0 : i32
    %c0_i32_0 = arith.constant 0 : i32
    return %arg0, %c0_i32 : i32, i32
  }
  func.func @transform_6(%arg0: i32) -> (i32, i32) {
    %c0_i32 = arith.constant 0 : i32
    %c0_i32_0 = arith.constant 0 : i32
    %c0_i32_1 = arith.constant 0 : i32
    return %c0_i32, %c0_i32_0 : i32, i32
  }
  func.func @transform_7(%arg0: i32) -> (i32, i32) {
    %c0_i32 = arith.constant 0 : i32
    %c0_i32_0 = arith.constant 0 : i32
    %c0_i32_1 = arith.constant 0 : i32
    return %c0_i32, %c0_i32_0 : i32, i32
  }
}

module attributes {stable_mosaic.version = 14 : i64} {
  func.func @_tc1b_body(%arg0: i32, %arg1: memref<1000x128xf32, #tpu.memory_space<vmem>>, %arg2: memref<1x128xf32, #tpu.memory_space<vmem>>, %arg3: memref<1x128xf32, #tpu.memory_space<vmem>>, %arg4: memref<1x128xf32, #tpu.memory_space<vmem>>, %arg5: memref<1x128xf32, #tpu.memory_space<vmem>>, %arg6: memref<2x1000x128xf32, #tpu.memory_space<vmem>>, %arg7: memref<1000x128xf32, #tpu.memory_space<vmem>>, %arg8: memref<1000x128xf32, #tpu.memory_space<vmem>>) attributes {dimension_semantics = [#tpu.dimension_semantics<arbitrary>], iteration_bounds = array<i64: 10>, scalar_prefetch = 0 : i64, scratch_operands = 0 : i64, tpu.core_type = #tpu.core_type<tc>, window_params = [{transform_indices = @transform_0, window_bounds = array<i64: 1000, 128>}, {pipeline_mode = #tpu.pipeline_mode<synchronous>, transform_indices = @transform_1, window_bounds = array<i64: 1, 128>}, {pipeline_mode = #tpu.pipeline_mode<synchronous>, transform_indices = @transform_2, window_bounds = array<i64: 1, 128>}, {pipeline_mode = #tpu.pipeline_mode<synchronous>, transform_indices = @transform_3, window_bounds = array<i64: 1, 128>}, {pipeline_mode = #tpu.pipeline_mode<synchronous>, transform_indices = @transform_4, window_bounds = array<i64: 1, 128>}, {transform_indices = @transform_5, window_bounds = array<i64: 2, 1000, 128>}, {transform_indices = @transform_6, window_bounds = array<i64: 1000, 128>}, {transform_indices = @transform_7, window_bounds = array<i64: 1000, 128>}]} {
    %get3A = arith.constant 0 : index
    %get3A_0 = arith.constant 0 : index
    %get3A_1 = vector.load %arg1[%get3A, %get3A_0] : memref<1000x128xf32, #tpu.memory_space<vmem>>, vector<1000x128xf32>
    %get3A_2 = arith.constant 0 : index
    %get3A_3 = arith.constant 0 : index
    %get3A_4 = vector.load %arg2[%get3A_2, %get3A_3] : memref<1x128xf32, #tpu.memory_space<vmem>>, vector<1x128xf32>
    %div3A = arith.constant 1.000000e+04 : f32
    %div3A_5 = vector.broadcast %div3A : f32 to vector<1x128xf32>
    %div3A_6 = arith.divf %get3A_4, %div3A_5 : vector<1x128xf32>
    %get3A_7 = arith.constant 0 : index
    %get3A_8 = arith.constant 0 : index
    %get3A_9 = vector.load %arg3[%get3A_7, %get3A_8] : memref<1x128xf32, #tpu.memory_space<vmem>>, vector<1x128xf32>
    %div3A_10 = arith.constant 1.000000e+04 : f32
    %div3A_11 = vector.broadcast %div3A_10 : f32 to vector<1x128xf32>
    %div3A_12 = arith.divf %get3A_9, %div3A_11 : vector<1x128xf32>
    %mul3A = arith.mulf %div3A_6, %div3A_6 : vector<1x128xf32>
    %sub3A = arith.subf %div3A_12, %mul3A : vector<1x128xf32>
    %sub3A_13 = vector.broadcast %div3A_6 : vector<1x128xf32> to vector<1000x128xf32>
    %sub3A_14 = arith.subf %get3A_1, %sub3A_13 : vector<1000x128xf32>
    %add3A = arith.constant 9.99999974E-6 : f32
    %add3A_15 = vector.broadcast %add3A : f32 to vector<1x128xf32>
    %add3A_16 = arith.addf %sub3A, %add3A_15 : vector<1x128xf32>
    %rsqrt3A = math.rsqrt %add3A_16 : vector<1x128xf32>
    %mul3A_17 = vector.broadcast %rsqrt3A : vector<1x128xf32> to vector<1000x128xf32>
    %mul3A_18 = arith.mulf %sub3A_14, %mul3A_17 : vector<1000x128xf32>
    %get3A_19 = arith.constant 0 : index
    %get3A_20 = arith.constant 0 : index
    %get3A_21 = vector.load %arg4[%get3A_19, %get3A_20] : memref<1x128xf32, #tpu.memory_space<vmem>>, vector<1x128xf32>
    %mul3A_22 = vector.broadcast %get3A_21 : vector<1x128xf32> to vector<1000x128xf32>
    %mul3A_23 = arith.mulf %mul3A_18, %mul3A_22 : vector<1000x128xf32>
    %get3A_24 = arith.constant 0 : index
    %get3A_25 = arith.constant 0 : index
    %get3A_26 = vector.load %arg5[%get3A_24, %get3A_25] : memref<1x128xf32, #tpu.memory_space<vmem>>, vector<1x128xf32>
    %add3A_27 = vector.broadcast %get3A_26 : vector<1x128xf32> to vector<1000x128xf32>
    %add3A_28 = arith.addf %mul3A_23, %add3A_27 : vector<1000x128xf32>
    %max3A = arith.constant 0.000000e+00 : f32
    %max3A_29 = vector.broadcast %max3A : f32 to vector<1000x128xf32>
    %max3A_30 = arith.maximumf %add3A_28, %max3A_29 : vector<1000x128xf32>
    %swap3A = arith.constant 0 : index
    %swap3A_31 = arith.constant 0 : index
    %swap3A_32 = vector.load %arg7[%swap3A, %swap3A_31] : memref<1000x128xf32, #tpu.memory_space<vmem>>, vector<1000x128xf32>
    tpu.vector_store %arg7[%swap3A, %swap3A_31], %max3A_30 {strides = array<i32>} : memref<1000x128xf32, #tpu.memory_space<vmem>>, vector<1000x128xf32>,
    %get3A_33 = arith.constant 0 : index
    %get3A_34 = arith.constant 0 : index
    %get3A_35 = arith.constant 0 : index
    %get3A_36 = vector.load %arg6[%get3A_33, %get3A_34, %get3A_35] : memref<2x1000x128xf32, #tpu.memory_space<vmem>>, vector<1x1000x128xf32>
    %get3A_37 = vector.shape_cast %get3A_36 : vector<1x1000x128xf32> to vector<1000x128xf32>
    %get3A_38 = arith.constant 1 : index
    %get3A_39 = arith.constant 0 : index
    %get3A_40 = arith.constant 0 : index
    %get3A_41 = vector.load %arg6[%get3A_38, %get3A_39, %get3A_40] : memref<2x1000x128xf32, #tpu.memory_space<vmem>>, vector<1x1000x128xf32>
    %get3A_42 = vector.shape_cast %get3A_41 : vector<1x1000x128xf32> to vector<1000x128xf32>
    %add3A_43 = arith.addf %get3A_37, %get3A_42 : vector<1000x128xf32>
    %gt3A = arith.constant 0.000000e+00 : f32
    %gt3A_44 = vector.broadcast %gt3A : f32 to vector<1000x128xf32>
    %gt3A_45 = arith.cmpf ogt, %add3A_43, %gt3A_44 : vector<1000x128xf32>
    %max3A_46 = arith.constant 9.99999996E-13 : f32
    %max3A_47 = vector.broadcast %max3A_46 : f32 to vector<1000x128xf32>
    %max3A_48 = arith.maximumf %add3A_43, %max3A_47 : vector<1000x128xf32>
    %rsqrt3A_49 = math.rsqrt %max3A_48 : vector<1000x128xf32>
    %jit3A = arith.constant 0.000000e+00 : f32
    %broadcast_in_dim3A = vector.broadcast %jit3A : f32 to vector<1000x128xf32>
    %select_n3A = arith.select %gt3A_45, %rsqrt3A_49, %broadcast_in_dim3A : vector<1000x128xi1>, vector<1000x128xf32>
    %mul3A_50 = arith.mulf %max3A_30, %select_n3A : vector<1000x128xf32>
    %swap3A_51 = arith.constant 0 : index
    %swap3A_52 = arith.constant 0 : index
    %swap3A_53 = vector.load %arg8[%swap3A_51, %swap3A_52] : memref<1000x128xf32, #tpu.memory_space<vmem>>, vector<1000x128xf32>
    tpu.vector_store %arg8[%swap3A_51, %swap3A_52], %mul3A_50 {strides = array<i32>} : memref<1000x128xf32, #tpu.memory_space<vmem>>, vector<1000x128xf32>,
    return
  }
  func.func @transform_0(%arg0: i32) -> (i32, i32) {
    %c0_i32 = arith.constant 0 : i32
    %c0_i32_0 = arith.constant 0 : i32
    return %arg0, %c0_i32 : i32, i32
  }
  func.func @transform_1(%arg0: i32) -> (i32, i32) {
    %c0_i32 = arith.constant 0 : i32
    %c0_i32_0 = arith.constant 0 : i32
    %c0_i32_1 = arith.constant 0 : i32
    return %c0_i32, %c0_i32_0 : i32, i32
  }
  func.func @transform_2(%arg0: i32) -> (i32, i32) {
    %c0_i32 = arith.constant 0 : i32
    %c0_i32_0 = arith.constant 0 : i32
    %c0_i32_1 = arith.constant 0 : i32
    return %c0_i32, %c0_i32_0 : i32, i32
  }
  func.func @transform_3(%arg0: i32) -> (i32, i32) {
    %c0_i32 = arith.constant 0 : i32
    %c0_i32_0 = arith.constant 0 : i32
    %c0_i32_1 = arith.constant 0 : i32
    return %c0_i32, %c0_i32_0 : i32, i32
  }
  func.func @transform_4(%arg0: i32) -> (i32, i32) {
    %c0_i32 = arith.constant 0 : i32
    %c0_i32_0 = arith.constant 0 : i32
    %c0_i32_1 = arith.constant 0 : i32
    return %c0_i32, %c0_i32_0 : i32, i32
  }
  func.func @transform_5(%arg0: i32) -> (i32, i32, i32) {
    %c0_i32 = arith.constant 0 : i32
    %c0_i32_0 = arith.constant 0 : i32
    %c0_i32_1 = arith.constant 0 : i32
    return %c0_i32, %arg0, %c0_i32_0 : i32, i32, i32
  }
  func.func @transform_6(%arg0: i32) -> (i32, i32) {
    %c0_i32 = arith.constant 0 : i32
    %c0_i32_0 = arith.constant 0 : i32
    return %arg0, %c0_i32 : i32, i32
  }
  func.func @transform_7(%arg0: i32) -> (i32, i32) {
    %c0_i32 = arith.constant 0 : i32
    %c0_i32_0 = arith.constant 0 : i32
    return %arg0, %c0_i32 : i32, i32
  }
}

module attributes {stable_mosaic.version = 14 : i64} {
  func.func @_tc2_body(%arg0: i32, %arg1: memref<2x1000x128xf32, #tpu.memory_space<vmem>>, %arg2: memref<2x1000x128xf32, #tpu.memory_space<vmem>>, %arg3: memref<1000x128xf32, #tpu.memory_space<vmem>>, %arg4: memref<1000x128xf32, #tpu.memory_space<vmem>>) attributes {dimension_semantics = [#tpu.dimension_semantics<arbitrary>], iteration_bounds = array<i64: 10>, scalar_prefetch = 0 : i64, scratch_operands = 0 : i64, tpu.core_type = #tpu.core_type<tc>, window_params = [{transform_indices = @transform_0, window_bounds = array<i64: 2, 1000, 128>}, {transform_indices = @transform_1, window_bounds = array<i64: 2, 1000, 128>}, {transform_indices = @transform_2, window_bounds = array<i64: 1000, 128>}, {transform_indices = @transform_3, window_bounds = array<i64: 1000, 128>}]} {
    %get3A = arith.constant 0 : index
    %get3A_0 = arith.constant 0 : index
    %get3A_1 = arith.constant 0 : index
    %get3A_2 = vector.load %arg2[%get3A, %get3A_0, %get3A_1] : memref<2x1000x128xf32, #tpu.memory_space<vmem>>, vector<1x1000x128xf32>
    %get3A_3 = vector.shape_cast %get3A_2 : vector<1x1000x128xf32> to vector<1000x128xf32>
    %get3A_4 = arith.constant 1 : index
    %get3A_5 = arith.constant 0 : index
    %get3A_6 = arith.constant 0 : index
    %get3A_7 = vector.load %arg2[%get3A_4, %get3A_5, %get3A_6] : memref<2x1000x128xf32, #tpu.memory_space<vmem>>, vector<1x1000x128xf32>
    %get3A_8 = vector.shape_cast %get3A_7 : vector<1x1000x128xf32> to vector<1000x128xf32>
    %add3A = arith.addf %get3A_3, %get3A_8 : vector<1000x128xf32>
    %gt3A = arith.constant 0.000000e+00 : f32
    %gt3A_9 = vector.broadcast %gt3A : f32 to vector<1000x128xf32>
    %gt3A_10 = arith.cmpf ogt, %add3A, %gt3A_9 : vector<1000x128xf32>
    %max3A = arith.constant 9.99999996E-13 : f32
    %max3A_11 = vector.broadcast %max3A : f32 to vector<1000x128xf32>
    %max3A_12 = arith.maximumf %add3A, %max3A_11 : vector<1000x128xf32>
    %rsqrt3A = math.rsqrt %max3A_12 : vector<1000x128xf32>
    %jit3A = arith.constant 0.000000e+00 : f32
    %broadcast_in_dim3A = vector.broadcast %jit3A : f32 to vector<1000x128xf32>
    %select_n3A = arith.select %gt3A_10, %rsqrt3A, %broadcast_in_dim3A : vector<1000x128xi1>, vector<1000x128xf32>
    %neg3A = arith.constant 0.000000e+00 : f32
    %neg3A_13 = vector.broadcast %neg3A : f32 to vector<1000x128xf32>
    %neg3A_14 = arith.subf %neg3A_13, %select_n3A : vector<1000x128xf32>
    %get3A_15 = arith.constant 0 : index
    %get3A_16 = arith.constant 0 : index
    %get3A_17 = arith.constant 0 : index
    %get3A_18 = vector.load %arg1[%get3A_15, %get3A_16, %get3A_17] : memref<2x1000x128xf32, #tpu.memory_space<vmem>>, vector<1x1000x128xf32>
    %get3A_19 = vector.shape_cast %get3A_18 : vector<1x1000x128xf32> to vector<1000x128xf32>
    %get3A_20 = arith.constant 1 : index
    %get3A_21 = arith.constant 0 : index
    %get3A_22 = arith.constant 0 : index
    %get3A_23 = vector.load %arg1[%get3A_20, %get3A_21, %get3A_22] : memref<2x1000x128xf32, #tpu.memory_space<vmem>>, vector<1x1000x128xf32>
    %get3A_24 = vector.shape_cast %get3A_23 : vector<1x1000x128xf32> to vector<1000x128xf32>
    %add3A_25 = arith.addf %get3A_19, %get3A_24 : vector<1000x128xf32>
    %mul3A = arith.mulf %neg3A_14, %add3A_25 : vector<1000x128xf32>
    %swap3A = arith.constant 0 : index
    %swap3A_26 = arith.constant 0 : index
    %swap3A_27 = vector.load %arg3[%swap3A, %swap3A_26] : memref<1000x128xf32, #tpu.memory_space<vmem>>, vector<1000x128xf32>
    tpu.vector_store %arg3[%swap3A, %swap3A_26], %mul3A {strides = array<i32>} : memref<1000x128xf32, #tpu.memory_space<vmem>>, vector<1000x128xf32>,
    %mul3A_28 = arith.mulf %mul3A, %select_n3A : vector<1000x128xf32>
    %swap3A_29 = arith.constant 0 : index
    %swap3A_30 = arith.constant 0 : index
    %swap3A_31 = vector.load %arg4[%swap3A_29, %swap3A_30] : memref<1000x128xf32, #tpu.memory_space<vmem>>, vector<1000x128xf32>
    tpu.vector_store %arg4[%swap3A_29, %swap3A_30], %mul3A_28 {strides = array<i32>} : memref<1000x128xf32, #tpu.memory_space<vmem>>, vector<1000x128xf32>,
    return
  }
  func.func @transform_0(%arg0: i32) -> (i32, i32, i32) {
    %c0_i32 = arith.constant 0 : i32
    %c0_i32_0 = arith.constant 0 : i32
    %c0_i32_1 = arith.constant 0 : i32
    return %c0_i32, %arg0, %c0_i32_0 : i32, i32, i32
  }
  func.func @transform_1(%arg0: i32) -> (i32, i32, i32) {
    %c0_i32 = arith.constant 0 : i32
    %c0_i32_0 = arith.constant 0 : i32
    %c0_i32_1 = arith.constant 0 : i32
    return %c0_i32, %arg0, %c0_i32_0 : i32, i32, i32
  }
  func.func @transform_2(%arg0: i32) -> (i32, i32) {
    %c0_i32 = arith.constant 0 : i32
    %c0_i32_0 = arith.constant 0 : i32
    return %arg0, %c0_i32 : i32, i32
  }
  func.func @transform_3(%arg0: i32) -> (i32, i32) {
    %c0_i32 = arith.constant 0 : i32
    %c0_i32_0 = arith.constant 0 : i32
    return %arg0, %c0_i32 : i32, i32
  }
}

module attributes {stable_mosaic.version = 14 : i64} {
  func.func @_tc3_body(%arg0: i32, %arg1: memref<2x1000x128xf32, #tpu.memory_space<vmem>>, %arg2: memref<2x1000x128xf32, #tpu.memory_space<vmem>>, %arg3: memref<1000x128xf32, #tpu.memory_space<vmem>>, %arg4: memref<1000x128xf32, #tpu.memory_space<vmem>>, %arg5: memref<128x128xf32, #tpu.memory_space<vmem>>, %arg6: memref<128x128xf32, #tpu.memory_space<vmem>>, %arg7: memref<128x128xf32, #tpu.memory_space<vmem>>, %arg8: memref<1x128xf32, #tpu.memory_space<vmem>>, %arg9: memref<1000x128xf32, #tpu.memory_space<vmem>>) attributes {dimension_semantics = [#tpu.dimension_semantics<arbitrary>], iteration_bounds = array<i64: 10>, scalar_prefetch = 0 : i64, scratch_operands = 0 : i64, tpu.core_type = #tpu.core_type<tc>, window_params = [{transform_indices = @transform_0, window_bounds = array<i64: 2, 1000, 128>}, {transform_indices = @transform_1, window_bounds = array<i64: 2, 1000, 128>}, {transform_indices = @transform_2, window_bounds = array<i64: 1000, 128>}, {transform_indices = @transform_3, window_bounds = array<i64: 1000, 128>}, {pipeline_mode = #tpu.pipeline_mode<synchronous>, transform_indices = @transform_4, window_bounds = array<i64: 128, 128>}, {pipeline_mode = #tpu.pipeline_mode<synchronous>, transform_indices = @transform_5, window_bounds = array<i64: 128, 128>}, {pipeline_mode = #tpu.pipeline_mode<synchronous>, transform_indices = @transform_6, window_bounds = array<i64: 128, 128>}, {pipeline_mode = #tpu.pipeline_mode<synchronous>, transform_indices = @transform_7, window_bounds = array<i64: 1, 128>}, {transform_indices = @transform_8, window_bounds = array<i64: 1000, 128>}]} {
    %get3A = arith.constant 0 : index
    %get3A_0 = arith.constant 0 : index
    %get3A_1 = vector.load %arg3[%get3A, %get3A_0] : memref<1000x128xf32, #tpu.memory_space<vmem>>, vector<1000x128xf32>
    %get3A_2 = arith.constant 0 : index
    %get3A_3 = arith.constant 0 : index
    %get3A_4 = arith.constant 0 : index
    %get3A_5 = vector.load %arg2[%get3A_2, %get3A_3, %get3A_4] : memref<2x1000x128xf32, #tpu.memory_space<vmem>>, vector<1x1000x128xf32>
    %get3A_6 = vector.shape_cast %get3A_5 : vector<1x1000x128xf32> to vector<1000x128xf32>
    %get3A_7 = arith.constant 1 : index
    %get3A_8 = arith.constant 0 : index
    %get3A_9 = arith.constant 0 : index
    %get3A_10 = vector.load %arg2[%get3A_7, %get3A_8, %get3A_9] : memref<2x1000x128xf32, #tpu.memory_space<vmem>>, vector<1x1000x128xf32>
    %get3A_11 = vector.shape_cast %get3A_10 : vector<1x1000x128xf32> to vector<1000x128xf32>
    %add3A = arith.addf %get3A_6, %get3A_11 : vector<1000x128xf32>
    %gt3A = arith.constant 0.000000e+00 : f32
    %gt3A_12 = vector.broadcast %gt3A : f32 to vector<1000x128xf32>
    %gt3A_13 = arith.cmpf ogt, %add3A, %gt3A_12 : vector<1000x128xf32>
    %max3A = arith.constant 9.99999996E-13 : f32
    %max3A_14 = vector.broadcast %max3A : f32 to vector<1000x128xf32>
    %max3A_15 = arith.maximumf %add3A, %max3A_14 : vector<1000x128xf32>
    %rsqrt3A = math.rsqrt %max3A_15 : vector<1000x128xf32>
    %jit3A = arith.constant 0.000000e+00 : f32
    %broadcast_in_dim3A = vector.broadcast %jit3A : f32 to vector<1000x128xf32>
    %select_n3A = arith.select %gt3A_13, %rsqrt3A, %broadcast_in_dim3A : vector<1000x128xi1>, vector<1000x128xf32>
    %neg3A = arith.constant 0.000000e+00 : f32
    %neg3A_16 = vector.broadcast %neg3A : f32 to vector<1000x128xf32>
    %neg3A_17 = arith.subf %neg3A_16, %select_n3A : vector<1000x128xf32>
    %get3A_18 = arith.constant 0 : index
    %get3A_19 = arith.constant 0 : index
    %get3A_20 = arith.constant 0 : index
    %get3A_21 = vector.load %arg1[%get3A_18, %get3A_19, %get3A_20] : memref<2x1000x128xf32, #tpu.memory_space<vmem>>, vector<1x1000x128xf32>
    %get3A_22 = vector.shape_cast %get3A_21 : vector<1x1000x128xf32> to vector<1000x128xf32>
    %get3A_23 = arith.constant 1 : index
    %get3A_24 = arith.constant 0 : index
    %get3A_25 = arith.constant 0 : index
    %get3A_26 = vector.load %arg1[%get3A_23, %get3A_24, %get3A_25] : memref<2x1000x128xf32, #tpu.memory_space<vmem>>, vector<1x1000x128xf32>
    %get3A_27 = vector.shape_cast %get3A_26 : vector<1x1000x128xf32> to vector<1000x128xf32>
    %add3A_28 = arith.addf %get3A_22, %get3A_27 : vector<1000x128xf32>
    %mul3A = arith.mulf %neg3A_17, %add3A_28 : vector<1000x128xf32>
    %mul3A_29 = arith.constant 2.000000e+00 : f32
    %mul3A_30 = vector.broadcast %mul3A_29 : f32 to vector<1000x128xf32>
    %mul3A_31 = arith.mulf %mul3A_30, %mul3A : vector<1000x128xf32>
    %sub3A = arith.subf %mul3A_31, %get3A_1 : vector<1000x128xf32>
    %get3A_32 = arith.constant 0 : index
    %get3A_33 = arith.constant 0 : index
    %get3A_34 = vector.load %arg5[%get3A_32, %get3A_33] : memref<128x128xf32, #tpu.memory_space<vmem>>, vector<128x128xf32>
    %dot_general3A = arith.constant dense<0.000000e+00> : vector<1000x128xf32>
    %dot_general3A_35 = tpu.matmul %get3A_1, %get3A_34, %dot_general3A {dimension_numbers = #tpu.dot_dimension_numbers<[1], [0], [0], [1], [0, 0, 1, 1], [], []>, precision = #tpu.contract_precision<fp32>, transpose_lhs_hint = false} : vector<1000x128xf32>, vector<128x128xf32>, vector<1000x128xf32> -> vector<1000x128xf32>
    %get3A_36 = arith.constant 0 : index
    %get3A_37 = arith.constant 0 : index
    %get3A_38 = vector.load %arg4[%get3A_36, %get3A_37] : memref<1000x128xf32, #tpu.memory_space<vmem>>, vector<1000x128xf32>
    %get3A_39 = arith.constant 0 : index
    %get3A_40 = arith.constant 0 : index
    %get3A_41 = vector.load %arg6[%get3A_39, %get3A_40] : memref<128x128xf32, #tpu.memory_space<vmem>>, vector<128x128xf32>
    %dot_general3A_42 = arith.constant dense<0.000000e+00> : vector<1000x128xf32>
    %dot_general3A_43 = tpu.matmul %get3A_38, %get3A_41, %dot_general3A_42 {dimension_numbers = #tpu.dot_dimension_numbers<[1], [0], [0], [1], [0, 0, 1, 1], [], []>, precision = #tpu.contract_precision<fp32>, transpose_lhs_hint = false} : vector<1000x128xf32>, vector<128x128xf32>, vector<1000x128xf32> -> vector<1000x128xf32>
    %add3A_44 = arith.addf %dot_general3A_35, %dot_general3A_43 : vector<1000x128xf32>
    %get3A_45 = arith.constant 0 : index
    %get3A_46 = arith.constant 0 : index
    %get3A_47 = vector.load %arg7[%get3A_45, %get3A_46] : memref<128x128xf32, #tpu.memory_space<vmem>>, vector<128x128xf32>
    %dot_general3A_48 = arith.constant dense<0.000000e+00> : vector<1000x128xf32>
    %dot_general3A_49 = tpu.matmul %sub3A, %get3A_47, %dot_general3A_48 {dimension_numbers = #tpu.dot_dimension_numbers<[1], [0], [0], [1], [0, 0, 1, 1], [], []>, precision = #tpu.contract_precision<fp32>, transpose_lhs_hint = false} : vector<1000x128xf32>, vector<128x128xf32>, vector<1000x128xf32> -> vector<1000x128xf32>
    %add3A_50 = arith.addf %add3A_44, %dot_general3A_49 : vector<1000x128xf32>
    %get3A_51 = arith.constant 0 : index
    %get3A_52 = arith.constant 0 : index
    %get3A_53 = vector.load %arg8[%get3A_51, %get3A_52] : memref<1x128xf32, #tpu.memory_space<vmem>>, vector<1x128xf32>
    %add3A_54 = vector.broadcast %get3A_53 : vector<1x128xf32> to vector<1000x128xf32>
    %add3A_55 = arith.addf %add3A_50, %add3A_54 : vector<1000x128xf32>
    %max3A_56 = arith.constant 0.000000e+00 : f32
    %max3A_57 = vector.broadcast %max3A_56 : f32 to vector<1000x128xf32>
    %max3A_58 = arith.maximumf %add3A_55, %max3A_57 : vector<1000x128xf32>
    %swap3A = arith.constant 0 : index
    %swap3A_59 = arith.constant 0 : index
    %swap3A_60 = vector.load %arg9[%swap3A, %swap3A_59] : memref<1000x128xf32, #tpu.memory_space<vmem>>, vector<1000x128xf32>
    tpu.vector_store %arg9[%swap3A, %swap3A_59], %max3A_58 {strides = array<i32>} : memref<1000x128xf32, #tpu.memory_space<vmem>>, vector<1000x128xf32>,
    return
  }
  func.func @transform_0(%arg0: i32) -> (i32, i32, i32) {
    %c0_i32 = arith.constant 0 : i32
    %c0_i32_0 = arith.constant 0 : i32
    %c0_i32_1 = arith.constant 0 : i32
    return %c0_i32, %arg0, %c0_i32_0 : i32, i32, i32
  }
  func.func @transform_1(%arg0: i32) -> (i32, i32, i32) {
    %c0_i32 = arith.constant 0 : i32
    %c0_i32_0 = arith.constant 0 : i32
    %c0_i32_1 = arith.constant 0 : i32
    return %c0_i32, %arg0, %c0_i32_0 : i32, i32, i32
  }
  func.func @transform_2(%arg0: i32) -> (i32, i32) {
    %c0_i32 = arith.constant 0 : i32
    %c0_i32_0 = arith.constant 0 : i32
    return %arg0, %c0_i32 : i32, i32
  }
  func.func @transform_3(%arg0: i32) -> (i32, i32) {
    %c0_i32 = arith.constant 0 : i32
    %c0_i32_0 = arith.constant 0 : i32
    return %arg0, %c0_i32 : i32, i32
  }
  func.func @transform_4(%arg0: i32) -> (i32, i32) {
    %c0_i32 = arith.constant 0 : i32
    %c0_i32_0 = arith.constant 0 : i32
    %c0_i32_1 = arith.constant 0 : i32
    return %c0_i32, %c0_i32_0 : i32, i32
  }
  func.func @transform_5(%arg0: i32) -> (i32, i32) {
    %c0_i32 = arith.constant 0 : i32
    %c0_i32_0 = arith.constant 0 : i32
    %c0_i32_1 = arith.constant 0 : i32
    return %c0_i32, %c0_i32_0 : i32, i32
  }
  func.func @transform_6(%arg0: i32) -> (i32, i32) {
    %c0_i32 = arith.constant 0 : i32
    %c0_i32_0 = arith.constant 0 : i32
    %c0_i32_1 = arith.constant 0 : i32
    return %c0_i32, %c0_i32_0 : i32, i32
  }
  func.func @transform_7(%arg0: i32) -> (i32, i32) {
    %c0_i32 = arith.constant 0 : i32
    %c0_i32_0 = arith.constant 0 : i32
    %c0_i32_1 = arith.constant 0 : i32
    return %c0_i32, %c0_i32_0 : i32, i32
  }
  func.func @transform_8(%arg0: i32) -> (i32, i32) {
    %c0_i32 = arith.constant 0 : i32
    %c0_i32_0 = arith.constant 0 : i32
    return %arg0, %c0_i32 : i32, i32
  }
}

module attributes {stable_mosaic.version = 14 : i64} {
  func.func @_sage_a_body(%arg0: i32, %arg1: memref<2x1000x128xf32, #tpu.memory_space<vmem>>, %arg2: memref<2x1000x128xf32, #tpu.memory_space<vmem>>, %arg3: memref<1000x128xf32, #tpu.memory_space<vmem>>, %arg4: memref<128x128xf32, #tpu.memory_space<vmem>>, %arg5: memref<1x128xf32, #tpu.memory_space<vmem>>, %arg6: memref<128x128xf32, #tpu.memory_space<vmem>>, %arg7: memref<1000x128xf32, #tpu.memory_space<vmem>>, %arg8: memref<1x128xf32, #tpu.memory_space<vmem>>, %arg9: memref<1x128xf32, #tpu.memory_space<vmem>>) attributes {dimension_semantics = [#tpu.dimension_semantics<arbitrary>], iteration_bounds = array<i64: 10>, scalar_prefetch = 0 : i64, scratch_operands = 0 : i64, tpu.core_type = #tpu.core_type<tc>, window_params = [{transform_indices = @transform_0, window_bounds = array<i64: 2, 1000, 128>}, {transform_indices = @transform_1, window_bounds = array<i64: 2, 1000, 128>}, {transform_indices = @transform_2, window_bounds = array<i64: 1000, 128>}, {pipeline_mode = #tpu.pipeline_mode<synchronous>, transform_indices = @transform_3, window_bounds = array<i64: 128, 128>}, {pipeline_mode = #tpu.pipeline_mode<synchronous>, transform_indices = @transform_4, window_bounds = array<i64: 1, 128>}, {pipeline_mode = #tpu.pipeline_mode<synchronous>, transform_indices = @transform_5, window_bounds = array<i64: 128, 128>}, {transform_indices = @transform_6, window_bounds = array<i64: 1000, 128>}, {pipeline_mode = #tpu.pipeline_mode<synchronous>, transform_indices = @transform_7, window_bounds = array<i64: 1, 128>}, {pipeline_mode = #tpu.pipeline_mode<synchronous>, transform_indices = @transform_8, window_bounds = array<i64: 1, 128>}]} {
    %get3A = arith.constant 0 : index
    %get3A_0 = arith.constant 0 : index
    %get3A_1 = arith.constant 0 : index
    %get3A_2 = vector.load %arg1[%get3A, %get3A_0, %get3A_1] : memref<2x1000x128xf32, #tpu.memory_space<vmem>>, vector<1x1000x128xf32>
    %get3A_3 = vector.shape_cast %get3A_2 : vector<1x1000x128xf32> to vector<1000x128xf32>
    %get3A_4 = arith.constant 1 : index
    %get3A_5 = arith.constant 0 : index
    %get3A_6 = arith.constant 0 : index
    %get3A_7 = vector.load %arg1[%get3A_4, %get3A_5, %get3A_6] : memref<2x1000x128xf32, #tpu.memory_space<vmem>>, vector<1x1000x128xf32>
    %get3A_8 = vector.shape_cast %get3A_7 : vector<1x1000x128xf32> to vector<1000x128xf32>
    %add3A = arith.addf %get3A_3, %get3A_8 : vector<1000x128xf32>
    %get3A_9 = arith.constant 0 : index
    %get3A_10 = arith.constant 0 : index
    %get3A_11 = arith.constant 0 : index
    %get3A_12 = vector.load %arg2[%get3A_9, %get3A_10, %get3A_11] : memref<2x1000x128xf32, #tpu.memory_space<vmem>>, vector<1x1000x128xf32>
    %get3A_13 = vector.shape_cast %get3A_12 : vector<1x1000x128xf32> to vector<1000x128xf32>
    %get3A_14 = arith.constant 1 : index
    %get3A_15 = arith.constant 0 : index
    %get3A_16 = arith.constant 0 : index
    %get3A_17 = vector.load %arg2[%get3A_14, %get3A_15, %get3A_16] : memref<2x1000x128xf32, #tpu.memory_space<vmem>>, vector<1x1000x128xf32>
    %get3A_18 = vector.shape_cast %get3A_17 : vector<1x1000x128xf32> to vector<1000x128xf32>
    %add3A_19 = arith.addf %get3A_13, %get3A_18 : vector<1000x128xf32>
    %max3A = arith.constant 1.000000e+00 : f32
    %max3A_20 = vector.broadcast %max3A : f32 to vector<1000x128xf32>
    %max3A_21 = arith.maximumf %add3A_19, %max3A_20 : vector<1000x128xf32>
    %div3A = arith.constant 1.000000e+00 : f32
    %div3A_22 = vector.broadcast %div3A : f32 to vector<1000x128xf32>
    %div3A_23 = arith.divf %div3A_22, %max3A_21 : vector<1000x128xf32>
    %mul3A = arith.mulf %add3A, %div3A_23 : vector<1000x128xf32>
    %get3A_24 = arith.constant 0 : index
    %get3A_25 = arith.constant 0 : index
    %get3A_26 = vector.load %arg4[%get3A_24, %get3A_25] : memref<128x128xf32, #tpu.memory_space<vmem>>, vector<128x128xf32>
    %dot_general3A = arith.constant dense<0.000000e+00> : vector<1000x128xf32>
    %dot_general3A_27 = tpu.matmul %mul3A, %get3A_26, %dot_general3A {dimension_numbers = #tpu.dot_dimension_numbers<[1], [0], [0], [1], [0, 0, 1, 1], [], []>, precision = #tpu.contract_precision<fp32>, transpose_lhs_hint = false} : vector<1000x128xf32>, vector<128x128xf32>, vector<1000x128xf32> -> vector<1000x128xf32>
    %get3A_28 = arith.constant 0 : index
    %get3A_29 = arith.constant 0 : index
    %get3A_30 = vector.load %arg5[%get3A_28, %get3A_29] : memref<1x128xf32, #tpu.memory_space<vmem>>, vector<1x128xf32>
    %add3A_31 = vector.broadcast %get3A_30 : vector<1x128xf32> to vector<1000x128xf32>
    %add3A_32 = arith.addf %dot_general3A_27, %add3A_31 : vector<1000x128xf32>
    %get3A_33 = arith.constant 0 : index
    %get3A_34 = arith.constant 0 : index
    %get3A_35 = vector.load %arg3[%get3A_33, %get3A_34] : memref<1000x128xf32, #tpu.memory_space<vmem>>, vector<1000x128xf32>
    %get3A_36 = arith.constant 0 : index
    %get3A_37 = arith.constant 0 : index
    %get3A_38 = vector.load %arg6[%get3A_36, %get3A_37] : memref<128x128xf32, #tpu.memory_space<vmem>>, vector<128x128xf32>
    %dot_general3A_39 = arith.constant dense<0.000000e+00> : vector<1000x128xf32>
    %dot_general3A_40 = tpu.matmul %get3A_35, %get3A_38, %dot_general3A_39 {dimension_numbers = #tpu.dot_dimension_numbers<[1], [0], [0], [1], [0, 0, 1, 1], [], []>, precision = #tpu.contract_precision<fp32>, transpose_lhs_hint = false} : vector<1000x128xf32>, vector<128x128xf32>, vector<1000x128xf32> -> vector<1000x128xf32>
    %add3A_41 = arith.addf %add3A_32, %dot_general3A_40 : vector<1000x128xf32>
    %mul3A_42 = arith.mulf %add3A_41, %add3A_41 : vector<1000x128xf32>
    %reduce_sum3A = arith.constant dense<0.000000e+00> : vector<1000xf32>
    %reduce_sum3A_43 = vector.multi_reduction <add>, %mul3A_42, %reduce_sum3A [1] : vector<1000x128xf32> to vector<1000xf32>
    %broadcast_in_dim3A = vector.shape_cast %reduce_sum3A_43 : vector<1000xf32> to vector<1000x1xf32>
    %sqrt3A = math.sqrt %broadcast_in_dim3A : vector<1000x1xf32>
    %max3A_44 = arith.constant 9.99999996E-13 : f32
    %max3A_45 = vector.broadcast %max3A_44 : f32 to vector<1000x1xf32>
    %max3A_46 = arith.maximumf %sqrt3A, %max3A_45 : vector<1000x1xf32>
    %div3A_47 = vector.broadcast %max3A_46 : vector<1000x1xf32> to vector<1000x128xf32>
    %div3A_48 = arith.divf %add3A_41, %div3A_47 : vector<1000x128xf32>
    %swap3A = arith.constant 0 : index
    %swap3A_49 = arith.constant 0 : index
    %swap3A_50 = vector.load %arg7[%swap3A, %swap3A_49] : memref<1000x128xf32, #tpu.memory_space<vmem>>, vector<1000x128xf32>
    tpu.vector_store %arg7[%swap3A, %swap3A_49], %div3A_48 {strides = array<i32>} : memref<1000x128xf32, #tpu.memory_space<vmem>>, vector<1000x128xf32>,
    %reduce_sum3A_51 = arith.constant dense<0.000000e+00> : vector<128xf32>
    %reduce_sum3A_52 = vector.multi_reduction <add>, %div3A_48, %reduce_sum3A_51 [0] : vector<1000x128xf32> to vector<128xf32>
    %broadcast_in_dim3A_53 = vector.shape_cast %reduce_sum3A_52 : vector<128xf32> to vector<1x128xf32>
    %mul3A_54 = arith.mulf %div3A_48, %div3A_48 : vector<1000x128xf32>
    %reduce_sum3A_55 = arith.constant dense<0.000000e+00> : vector<128xf32>
    %reduce_sum3A_56 = vector.multi_reduction <add>, %mul3A_54, %reduce_sum3A_55 [0] : vector<1000x128xf32> to vector<128xf32>
    %broadcast_in_dim3A_57 = vector.shape_cast %reduce_sum3A_56 : vector<128xf32> to vector<1x128xf32>
    %eq3A = arith.constant 0 : i32
    %eq3A_58 = arith.cmpi eq, %arg0, %eq3A : i32
    %convert_element_type3A = arith.extui %eq3A_58 : i1 to i32
    %cond3A = arith.constant 0 : i32
    %cond3A_59 = arith.cmpi ne, %convert_element_type3A, %cond3A : i32
    scf.if %cond3A_59 {
      %swap3A_64 = arith.constant 0 : index
      %swap3A_65 = arith.constant 0 : index
      %swap3A_66 = vector.load %arg8[%swap3A_64, %swap3A_65] : memref<1x128xf32, #tpu.memory_space<vmem>>, vector<1x128xf32>
      tpu.vector_store %arg8[%swap3A_64, %swap3A_65], %broadcast_in_dim3A_53 {strides = array<i32>} : memref<1x128xf32, #tpu.memory_space<vmem>>, vector<1x128xf32>,
      %swap3A_67 = arith.constant 0 : index
      %swap3A_68 = arith.constant 0 : index
      %swap3A_69 = vector.load %arg9[%swap3A_67, %swap3A_68] : memref<1x128xf32, #tpu.memory_space<vmem>>, vector<1x128xf32>
      tpu.vector_store %arg9[%swap3A_67, %swap3A_68], %broadcast_in_dim3A_57 {strides = array<i32>} : memref<1x128xf32, #tpu.memory_space<vmem>>, vector<1x128xf32>,
    } else {
    }
    %gt3A = arith.constant 0 : i32
    %gt3A_60 = arith.cmpi sgt, %arg0, %gt3A : i32
    %convert_element_type3A_61 = arith.extui %gt3A_60 : i1 to i32
    %cond3A_62 = arith.constant 0 : i32
    %cond3A_63 = arith.cmpi ne, %convert_element_type3A_61, %cond3A_62 : i32
    scf.if %cond3A_63 {
      %get3A_64 = arith.constant 0 : index
      %get3A_65 = arith.constant 0 : index
      %get3A_66 = vector.load %arg8[%get3A_64, %get3A_65] : memref<1x128xf32, #tpu.memory_space<vmem>>, vector<1x128xf32>
      %add3A_67 = arith.addf %get3A_66, %broadcast_in_dim3A_53 : vector<1x128xf32>
      %swap3A_68 = arith.constant 0 : index
      %swap3A_69 = arith.constant 0 : index
      %swap3A_70 = vector.load %arg8[%swap3A_68, %swap3A_69] : memref<1x128xf32, #tpu.memory_space<vmem>>, vector<1x128xf32>
      tpu.vector_store %arg8[%swap3A_68, %swap3A_69], %add3A_67 {strides = array<i32>} : memref<1x128xf32, #tpu.memory_space<vmem>>, vector<1x128xf32>,
      %get3A_71 = arith.constant 0 : index
      %get3A_72 = arith.constant 0 : index
      %get3A_73 = vector.load %arg9[%get3A_71, %get3A_72] : memref<1x128xf32, #tpu.memory_space<vmem>>, vector<1x128xf32>
      %add3A_74 = arith.addf %get3A_73, %broadcast_in_dim3A_57 : vector<1x128xf32>
      %swap3A_75 = arith.constant 0 : index
      %swap3A_76 = arith.constant 0 : index
      %swap3A_77 = vector.load %arg9[%swap3A_75, %swap3A_76] : memref<1x128xf32, #tpu.memory_space<vmem>>, vector<1x128xf32>
      tpu.vector_store %arg9[%swap3A_75, %swap3A_76], %add3A_74 {strides = array<i32>} : memref<1x128xf32, #tpu.memory_space<vmem>>, vector<1x128xf32>,
    } else {
    }
    return
  }
  func.func @transform_0(%arg0: i32) -> (i32, i32, i32) {
    %c0_i32 = arith.constant 0 : i32
    %c0_i32_0 = arith.constant 0 : i32
    %c0_i32_1 = arith.constant 0 : i32
    return %c0_i32, %arg0, %c0_i32_0 : i32, i32, i32
  }
  func.func @transform_1(%arg0: i32) -> (i32, i32, i32) {
    %c0_i32 = arith.constant 0 : i32
    %c0_i32_0 = arith.constant 0 : i32
    %c0_i32_1 = arith.constant 0 : i32
    return %c0_i32, %arg0, %c0_i32_0 : i32, i32, i32
  }
  func.func @transform_2(%arg0: i32) -> (i32, i32) {
    %c0_i32 = arith.constant 0 : i32
    %c0_i32_0 = arith.constant 0 : i32
    return %arg0, %c0_i32 : i32, i32
  }
  func.func @transform_3(%arg0: i32) -> (i32, i32) {
    %c0_i32 = arith.constant 0 : i32
    %c0_i32_0 = arith.constant 0 : i32
    %c0_i32_1 = arith.constant 0 : i32
    return %c0_i32, %c0_i32_0 : i32, i32
  }
  func.func @transform_4(%arg0: i32) -> (i32, i32) {
    %c0_i32 = arith.constant 0 : i32
    %c0_i32_0 = arith.constant 0 : i32
    %c0_i32_1 = arith.constant 0 : i32
    return %c0_i32, %c0_i32_0 : i32, i32
  }
  func.func @transform_5(%arg0: i32) -> (i32, i32) {
    %c0_i32 = arith.constant 0 : i32
    %c0_i32_0 = arith.constant 0 : i32
    %c0_i32_1 = arith.constant 0 : i32
    return %c0_i32, %c0_i32_0 : i32, i32
  }
  func.func @transform_6(%arg0: i32) -> (i32, i32) {
    %c0_i32 = arith.constant 0 : i32
    %c0_i32_0 = arith.constant 0 : i32
    return %arg0, %c0_i32 : i32, i32
  }
  func.func @transform_7(%arg0: i32) -> (i32, i32) {
    %c0_i32 = arith.constant 0 : i32
    %c0_i32_0 = arith.constant 0 : i32
    %c0_i32_1 = arith.constant 0 : i32
    return %c0_i32, %c0_i32_0 : i32, i32
  }
  func.func @transform_8(%arg0: i32) -> (i32, i32) {
    %c0_i32 = arith.constant 0 : i32
    %c0_i32_0 = arith.constant 0 : i32
    %c0_i32_1 = arith.constant 0 : i32
    return %c0_i32, %c0_i32_0 : i32, i32
  }
}

module attributes {stable_mosaic.version = 14 : i64} {
  func.func @_sage_b_body(%arg0: i32, %arg1: memref<1000x128xf32, #tpu.memory_space<vmem>>, %arg2: memref<1x128xf32, #tpu.memory_space<vmem>>, %arg3: memref<1x128xf32, #tpu.memory_space<vmem>>, %arg4: memref<1x128xf32, #tpu.memory_space<vmem>>, %arg5: memref<1x128xf32, #tpu.memory_space<vmem>>, %arg6: memref<1000x128xf32, #tpu.memory_space<vmem>>) attributes {dimension_semantics = [#tpu.dimension_semantics<arbitrary>], iteration_bounds = array<i64: 10>, scalar_prefetch = 0 : i64, scratch_operands = 0 : i64, tpu.core_type = #tpu.core_type<tc>, window_params = [{transform_indices = @transform_0, window_bounds = array<i64: 1000, 128>}, {pipeline_mode = #tpu.pipeline_mode<synchronous>, transform_indices = @transform_1, window_bounds = array<i64: 1, 128>}, {pipeline_mode = #tpu.pipeline_mode<synchronous>, transform_indices = @transform_2, window_bounds = array<i64: 1, 128>}, {pipeline_mode = #tpu.pipeline_mode<synchronous>, transform_indices = @transform_3, window_bounds = array<i64: 1, 128>}, {pipeline_mode = #tpu.pipeline_mode<synchronous>, transform_indices = @transform_4, window_bounds = array<i64: 1, 128>}, {transform_indices = @transform_5, window_bounds = array<i64: 1000, 128>}]} {
    %get3A = arith.constant 0 : index
    %get3A_0 = arith.constant 0 : index
    %get3A_1 = vector.load %arg1[%get3A, %get3A_0] : memref<1000x128xf32, #tpu.memory_space<vmem>>, vector<1000x128xf32>
    %get3A_2 = arith.constant 0 : index
    %get3A_3 = arith.constant 0 : index
    %get3A_4 = vector.load %arg2[%get3A_2, %get3A_3] : memref<1x128xf32, #tpu.memory_space<vmem>>, vector<1x128xf32>
    %div3A = arith.constant 1.000000e+04 : f32
    %div3A_5 = vector.broadcast %div3A : f32 to vector<1x128xf32>
    %div3A_6 = arith.divf %get3A_4, %div3A_5 : vector<1x128xf32>
    %get3A_7 = arith.constant 0 : index
    %get3A_8 = arith.constant 0 : index
    %get3A_9 = vector.load %arg3[%get3A_7, %get3A_8] : memref<1x128xf32, #tpu.memory_space<vmem>>, vector<1x128xf32>
    %div3A_10 = arith.constant 1.000000e+04 : f32
    %div3A_11 = vector.broadcast %div3A_10 : f32 to vector<1x128xf32>
    %div3A_12 = arith.divf %get3A_9, %div3A_11 : vector<1x128xf32>
    %mul3A = arith.mulf %div3A_6, %div3A_6 : vector<1x128xf32>
    %sub3A = arith.subf %div3A_12, %mul3A : vector<1x128xf32>
    %sub3A_13 = vector.broadcast %div3A_6 : vector<1x128xf32> to vector<1000x128xf32>
    %sub3A_14 = arith.subf %get3A_1, %sub3A_13 : vector<1000x128xf32>
    %add3A = arith.constant 9.99999974E-6 : f32
    %add3A_15 = vector.broadcast %add3A : f32 to vector<1x128xf32>
    %add3A_16 = arith.addf %sub3A, %add3A_15 : vector<1x128xf32>
    %rsqrt3A = math.rsqrt %add3A_16 : vector<1x128xf32>
    %mul3A_17 = vector.broadcast %rsqrt3A : vector<1x128xf32> to vector<1000x128xf32>
    %mul3A_18 = arith.mulf %sub3A_14, %mul3A_17 : vector<1000x128xf32>
    %get3A_19 = arith.constant 0 : index
    %get3A_20 = arith.constant 0 : index
    %get3A_21 = vector.load %arg4[%get3A_19, %get3A_20] : memref<1x128xf32, #tpu.memory_space<vmem>>, vector<1x128xf32>
    %mul3A_22 = vector.broadcast %get3A_21 : vector<1x128xf32> to vector<1000x128xf32>
    %mul3A_23 = arith.mulf %mul3A_18, %mul3A_22 : vector<1000x128xf32>
    %get3A_24 = arith.constant 0 : index
    %get3A_25 = arith.constant 0 : index
    %get3A_26 = vector.load %arg5[%get3A_24, %get3A_25] : memref<1x128xf32, #tpu.memory_space<vmem>>, vector<1x128xf32>
    %add3A_27 = vector.broadcast %get3A_26 : vector<1x128xf32> to vector<1000x128xf32>
    %add3A_28 = arith.addf %mul3A_23, %add3A_27 : vector<1000x128xf32>
    %max3A = arith.constant 0.000000e+00 : f32
    %max3A_29 = vector.broadcast %max3A : f32 to vector<1000x128xf32>
    %max3A_30 = arith.maximumf %add3A_28, %max3A_29 : vector<1000x128xf32>
    %swap3A = arith.constant 0 : index
    %swap3A_31 = arith.constant 0 : index
    %swap3A_32 = vector.load %arg6[%swap3A, %swap3A_31] : memref<1000x128xf32, #tpu.memory_space<vmem>>, vector<1000x128xf32>
    tpu.vector_store %arg6[%swap3A, %swap3A_31], %max3A_30 {strides = array<i32>} : memref<1000x128xf32, #tpu.memory_space<vmem>>, vector<1000x128xf32>,
    return
  }
  func.func @transform_0(%arg0: i32) -> (i32, i32) {
    %c0_i32 = arith.constant 0 : i32
    %c0_i32_0 = arith.constant 0 : i32
    return %arg0, %c0_i32 : i32, i32
  }
  func.func @transform_1(%arg0: i32) -> (i32, i32) {
    %c0_i32 = arith.constant 0 : i32
    %c0_i32_0 = arith.constant 0 : i32
    %c0_i32_1 = arith.constant 0 : i32
    return %c0_i32, %c0_i32_0 : i32, i32
  }
  func.func @transform_2(%arg0: i32) -> (i32, i32) {
    %c0_i32 = arith.constant 0 : i32
    %c0_i32_0 = arith.constant 0 : i32
    %c0_i32_1 = arith.constant 0 : i32
    return %c0_i32, %c0_i32_0 : i32, i32
  }
  func.func @transform_3(%arg0: i32) -> (i32, i32) {
    %c0_i32 = arith.constant 0 : i32
    %c0_i32_0 = arith.constant 0 : i32
    %c0_i32_1 = arith.constant 0 : i32
    return %c0_i32, %c0_i32_0 : i32, i32
  }
  func.func @transform_4(%arg0: i32) -> (i32, i32) {
    %c0_i32 = arith.constant 0 : i32
    %c0_i32_0 = arith.constant 0 : i32
    %c0_i32_1 = arith.constant 0 : i32
    return %c0_i32, %c0_i32_0 : i32, i32
  }
  func.func @transform_5(%arg0: i32) -> (i32, i32) {
    %c0_i32 = arith.constant 0 : i32
    %c0_i32_0 = arith.constant 0 : i32
    return %arg0, %c0_i32 : i32, i32
  }
}

module attributes {stable_mosaic.version = 14 : i64} {
  func.func @_tc5b_body(%arg0: i32, %arg1: memref<1000x128xf32, #tpu.memory_space<vmem>>, %arg2: memref<1x128xf32, #tpu.memory_space<vmem>>, %arg3: memref<1x128xf32, #tpu.memory_space<vmem>>, %arg4: memref<1x128xf32, #tpu.memory_space<vmem>>, %arg5: memref<1x128xf32, #tpu.memory_space<vmem>>, %arg6: memref<128x64xf32, #tpu.memory_space<vmem>>, %arg7: memref<1x64xf32, #tpu.memory_space<vmem>>, %arg8: memref<1000x128xf32, #tpu.memory_space<vmem>>, %arg9: memref<1000x64xf32, #tpu.memory_space<vmem>>) attributes {dimension_semantics = [#tpu.dimension_semantics<arbitrary>], iteration_bounds = array<i64: 10>, scalar_prefetch = 0 : i64, scratch_operands = 0 : i64, tpu.core_type = #tpu.core_type<tc>, window_params = [{transform_indices = @transform_0, window_bounds = array<i64: 1000, 128>}, {pipeline_mode = #tpu.pipeline_mode<synchronous>, transform_indices = @transform_1, window_bounds = array<i64: 1, 128>}, {pipeline_mode = #tpu.pipeline_mode<synchronous>, transform_indices = @transform_2, window_bounds = array<i64: 1, 128>}, {pipeline_mode = #tpu.pipeline_mode<synchronous>, transform_indices = @transform_3, window_bounds = array<i64: 1, 128>}, {pipeline_mode = #tpu.pipeline_mode<synchronous>, transform_indices = @transform_4, window_bounds = array<i64: 1, 128>}, {pipeline_mode = #tpu.pipeline_mode<synchronous>, transform_indices = @transform_5, window_bounds = array<i64: 128, 64>}, {pipeline_mode = #tpu.pipeline_mode<synchronous>, transform_indices = @transform_6, window_bounds = array<i64: 1, 64>}, {transform_indices = @transform_7, window_bounds = array<i64: 1000, 128>}, {transform_indices = @transform_8, window_bounds = array<i64: 1000, 64>}]} {
    %get3A = arith.constant 0 : index
    %get3A_0 = arith.constant 0 : index
    %get3A_1 = vector.load %arg1[%get3A, %get3A_0] : memref<1000x128xf32, #tpu.memory_space<vmem>>, vector<1000x128xf32>
    %get3A_2 = arith.constant 0 : index
    %get3A_3 = arith.constant 0 : index
    %get3A_4 = vector.load %arg2[%get3A_2, %get3A_3] : memref<1x128xf32, #tpu.memory_space<vmem>>, vector<1x128xf32>
    %div3A = arith.constant 1.000000e+04 : f32
    %div3A_5 = vector.broadcast %div3A : f32 to vector<1x128xf32>
    %div3A_6 = arith.divf %get3A_4, %div3A_5 : vector<1x128xf32>
    %get3A_7 = arith.constant 0 : index
    %get3A_8 = arith.constant 0 : index
    %get3A_9 = vector.load %arg3[%get3A_7, %get3A_8] : memref<1x128xf32, #tpu.memory_space<vmem>>, vector<1x128xf32>
    %div3A_10 = arith.constant 1.000000e+04 : f32
    %div3A_11 = vector.broadcast %div3A_10 : f32 to vector<1x128xf32>
    %div3A_12 = arith.divf %get3A_9, %div3A_11 : vector<1x128xf32>
    %mul3A = arith.mulf %div3A_6, %div3A_6 : vector<1x128xf32>
    %sub3A = arith.subf %div3A_12, %mul3A : vector<1x128xf32>
    %sub3A_13 = vector.broadcast %div3A_6 : vector<1x128xf32> to vector<1000x128xf32>
    %sub3A_14 = arith.subf %get3A_1, %sub3A_13 : vector<1000x128xf32>
    %add3A = arith.constant 9.99999974E-6 : f32
    %add3A_15 = vector.broadcast %add3A : f32 to vector<1x128xf32>
    %add3A_16 = arith.addf %sub3A, %add3A_15 : vector<1x128xf32>
    %rsqrt3A = math.rsqrt %add3A_16 : vector<1x128xf32>
    %mul3A_17 = vector.broadcast %rsqrt3A : vector<1x128xf32> to vector<1000x128xf32>
    %mul3A_18 = arith.mulf %sub3A_14, %mul3A_17 : vector<1000x128xf32>
    %get3A_19 = arith.constant 0 : index
    %get3A_20 = arith.constant 0 : index
    %get3A_21 = vector.load %arg4[%get3A_19, %get3A_20] : memref<1x128xf32, #tpu.memory_space<vmem>>, vector<1x128xf32>
    %mul3A_22 = vector.broadcast %get3A_21 : vector<1x128xf32> to vector<1000x128xf32>
    %mul3A_23 = arith.mulf %mul3A_18, %mul3A_22 : vector<1000x128xf32>
    %get3A_24 = arith.constant 0 : index
    %get3A_25 = arith.constant 0 : index
    %get3A_26 = vector.load %arg5[%get3A_24, %get3A_25] : memref<1x128xf32, #tpu.memory_space<vmem>>, vector<1x128xf32>
    %add3A_27 = vector.broadcast %get3A_26 : vector<1x128xf32> to vector<1000x128xf32>
    %add3A_28 = arith.addf %mul3A_23, %add3A_27 : vector<1000x128xf32>
    %max3A = arith.constant 0.000000e+00 : f32
    %max3A_29 = vector.broadcast %max3A : f32 to vector<1000x128xf32>
    %max3A_30 = arith.maximumf %add3A_28, %max3A_29 : vector<1000x128xf32>
    %swap3A = arith.constant 0 : index
    %swap3A_31 = arith.constant 0 : index
    %swap3A_32 = vector.load %arg8[%swap3A, %swap3A_31] : memref<1000x128xf32, #tpu.memory_space<vmem>>, vector<1000x128xf32>
    tpu.vector_store %arg8[%swap3A, %swap3A_31], %max3A_30 {strides = array<i32>} : memref<1000x128xf32, #tpu.memory_space<vmem>>, vector<1000x128xf32>,
    %get3A_33 = arith.constant 0 : index
    %get3A_34 = arith.constant 0 : index
    %get3A_35 = vector.load %arg6[%get3A_33, %get3A_34] : memref<128x64xf32, #tpu.memory_space<vmem>>, vector<128x64xf32>
    %dot_general3A = arith.constant dense<0.000000e+00> : vector<1000x64xf32>
    %dot_general3A_36 = tpu.matmul %max3A_30, %get3A_35, %dot_general3A {dimension_numbers = #tpu.dot_dimension_numbers<[1], [0], [0], [1], [0, 0, 1, 1], [], []>, precision = #tpu.contract_precision<fp32>, transpose_lhs_hint = false} : vector<1000x128xf32>, vector<128x64xf32>, vector<1000x64xf32> -> vector<1000x64xf32>
    %get3A_37 = arith.constant 0 : index
    %get3A_38 = arith.constant 0 : index
    %get3A_39 = vector.load %arg7[%get3A_37, %get3A_38] : memref<1x64xf32, #tpu.memory_space<vmem>>, vector<1x64xf32>
    %add3A_40 = vector.broadcast %get3A_39 : vector<1x64xf32> to vector<1000x64xf32>
    %add3A_41 = arith.addf %dot_general3A_36, %add3A_40 : vector<1000x64xf32>
    %swap3A_42 = arith.constant 0 : index
    %swap3A_43 = arith.constant 0 : index
    %swap3A_44 = vector.load %arg9[%swap3A_42, %swap3A_43] : memref<1000x64xf32, #tpu.memory_space<vmem>>, vector<1000x64xf32>
    tpu.vector_store %arg9[%swap3A_42, %swap3A_43], %add3A_41 {strides = array<i32>} : memref<1000x64xf32, #tpu.memory_space<vmem>>, vector<1000x64xf32>,
    return
  }
  func.func @transform_0(%arg0: i32) -> (i32, i32) {
    %c0_i32 = arith.constant 0 : i32
    %c0_i32_0 = arith.constant 0 : i32
    return %arg0, %c0_i32 : i32, i32
  }
  func.func @transform_1(%arg0: i32) -> (i32, i32) {
    %c0_i32 = arith.constant 0 : i32
    %c0_i32_0 = arith.constant 0 : i32
    %c0_i32_1 = arith.constant 0 : i32
    return %c0_i32, %c0_i32_0 : i32, i32
  }
  func.func @transform_2(%arg0: i32) -> (i32, i32) {
    %c0_i32 = arith.constant 0 : i32
    %c0_i32_0 = arith.constant 0 : i32
    %c0_i32_1 = arith.constant 0 : i32
    return %c0_i32, %c0_i32_0 : i32, i32
  }
  func.func @transform_3(%arg0: i32) -> (i32, i32) {
    %c0_i32 = arith.constant 0 : i32
    %c0_i32_0 = arith.constant 0 : i32
    %c0_i32_1 = arith.constant 0 : i32
    return %c0_i32, %c0_i32_0 : i32, i32
  }
  func.func @transform_4(%arg0: i32) -> (i32, i32) {
    %c0_i32 = arith.constant 0 : i32
    %c0_i32_0 = arith.constant 0 : i32
    %c0_i32_1 = arith.constant 0 : i32
    return %c0_i32, %c0_i32_0 : i32, i32
  }
  func.func @transform_5(%arg0: i32) -> (i32, i32) {
    %c0_i32 = arith.constant 0 : i32
    %c0_i32_0 = arith.constant 0 : i32
    %c0_i32_1 = arith.constant 0 : i32
    return %c0_i32, %c0_i32_0 : i32, i32
  }
  func.func @transform_6(%arg0: i32) -> (i32, i32) {
    %c0_i32 = arith.constant 0 : i32
    %c0_i32_0 = arith.constant 0 : i32
    %c0_i32_1 = arith.constant 0 : i32
    return %c0_i32, %c0_i32_0 : i32, i32
  }
  func.func @transform_7(%arg0: i32) -> (i32, i32) {
    %c0_i32 = arith.constant 0 : i32
    %c0_i32_0 = arith.constant 0 : i32
    return %arg0, %c0_i32 : i32, i32
  }
  func.func @transform_8(%arg0: i32) -> (i32, i32) {
    %c0_i32 = arith.constant 0 : i32
    %c0_i32_0 = arith.constant 0 : i32
    return %arg0, %c0_i32 : i32, i32
  }
}

module attributes {stable_mosaic.version = 14 : i64} {
  func.func @_tc6_body(%arg0: i32, %arg1: memref<2x1000x128xf32, #tpu.memory_space<vmem>>, %arg2: memref<128x64xf32, #tpu.memory_space<vmem>>, %arg3: memref<1000x64xf32, #tpu.memory_space<vmem>>, %arg4: memref<1000x64xf32, #tpu.memory_space<vmem>>) attributes {dimension_semantics = [#tpu.dimension_semantics<arbitrary>], iteration_bounds = array<i64: 10>, scalar_prefetch = 0 : i64, scratch_operands = 0 : i64, tpu.core_type = #tpu.core_type<tc>, window_params = [{transform_indices = @transform_0, window_bounds = array<i64: 2, 1000, 128>}, {pipeline_mode = #tpu.pipeline_mode<synchronous>, transform_indices = @transform_1, window_bounds = array<i64: 128, 64>}, {transform_indices = @transform_2, window_bounds = array<i64: 1000, 64>}, {transform_indices = @transform_3, window_bounds = array<i64: 1000, 64>}]} {
    %get3A = arith.constant 0 : index
    %get3A_0 = arith.constant 0 : index
    %get3A_1 = arith.constant 0 : index
    %get3A_2 = vector.load %arg1[%get3A, %get3A_0, %get3A_1] : memref<2x1000x128xf32, #tpu.memory_space<vmem>>, vector<1x1000x128xf32>
    %get3A_3 = vector.shape_cast %get3A_2 : vector<1x1000x128xf32> to vector<1000x128xf32>
    %get3A_4 = arith.constant 1 : index
    %get3A_5 = arith.constant 0 : index
    %get3A_6 = arith.constant 0 : index
    %get3A_7 = vector.load %arg1[%get3A_4, %get3A_5, %get3A_6] : memref<2x1000x128xf32, #tpu.memory_space<vmem>>, vector<1x1000x128xf32>
    %get3A_8 = vector.shape_cast %get3A_7 : vector<1x1000x128xf32> to vector<1000x128xf32>
    %add3A = arith.addf %get3A_3, %get3A_8 : vector<1000x128xf32>
    %get3A_9 = arith.constant 0 : index
    %get3A_10 = arith.constant 0 : index
    %get3A_11 = vector.load %arg2[%get3A_9, %get3A_10] : memref<128x64xf32, #tpu.memory_space<vmem>>, vector<128x64xf32>
    %dot_general3A = arith.constant dense<0.000000e+00> : vector<1000x64xf32>
    %dot_general3A_12 = tpu.matmul %add3A, %get3A_11, %dot_general3A {dimension_numbers = #tpu.dot_dimension_numbers<[1], [0], [0], [1], [0, 0, 1, 1], [], []>, precision = #tpu.contract_precision<fp32>, transpose_lhs_hint = false} : vector<1000x128xf32>, vector<128x64xf32>, vector<1000x64xf32> -> vector<1000x64xf32>
    %get3A_13 = arith.constant 0 : index
    %get3A_14 = arith.constant 0 : index
    %get3A_15 = vector.load %arg3[%get3A_13, %get3A_14] : memref<1000x64xf32, #tpu.memory_space<vmem>>, vector<1000x64xf32>
    %add3A_16 = arith.addf %dot_general3A_12, %get3A_15 : vector<1000x64xf32>
    %swap3A = arith.constant 0 : index
    %swap3A_17 = arith.constant 0 : index
    %swap3A_18 = vector.load %arg4[%swap3A, %swap3A_17] : memref<1000x64xf32, #tpu.memory_space<vmem>>, vector<1000x64xf32>
    tpu.vector_store %arg4[%swap3A, %swap3A_17], %add3A_16 {strides = array<i32>} : memref<1000x64xf32, #tpu.memory_space<vmem>>, vector<1000x64xf32>,
    return
  }
  func.func @transform_0(%arg0: i32) -> (i32, i32, i32) {
    %c0_i32 = arith.constant 0 : i32
    %c0_i32_0 = arith.constant 0 : i32
    %c0_i32_1 = arith.constant 0 : i32
    return %c0_i32, %arg0, %c0_i32_0 : i32, i32, i32
  }
  func.func @transform_1(%arg0: i32) -> (i32, i32) {
    %c0_i32 = arith.constant 0 : i32
    %c0_i32_0 = arith.constant 0 : i32
    %c0_i32_1 = arith.constant 0 : i32
    return %c0_i32, %c0_i32_0 : i32, i32
  }
  func.func @transform_2(%arg0: i32) -> (i32, i32) {
    %c0_i32 = arith.constant 0 : i32
    %c0_i32_0 = arith.constant 0 : i32
    return %arg0, %c0_i32 : i32, i32
  }
  func.func @transform_3(%arg0: i32) -> (i32, i32) {
    %c0_i32 = arith.constant 0 : i32
    %c0_i32_0 = arith.constant 0 : i32
    return %arg0, %c0_i32 : i32, i32
  }
}

</mosaic_0001>

<sc_bundles>
// kernel: deg_count.3.cloned.1.call-start
scs
__scs_entry_jumppad:
0x0: {  	(pc) =	sbr.rel $0x88, $3  }
0x1: {  	(tag) =	ssettag $0x0;
	lr =	simm.s32 $0x1  }
0x2: {  	[smem:$0x3F8B] =	sst lr;
	_ =	strace $0xD0000000  }
0x3: {  	_ = 	snop  }
0x4: {  	_ = 	snop  }
0x5: {  	_ = 	snop  }
0x6: {  	_ = 	snop  }
0x7: {  	_ = 	snop  }
__scs_overlays_trampoline_lowered:
0x8: {  	[smem:$0x3F9A] =	sst s0  }
0x9: {  	[smem:$0x3F9B] =	sst s1  }
0xa: {  	[smem:$0x3F9C] =	sst s2  }
0xb: {  	[smem:$0x3F9D] =	sst s3  }
0xc: {  	[smem:$0x3F9E] =	sst s4  }
0xd: {  	[smem:$0x3F9F] =	sst s5  }
0xe: {  	[smem:$0x3FA0] =	sst s6  }
0xf: {  	[smem:$0x3FA1] =	sst s7  }
0x10: {  	[smem:$0x3FA2] =	sst s8  }
0x11: {  	[smem:$0x3FA3] =	sst s9;
	s0 =	simm.s32 @!p0 $0x0  }
0x12: {  	s1 =	sld [smem:$0x3F89];
	s0 =	simm.s32 @p0 $0x1  }
0x13: {  	[smem:$0x3FA4] =	sst s0;
	s0 =	simm.s32 @!p1 $0x0  }
0x14: {  	s2 =	sld [smem:$0x3F88];
	s0 =	simm.s32 @p1 $0x1  }
0x15: {  	[smem:$0x3FA5] =	sst s0;
	s0 =	simm.s32 @!p2 $0x0  }
0x16: {  	s3 =	sld [smem:$0x3FDB];
	s0 =	simm.s32 @p2 $0x1  }
0x17: {  	s4 =	simm.s32 $0x1BF5;
	[smem:$0x3FA7] =	sst s0  }
0x18: {  	s0 =	sld [smem:$0x3F8A];
	_ =	swait.ge [sflag:s4], $0x0  }
0x19: {  	s7 =	sld [smem:$0x3F8B]  }
0x1a: {  	s8 =	sadd.s32 $0xFFFFE003, lr  }
0x1b: {  	s9 =	sadd.s32 $0xFFFFFEF7, lr;
	s5 =	simm.s32 $0xFFFFFFFF;
	p2 =	slt.u32 s8, $0xFFFFF086  }
0x1c: {  	p1 =	slt.u32 s9, $0xF7A;
	s5 =	simm.s32 @!p2 $0x0  }
0x1d: {  	s5 =	simm.s32 @p1 $0x1;
	p0 =	seq.s32 s7, s2  }
0x1e: {  	s7 =	smul.u32 @!p0 $0xF7A, s2;
	p2 =	seq.s32 @!p0 s5, $0x0  }
0x1f: {  	s9 =	smul.u32 $0xF7A, s1;
	s8 =	simm.s32 @!p0 $0x1BF5;
	p2 =	por !p2, p0  }
0x20: {  	[sflag:s8] =	ssyncset.s32 @!p0 $0xFFFFF086;
	s6 =	sadd.s32 @!p0 s3, s7;
	s7 =	simm.s32 @!p0 $0x108  }
0x21: {  	s3 =	sadd.s32 s3, s9;
	s6 =	sadd.s32 @!p0 $0x88, s6;
	s7 =	simm.s32 @p2 $0x1082  }
0x22: {  	[simem:s7], [sflag:s8] =	dma.local @!p0 [hbm:s6], $0xF7A  }
0x23: {  	s9 =	sor.u32 $0xD0000000, s2;
	s6 =	simm.s32 $0x108;
	_ =	swait.ge @!p0 [sflag:s8], $0x0  }
0x24: {  	s3 =	sadd.s32 $0x88, s3;
	s6 =	simm.s32 @!p1 $0x1082;
	[sflag:s4] =	ssyncset.s32 $0xFFFFF086  }
0x25: {  	[simem:s6], [sflag:s4] =	dma.local [hbm:s3], $0xF7A  }
0x26: {  	[smem:$0x3F8B] =	sst s1;
	(tag) =	ssettag s2;
	_ =	strace s9  }
0x27: {  	s1 =	sld [smem:$0x3F9B]  }
0x28: {  	s2 =	sld [smem:$0x3F9C]  }
0x29: {  	s4 =	sld [smem:$0x3F9E]  }
0x2a: {  	p0 =	seq.s32 s5, $0x0;
	s5 =	sld [smem:$0x3F9F]  }
0x2b: {  	s6 =	sld [smem:$0x3FA0]  }
0x2c: {  	s7 =	sld [smem:$0x3FA1]  }
0x2d: {  	s3 =	simm.s32 $0x108;
	s8 =	sld [smem:$0x3FA2]  }
0x2e: {  	s3 =	simm.s32 @!p0 $0x1082;
	s9 =	sld [smem:$0x3FA3]  }
0x2f: {  	lr =	sadd.s32 s0, s3;
	s0 =	sld [smem:$0x3F9A]  }
0x30: {  	s3 =	sld [smem:$0x3F9D]  }
0x31: {  	[smem:$0x3FA6] =	sst s10  }
0x32: {  	s10 =	sld [smem:$0x3FA4];
	_ =	sdelay $0x3  }
0x33: {  	p0 =	seq.s32 s10, $0x1;
	s10 =	sld [smem:$0x3FA6];
	_ =	sdelay $0x3  }
0x34: {  	[smem:$0x3FA6] =	sst s10  }
0x35: {  	s10 =	sld [smem:$0x3FA5];
	_ =	sdelay $0x3  }
0x36: {  	p1 =	seq.s32 s10, $0x1;
	s10 =	sld [smem:$0x3FA6];
	_ =	sdelay $0x3  }
0x37: {  	[smem:$0x3FA6] =	sst s10  }
0x38: {  	s10 =	sld [smem:$0x3FA7]  }
0x39: {  	_ = 	snop;
	(pc) =	sbr.ind lr, $3  }
0x3a: {  	_ = 	snop  }
0x3b: {  	_ = 	snop  }
0x3c: {  	p2 =	seq.s32 s10, $0x1;
	s10 =	sld [smem:$0x3FA6]  }
0x3d: {  	_ =	shalt  }
0x3e: {  	_ =	shalt  }
0x3f: {  	_ =	shalt  }
0x40: {  	_ =	shalt  }
0x41: {  	_ =	shalt  }
0x42: {  	_ =	shalt  }
0x43: {  	_ =	shalt  }
0x44: {  	_ =	shalt  }
0x45: {  	_ =	shalt  }
0x46: {  	_ =	shalt  }
0x47: {  	_ =	shalt  }
0x48: {  	_ =	shalt  }
0x49: {  	_ =	shalt  }
0x4a: {  	_ =	shalt  }
0x4b: {  	_ =	shalt  }
0x4c: {  	_ =	shalt  }
0x4d: {  	_ =	shalt  }
0x4e: {  	_ =	shalt  }
0x4f: {  	_ =	shalt  }
0x50: {  	_ =	shalt  }
0x51: {  	_ =	shalt  }
0x52: {  	_ =	shalt  }
0x53: {  	_ =	shalt  }
0x54: {  	_ =	shalt  }
0x55: {  	_ =	shalt  }
0x56: {  	_ =	shalt  }
0x57: {  	_ =	shalt  }
0x58: {  	_ =	shalt  }
0x59: {  	_ =	shalt  }
0x5a: {  	_ =	shalt  }
0x5b: {  	_ =	shalt  }
0x5c: {  	_ =	shalt  }
0x5d: {  	_ =	shalt  }
0x5e: {  	_ =	shalt  }
0x5f: {  	_ =	shalt  }
0x60: {  	_ =	shalt  }
0x61: {  	_ =	shalt  }
0x62: {  	_ =	shalt  }
0x63: {  	_ =	shalt  }
0x64: {  	_ =	shalt  }
0x65: {  	_ =	shalt  }
0x66: {  	_ =	shalt  }
0x67: {  	_ =	shalt  }
0x68: {  	_ =	shalt  }
0x69: {  	_ =	shalt  }
0x6a: {  	_ =	shalt  }
0x6b: {  	_ =	shalt  }
0x6c: {  	_ =	shalt  }
0x6d: {  	_ =	shalt  }
0x6e: {  	_ =	shalt  }
0x6f: {  	_ =	shalt  }
0x70: {  	_ =	shalt  }
0x71: {  	_ =	shalt  }
0x72: {  	_ =	shalt  }
0x73: {  	_ =	shalt  }
0x74: {  	_ =	shalt  }
0x75: {  	_ =	shalt  }
0x76: {  	_ =	shalt  }
0x77: {  	_ =	shalt  }
0x78: {  	_ =	shalt  }
0x79: {  	_ =	shalt  }
0x7a: {  	_ =	shalt  }
0x7b: {  	_ =	shalt  }
0x7c: {  	_ =	shalt  }
0x7d: {  	_ =	shalt  }
0x7e: {  	_ =	shalt  }
0x7f: {  	_ =	shalt  }
0x80: {  	_ =	shalt  }
0x81: {  	_ =	shalt  }
0x82: {  	_ =	shalt  }
0x83: {  	_ =	shalt  }
0x84: {  	_ =	shalt  }
0x85: {  	_ =	shalt  }
0x86: {  	_ =	shalt  }
0x87: {  	_ =	shalt  }
.Lfunc_end0:
.L_simem_size_0:
called_computation_lowered:
.L_overlay_start_0:
0x88: {  	s2 =	sld [smem:$0x3FD9]  }
0x89: {  	s3 =	sld [smem:$0x3FFE];
	_ =	sdelay $0x1  }
0x8a: {  	s1 =	srdreg.scid  }
0x8b: {  	s0 =	sand.u32 $0x1, s1  }
0x8c: {  	s17 =	sshll.u32 s0, $0xA;
	s2 =	sadd.s32 s3, s2  }
0x8d: {  	s2 =	sadd.s32 s2, s17  }
0x8e: {  	[smem:$0x3FB2] =	sst s2  }
0x8f: {  	_ = 	snop  }
0x90: {  	s18 =	sld [smem:$0x3FD0];
	(tm) =	ssettm $0x1  }
0x91: {  	s19 =	sld [smem:$0x3FFB];
	_ =	sdelay $0x3  }
0x92: {  	_ =	strace s19  }
0x93: {  	s2 =	sld [smem:$0x3FFC];
	_ =	sdelay $0x3  }
0x94: {  	_ =	strace s2  }
0x95: {  	s2 =	sld [smem:$0x3FFD];
	_ =	sdelay $0x3  }
0x96: {  	_ =	strace s2  }
0x97: {  	_ =	strace $0x8FFFFFFF  }
0x98: {  	s20 =	sld [smem:$0x3FDB];
	_ =	sdelay $0x1  }
0x99: {  	s4 =	simm.s32 $_scs_section_size  }
0x9a: {  	s5 =	simm.s32 $_size__tile_overlayer_lowered;
	s6 =	simm.s32 $_tile_overlayer_lowered  }
0x9b: {  	s7 =	simm.s32 $0x1BFF;
	s21 =	sshll.u32 s6, $0x1;
	s4 =	sadd.s32 s4, s20  }
0x9c: {  	s22 =	simm.s32 $0x0;
	s5 =	sshll.u32 s5, $0x1;
	s6 =	sadd.s32 s21, s4  }
0x9d: {  	[timem:s22], [sflag:s7] =	dma.local [hbm:s6], s5  }
0x9e: {  	_ =	swait.ge [sflag:s7], s5  }
0x9f: {  	s5 =	ssub.s32 $0x0, s5;
	[sflag:s7] =	ssyncset.done $0x0  }
0xa0: {  	[sflag:s7] =	ssyncadd.s32 s5;
	_ =	sdelay $0x1  }
0xa1: {  	s23 =	simm.s32 $0x1B8B  }
0xa2: {  	_ =	swait.ge [sflag:s23], $0x1  }
0xa3: {  	[sflag:s23] =	ssyncset.done $0x0  }
0xa4: {  	[sflag:s23] =	ssyncadd.s32 $0xFFFFFFFF  }
0xa5: {  	s5 =	sld [smem:$0x0]  }
0xa6: {  	s6 =	sand.u32 $0xFFFFFFFE, s1  }
0xa7: {  	p0 =	sne.s32 s1, s6  }
0xa8: {  	s6 =	sshll.u32 @p0 s6, $0xE  }
0xa9: {  	s6 =	sadd.s32 @p0 $0x11B8D, s6;
	s7 =	sshll.u32 @p0 s5, $0x11  }
0xaa: {  	s6 =	sor.u32 @p0 s7, s6  }
0xab: {  	[sflag:s6] =	ssyncadd.remote.s32 @p0 $0x1;
	_ =	sdelay $0x1  }
0xac: {  	s6 =	simm.s32 @p0 $0x1B8D  }
0xad: {  	_ =	swait.eq @p0 [sflag:s6], $0x1  }
0xae: {  	[sflag:s6] =	ssyncadd.s32 @p0 $0xFFFFFFFF  }
0xaf: {  	s7 =	sshll.u32 @!p0 s1, $0xE  }
0xb0: {  	s7 =	sor.u32 @!p0 $0x4000, s7;
	s6 =	simm.s32 @!p0 $0x1B8D  }
0xb1: {  	s5 =	sshll.u32 @!p0 s5, $0x11;
	s7 =	sadd.s32 @!p0 $0x11B8D, s7;
	_ =	swait.eq @!p0 [sflag:s6], $0x1  }
0xb2: {  	s5 =	sor.u32 @!p0 s5, s7;
	[sflag:s6] =	ssyncadd.s32 @!p0 $0xFFFFFFFF  }
0xb3: {  	s25 =	simm.s32 $0x1B8E;
	s24 =	sld [smem:$0x3FFE];
	[sflag:s5] =	ssyncadd.remote.s32 @!p0 $0x1  }
0xb4: {  	s26 =	simm.s32 $execute0_lowered;
	[smem:$0x3FD2] =	sst s25  }
0xb5: {  	s6 =	sshll.u32 s26, $0x1;
	_ =	strace $0x80000049;
	[dreg:$0x1] =	wrdreg $0xFFFFFFFF  }
0xb6: {  	s28 =	simm.s32 $_size_execute0_lowered;
	s4 =	sadd.s32 s4, s6;
	[dreg:$0x0] =	wrdreg $0x0  }
0xb7: {  	s6 =	sshll.u32 s28, $0x1;
	[dreg:$0x2] =	wrdreg s4  }
0xb8: {  	[dreg:$0x3] =	wrdreg s6  }
0xb9: {  	[dreg:$0x4] =	wrdreg $0xC0  }
0xba: {  	_ =	task [dreg:s22], $0x5FFFF  }
0xbb: {  	[dreg:$0x1] =	wrdreg $0xFFFFFFFF  }
0xbc: {  	[dreg:$0x0] =	wrdreg $0x60  }
0xbd: {  	[dreg:$0x2] =	wrdreg s18  }
0xbe: {  	[dreg:$0x3] =	wrdreg s24  }
0xbf: {  	[dreg:$0x4] =	wrdreg $0x68000  }
0xc0: {  	[dreg:$0x5] =	wrdreg $0x9  }
0xc1: {  	_ =	task.clear_ibuf [dreg:s22], $0x6FFFF;
	_ =	strace $0x90000049  }
0xc2: {  	s29 =	simm.s32 $0x9;
	_ =	strace $0x8000004B  }
0xc3: {  	_ =	swait.ge [sflag:s29], $0x1  }
0xc4: {  	[sflag:s29] =	ssyncadd.s32 $0xFFFFFFFF  }
0xc5: {  	_ =	strace $0x9000004B  }
0xc6: {  	_ =	sfence  }
0xc7: {  	s30 =	sld [smem:$0x0];
	_ =	sdelay $0x2  }
0xc8: {  	s31 =	sshll.u32 s1, $0xD;
	s1 =	sshrl.u32 s1, $0x2  }
0xc9: {  	s4 =	sand.u32 $0x4000, s31;
	s1 =	sadd.s32 s1, s30  }
0xca: {  	s0 =	sor.u32 s4, s0;
	s1 =	sshll.u32 s1, $0x11  }
0xcb: {  	s0 =	sor.u32 s1, s0  }
0xcc: {  	s0 =	sadd.s32 $0x8F2B, s0  }
0xcd: {  	[sflag:s0] =	ssyncadd.remote.s32 $0x1  }
0xce: {  	_ =	sfence.sel $0xFFFF  }
0xcf: {  	[dreg:$0x0] =	wrdreg $0xFFFFFFFF;
	(pc) =	sbr.abs _section_cstart, $3  }
0xd0: {  	[dreg:$0x1] =	wrdreg $0xFFFFFFFF  }
0xd1: {  	_ =	task.clear_ibuf [dreg:s22], $0x2FFFF;
	_ =	strace $0x9FFFFFFF  }
0xd2: {  	(tm) =	ssettm $0x7FFFFFFF  }
0xd3: {  	_ =	shalt  }
tec
execute0_lowered:
.L_overlay_start_1:
0x0: {  	(tag) =	ssettag $0x1  }
0x1: {  	s6 =	rddreg [dreg:$0x0]  }
0x2: {  	s7 =	rddreg [dreg:$0x1]  }
0x3: {  	s1 =	rddreg [dreg:$0x2]  }
0x4: {  	s2 =	srdreg.scid;
	s0 =	rddreg [dreg:$0x3];
	s3 =	simm.s32 $0x0  }
0x5: {  	s13 =	simm.s32 $0x50;
	s8 =	sand.u32 $0x1, s2;
	s2 =	stileid.u32  }
0x6: {  	s14 =	simm.s32 $0x0;
	[smem:$0x7FF] =	sst s3;
	s5 =	smul.u32 $0x140000, s8  }
0x7: {  	s4 =	sadd.s32 $0x62E00, s7;
	s9 =	smul.u32 $0x14000, s2;
	_ =	strace $0x8000004A  }
0x8: {  	s10 =	smul.u32 $0x50000, s2;
	s11 =	ssub.s32 $0x2, s8;
	s31 =	sshll.u32 s2, $0xB  }
0x9: {  	s12 =	sshll.u32 s2, $0x6;
	s8 =	sshll.u32 s8, $0xF;
	s30 =	sshrl.u32 s11, $0x1  }
0xa: {  	s9 =	sadd.s32 s9, s5;
	s5 =	sadd.s32 $0x10600, s7;
	s10 =	sshrl.u32 s10, $0x2  }
0xb: {  	s11 =	ssub.s32 s11, s30;
	s9 =	sshrl.u32 s9, $0x3;
	s10 =	sadd.s32 s10, s1  }
0xc: {  	s9 =	sadd.s32 s9, s7;
	s7 =	sadd.s32 s6, s31;
	s6 =	sor.u32 $0x1C01, s12  }
0xd: {  	s10 =	sshrl.u32 s10, $0x3;
	s12 =	simm.s32 $0x4000;
	s7 =	sadd.s32 s8, s7  }
0xe: {  	s8 =	sadd.s32 $0x63400, s9;
	s9 =	smax.u32 s11, $0x1;
	s11 =	simm.s32 $0x1  }
.LBB2_1:
0xf: {  	[spmem:s10], [sflag:s6] =	dma.local [hbm:s5], $0x2800  }
0x10: {  	_ =	swait.ge [sflag:s11], $0x2800  }
0x11: {  	[sflag:s11] =	ssyncset.done $0x0  }
0x12: {  	[sflag:s11] =	ssyncadd.s32 $0xFFFFD800  }
0x13: {  	[tilespmem:s12], [sflag:$0x1] =	stream.linear.gather [hbm4b:s4+s3], $0x2800, $0x38;
	[tilespmem:$0x1A800] =	vst v63  }
0x14: {  	_ =	swait.ge [sflag:s11], $0x2800  }
0x15: {  	[sflag:s11] =	ssyncset.done $0x0  }
0x16: {  	[sflag:s11] =	ssyncadd.s32 $0xFFFFD800  }
0x17: {  	[tilespmem:s3], [sflag:$0x1] =	stream.linear.gather [hbm4b:s7+s3], $0x3E80, $0x38;
	[tilespmem:$0x1A800] =	vst v63  }
0x18: {  	_ =	swait.ge [sflag:s11], $0x3E80  }
0x19: {  	[sflag:s11] =	ssyncset.done $0x0  }
0x1a: {  	[sflag:s11] =	ssyncadd.s32 $0xFFFFC180  }
0x1b: {  	s15 =	simm.s32 $0x0;
	[bflag:$0x0] =	sbarrier.arrive $0xFFFF  }
0x1c: {  	[spmem:s1] =	stream.indirect.scatter.add.f32 [tilespmem:s12], [sflag:$0x1], $0x80, s15, s13, $0xb8;
	[tilespmem:$0x1A800] =	vst v63  }
0x1d: {  	_ =	swait.ge [sflag:s11], $0x2800  }
0x1e: {  	s15 =	simm.s32 $0x200;
	[sflag:s11] =	ssyncset.done $0x0  }
.LBB2_2:
0x1f: {  	s16 =	sshra.s32 s15, $0x2;
	[sflag:s11] =	ssyncadd.s32 $0xFFFFD800;
	p0 =	sne.s32 s15, $0xF800  }
0x20: {  	[spmem:s1] =	stream.indirect.scatter.add.f32 [tilespmem:s12], [sflag:$0x1], $0x80, s16, s13, $0xb8;
	[tilespmem:$0x1A800] =	vst v63  }
.Ltmp0:
0x21: {  	_ = 	snop;
	(pc) =	sbr.rel @p0 .LBB2_2-.Ltmp0, $4  }
0x22: {  	_ = 	snop  }
0x23: {  	s15 =	sadd.s32 $0x200, s15  }
0x24: {  	_ =	swait.ge [sflag:s11], $0x2800  }
0x25: {  	[sflag:s11] =	ssyncset.done $0x0  }
0x26: {  	s14 =	sadd.s32 $0x1, s14  }
0x27: {  	[sflag:s11] =	ssyncadd.s32 $0xFFFFD800;
	p0 =	sne.s32 s14, s9  }
.Ltmp1:
0x28: {  	[bflag:$0x0] =	sbarrier.arrive $0xFFFF;
	(pc) =	sbr.rel @p0 .LBB2_1-.Ltmp1, $4  }
0x29: {  	[hbm:s8], [sflag:s6] =	dma.local [spmem:s10], $0x2800  }
0x2a: {  	_ =	swait.ge [sflag:s11], $0x2800  }
0x2b: {  	[sflag:s11] =	ssyncset.done $0x0  }
0x2c: {  	[sflag:s11] =	ssyncadd.s32 $0xFFFFD800  }
0x2d: {  	_ =	sfence.sel $0x180000  }
0x2e: {  	[bflag:$0x0] =	sbarrier.arrive $0xFFFF  }
0x2f: {  	p0 =	sne.s32 s2, $0x0;
	_ =	strace $0x9000004A  }
0x30: {  	s0 =	sadd.s32 @!p0 $0x100000, s0;
	[bflag:$0x2] =	sbarrier.arrive $0xFFFF  }
0x31: {  	[sflag:s0] =	ssyncadd.tile.s32 @!p0 $0x1;
	_ =	shalt  }
.Lfunc_end2:
_tile_overlayer_lowered:
.L_overlay_start_2:
0x32: {  	(tag) =	ssettag $0x2  }
0x33: {  	s0 =	rddreg [dreg:$0x0];
	s2 =	stileid.u32  }
0x34: {  	s1 =	rddreg [dreg:$0x1];
	p0 =	sne.s32 s2, $0x0  }
0x35: {  	s3 =	rddreg [dreg:$0x2];
	[bflag:$0x3] =	sbarrier.arrive $0xFFFF;
	s2 =	simm.s32 @!p0 $0x1C01  }
0x36: {  	[timem:s3], [sflag:s2] =	dma.local @!p0 [hbm:s0], s1  }
0x37: {  	s0 =	simm.s32 @!p0 $0x1  }
0x38: {  	_ =	swait.ge @!p0 [sflag:s0], s1  }
0x39: {  	s1 =	ssub.s32 @!p0 $0x0, s1;
	[sflag:s0] =	ssyncset.done @!p0 $0x0  }
0x3a: {  	[sflag:s0] =	ssyncadd.s32 @!p0 s1  }
0x3b: {  	[bflag:$0x3] =	sbarrier.arrive $0xFFFF  }
0x3c: {  	_ =	shalt  }

// kernel: seg_sum_w128.11.cloned.1.call-start
scs
__scs_entry_jumppad:
0x0: {  	(pc) =	sbr.rel $0x88, $3  }
0x1: {  	(tag) =	ssettag $0x0;
	lr =	simm.s32 $0x1  }
0x2: {  	[smem:$0x3F8B] =	sst lr;
	_ =	strace $0xD0000000  }
0x3: {  	_ = 	snop  }
0x4: {  	_ = 	snop  }
0x5: {  	_ = 	snop  }
0x6: {  	_ = 	snop  }
0x7: {  	_ = 	snop  }
__scs_overlays_trampoline_lowered:
0x8: {  	[smem:$0x3F9A] =	sst s0  }
0x9: {  	[smem:$0x3F9B] =	sst s1  }
0xa: {  	[smem:$0x3F9C] =	sst s2  }
0xb: {  	[smem:$0x3F9D] =	sst s3  }
0xc: {  	[smem:$0x3F9E] =	sst s4  }
0xd: {  	[smem:$0x3F9F] =	sst s5  }
0xe: {  	[smem:$0x3FA0] =	sst s6  }
0xf: {  	[smem:$0x3FA1] =	sst s7  }
0x10: {  	[smem:$0x3FA2] =	sst s8  }
0x11: {  	[smem:$0x3FA3] =	sst s9;
	s0 =	simm.s32 @!p0 $0x0  }
0x12: {  	s1 =	sld [smem:$0x3F89];
	s0 =	simm.s32 @p0 $0x1  }
0x13: {  	[smem:$0x3FA4] =	sst s0;
	s0 =	simm.s32 @!p1 $0x0  }
0x14: {  	s2 =	sld [smem:$0x3F88];
	s0 =	simm.s32 @p1 $0x1  }
0x15: {  	[smem:$0x3FA5] =	sst s0;
	s0 =	simm.s32 @!p2 $0x0  }
0x16: {  	s3 =	sld [smem:$0x3FDB];
	s0 =	simm.s32 @p2 $0x1  }
0x17: {  	s4 =	simm.s32 $0x1BF5;
	[smem:$0x3FA7] =	sst s0  }
0x18: {  	s0 =	sld [smem:$0x3F8A];
	_ =	swait.ge [sflag:s4], $0x0  }
0x19: {  	s7 =	sld [smem:$0x3F8B]  }
0x1a: {  	s8 =	sadd.s32 $0xFFFFE003, lr  }
0x1b: {  	s9 =	sadd.s32 $0xFFFFFEF7, lr;
	s5 =	simm.s32 $0xFFFFFFFF;
	p2 =	slt.u32 s8, $0xFFFFF086  }
0x1c: {  	p1 =	slt.u32 s9, $0xF7A;
	s5 =	simm.s32 @!p2 $0x0  }
0x1d: {  	s5 =	simm.s32 @p1 $0x1;
	p0 =	seq.s32 s7, s2  }
0x1e: {  	s7 =	smul.u32 @!p0 $0xF7A, s2;
	p2 =	seq.s32 @!p0 s5, $0x0  }
0x1f: {  	s9 =	smul.u32 $0xF7A, s1;
	s8 =	simm.s32 @!p0 $0x1BF5;
	p2 =	por !p2, p0  }
0x20: {  	[sflag:s8] =	ssyncset.s32 @!p0 $0xFFFFF086;
	s6 =	sadd.s32 @!p0 s3, s7;
	s7 =	simm.s32 @!p0 $0x108  }
0x21: {  	s3 =	sadd.s32 s3, s9;
	s6 =	sadd.s32 @!p0 $0x88, s6;
	s7 =	simm.s32 @p2 $0x1082  }
0x22: {  	[simem:s7], [sflag:s8] =	dma.local @!p0 [hbm:s6], $0xF7A  }
0x23: {  	s9 =	sor.u32 $0xD0000000, s2;
	s6 =	simm.s32 $0x108;
	_ =	swait.ge @!p0 [sflag:s8], $0x0  }
0x24: {  	s3 =	sadd.s32 $0x88, s3;
	s6 =	simm.s32 @!p1 $0x1082;
	[sflag:s4] =	ssyncset.s32 $0xFFFFF086  }
0x25: {  	[simem:s6], [sflag:s4] =	dma.local [hbm:s3], $0xF7A  }
0x26: {  	[smem:$0x3F8B] =	sst s1;
	(tag) =	ssettag s2;
	_ =	strace s9  }
0x27: {  	s1 =	sld [smem:$0x3F9B]  }
0x28: {  	s2 =	sld [smem:$0x3F9C]  }
0x29: {  	s4 =	sld [smem:$0x3F9E]  }
0x2a: {  	p0 =	seq.s32 s5, $0x0;
	s5 =	sld [smem:$0x3F9F]  }
0x2b: {  	s6 =	sld [smem:$0x3FA0]  }
0x2c: {  	s7 =	sld [smem:$0x3FA1]  }
0x2d: {  	s3 =	simm.s32 $0x108;
	s8 =	sld [smem:$0x3FA2]  }
0x2e: {  	s3 =	simm.s32 @!p0 $0x1082;
	s9 =	sld [smem:$0x3FA3]  }
0x2f: {  	lr =	sadd.s32 s0, s3;
	s0 =	sld [smem:$0x3F9A]  }
0x30: {  	s3 =	sld [smem:$0x3F9D]  }
0x31: {  	[smem:$0x3FA6] =	sst s10  }
0x32: {  	s10 =	sld [smem:$0x3FA4];
	_ =	sdelay $0x3  }
0x33: {  	p0 =	seq.s32 s10, $0x1;
	s10 =	sld [smem:$0x3FA6];
	_ =	sdelay $0x3  }
0x34: {  	[smem:$0x3FA6] =	sst s10  }
0x35: {  	s10 =	sld [smem:$0x3FA5];
	_ =	sdelay $0x3  }
0x36: {  	p1 =	seq.s32 s10, $0x1;
	s10 =	sld [smem:$0x3FA6];
	_ =	sdelay $0x3  }
0x37: {  	[smem:$0x3FA6] =	sst s10  }
0x38: {  	s10 =	sld [smem:$0x3FA7]  }
0x39: {  	_ = 	snop;
	(pc) =	sbr.ind lr, $3  }
0x3a: {  	_ = 	snop  }
0x3b: {  	_ = 	snop  }
0x3c: {  	p2 =	seq.s32 s10, $0x1;
	s10 =	sld [smem:$0x3FA6]  }
0x3d: {  	_ =	shalt  }
0x3e: {  	_ =	shalt  }
0x3f: {  	_ =	shalt  }
0x40: {  	_ =	shalt  }
0x41: {  	_ =	shalt  }
0x42: {  	_ =	shalt  }
0x43: {  	_ =	shalt  }
0x44: {  	_ =	shalt  }
0x45: {  	_ =	shalt  }
0x46: {  	_ =	shalt  }
0x47: {  	_ =	shalt  }
0x48: {  	_ =	shalt  }
0x49: {  	_ =	shalt  }
0x4a: {  	_ =	shalt  }
0x4b: {  	_ =	shalt  }
0x4c: {  	_ =	shalt  }
0x4d: {  	_ =	shalt  }
0x4e: {  	_ =	shalt  }
0x4f: {  	_ =	shalt  }
0x50: {  	_ =	shalt  }
0x51: {  	_ =	shalt  }
0x52: {  	_ =	shalt  }
0x53: {  	_ =	shalt  }
0x54: {  	_ =	shalt  }
0x55: {  	_ =	shalt  }
0x56: {  	_ =	shalt  }
0x57: {  	_ =	shalt  }
0x58: {  	_ =	shalt  }
0x59: {  	_ =	shalt  }
0x5a: {  	_ =	shalt  }
0x5b: {  	_ =	shalt  }
0x5c: {  	_ =	shalt  }
0x5d: {  	_ =	shalt  }
0x5e: {  	_ =	shalt  }
0x5f: {  	_ =	shalt  }
0x60: {  	_ =	shalt  }
0x61: {  	_ =	shalt  }
0x62: {  	_ =	shalt  }
0x63: {  	_ =	shalt  }
0x64: {  	_ =	shalt  }
0x65: {  	_ =	shalt  }
0x66: {  	_ =	shalt  }
0x67: {  	_ =	shalt  }
0x68: {  	_ =	shalt  }
0x69: {  	_ =	shalt  }
0x6a: {  	_ =	shalt  }
0x6b: {  	_ =	shalt  }
0x6c: {  	_ =	shalt  }
0x6d: {  	_ =	shalt  }
0x6e: {  	_ =	shalt  }
0x6f: {  	_ =	shalt  }
0x70: {  	_ =	shalt  }
0x71: {  	_ =	shalt  }
0x72: {  	_ =	shalt  }
0x73: {  	_ =	shalt  }
0x74: {  	_ =	shalt  }
0x75: {  	_ =	shalt  }
0x76: {  	_ =	shalt  }
0x77: {  	_ =	shalt  }
0x78: {  	_ =	shalt  }
0x79: {  	_ =	shalt  }
0x7a: {  	_ =	shalt  }
0x7b: {  	_ =	shalt  }
0x7c: {  	_ =	shalt  }
0x7d: {  	_ =	shalt  }
0x7e: {  	_ =	shalt  }
0x7f: {  	_ =	shalt  }
0x80: {  	_ =	shalt  }
0x81: {  	_ =	shalt  }
0x82: {  	_ =	shalt  }
0x83: {  	_ =	shalt  }
0x84: {  	_ =	shalt  }
0x85: {  	_ =	shalt  }
0x86: {  	_ =	shalt  }
0x87: {  	_ =	shalt  }
.Lfunc_end0:
.L_simem_size_0:
called_computation.2_lowered:
.L_overlay_start_0:
0x88: {  	s2 =	sld [smem:$0x3FD9]  }
0x89: {  	s3 =	sld [smem:$0x3FFE];
	_ =	sdelay $0x1  }
0x8a: {  	s1 =	srdreg.scid  }
0x8b: {  	s0 =	sand.u32 $0x1, s1  }
0x8c: {  	s17 =	sshll.u32 s0, $0xA;
	s2 =	sadd.s32 s3, s2  }
0x8d: {  	s2 =	sadd.s32 s2, s17  }
0x8e: {  	[smem:$0x3FB2] =	sst s2  }
0x8f: {  	_ = 	snop  }
0x90: {  	s2 =	sld [smem:$0x3FD0];
	(tm) =	ssettm $0x1  }
0x91: {  	s18 =	sld [smem:$0x3FFB];
	_ =	sdelay $0x3  }
0x92: {  	_ =	strace s18  }
0x93: {  	s3 =	sld [smem:$0x3FFC];
	_ =	sdelay $0x3  }
0x94: {  	_ =	strace s3  }
0x95: {  	s3 =	sld [smem:$0x3FFD];
	_ =	sdelay $0x3  }
0x96: {  	_ =	strace s3  }
0x97: {  	_ =	strace $0x8FFFFFFF  }
0x98: {  	s19 =	sld [smem:$0x3FDB];
	_ =	sdelay $0x1  }
0x99: {  	s4 =	simm.s32 $_scs_section_size  }
0x9a: {  	s5 =	simm.s32 $_size__tile_overlayer_lowered;
	s6 =	simm.s32 $_tile_overlayer_lowered  }
0x9b: {  	s22 =	simm.s32 $0x1BFF;
	s21 =	sshll.u32 s6, $0x1;
	s3 =	sadd.s32 s4, s19  }
0x9c: {  	s7 =	simm.s32 $0x0;
	s20 =	sshll.u32 s5, $0x1;
	s5 =	sadd.s32 s21, s3  }
0x9d: {  	[timem:s7], [sflag:s22] =	dma.local [hbm:s5], s20  }
0x9e: {  	_ =	swait.ge [sflag:s22], s20  }
0x9f: {  	s4 =	ssub.s32 $0x0, s20;
	[sflag:s22] =	ssyncset.done $0x0  }
0xa0: {  	[sflag:s22] =	ssyncadd.s32 s4;
	_ =	sdelay $0x1  }
0xa1: {  	s23 =	simm.s32 $0x1B8B  }
0xa2: {  	_ =	swait.ge [sflag:s23], $0x1  }
0xa3: {  	[sflag:s23] =	ssyncset.done $0x0  }
0xa4: {  	s25 =	simm.s32 $0x1B8E;
	s24 =	sld [smem:$0x3FFE];
	[sflag:s23] =	ssyncadd.s32 $0xFFFFFFFF  }
0xa5: {  	s26 =	simm.s32 $execute0_lowered;
	[smem:$0x3FD2] =	sst s25  }
0xa6: {  	s5 =	sshll.u32 s26, $0x1;
	_ =	strace $0x8000004C;
	[dreg:$0x1] =	wrdreg $0xFFFFFFFF  }
0xa7: {  	s28 =	simm.s32 $_size_execute0_lowered;
	s3 =	sadd.s32 s3, s5;
	[dreg:$0x0] =	wrdreg $0x0  }
0xa8: {  	s5 =	sshll.u32 s28, $0x1;
	[dreg:$0x2] =	wrdreg s3  }
0xa9: {  	[dreg:$0x3] =	wrdreg s5  }
0xaa: {  	[dreg:$0x4] =	wrdreg $0xC0  }
0xab: {  	_ =	task [dreg:s7], $0x5FFFF  }
0xac: {  	[dreg:$0x1] =	wrdreg $0xFFFFFFFF  }
0xad: {  	[dreg:$0x0] =	wrdreg $0x60  }
0xae: {  	[dreg:$0x2] =	wrdreg s24  }
0xaf: {  	[dreg:$0x3] =	wrdreg s2  }
0xb0: {  	[dreg:$0x4] =	wrdreg $0xB7800  }
0xb1: {  	[dreg:$0x5] =	wrdreg $0x9  }
0xb2: {  	_ =	task.clear_ibuf [dreg:s7], $0x6FFFF;
	_ =	strace $0x9000004C  }
0xb3: {  	s29 =	simm.s32 $0x9;
	_ =	strace $0x8000004E  }
0xb4: {  	_ =	swait.ge [sflag:s29], $0x1  }
0xb5: {  	[sflag:s29] =	ssyncadd.s32 $0xFFFFFFFF  }
0xb6: {  	_ =	strace $0x9000004E  }
0xb7: {  	_ =	sfence  }
0xb8: {  	s30 =	sld [smem:$0x0];
	_ =	sdelay $0x2  }
0xb9: {  	s31 =	sshll.u32 s1, $0xD;
	s1 =	sshrl.u32 s1, $0x2  }
0xba: {  	s3 =	sand.u32 $0x4000, s31;
	s1 =	sadd.s32 s1, s30  }
0xbb: {  	s0 =	sor.u32 s3, s0;
	s1 =	sshll.u32 s1, $0x11  }
0xbc: {  	s0 =	sor.u32 s1, s0  }
0xbd: {  	s0 =	sadd.s32 $0x8F2B, s0  }
0xbe: {  	[sflag:s0] =	ssyncadd.remote.s32 $0x1  }
0xbf: {  	_ =	sfence.sel $0xFFFF  }
0xc0: {  	[dreg:$0x0] =	wrdreg $0xFFFFFFFF;
	(pc) =	sbr.abs _section_cstart, $3  }
0xc1: {  	[dreg:$0x1] =	wrdreg $0xFFFFFFFF  }
0xc2: {  	_ =	task.clear_ibuf [dreg:s7], $0x2FFFF;
	_ =	strace $0x9FFFFFFF  }
0xc3: {  	(tm) =	ssettm $0x7FFFFFFF  }
tec
execute0_lowered:
.L_overlay_start_1:
0x0: {  	(tag) =	ssettag $0x1  }
0x1: {  	s7 =	rddreg [dreg:$0x0]  }
0x2: {  	s8 =	rddreg [dreg:$0x1]  }
0x3: {  	s0 =	srdreg.scid;
	s2 =	rddreg [dreg:$0x2]  }
0x4: {  	s3 =	simm.s32 $0x0;
	s14 =	simm.s32 $0x50;
	s15 =	simm.s32 $0x6780  }
0x5: {  	s16 =	simm.s32 $0x8F80;
	s17 =	simm.s32 $0x1;
	s18 =	simm.s32 $0x2  }
0x6: {  	s19 =	simm.s32 $0x6480;
	s20 =	simm.s32 $0x6500;
	s6 =	sand.u32 $0x1, s0  }
0x7: {  	s21 =	simm.s32 $0x6580;
	s0 =	stileid.u32;
	s10 =	smul.u32 $0x140000, s6  }
0x8: {  	s22 =	simm.s32 $0x0;
	[smem:$0x7FF] =	sst s3;
	s11 =	smul.u32 $0x14000, s0  }
0x9: {  	s4 =	sadd.s32 $0x12E00, s7;
	s1 =	sshll.u32 s6, $0x4;
	s29 =	smul.u32 $0x50000, s0  }
0xa: {  	s6 =	ssub.s32 $0x2, s6;
	s31 =	sshll.u32 s0, $0x6;
	s9 =	sor.u32 s0, s1  }
0xb: {  	s1 =	rddreg [dreg:$0x3];
	_ =	strace $0x8000004D;
	s30 =	sshrl.u32 s6, $0x1  }
0xc: {  	s5 =	smul.u32 $0x4E2, s9;
	s10 =	sadd.s32 s11, s10;
	s11 =	sshrl.u32 s29, $0x2  }
0xd: {  	s13 =	ssub.s32 s6, s30;
	s6 =	sor.u32 $0x1C03, s31;
	s9 =	sshll.u32 s9, $0xB  }
0xe: {  	s10 =	sshrl.u32 s10, $0x3;
	s11 =	sadd.s32 s11, s2;
	s8 =	sadd.s32 s8, s9  }
0xf: {  	s12 =	sadd.s32 s5, s7;
	s5 =	sadd.s32 $0x10600, s7;
	s10 =	sadd.s32 s10, s7  }
0x10: {  	s11 =	sshrl.u32 s11, $0x3;
	s7 =	sadd.s32 $0x6800, s12;
	s9 =	sadd.s32 $0xB3400, s10  }
0x11: {  	s10 =	smax.u32 s13, $0x1;
	s12 =	simm.s32 $0x3;
	s13 =	simm.s32 $0x2780  }
.LBB2_1:
0x12: {  	[spmem:s11], [sflag:s6] =	dma.local [hbm:s5], $0x2800  }
0x13: {  	_ =	swait.ge [sflag:s12], $0x2800  }
0x14: {  	[sflag:s12] =	ssyncset.done $0x0  }
0x15: {  	[sflag:s12] =	ssyncadd.s32 $0xFFFFD800  }
0x16: {  	[tilespmem:s3], [sflag:$0x3] =	stream.linear.gather [hbm4b:s7+s3], $0x2710, $0x38;
	[tilespmem:$0x1F780] =	vst v63  }
0x17: {  	_ =	swait.ge [sflag:s12], $0x2710  }
0x18: {  	[sflag:s12] =	ssyncset.done $0x0  }
0x19: {  	[sflag:s12] =	ssyncadd.s32 $0xFFFFD8F0  }
0x1a: {  	[tilespmem:s13], [sflag:$0x3] =	stream.linear.gather [hbm4b:s8+s3], $0x3E80, $0x38;
	[tilespmem:$0x1F780] =	vst v63  }
0x1b: {  	_ =	swait.ge [sflag:s12], $0x3E80  }
0x1c: {  	[sflag:s12] =	ssyncset.done $0x0  }
0x1d: {  	[sflag:s12] =	ssyncadd.s32 $0xFFFFC180  }
0x1e: {  	[bflag:$0x0] =	sbarrier.arrive $0xFFFF  }
0x1f: {  	[tilespmem:s15], [sflag:$0x1] =	stream.indirect.gather [hbm4b:s4+s14], $0x80, s3, s14, $0xb8;
	[tilespmem:$0x1F780] =	vst v63  }
0x20: {  	_ = 	snop  }
0x21: {  	[tilespmem:s16], [sflag:$0x2] =	stream.indirect.gather [hbm4b:s4+s14], $0x80, s14, s14, $0xb8;
	[tilespmem:$0x1F780] =	vst v63  }
0x22: {  	_ =	swait.ge [sflag:s17], $0x2800  }
0x23: {  	[sflag:s17] =	ssyncset.done $0x0  }
0x24: {  	s23 =	simm.s32 $0x2780;
	[sflag:s17] =	ssyncadd.s32 $0xFFFFD800  }
0x25: {  	[spmem:s2] =	stream.indirect.scatter.add.f32 [tilespmem:s15], [sflag:$0x3], $0x80, s23, s14, $0xb8;
	[tilespmem:$0x1F780] =	vst v63  }
0x26: {  	_ =	swait.ge [sflag:s12], $0x2800  }
0x27: {  	[sflag:s12] =	ssyncset.done $0x0  }
0x28: {  	s30 =	simm.s32 $0xA0;
	[sflag:s12] =	ssyncadd.s32 $0xFFFFD800  }
0x29: {  	[tilespmem:s15], [sflag:$0x1] =	stream.indirect.gather [hbm4b:s4+s14], $0x80, s30, s14, $0xb8;
	[tilespmem:$0x1F780] =	vst v63  }
0x2a: {  	_ =	swait.ge [sflag:s18], $0x2800  }
0x2b: {  	[sflag:s18] =	ssyncset.done $0x0  }
0x2c: {  	s31 =	simm.s32 $0x2800;
	[sflag:s18] =	ssyncadd.s32 $0xFFFFD800  }
0x2d: {  	[spmem:s2] =	stream.indirect.scatter.add.f32 [tilespmem:s16], [sflag:$0x3], $0x80, s31, s14, $0xb8;
	[tilespmem:$0x1F780] =	vst v63  }
0x2e: {  	_ =	swait.ge [sflag:s12], $0x2800  }
0x2f: {  	s24 =	simm.s32 $0x400;
	[sflag:s12] =	ssyncset.done $0x0  }
0x30: {  	s25 =	simm.s32 $0xF0;
	s23 =	simm.s32 $0x140;
	[sflag:s12] =	ssyncadd.s32 $0xFFFFD800  }
.LBB2_2:
0x31: {  	[tilespmem:s16], [sflag:$0x2] =	stream.indirect.gather [hbm4b:s4+s14], $0x80, s25, s14, $0xb8;
	[tilespmem:$0x1F780] =	vst v63  }
0x32: {  	s25 =	smov.u32 s24  }
0x33: {  	p0 =	sne.s32 s24, $0xF000;
	s24 =	sadd.s32 $0x400, s24;
	_ =	swait.ge [sflag:s17], $0x2800  }
0x34: {  	s25 =	sshra.s32 s25, $0x2;
	[sflag:s17] =	ssyncset.done $0x0  }
0x35: {  	s26 =	sadd.s32 $0x2780, s25;
	[sflag:s17] =	ssyncadd.s32 $0xFFFFD800  }
0x36: {  	[spmem:s2] =	stream.indirect.scatter.add.f32 [tilespmem:s15], [sflag:$0x3], $0x80, s26, s14, $0xb8;
	[tilespmem:$0x1F780] =	vst v63  }
0x37: {  	_ =	swait.ge [sflag:s12], $0x2800  }
0x38: {  	[sflag:s12] =	ssyncset.done $0x0  }
0x39: {  	[sflag:s12] =	ssyncadd.s32 $0xFFFFD800  }
0x3a: {  	[tilespmem:s15], [sflag:$0x1] =	stream.indirect.gather [hbm4b:s4+s14], $0x80, s23, s14, $0xb8;
	[tilespmem:$0x1F780] =	vst v63  }
0x3b: {  	_ =	swait.ge [sflag:s18], $0x2800  }
0x3c: {  	[sflag:s18] =	ssyncset.done $0x0  }
.Ltmp0:
0x3d: {  	s25 =	sadd.s32 $0x2800, s25;
	[sflag:s18] =	ssyncadd.s32 $0xFFFFD800;
	(pc) =	sbr.rel @p0 .LBB2_2-.Ltmp0, $4  }
0x3e: {  	[spmem:s2] =	stream.indirect.scatter.add.f32 [tilespmem:s16], [sflag:$0x3], $0x80, s25, s14, $0xb8;
	[tilespmem:$0x1F780] =	vst v63  }
0x3f: {  	_ =	swait.ge [sflag:s12], $0x2800  }
0x40: {  	[sflag:s12] =	ssyncset.done $0x0  }
0x41: {  	s25 =	sadd.s32 $0x50, s23;
	s23 =	sadd.s32 $0xA0, s23;
	[sflag:s12] =	ssyncadd.s32 $0xFFFFD800  }
0x42: {  	[tilespmem:s16], [sflag:$0x2] =	stream.indirect.gather [hbm4b:s4+s14], $0x80, s25, s14, $0xb8;
	[tilespmem:$0x1F780] =	vst v63  }
0x43: {  	_ =	swait.ge [sflag:s17], $0x2800  }
0x44: {  	[sflag:s17] =	ssyncset.done $0x0  }
0x45: {  	[sflag:s17] =	ssyncadd.s32 $0xFFFFD800  }
0x46: {  	[spmem:s2] =	stream.indirect.scatter.add.f32 [tilespmem:s15], [sflag:$0x3], $0x80, s19, s14, $0xb8;
	[tilespmem:$0x1F780] =	vst v63  }
0x47: {  	_ =	swait.ge [sflag:s12], $0x2800  }
0x48: {  	[sflag:s12] =	ssyncset.done $0x0  }
0x49: {  	[sflag:s12] =	ssyncadd.s32 $0xFFFFD800  }
0x4a: {  	[tilespmem:s15], [sflag:$0x1] =	stream.indirect.gather [hbm4b:s4+s14], $0x80, s23, s14, $0xb8;
	[tilespmem:$0x1F780] =	vst v63  }
0x4b: {  	_ =	swait.ge [sflag:s18], $0x2800  }
0x4c: {  	[sflag:s18] =	ssyncset.done $0x0  }
0x4d: {  	[sflag:s18] =	ssyncadd.s32 $0xFFFFD800  }
0x4e: {  	[spmem:s2] =	stream.indirect.scatter.add.f32 [tilespmem:s16], [sflag:$0x3], $0x80, s20, s14, $0xb8;
	[tilespmem:$0x1F780] =	vst v63  }
0x4f: {  	_ =	swait.ge [sflag:s12], $0x2800  }
0x50: {  	[sflag:s12] =	ssyncset.done $0x0  }
0x51: {  	[sflag:s12] =	ssyncadd.s32 $0xFFFFD800  }
0x52: {  	_ =	swait.ge [sflag:s17], $0x2800  }
0x53: {  	[sflag:s17] =	ssyncset.done $0x0  }
0x54: {  	[sflag:s17] =	ssyncadd.s32 $0xFFFFD800  }
0x55: {  	[spmem:s2] =	stream.indirect.scatter.add.f32 [tilespmem:s15], [sflag:$0x3], $0x80, s21, s14, $0xb8;
	[tilespmem:$0x1F780] =	vst v63  }
0x56: {  	_ =	swait.ge [sflag:s12], $0x2800  }
0x57: {  	s22 =	sadd.s32 $0x1, s22;
	[sflag:s12] =	ssyncset.done $0x0  }
0x58: {  	p0 =	sne.s32 s22, s10;
	[sflag:s12] =	ssyncadd.s32 $0xFFFFD800  }
.Ltmp1:
0x59: {  	[bflag:$0x0] =	sbarrier.arrive $0xFFFF;
	(pc) =	sbr.rel @p0 .LBB2_1-.Ltmp1, $4  }
0x5a: {  	[hbm:s9], [sflag:s6] =	dma.local [spmem:s11], $0x2800  }
0x5b: {  	_ =	swait.ge [sflag:s12], $0x2800  }
0x5c: {  	[sflag:s12] =	ssyncset.done $0x0  }
0x5d: {  	[sflag:s12] =	ssyncadd.s32 $0xFFFFD800  }
0x5e: {  	_ =	sfence.sel $0x180000  }
0x5f: {  	[bflag:$0x0] =	sbarrier.arrive $0xFFFF  }
0x60: {  	p0 =	sne.s32 s0, $0x0;
	_ =	strace $0x9000004D  }
0x61: {  	s0 =	sadd.s32 @!p0 $0x100000, s1;
	[bflag:$0x2] =	sbarrier.arrive $0xFFFF  }
0x62: {  	[sflag:s0] =	ssyncadd.tile.s32 @!p0 $0x1;
	_ =	shalt  }
.Lfunc_end2:
_tile_overlayer_lowered:
.L_overlay_start_2:
0x63: {  	(tag) =	ssettag $0x2  }
0x64: {  	s0 =	rddreg [dreg:$0x0];
	s2 =	stileid.u32  }
0x65: {  	s1 =	rddreg [dreg:$0x1];
	p0 =	sne.s32 s2, $0x0  }
0x66: {  	s3 =	rddreg [dreg:$0x2];
	[bflag:$0x3] =	sbarrier.arrive $0xFFFF;
	s2 =	simm.s32 @!p0 $0x1C03  }
0x67: {  	[timem:s3], [sflag:s2] =	dma.local @!p0 [hbm:s0], s1  }
0x68: {  	s0 =	simm.s32 @!p0 $0x3  }
0x69: {  	_ =	swait.ge @!p0 [sflag:s0], s1  }
0x6a: {  	s1 =	ssub.s32 @!p0 $0x0, s1;
	[sflag:s0] =	ssyncset.done @!p0 $0x0  }
0x6b: {  	[sflag:s0] =	ssyncadd.s32 @!p0 s1  }
0x6c: {  	[bflag:$0x3] =	sbarrier.arrive $0xFFFF  }
0x6d: {  	_ =	shalt  }

// kernel: seg_sum_w128.14.cloned.1.call-start
scs
__scs_entry_jumppad:
0x0: {  	(pc) =	sbr.rel $0x88, $3  }
0x1: {  	(tag) =	ssettag $0x0;
	lr =	simm.s32 $0x1  }
0x2: {  	[smem:$0x3F8B] =	sst lr;
	_ =	strace $0xD0000000  }
0x3: {  	_ = 	snop  }
0x4: {  	_ = 	snop  }
0x5: {  	_ = 	snop  }
0x6: {  	_ = 	snop  }
0x7: {  	_ = 	snop  }
__scs_overlays_trampoline_lowered:
0x8: {  	[smem:$0x3F9A] =	sst s0  }
0x9: {  	[smem:$0x3F9B] =	sst s1  }
0xa: {  	[smem:$0x3F9C] =	sst s2  }
0xb: {  	[smem:$0x3F9D] =	sst s3  }
0xc: {  	[smem:$0x3F9E] =	sst s4  }
0xd: {  	[smem:$0x3F9F] =	sst s5  }
0xe: {  	[smem:$0x3FA0] =	sst s6  }
0xf: {  	[smem:$0x3FA1] =	sst s7  }
0x10: {  	[smem:$0x3FA2] =	sst s8  }
0x11: {  	[smem:$0x3FA3] =	sst s9;
	s0 =	simm.s32 @!p0 $0x0  }
0x12: {  	s1 =	sld [smem:$0x3F89];
	s0 =	simm.s32 @p0 $0x1  }
0x13: {  	[smem:$0x3FA4] =	sst s0;
	s0 =	simm.s32 @!p1 $0x0  }
0x14: {  	s2 =	sld [smem:$0x3F88];
	s0 =	simm.s32 @p1 $0x1  }
0x15: {  	[smem:$0x3FA5] =	sst s0;
	s0 =	simm.s32 @!p2 $0x0  }
0x16: {  	s3 =	sld [smem:$0x3FDB];
	s0 =	simm.s32 @p2 $0x1  }
0x17: {  	s4 =	simm.s32 $0x1BF5;
	[smem:$0x3FA7] =	sst s0  }
0x18: {  	s0 =	sld [smem:$0x3F8A];
	_ =	swait.ge [sflag:s4], $0x0  }
0x19: {  	s7 =	sld [smem:$0x3F8B]  }
0x1a: {  	s8 =	sadd.s32 $0xFFFFE003, lr  }
0x1b: {  	s9 =	sadd.s32 $0xFFFFFEF7, lr;
	s5 =	simm.s32 $0xFFFFFFFF;
	p2 =	slt.u32 s8, $0xFFFFF086  }
0x1c: {  	p1 =	slt.u32 s9, $0xF7A;
	s5 =	simm.s32 @!p2 $0x0  }
0x1d: {  	s5 =	simm.s32 @p1 $0x1;
	p0 =	seq.s32 s7, s2  }
0x1e: {  	s7 =	smul.u32 @!p0 $0xF7A, s2;
	p2 =	seq.s32 @!p0 s5, $0x0  }
0x1f: {  	s9 =	smul.u32 $0xF7A, s1;
	s8 =	simm.s32 @!p0 $0x1BF5;
	p2 =	por !p2, p0  }
0x20: {  	[sflag:s8] =	ssyncset.s32 @!p0 $0xFFFFF086;
	s6 =	sadd.s32 @!p0 s3, s7;
	s7 =	simm.s32 @!p0 $0x108  }
0x21: {  	s3 =	sadd.s32 s3, s9;
	s6 =	sadd.s32 @!p0 $0x88, s6;
	s7 =	simm.s32 @p2 $0x1082  }
0x22: {  	[simem:s7], [sflag:s8] =	dma.local @!p0 [hbm:s6], $0xF7A  }
0x23: {  	s9 =	sor.u32 $0xD0000000, s2;
	s6 =	simm.s32 $0x108;
	_ =	swait.ge @!p0 [sflag:s8], $0x0  }
0x24: {  	s3 =	sadd.s32 $0x88, s3;
	s6 =	simm.s32 @!p1 $0x1082;
	[sflag:s4] =	ssyncset.s32 $0xFFFFF086  }
0x25: {  	[simem:s6], [sflag:s4] =	dma.local [hbm:s3], $0xF7A  }
0x26: {  	[smem:$0x3F8B] =	sst s1;
	(tag) =	ssettag s2;
	_ =	strace s9  }
0x27: {  	s1 =	sld [smem:$0x3F9B]  }
0x28: {  	s2 =	sld [smem:$0x3F9C]  }
0x29: {  	s4 =	sld [smem:$0x3F9E]  }
0x2a: {  	p0 =	seq.s32 s5, $0x0;
	s5 =	sld [smem:$0x3F9F]  }
0x2b: {  	s6 =	sld [smem:$0x3FA0]  }
0x2c: {  	s7 =	sld [smem:$0x3FA1]  }
0x2d: {  	s3 =	simm.s32 $0x108;
	s8 =	sld [smem:$0x3FA2]  }
0x2e: {  	s3 =	simm.s32 @!p0 $0x1082;
	s9 =	sld [smem:$0x3FA3]  }
0x2f: {  	lr =	sadd.s32 s0, s3;
	s0 =	sld [smem:$0x3F9A]  }
0x30: {  	s3 =	sld [smem:$0x3F9D]  }
0x31: {  	[smem:$0x3FA6] =	sst s10  }
0x32: {  	s10 =	sld [smem:$0x3FA4];
	_ =	sdelay $0x3  }
0x33: {  	p0 =	seq.s32 s10, $0x1;
	s10 =	sld [smem:$0x3FA6];
	_ =	sdelay $0x3  }
0x34: {  	[smem:$0x3FA6] =	sst s10  }
0x35: {  	s10 =	sld [smem:$0x3FA5];
	_ =	sdelay $0x3  }
0x36: {  	p1 =	seq.s32 s10, $0x1;
	s10 =	sld [smem:$0x3FA6];
	_ =	sdelay $0x3  }
0x37: {  	[smem:$0x3FA6] =	sst s10  }
0x38: {  	s10 =	sld [smem:$0x3FA7]  }
0x39: {  	_ = 	snop;
	(pc) =	sbr.ind lr, $3  }
0x3a: {  	_ = 	snop  }
0x3b: {  	_ = 	snop  }
0x3c: {  	p2 =	seq.s32 s10, $0x1;
	s10 =	sld [smem:$0x3FA6]  }
0x3d: {  	_ =	shalt  }
0x3e: {  	_ =	shalt  }
0x3f: {  	_ =	shalt  }
0x40: {  	_ =	shalt  }
0x41: {  	_ =	shalt  }
0x42: {  	_ =	shalt  }
0x43: {  	_ =	shalt  }
0x44: {  	_ =	shalt  }
0x45: {  	_ =	shalt  }
0x46: {  	_ =	shalt  }
0x47: {  	_ =	shalt  }
0x48: {  	_ =	shalt  }
0x49: {  	_ =	shalt  }
0x4a: {  	_ =	shalt  }
0x4b: {  	_ =	shalt  }
0x4c: {  	_ =	shalt  }
0x4d: {  	_ =	shalt  }
0x4e: {  	_ =	shalt  }
0x4f: {  	_ =	shalt  }
0x50: {  	_ =	shalt  }
0x51: {  	_ =	shalt  }
0x52: {  	_ =	shalt  }
0x53: {  	_ =	shalt  }
0x54: {  	_ =	shalt  }
0x55: {  	_ =	shalt  }
0x56: {  	_ =	shalt  }
0x57: {  	_ =	shalt  }
0x58: {  	_ =	shalt  }
0x59: {  	_ =	shalt  }
0x5a: {  	_ =	shalt  }
0x5b: {  	_ =	shalt  }
0x5c: {  	_ =	shalt  }
0x5d: {  	_ =	shalt  }
0x5e: {  	_ =	shalt  }
0x5f: {  	_ =	shalt  }
0x60: {  	_ =	shalt  }
0x61: {  	_ =	shalt  }
0x62: {  	_ =	shalt  }
0x63: {  	_ =	shalt  }
0x64: {  	_ =	shalt  }
0x65: {  	_ =	shalt  }
0x66: {  	_ =	shalt  }
0x67: {  	_ =	shalt  }
0x68: {  	_ =	shalt  }
0x69: {  	_ =	shalt  }
0x6a: {  	_ =	shalt  }
0x6b: {  	_ =	shalt  }
0x6c: {  	_ =	shalt  }
0x6d: {  	_ =	shalt  }
0x6e: {  	_ =	shalt  }
0x6f: {  	_ =	shalt  }
0x70: {  	_ =	shalt  }
0x71: {  	_ =	shalt  }
0x72: {  	_ =	shalt  }
0x73: {  	_ =	shalt  }
0x74: {  	_ =	shalt  }
0x75: {  	_ =	shalt  }
0x76: {  	_ =	shalt  }
0x77: {  	_ =	shalt  }
0x78: {  	_ =	shalt  }
0x79: {  	_ =	shalt  }
0x7a: {  	_ =	shalt  }
0x7b: {  	_ =	shalt  }
0x7c: {  	_ =	shalt  }
0x7d: {  	_ =	shalt  }
0x7e: {  	_ =	shalt  }
0x7f: {  	_ =	shalt  }
0x80: {  	_ =	shalt  }
0x81: {  	_ =	shalt  }
0x82: {  	_ =	shalt  }
0x83: {  	_ =	shalt  }
0x84: {  	_ =	shalt  }
0x85: {  	_ =	shalt  }
0x86: {  	_ =	shalt  }
0x87: {  	_ =	shalt  }
.Lfunc_end0:
.L_simem_size_0:
called_computation.3_lowered:
.L_overlay_start_0:
0x88: {  	s2 =	sld [smem:$0x3FD9]  }
0x89: {  	s3 =	sld [smem:$0x3FFE];
	_ =	sdelay $0x1  }
0x8a: {  	s1 =	srdreg.scid  }
0x8b: {  	s0 =	sand.u32 $0x1, s1  }
0x8c: {  	s17 =	sshll.u32 s0, $0xA;
	s2 =	sadd.s32 s3, s2  }
0x8d: {  	s2 =	sadd.s32 s2, s17  }
0x8e: {  	[smem:$0x3FB2] =	sst s2  }
0x8f: {  	_ = 	snop  }
0x90: {  	s2 =	sld [smem:$0x3FD0];
	(tm) =	ssettm $0x1  }
0x91: {  	s18 =	sld [smem:$0x3FFB];
	_ =	sdelay $0x3  }
0x92: {  	_ =	strace s18  }
0x93: {  	s3 =	sld [smem:$0x3FFC];
	_ =	sdelay $0x3  }
0x94: {  	_ =	strace s3  }
0x95: {  	s3 =	sld [smem:$0x3FFD];
	_ =	sdelay $0x3  }
0x96: {  	_ =	strace s3  }
0x97: {  	_ =	strace $0x8FFFFFFF  }
0x98: {  	s19 =	sld [smem:$0x3FDB];
	_ =	sdelay $0x1  }
0x99: {  	s4 =	simm.s32 $_scs_section_size  }
0x9a: {  	s5 =	simm.s32 $_size__tile_overlayer_lowered;
	s6 =	simm.s32 $_tile_overlayer_lowered  }
0x9b: {  	s22 =	simm.s32 $0x1BFF;
	s21 =	sshll.u32 s6, $0x1;
	s3 =	sadd.s32 s4, s19  }
0x9c: {  	s7 =	simm.s32 $0x0;
	s20 =	sshll.u32 s5, $0x1;
	s5 =	sadd.s32 s21, s3  }
0x9d: {  	[timem:s7], [sflag:s22] =	dma.local [hbm:s5], s20  }
0x9e: {  	_ =	swait.ge [sflag:s22], s20  }
0x9f: {  	s4 =	ssub.s32 $0x0, s20;
	[sflag:s22] =	ssyncset.done $0x0  }
0xa0: {  	[sflag:s22] =	ssyncadd.s32 s4;
	_ =	sdelay $0x1  }
0xa1: {  	s23 =	simm.s32 $0x1B8B  }
0xa2: {  	_ =	swait.ge [sflag:s23], $0x1  }
0xa3: {  	[sflag:s23] =	ssyncset.done $0x0  }
0xa4: {  	s25 =	simm.s32 $0x1B8E;
	s24 =	sld [smem:$0x3FFE];
	[sflag:s23] =	ssyncadd.s32 $0xFFFFFFFF  }
0xa5: {  	s26 =	simm.s32 $execute0_lowered;
	[smem:$0x3FD2] =	sst s25  }
0xa6: {  	s5 =	sshll.u32 s26, $0x1;
	_ =	strace $0x8000004F;
	[dreg:$0x1] =	wrdreg $0xFFFFFFFF  }
0xa7: {  	s28 =	simm.s32 $_size_execute0_lowered;
	s3 =	sadd.s32 s3, s5;
	[dreg:$0x0] =	wrdreg $0x0  }
0xa8: {  	s5 =	sshll.u32 s28, $0x1;
	[dreg:$0x2] =	wrdreg s3  }
0xa9: {  	[dreg:$0x3] =	wrdreg s5  }
0xaa: {  	[dreg:$0x4] =	wrdreg $0xC0  }
0xab: {  	_ =	task [dreg:s7], $0x5FFFF  }
0xac: {  	[dreg:$0x1] =	wrdreg $0xFFFFFFFF  }
0xad: {  	[dreg:$0x0] =	wrdreg $0x60  }
0xae: {  	[dreg:$0x2] =	wrdreg s24  }
0xaf: {  	[dreg:$0x3] =	wrdreg s2  }
0xb0: {  	[dreg:$0x4] =	wrdreg $0xB7800  }
0xb1: {  	[dreg:$0x5] =	wrdreg $0x9  }
0xb2: {  	_ =	task.clear_ibuf [dreg:s7], $0x6FFFF;
	_ =	strace $0x9000004F  }
0xb3: {  	s29 =	simm.s32 $0x9;
	_ =	strace $0x80000051  }
0xb4: {  	_ =	swait.ge [sflag:s29], $0x1  }
0xb5: {  	[sflag:s29] =	ssyncadd.s32 $0xFFFFFFFF  }
0xb6: {  	_ =	strace $0x90000051  }
0xb7: {  	_ =	sfence  }
0xb8: {  	s30 =	sld [smem:$0x0];
	_ =	sdelay $0x2  }
0xb9: {  	s31 =	sshll.u32 s1, $0xD;
	s1 =	sshrl.u32 s1, $0x2  }
0xba: {  	s3 =	sand.u32 $0x4000, s31;
	s1 =	sadd.s32 s1, s30  }
0xbb: {  	s0 =	sor.u32 s3, s0;
	s1 =	sshll.u32 s1, $0x11  }
0xbc: {  	s0 =	sor.u32 s1, s0  }
0xbd: {  	s0 =	sadd.s32 $0x8F2B, s0  }
0xbe: {  	[sflag:s0] =	ssyncadd.remote.s32 $0x1  }
0xbf: {  	_ =	sfence.sel $0xFFFF  }
0xc0: {  	[dreg:$0x0] =	wrdreg $0xFFFFFFFF;
	(pc) =	sbr.abs _section_cstart, $3  }
0xc1: {  	[dreg:$0x1] =	wrdreg $0xFFFFFFFF  }
0xc2: {  	_ =	task.clear_ibuf [dreg:s7], $0x2FFFF;
	_ =	strace $0x9FFFFFFF  }
0xc3: {  	(tm) =	ssettm $0x7FFFFFFF  }
tec
execute0_lowered:
.L_overlay_start_1:
0x0: {  	(tag) =	ssettag $0x1  }
0x1: {  	s7 =	rddreg [dreg:$0x0]  }
0x2: {  	s8 =	rddreg [dreg:$0x1]  }
0x3: {  	s0 =	srdreg.scid;
	s2 =	rddreg [dreg:$0x2]  }
0x4: {  	s3 =	simm.s32 $0x0;
	s14 =	simm.s32 $0x50;
	s15 =	simm.s32 $0x6780  }
0x5: {  	s16 =	simm.s32 $0x8F80;
	s17 =	simm.s32 $0x1;
	s18 =	simm.s32 $0x2  }
0x6: {  	s19 =	simm.s32 $0x6480;
	s20 =	simm.s32 $0x6500;
	s6 =	sand.u32 $0x1, s0  }
0x7: {  	s21 =	simm.s32 $0x6580;
	s0 =	stileid.u32;
	s10 =	smul.u32 $0x140000, s6  }
0x8: {  	s22 =	simm.s32 $0x0;
	[smem:$0x7FF] =	sst s3;
	s11 =	smul.u32 $0x14000, s0  }
0x9: {  	s4 =	sadd.s32 $0x12E00, s7;
	s1 =	sshll.u32 s6, $0x4;
	s29 =	smul.u32 $0x50000, s0  }
0xa: {  	s6 =	ssub.s32 $0x2, s6;
	s31 =	sshll.u32 s0, $0x6;
	s9 =	sor.u32 s0, s1  }
0xb: {  	s1 =	rddreg [dreg:$0x3];
	_ =	strace $0x80000050;
	s30 =	sshrl.u32 s6, $0x1  }
0xc: {  	s5 =	smul.u32 $0x4E2, s9;
	s10 =	sadd.s32 s11, s10;
	s11 =	sshrl.u32 s29, $0x2  }
0xd: {  	s13 =	ssub.s32 s6, s30;
	s6 =	sor.u32 $0x1C03, s31;
	s9 =	sshll.u32 s9, $0xB  }
0xe: {  	s10 =	sshrl.u32 s10, $0x3;
	s11 =	sadd.s32 s11, s2;
	s8 =	sadd.s32 s8, s9  }
0xf: {  	s12 =	sadd.s32 s5, s7;
	s5 =	sadd.s32 $0x10600, s7;
	s10 =	sadd.s32 s10, s7  }
0x10: {  	s11 =	sshrl.u32 s11, $0x3;
	s7 =	sadd.s32 $0x6800, s12;
	s9 =	sadd.s32 $0xB3400, s10  }
0x11: {  	s10 =	smax.u32 s13, $0x1;
	s12 =	simm.s32 $0x3;
	s13 =	simm.s32 $0x2780  }
.LBB2_1:
0x12: {  	[spmem:s11], [sflag:s6] =	dma.local [hbm:s5], $0x2800  }
0x13: {  	_ =	swait.ge [sflag:s12], $0x2800  }
0x14: {  	[sflag:s12] =	ssyncset.done $0x0  }
0x15: {  	[sflag:s12] =	ssyncadd.s32 $0xFFFFD800  }
0x16: {  	[tilespmem:s3], [sflag:$0x3] =	stream.linear.gather [hbm4b:s7+s3], $0x2710, $0x38;
	[tilespmem:$0x1F780] =	vst v63  }
0x17: {  	_ =	swait.ge [sflag:s12], $0x2710  }
0x18: {  	[sflag:s12] =	ssyncset.done $0x0  }
0x19: {  	[sflag:s12] =	ssyncadd.s32 $0xFFFFD8F0  }
0x1a: {  	[tilespmem:s13], [sflag:$0x3] =	stream.linear.gather [hbm4b:s8+s3], $0x3E80, $0x38;
	[tilespmem:$0x1F780] =	vst v63  }
0x1b: {  	_ =	swait.ge [sflag:s12], $0x3E80  }
0x1c: {  	[sflag:s12] =	ssyncset.done $0x0  }
0x1d: {  	[sflag:s12] =	ssyncadd.s32 $0xFFFFC180  }
0x1e: {  	[bflag:$0x0] =	sbarrier.arrive $0xFFFF  }
0x1f: {  	[tilespmem:s15], [sflag:$0x1] =	stream.indirect.gather [hbm4b:s4+s14], $0x80, s3, s14, $0xb8;
	[tilespmem:$0x1F780] =	vst v63  }
0x20: {  	_ = 	snop  }
0x21: {  	[tilespmem:s16], [sflag:$0x2] =	stream.indirect.gather [hbm4b:s4+s14], $0x80, s14, s14, $0xb8;
	[tilespmem:$0x1F780] =	vst v63  }
0x22: {  	_ =	swait.ge [sflag:s17], $0x2800  }
0x23: {  	[sflag:s17] =	ssyncset.done $0x0  }
0x24: {  	s23 =	simm.s32 $0x2780;
	[sflag:s17] =	ssyncadd.s32 $0xFFFFD800  }
0x25: {  	[spmem:s2] =	stream.indirect.scatter.add.f32 [tilespmem:s15], [sflag:$0x3], $0x80, s23, s14, $0xb8;
	[tilespmem:$0x1F780] =	vst v63  }
0x26: {  	_ =	swait.ge [sflag:s12], $0x2800  }
0x27: {  	[sflag:s12] =	ssyncset.done $0x0  }
0x28: {  	s30 =	simm.s32 $0xA0;
	[sflag:s12] =	ssyncadd.s32 $0xFFFFD800  }
0x29: {  	[tilespmem:s15], [sflag:$0x1] =	stream.indirect.gather [hbm4b:s4+s14], $0x80, s30, s14, $0xb8;
	[tilespmem:$0x1F780] =	vst v63  }
0x2a: {  	_ =	swait.ge [sflag:s18], $0x2800  }
0x2b: {  	[sflag:s18] =	ssyncset.done $0x0  }
0x2c: {  	s31 =	simm.s32 $0x2800;
	[sflag:s18] =	ssyncadd.s32 $0xFFFFD800  }
0x2d: {  	[spmem:s2] =	stream.indirect.scatter.add.f32 [tilespmem:s16], [sflag:$0x3], $0x80, s31, s14, $0xb8;
	[tilespmem:$0x1F780] =	vst v63  }
0x2e: {  	_ =	swait.ge [sflag:s12], $0x2800  }
0x2f: {  	s24 =	simm.s32 $0x400;
	[sflag:s12] =	ssyncset.done $0x0  }
0x30: {  	s25 =	simm.s32 $0xF0;
	s23 =	simm.s32 $0x140;
	[sflag:s12] =	ssyncadd.s32 $0xFFFFD800  }
.LBB2_2:
0x31: {  	[tilespmem:s16], [sflag:$0x2] =	stream.indirect.gather [hbm4b:s4+s14], $0x80, s25, s14, $0xb8;
	[tilespmem:$0x1F780] =	vst v63  }
0x32: {  	s25 =	smov.u32 s24  }
0x33: {  	p0 =	sne.s32 s24, $0xF000;
	s24 =	sadd.s32 $0x400, s24;
	_ =	swait.ge [sflag:s17], $0x2800  }
0x34: {  	s25 =	sshra.s32 s25, $0x2;
	[sflag:s17] =	ssyncset.done $0x0  }
0x35: {  	s26 =	sadd.s32 $0x2780, s25;
	[sflag:s17] =	ssyncadd.s32 $0xFFFFD800  }
0x36: {  	[spmem:s2] =	stream.indirect.scatter.add.f32 [tilespmem:s15], [sflag:$0x3], $0x80, s26, s14, $0xb8;
	[tilespmem:$0x1F780] =	vst v63  }
0x37: {  	_ =	swait.ge [sflag:s12], $0x2800  }
0x38: {  	[sflag:s12] =	ssyncset.done $0x0  }
0x39: {  	[sflag:s12] =	ssyncadd.s32 $0xFFFFD800  }
0x3a: {  	[tilespmem:s15], [sflag:$0x1] =	stream.indirect.gather [hbm4b:s4+s14], $0x80, s23, s14, $0xb8;
	[tilespmem:$0x1F780] =	vst v63  }
0x3b: {  	_ =	swait.ge [sflag:s18], $0x2800  }
0x3c: {  	[sflag:s18] =	ssyncset.done $0x0  }
.Ltmp0:
0x3d: {  	s25 =	sadd.s32 $0x2800, s25;
	[sflag:s18] =	ssyncadd.s32 $0xFFFFD800;
	(pc) =	sbr.rel @p0 .LBB2_2-.Ltmp0, $4  }
0x3e: {  	[spmem:s2] =	stream.indirect.scatter.add.f32 [tilespmem:s16], [sflag:$0x3], $0x80, s25, s14, $0xb8;
	[tilespmem:$0x1F780] =	vst v63  }
0x3f: {  	_ =	swait.ge [sflag:s12], $0x2800  }
0x40: {  	[sflag:s12] =	ssyncset.done $0x0  }
0x41: {  	s25 =	sadd.s32 $0x50, s23;
	s23 =	sadd.s32 $0xA0, s23;
	[sflag:s12] =	ssyncadd.s32 $0xFFFFD800  }
0x42: {  	[tilespmem:s16], [sflag:$0x2] =	stream.indirect.gather [hbm4b:s4+s14], $0x80, s25, s14, $0xb8;
	[tilespmem:$0x1F780] =	vst v63  }
0x43: {  	_ =	swait.ge [sflag:s17], $0x2800  }
0x44: {  	[sflag:s17] =	ssyncset.done $0x0  }
0x45: {  	[sflag:s17] =	ssyncadd.s32 $0xFFFFD800  }
0x46: {  	[spmem:s2] =	stream.indirect.scatter.add.f32 [tilespmem:s15], [sflag:$0x3], $0x80, s19, s14, $0xb8;
	[tilespmem:$0x1F780] =	vst v63  }
0x47: {  	_ =	swait.ge [sflag:s12], $0x2800  }
0x48: {  	[sflag:s12] =	ssyncset.done $0x0  }
0x49: {  	[sflag:s12] =	ssyncadd.s32 $0xFFFFD800  }
0x4a: {  	[tilespmem:s15], [sflag:$0x1] =	stream.indirect.gather [hbm4b:s4+s14], $0x80, s23, s14, $0xb8;
	[tilespmem:$0x1F780] =	vst v63  }
0x4b: {  	_ =	swait.ge [sflag:s18], $0x2800  }
0x4c: {  	[sflag:s18] =	ssyncset.done $0x0  }
0x4d: {  	[sflag:s18] =	ssyncadd.s32 $0xFFFFD800  }
0x4e: {  	[spmem:s2] =	stream.indirect.scatter.add.f32 [tilespmem:s16], [sflag:$0x3], $0x80, s20, s14, $0xb8;
	[tilespmem:$0x1F780] =	vst v63  }
0x4f: {  	_ =	swait.ge [sflag:s12], $0x2800  }
0x50: {  	[sflag:s12] =	ssyncset.done $0x0  }
0x51: {  	[sflag:s12] =	ssyncadd.s32 $0xFFFFD800  }
0x52: {  	_ =	swait.ge [sflag:s17], $0x2800  }
0x53: {  	[sflag:s17] =	ssyncset.done $0x0  }
0x54: {  	[sflag:s17] =	ssyncadd.s32 $0xFFFFD800  }
0x55: {  	[spmem:s2] =	stream.indirect.scatter.add.f32 [tilespmem:s15], [sflag:$0x3], $0x80, s21, s14, $0xb8;
	[tilespmem:$0x1F780] =	vst v63  }
0x56: {  	_ =	swait.ge [sflag:s12], $0x2800  }
0x57: {  	s22 =	sadd.s32 $0x1, s22;
	[sflag:s12] =	ssyncset.done $0x0  }
0x58: {  	p0 =	sne.s32 s22, s10;
	[sflag:s12] =	ssyncadd.s32 $0xFFFFD800  }
.Ltmp1:
0x59: {  	[bflag:$0x0] =	sbarrier.arrive $0xFFFF;
	(pc) =	sbr.rel @p0 .LBB2_1-.Ltmp1, $4  }
0x5a: {  	[hbm:s9], [sflag:s6] =	dma.local [spmem:s11], $0x2800  }
0x5b: {  	_ =	swait.ge [sflag:s12], $0x2800  }
0x5c: {  	[sflag:s12] =	ssyncset.done $0x0  }
0x5d: {  	[sflag:s12] =	ssyncadd.s32 $0xFFFFD800  }
0x5e: {  	_ =	sfence.sel $0x180000  }
0x5f: {  	[bflag:$0x0] =	sbarrier.arrive $0xFFFF  }
0x60: {  	p0 =	sne.s32 s0, $0x0;
	_ =	strace $0x90000050  }
0x61: {  	s0 =	sadd.s32 @!p0 $0x100000, s1;
	[bflag:$0x2] =	sbarrier.arrive $0xFFFF  }
0x62: {  	[sflag:s0] =	ssyncadd.tile.s32 @!p0 $0x1;
	_ =	shalt  }
.Lfunc_end2:
_tile_overlayer_lowered:
.L_overlay_start_2:
0x63: {  	(tag) =	ssettag $0x2  }
0x64: {  	s0 =	rddreg [dreg:$0x0];
	s2 =	stileid.u32  }
0x65: {  	s1 =	rddreg [dreg:$0x1];
	p0 =	sne.s32 s2, $0x0  }
0x66: {  	s3 =	rddreg [dreg:$0x2];
	[bflag:$0x3] =	sbarrier.arrive $0xFFFF;
	s2 =	simm.s32 @!p0 $0x1C03  }
0x67: {  	[timem:s3], [sflag:s2] =	dma.local @!p0 [hbm:s0], s1  }
0x68: {  	s0 =	simm.s32 @!p0 $0x3  }
0x69: {  	_ =	swait.ge @!p0 [sflag:s0], s1  }
0x6a: {  	s1 =	ssub.s32 @!p0 $0x0, s1;
	[sflag:s0] =	ssyncset.done @!p0 $0x0  }
0x6b: {  	[sflag:s0] =	ssyncadd.s32 @!p0 s1  }
0x6c: {  	[bflag:$0x3] =	sbarrier.arrive $0xFFFF  }
0x6d: {  	_ =	shalt  }

// kernel: seg_sum_w128.17.cloned.1.call-start
scs
__scs_entry_jumppad:
0x0: {  	(pc) =	sbr.rel $0x88, $3  }
0x1: {  	(tag) =	ssettag $0x0;
	lr =	simm.s32 $0x1  }
0x2: {  	[smem:$0x3F8B] =	sst lr;
	_ =	strace $0xD0000000  }
0x3: {  	_ = 	snop  }
0x4: {  	_ = 	snop  }
0x5: {  	_ = 	snop  }
0x6: {  	_ = 	snop  }
0x7: {  	_ = 	snop  }
__scs_overlays_trampoline_lowered:
0x8: {  	[smem:$0x3F9A] =	sst s0  }
0x9: {  	[smem:$0x3F9B] =	sst s1  }
0xa: {  	[smem:$0x3F9C] =	sst s2  }
0xb: {  	[smem:$0x3F9D] =	sst s3  }
0xc: {  	[smem:$0x3F9E] =	sst s4  }
0xd: {  	[smem:$0x3F9F] =	sst s5  }
0xe: {  	[smem:$0x3FA0] =	sst s6  }
0xf: {  	[smem:$0x3FA1] =	sst s7  }
0x10: {  	[smem:$0x3FA2] =	sst s8  }
0x11: {  	[smem:$0x3FA3] =	sst s9;
	s0 =	simm.s32 @!p0 $0x0  }
0x12: {  	s1 =	sld [smem:$0x3F89];
	s0 =	simm.s32 @p0 $0x1  }
0x13: {  	[smem:$0x3FA4] =	sst s0;
	s0 =	simm.s32 @!p1 $0x0  }
0x14: {  	s2 =	sld [smem:$0x3F88];
	s0 =	simm.s32 @p1 $0x1  }
0x15: {  	[smem:$0x3FA5] =	sst s0;
	s0 =	simm.s32 @!p2 $0x0  }
0x16: {  	s3 =	sld [smem:$0x3FDB];
	s0 =	simm.s32 @p2 $0x1  }
0x17: {  	s4 =	simm.s32 $0x1BF5;
	[smem:$0x3FA7] =	sst s0  }
0x18: {  	s0 =	sld [smem:$0x3F8A];
	_ =	swait.ge [sflag:s4], $0x0  }
0x19: {  	s7 =	sld [smem:$0x3F8B]  }
0x1a: {  	s8 =	sadd.s32 $0xFFFFE003, lr  }
0x1b: {  	s9 =	sadd.s32 $0xFFFFFEF7, lr;
	s5 =	simm.s32 $0xFFFFFFFF;
	p2 =	slt.u32 s8, $0xFFFFF086  }
0x1c: {  	p1 =	slt.u32 s9, $0xF7A;
	s5 =	simm.s32 @!p2 $0x0  }
0x1d: {  	s5 =	simm.s32 @p1 $0x1;
	p0 =	seq.s32 s7, s2  }
0x1e: {  	s7 =	smul.u32 @!p0 $0xF7A, s2;
	p2 =	seq.s32 @!p0 s5, $0x0  }
0x1f: {  	s9 =	smul.u32 $0xF7A, s1;
	s8 =	simm.s32 @!p0 $0x1BF5;
	p2 =	por !p2, p0  }
0x20: {  	[sflag:s8] =	ssyncset.s32 @!p0 $0xFFFFF086;
	s6 =	sadd.s32 @!p0 s3, s7;
	s7 =	simm.s32 @!p0 $0x108  }
0x21: {  	s3 =	sadd.s32 s3, s9;
	s6 =	sadd.s32 @!p0 $0x88, s6;
	s7 =	simm.s32 @p2 $0x1082  }
0x22: {  	[simem:s7], [sflag:s8] =	dma.local @!p0 [hbm:s6], $0xF7A  }
0x23: {  	s9 =	sor.u32 $0xD0000000, s2;
	s6 =	simm.s32 $0x108;
	_ =	swait.ge @!p0 [sflag:s8], $0x0  }
0x24: {  	s3 =	sadd.s32 $0x88, s3;
	s6 =	simm.s32 @!p1 $0x1082;
	[sflag:s4] =	ssyncset.s32 $0xFFFFF086  }
0x25: {  	[simem:s6], [sflag:s4] =	dma.local [hbm:s3], $0xF7A  }
0x26: {  	[smem:$0x3F8B] =	sst s1;
	(tag) =	ssettag s2;
	_ =	strace s9  }
0x27: {  	s1 =	sld [smem:$0x3F9B]  }
0x28: {  	s2 =	sld [smem:$0x3F9C]  }
0x29: {  	s4 =	sld [smem:$0x3F9E]  }
0x2a: {  	p0 =	seq.s32 s5, $0x0;
	s5 =	sld [smem:$0x3F9F]  }
0x2b: {  	s6 =	sld [smem:$0x3FA0]  }
0x2c: {  	s7 =	sld [smem:$0x3FA1]  }
0x2d: {  	s3 =	simm.s32 $0x108;
	s8 =	sld [smem:$0x3FA2]  }
0x2e: {  	s3 =	simm.s32 @!p0 $0x1082;
	s9 =	sld [smem:$0x3FA3]  }
0x2f: {  	lr =	sadd.s32 s0, s3;
	s0 =	sld [smem:$0x3F9A]  }
0x30: {  	s3 =	sld [smem:$0x3F9D]  }
0x31: {  	[smem:$0x3FA6] =	sst s10  }
0x32: {  	s10 =	sld [smem:$0x3FA4];
	_ =	sdelay $0x3  }
0x33: {  	p0 =	seq.s32 s10, $0x1;
	s10 =	sld [smem:$0x3FA6];
	_ =	sdelay $0x3  }
0x34: {  	[smem:$0x3FA6] =	sst s10  }
0x35: {  	s10 =	sld [smem:$0x3FA5];
	_ =	sdelay $0x3  }
0x36: {  	p1 =	seq.s32 s10, $0x1;
	s10 =	sld [smem:$0x3FA6];
	_ =	sdelay $0x3  }
0x37: {  	[smem:$0x3FA6] =	sst s10  }
0x38: {  	s10 =	sld [smem:$0x3FA7]  }
0x39: {  	_ = 	snop;
	(pc) =	sbr.ind lr, $3  }
0x3a: {  	_ = 	snop  }
0x3b: {  	_ = 	snop  }
0x3c: {  	p2 =	seq.s32 s10, $0x1;
	s10 =	sld [smem:$0x3FA6]  }
0x3d: {  	_ =	shalt  }
0x3e: {  	_ =	shalt  }
0x3f: {  	_ =	shalt  }
0x40: {  	_ =	shalt  }
0x41: {  	_ =	shalt  }
0x42: {  	_ =	shalt  }
0x43: {  	_ =	shalt  }
0x44: {  	_ =	shalt  }
0x45: {  	_ =	shalt  }
0x46: {  	_ =	shalt  }
0x47: {  	_ =	shalt  }
0x48: {  	_ =	shalt  }
0x49: {  	_ =	shalt  }
0x4a: {  	_ =	shalt  }
0x4b: {  	_ =	shalt  }
0x4c: {  	_ =	shalt  }
0x4d: {  	_ =	shalt  }
0x4e: {  	_ =	shalt  }
0x4f: {  	_ =	shalt  }
0x50: {  	_ =	shalt  }
0x51: {  	_ =	shalt  }
0x52: {  	_ =	shalt  }
0x53: {  	_ =	shalt  }
0x54: {  	_ =	shalt  }
0x55: {  	_ =	shalt  }
0x56: {  	_ =	shalt  }
0x57: {  	_ =	shalt  }
0x58: {  	_ =	shalt  }
0x59: {  	_ =	shalt  }
0x5a: {  	_ =	shalt  }
0x5b: {  	_ =	shalt  }
0x5c: {  	_ =	shalt  }
0x5d: {  	_ =	shalt  }
0x5e: {  	_ =	shalt  }
0x5f: {  	_ =	shalt  }
0x60: {  	_ =	shalt  }
0x61: {  	_ =	shalt  }
0x62: {  	_ =	shalt  }
0x63: {  	_ =	shalt  }
0x64: {  	_ =	shalt  }
0x65: {  	_ =	shalt  }
0x66: {  	_ =	shalt  }
0x67: {  	_ =	shalt  }
0x68: {  	_ =	shalt  }
0x69: {  	_ =	shalt  }
0x6a: {  	_ =	shalt  }
0x6b: {  	_ =	shalt  }
0x6c: {  	_ =	shalt  }
0x6d: {  	_ =	shalt  }
0x6e: {  	_ =	shalt  }
0x6f: {  	_ =	shalt  }
0x70: {  	_ =	shalt  }
0x71: {  	_ =	shalt  }
0x72: {  	_ =	shalt  }
0x73: {  	_ =	shalt  }
0x74: {  	_ =	shalt  }
0x75: {  	_ =	shalt  }
0x76: {  	_ =	shalt  }
0x77: {  	_ =	shalt  }
0x78: {  	_ =	shalt  }
0x79: {  	_ =	shalt  }
0x7a: {  	_ =	shalt  }
0x7b: {  	_ =	shalt  }
0x7c: {  	_ =	shalt  }
0x7d: {  	_ =	shalt  }
0x7e: {  	_ =	shalt  }
0x7f: {  	_ =	shalt  }
0x80: {  	_ =	shalt  }
0x81: {  	_ =	shalt  }
0x82: {  	_ =	shalt  }
0x83: {  	_ =	shalt  }
0x84: {  	_ =	shalt  }
0x85: {  	_ =	shalt  }
0x86: {  	_ =	shalt  }
0x87: {  	_ =	shalt  }
.Lfunc_end0:
.L_simem_size_0:
called_computation.4_lowered:
.L_overlay_start_0:
0x88: {  	s2 =	sld [smem:$0x3FD9]  }
0x89: {  	s3 =	sld [smem:$0x3FFE];
	_ =	sdelay $0x1  }
0x8a: {  	s1 =	srdreg.scid  }
0x8b: {  	s0 =	sand.u32 $0x1, s1  }
0x8c: {  	s17 =	sshll.u32 s0, $0xA;
	s2 =	sadd.s32 s3, s2  }
0x8d: {  	s2 =	sadd.s32 s2, s17  }
0x8e: {  	[smem:$0x3FB2] =	sst s2  }
0x8f: {  	_ = 	snop  }
0x90: {  	s2 =	sld [smem:$0x3FD0];
	(tm) =	ssettm $0x1  }
0x91: {  	s18 =	sld [smem:$0x3FFB];
	_ =	sdelay $0x3  }
0x92: {  	_ =	strace s18  }
0x93: {  	s3 =	sld [smem:$0x3FFC];
	_ =	sdelay $0x3  }
0x94: {  	_ =	strace s3  }
0x95: {  	s3 =	sld [smem:$0x3FFD];
	_ =	sdelay $0x3  }
0x96: {  	_ =	strace s3  }
0x97: {  	_ =	strace $0x8FFFFFFF  }
0x98: {  	s19 =	sld [smem:$0x3FDB];
	_ =	sdelay $0x1  }
0x99: {  	s4 =	simm.s32 $_scs_section_size  }
0x9a: {  	s5 =	simm.s32 $_size__tile_overlayer_lowered;
	s6 =	simm.s32 $_tile_overlayer_lowered  }
0x9b: {  	s22 =	simm.s32 $0x1BFF;
	s21 =	sshll.u32 s6, $0x1;
	s3 =	sadd.s32 s4, s19  }
0x9c: {  	s7 =	simm.s32 $0x0;
	s20 =	sshll.u32 s5, $0x1;
	s5 =	sadd.s32 s21, s3  }
0x9d: {  	[timem:s7], [sflag:s22] =	dma.local [hbm:s5], s20  }
0x9e: {  	_ =	swait.ge [sflag:s22], s20  }
0x9f: {  	s4 =	ssub.s32 $0x0, s20;
	[sflag:s22] =	ssyncset.done $0x0  }
0xa0: {  	[sflag:s22] =	ssyncadd.s32 s4;
	_ =	sdelay $0x1  }
0xa1: {  	s23 =	simm.s32 $0x1B8B  }
0xa2: {  	_ =	swait.ge [sflag:s23], $0x1  }
0xa3: {  	[sflag:s23] =	ssyncset.done $0x0  }
0xa4: {  	s25 =	simm.s32 $0x1B8E;
	s24 =	sld [smem:$0x3FFE];
	[sflag:s23] =	ssyncadd.s32 $0xFFFFFFFF  }
0xa5: {  	s26 =	simm.s32 $execute0_lowered;
	[smem:$0x3FD2] =	sst s25  }
0xa6: {  	s5 =	sshll.u32 s26, $0x1;
	_ =	strace $0x80000052;
	[dreg:$0x1] =	wrdreg $0xFFFFFFFF  }
0xa7: {  	s28 =	simm.s32 $_size_execute0_lowered;
	s3 =	sadd.s32 s3, s5;
	[dreg:$0x0] =	wrdreg $0x0  }
0xa8: {  	s5 =	sshll.u32 s28, $0x1;
	[dreg:$0x2] =	wrdreg s3  }
0xa9: {  	[dreg:$0x3] =	wrdreg s5  }
0xaa: {  	[dreg:$0x4] =	wrdreg $0xC0  }
0xab: {  	_ =	task [dreg:s7], $0x5FFFF  }
0xac: {  	[dreg:$0x1] =	wrdreg $0xFFFFFFFF  }
0xad: {  	[dreg:$0x0] =	wrdreg $0x60  }
0xae: {  	[dreg:$0x2] =	wrdreg s24  }
0xaf: {  	[dreg:$0x3] =	wrdreg s2  }
0xb0: {  	[dreg:$0x4] =	wrdreg $0xB7800  }
0xb1: {  	[dreg:$0x5] =	wrdreg $0x9  }
0xb2: {  	_ =	task.clear_ibuf [dreg:s7], $0x6FFFF;
	_ =	strace $0x90000052  }
0xb3: {  	s29 =	simm.s32 $0x9;
	_ =	strace $0x80000054  }
0xb4: {  	_ =	swait.ge [sflag:s29], $0x1  }
0xb5: {  	[sflag:s29] =	ssyncadd.s32 $0xFFFFFFFF  }
0xb6: {  	_ =	strace $0x90000054  }
0xb7: {  	_ =	sfence  }
0xb8: {  	s30 =	sld [smem:$0x0];
	_ =	sdelay $0x2  }
0xb9: {  	s31 =	sshll.u32 s1, $0xD;
	s1 =	sshrl.u32 s1, $0x2  }
0xba: {  	s3 =	sand.u32 $0x4000, s31;
	s1 =	sadd.s32 s1, s30  }
0xbb: {  	s0 =	sor.u32 s3, s0;
	s1 =	sshll.u32 s1, $0x11  }
0xbc: {  	s0 =	sor.u32 s1, s0  }
0xbd: {  	s0 =	sadd.s32 $0x8F2B, s0  }
0xbe: {  	[sflag:s0] =	ssyncadd.remote.s32 $0x1  }
0xbf: {  	_ =	sfence.sel $0xFFFF  }
0xc0: {  	[dreg:$0x0] =	wrdreg $0xFFFFFFFF;
	(pc) =	sbr.abs _section_cstart, $3  }
0xc1: {  	[dreg:$0x1] =	wrdreg $0xFFFFFFFF  }
0xc2: {  	_ =	task.clear_ibuf [dreg:s7], $0x2FFFF;
	_ =	strace $0x9FFFFFFF  }
0xc3: {  	(tm) =	ssettm $0x7FFFFFFF  }
tec
execute0_lowered:
.L_overlay_start_1:
0x0: {  	(tag) =	ssettag $0x1  }
0x1: {  	s7 =	rddreg [dreg:$0x0]  }
0x2: {  	s8 =	rddreg [dreg:$0x1]  }
0x3: {  	s0 =	srdreg.scid;
	s2 =	rddreg [dreg:$0x2]  }
0x4: {  	s3 =	simm.s32 $0x0;
	s14 =	simm.s32 $0x50;
	s15 =	simm.s32 $0x6780  }
0x5: {  	s16 =	simm.s32 $0x8F80;
	s17 =	simm.s32 $0x1;
	s18 =	simm.s32 $0x2  }
0x6: {  	s19 =	simm.s32 $0x6480;
	s20 =	simm.s32 $0x6500;
	s6 =	sand.u32 $0x1, s0  }
0x7: {  	s21 =	simm.s32 $0x6580;
	s0 =	stileid.u32;
	s10 =	smul.u32 $0x140000, s6  }
0x8: {  	s22 =	simm.s32 $0x0;
	[smem:$0x7FF] =	sst s3;
	s11 =	smul.u32 $0x14000, s0  }
0x9: {  	s4 =	sadd.s32 $0x12E00, s7;
	s1 =	sshll.u32 s6, $0x4;
	s29 =	smul.u32 $0x50000, s0  }
0xa: {  	s6 =	ssub.s32 $0x2, s6;
	s31 =	sshll.u32 s0, $0x6;
	s9 =	sor.u32 s0, s1  }
0xb: {  	s1 =	rddreg [dreg:$0x3];
	_ =	strace $0x80000053;
	s30 =	sshrl.u32 s6, $0x1  }
0xc: {  	s5 =	smul.u32 $0x4E2, s9;
	s10 =	sadd.s32 s11, s10;
	s11 =	sshrl.u32 s29, $0x2  }
0xd: {  	s13 =	ssub.s32 s6, s30;
	s6 =	sor.u32 $0x1C03, s31;
	s9 =	sshll.u32 s9, $0xB  }
0xe: {  	s10 =	sshrl.u32 s10, $0x3;
	s11 =	sadd.s32 s11, s2;
	s8 =	sadd.s32 s8, s9  }
0xf: {  	s12 =	sadd.s32 s5, s7;
	s5 =	sadd.s32 $0x10600, s7;
	s10 =	sadd.s32 s10, s7  }
0x10: {  	s11 =	sshrl.u32 s11, $0x3;
	s7 =	sadd.s32 $0x6800, s12;
	s9 =	sadd.s32 $0xB3400, s10  }
0x11: {  	s10 =	smax.u32 s13, $0x1;
	s12 =	simm.s32 $0x3;
	s13 =	simm.s32 $0x2780  }
.LBB2_1:
0x12: {  	[spmem:s11], [sflag:s6] =	dma.local [hbm:s5], $0x2800  }
0x13: {  	_ =	swait.ge [sflag:s12], $0x2800  }
0x14: {  	[sflag:s12] =	ssyncset.done $0x0  }
0x15: {  	[sflag:s12] =	ssyncadd.s32 $0xFFFFD800  }
0x16: {  	[tilespmem:s3], [sflag:$0x3] =	stream.linear.gather [hbm4b:s7+s3], $0x2710, $0x38;
	[tilespmem:$0x1F780] =	vst v63  }
0x17: {  	_ =	swait.ge [sflag:s12], $0x2710  }
0x18: {  	[sflag:s12] =	ssyncset.done $0x0  }
0x19: {  	[sflag:s12] =	ssyncadd.s32 $0xFFFFD8F0  }
0x1a: {  	[tilespmem:s13], [sflag:$0x3] =	stream.linear.gather [hbm4b:s8+s3], $0x3E80, $0x38;
	[tilespmem:$0x1F780] =	vst v63  }
0x1b: {  	_ =	swait.ge [sflag:s12], $0x3E80  }
0x1c: {  	[sflag:s12] =	ssyncset.done $0x0  }
0x1d: {  	[sflag:s12] =	ssyncadd.s32 $0xFFFFC180  }
0x1e: {  	[bflag:$0x0] =	sbarrier.arrive $0xFFFF  }
0x1f: {  	[tilespmem:s15], [sflag:$0x1] =	stream.indirect.gather [hbm4b:s4+s14], $0x80, s3, s14, $0xb8;
	[tilespmem:$0x1F780] =	vst v63  }
0x20: {  	_ = 	snop  }
0x21: {  	[tilespmem:s16], [sflag:$0x2] =	stream.indirect.gather [hbm4b:s4+s14], $0x80, s14, s14, $0xb8;
	[tilespmem:$0x1F780] =	vst v63  }
0x22: {  	_ =	swait.ge [sflag:s17], $0x2800  }
0x23: {  	[sflag:s17] =	ssyncset.done $0x0  }
0x24: {  	s23 =	simm.s32 $0x2780;
	[sflag:s17] =	ssyncadd.s32 $0xFFFFD800  }
0x25: {  	[spmem:s2] =	stream.indirect.scatter.add.f32 [tilespmem:s15], [sflag:$0x3], $0x80, s23, s14, $0xb8;
	[tilespmem:$0x1F780] =	vst v63  }
0x26: {  	_ =	swait.ge [sflag:s12], $0x2800  }
0x27: {  	[sflag:s12] =	ssyncset.done $0x0  }
0x28: {  	s30 =	simm.s32 $0xA0;
	[sflag:s12] =	ssyncadd.s32 $0xFFFFD800  }
0x29: {  	[tilespmem:s15], [sflag:$0x1] =	stream.indirect.gather [hbm4b:s4+s14], $0x80, s30, s14, $0xb8;
	[tilespmem:$0x1F780] =	vst v63  }
0x2a: {  	_ =	swait.ge [sflag:s18], $0x2800  }
0x2b: {  	[sflag:s18] =	ssyncset.done $0x0  }
0x2c: {  	s31 =	simm.s32 $0x2800;
	[sflag:s18] =	ssyncadd.s32 $0xFFFFD800  }
0x2d: {  	[spmem:s2] =	stream.indirect.scatter.add.f32 [tilespmem:s16], [sflag:$0x3], $0x80, s31, s14, $0xb8;
	[tilespmem:$0x1F780] =	vst v63  }
0x2e: {  	_ =	swait.ge [sflag:s12], $0x2800  }
0x2f: {  	s24 =	simm.s32 $0x400;
	[sflag:s12] =	ssyncset.done $0x0  }
0x30: {  	s25 =	simm.s32 $0xF0;
	s23 =	simm.s32 $0x140;
	[sflag:s12] =	ssyncadd.s32 $0xFFFFD800  }
.LBB2_2:
0x31: {  	[tilespmem:s16], [sflag:$0x2] =	stream.indirect.gather [hbm4b:s4+s14], $0x80, s25, s14, $0xb8;
	[tilespmem:$0x1F780] =	vst v63  }
0x32: {  	s25 =	smov.u32 s24  }
0x33: {  	p0 =	sne.s32 s24, $0xF000;
	s24 =	sadd.s32 $0x400, s24;
	_ =	swait.ge [sflag:s17], $0x2800  }
0x34: {  	s25 =	sshra.s32 s25, $0x2;
	[sflag:s17] =	ssyncset.done $0x0  }
0x35: {  	s26 =	sadd.s32 $0x2780, s25;
	[sflag:s17] =	ssyncadd.s32 $0xFFFFD800  }
0x36: {  	[spmem:s2] =	stream.indirect.scatter.add.f32 [tilespmem:s15], [sflag:$0x3], $0x80, s26, s14, $0xb8;
	[tilespmem:$0x1F780] =	vst v63  }
0x37: {  	_ =	swait.ge [sflag:s12], $0x2800  }
0x38: {  	[sflag:s12] =	ssyncset.done $0x0  }
0x39: {  	[sflag:s12] =	ssyncadd.s32 $0xFFFFD800  }
0x3a: {  	[tilespmem:s15], [sflag:$0x1] =	stream.indirect.gather [hbm4b:s4+s14], $0x80, s23, s14, $0xb8;
	[tilespmem:$0x1F780] =	vst v63  }
0x3b: {  	_ =	swait.ge [sflag:s18], $0x2800  }
0x3c: {  	[sflag:s18] =	ssyncset.done $0x0  }
.Ltmp0:
0x3d: {  	s25 =	sadd.s32 $0x2800, s25;
	[sflag:s18] =	ssyncadd.s32 $0xFFFFD800;
	(pc) =	sbr.rel @p0 .LBB2_2-.Ltmp0, $4  }
0x3e: {  	[spmem:s2] =	stream.indirect.scatter.add.f32 [tilespmem:s16], [sflag:$0x3], $0x80, s25, s14, $0xb8;
	[tilespmem:$0x1F780] =	vst v63  }
0x3f: {  	_ =	swait.ge [sflag:s12], $0x2800  }
0x40: {  	[sflag:s12] =	ssyncset.done $0x0  }
0x41: {  	s25 =	sadd.s32 $0x50, s23;
	s23 =	sadd.s32 $0xA0, s23;
	[sflag:s12] =	ssyncadd.s32 $0xFFFFD800  }
0x42: {  	[tilespmem:s16], [sflag:$0x2] =	stream.indirect.gather [hbm4b:s4+s14], $0x80, s25, s14, $0xb8;
	[tilespmem:$0x1F780] =	vst v63  }
0x43: {  	_ =	swait.ge [sflag:s17], $0x2800  }
0x44: {  	[sflag:s17] =	ssyncset.done $0x0  }
0x45: {  	[sflag:s17] =	ssyncadd.s32 $0xFFFFD800  }
0x46: {  	[spmem:s2] =	stream.indirect.scatter.add.f32 [tilespmem:s15], [sflag:$0x3], $0x80, s19, s14, $0xb8;
	[tilespmem:$0x1F780] =	vst v63  }
0x47: {  	_ =	swait.ge [sflag:s12], $0x2800  }
0x48: {  	[sflag:s12] =	ssyncset.done $0x0  }
0x49: {  	[sflag:s12] =	ssyncadd.s32 $0xFFFFD800  }
0x4a: {  	[tilespmem:s15], [sflag:$0x1] =	stream.indirect.gather [hbm4b:s4+s14], $0x80, s23, s14, $0xb8;
	[tilespmem:$0x1F780] =	vst v63  }
0x4b: {  	_ =	swait.ge [sflag:s18], $0x2800  }
0x4c: {  	[sflag:s18] =	ssyncset.done $0x0  }
0x4d: {  	[sflag:s18] =	ssyncadd.s32 $0xFFFFD800  }
0x4e: {  	[spmem:s2] =	stream.indirect.scatter.add.f32 [tilespmem:s16], [sflag:$0x3], $0x80, s20, s14, $0xb8;
	[tilespmem:$0x1F780] =	vst v63  }
0x4f: {  	_ =	swait.ge [sflag:s12], $0x2800  }
0x50: {  	[sflag:s12] =	ssyncset.done $0x0  }
0x51: {  	[sflag:s12] =	ssyncadd.s32 $0xFFFFD800  }
0x52: {  	_ =	swait.ge [sflag:s17], $0x2800  }
0x53: {  	[sflag:s17] =	ssyncset.done $0x0  }
0x54: {  	[sflag:s17] =	ssyncadd.s32 $0xFFFFD800  }
0x55: {  	[spmem:s2] =	stream.indirect.scatter.add.f32 [tilespmem:s15], [sflag:$0x3], $0x80, s21, s14, $0xb8;
	[tilespmem:$0x1F780] =	vst v63  }
0x56: {  	_ =	swait.ge [sflag:s12], $0x2800  }
0x57: {  	s22 =	sadd.s32 $0x1, s22;
	[sflag:s12] =	ssyncset.done $0x0  }
0x58: {  	p0 =	sne.s32 s22, s10;
	[sflag:s12] =	ssyncadd.s32 $0xFFFFD800  }
.Ltmp1:
0x59: {  	[bflag:$0x0] =	sbarrier.arrive $0xFFFF;
	(pc) =	sbr.rel @p0 .LBB2_1-.Ltmp1, $4  }
0x5a: {  	[hbm:s9], [sflag:s6] =	dma.local [spmem:s11], $0x2800  }
0x5b: {  	_ =	swait.ge [sflag:s12], $0x2800  }
0x5c: {  	[sflag:s12] =	ssyncset.done $0x0  }
0x5d: {  	[sflag:s12] =	ssyncadd.s32 $0xFFFFD800  }
0x5e: {  	_ =	sfence.sel $0x180000  }
0x5f: {  	[bflag:$0x0] =	sbarrier.arrive $0xFFFF  }
0x60: {  	p0 =	sne.s32 s0, $0x0;
	_ =	strace $0x90000053  }
0x61: {  	s0 =	sadd.s32 @!p0 $0x100000, s1;
	[bflag:$0x2] =	sbarrier.arrive $0xFFFF  }
0x62: {  	[sflag:s0] =	ssyncadd.tile.s32 @!p0 $0x1;
	_ =	shalt  }
.Lfunc_end2:
_tile_overlayer_lowered:
.L_overlay_start_2:
0x63: {  	(tag) =	ssettag $0x2  }
0x64: {  	s0 =	rddreg [dreg:$0x0];
	s2 =	stileid.u32  }
0x65: {  	s1 =	rddreg [dreg:$0x1];
	p0 =	sne.s32 s2, $0x0  }
0x66: {  	s3 =	rddreg [dreg:$0x2];
	[bflag:$0x3] =	sbarrier.arrive $0xFFFF;
	s2 =	simm.s32 @!p0 $0x1C03  }
0x67: {  	[timem:s3], [sflag:s2] =	dma.local @!p0 [hbm:s0], s1  }
0x68: {  	s0 =	simm.s32 @!p0 $0x3  }
0x69: {  	_ =	swait.ge @!p0 [sflag:s0], s1  }
0x6a: {  	s1 =	ssub.s32 @!p0 $0x0, s1;
	[sflag:s0] =	ssyncset.done @!p0 $0x0  }
0x6b: {  	[sflag:s0] =	ssyncadd.s32 @!p0 s1  }
0x6c: {  	[bflag:$0x3] =	sbarrier.arrive $0xFFFF  }
0x6d: {  	_ =	shalt  }

// kernel: seg_sum_w128.20.cloned.1.call-start
scs
__scs_entry_jumppad:
0x0: {  	(pc) =	sbr.rel $0x88, $3  }
0x1: {  	(tag) =	ssettag $0x0;
	lr =	simm.s32 $0x1  }
0x2: {  	[smem:$0x3F8B] =	sst lr;
	_ =	strace $0xD0000000  }
0x3: {  	_ = 	snop  }
0x4: {  	_ = 	snop  }
0x5: {  	_ = 	snop  }
0x6: {  	_ = 	snop  }
0x7: {  	_ = 	snop  }
__scs_overlays_trampoline_lowered:
0x8: {  	[smem:$0x3F9A] =	sst s0  }
0x9: {  	[smem:$0x3F9B] =	sst s1  }
0xa: {  	[smem:$0x3F9C] =	sst s2  }
0xb: {  	[smem:$0x3F9D] =	sst s3  }
0xc: {  	[smem:$0x3F9E] =	sst s4  }
0xd: {  	[smem:$0x3F9F] =	sst s5  }
0xe: {  	[smem:$0x3FA0] =	sst s6  }
0xf: {  	[smem:$0x3FA1] =	sst s7  }
0x10: {  	[smem:$0x3FA2] =	sst s8  }
0x11: {  	[smem:$0x3FA3] =	sst s9;
	s0 =	simm.s32 @!p0 $0x0  }
0x12: {  	s1 =	sld [smem:$0x3F89];
	s0 =	simm.s32 @p0 $0x1  }
0x13: {  	[smem:$0x3FA4] =	sst s0;
	s0 =	simm.s32 @!p1 $0x0  }
0x14: {  	s2 =	sld [smem:$0x3F88];
	s0 =	simm.s32 @p1 $0x1  }
0x15: {  	[smem:$0x3FA5] =	sst s0;
	s0 =	simm.s32 @!p2 $0x0  }
0x16: {  	s3 =	sld [smem:$0x3FDB];
	s0 =	simm.s32 @p2 $0x1  }
0x17: {  	s4 =	simm.s32 $0x1BF5;
	[smem:$0x3FA7] =	sst s0  }
0x18: {  	s0 =	sld [smem:$0x3F8A];
	_ =	swait.ge [sflag:s4], $0x0  }
0x19: {  	s7 =	sld [smem:$0x3F8B]  }
0x1a: {  	s8 =	sadd.s32 $0xFFFFE003, lr  }
0x1b: {  	s9 =	sadd.s32 $0xFFFFFEF7, lr;
	s5 =	simm.s32 $0xFFFFFFFF;
	p2 =	slt.u32 s8, $0xFFFFF086  }
0x1c: {  	p1 =	slt.u32 s9, $0xF7A;
	s5 =	simm.s32 @!p2 $0x0  }
0x1d: {  	s5 =	simm.s32 @p1 $0x1;
	p0 =	seq.s32 s7, s2  }
0x1e: {  	s7 =	smul.u32 @!p0 $0xF7A, s2;
	p2 =	seq.s32 @!p0 s5, $0x0  }
0x1f: {  	s9 =	smul.u32 $0xF7A, s1;
	s8 =	simm.s32 @!p0 $0x1BF5;
	p2 =	por !p2, p0  }
0x20: {  	[sflag:s8] =	ssyncset.s32 @!p0 $0xFFFFF086;
	s6 =	sadd.s32 @!p0 s3, s7;
	s7 =	simm.s32 @!p0 $0x108  }
0x21: {  	s3 =	sadd.s32 s3, s9;
	s6 =	sadd.s32 @!p0 $0x88, s6;
	s7 =	simm.s32 @p2 $0x1082  }
0x22: {  	[simem:s7], [sflag:s8] =	dma.local @!p0 [hbm:s6], $0xF7A  }
0x23: {  	s9 =	sor.u32 $0xD0000000, s2;
	s6 =	simm.s32 $0x108;
	_ =	swait.ge @!p0 [sflag:s8], $0x0  }
0x24: {  	s3 =	sadd.s32 $0x88, s3;
	s6 =	simm.s32 @!p1 $0x1082;
	[sflag:s4] =	ssyncset.s32 $0xFFFFF086  }
0x25: {  	[simem:s6], [sflag:s4] =	dma.local [hbm:s3], $0xF7A  }
0x26: {  	[smem:$0x3F8B] =	sst s1;
	(tag) =	ssettag s2;
	_ =	strace s9  }
0x27: {  	s1 =	sld [smem:$0x3F9B]  }
0x28: {  	s2 =	sld [smem:$0x3F9C]  }
0x29: {  	s4 =	sld [smem:$0x3F9E]  }
0x2a: {  	p0 =	seq.s32 s5, $0x0;
	s5 =	sld [smem:$0x3F9F]  }
0x2b: {  	s6 =	sld [smem:$0x3FA0]  }
0x2c: {  	s7 =	sld [smem:$0x3FA1]  }
0x2d: {  	s3 =	simm.s32 $0x108;
	s8 =	sld [smem:$0x3FA2]  }
0x2e: {  	s3 =	simm.s32 @!p0 $0x1082;
	s9 =	sld [smem:$0x3FA3]  }
0x2f: {  	lr =	sadd.s32 s0, s3;
	s0 =	sld [smem:$0x3F9A]  }
0x30: {  	s3 =	sld [smem:$0x3F9D]  }
0x31: {  	[smem:$0x3FA6] =	sst s10  }
0x32: {  	s10 =	sld [smem:$0x3FA4];
	_ =	sdelay $0x3  }
0x33: {  	p0 =	seq.s32 s10, $0x1;
	s10 =	sld [smem:$0x3FA6];
	_ =	sdelay $0x3  }
0x34: {  	[smem:$0x3FA6] =	sst s10  }
0x35: {  	s10 =	sld [smem:$0x3FA5];
	_ =	sdelay $0x3  }
0x36: {  	p1 =	seq.s32 s10, $0x1;
	s10 =	sld [smem:$0x3FA6];
	_ =	sdelay $0x3  }
0x37: {  	[smem:$0x3FA6] =	sst s10  }
0x38: {  	s10 =	sld [smem:$0x3FA7]  }
0x39: {  	_ = 	snop;
	(pc) =	sbr.ind lr, $3  }
0x3a: {  	_ = 	snop  }
0x3b: {  	_ = 	snop  }
0x3c: {  	p2 =	seq.s32 s10, $0x1;
	s10 =	sld [smem:$0x3FA6]  }
0x3d: {  	_ =	shalt  }
0x3e: {  	_ =	shalt  }
0x3f: {  	_ =	shalt  }
0x40: {  	_ =	shalt  }
0x41: {  	_ =	shalt  }
0x42: {  	_ =	shalt  }
0x43: {  	_ =	shalt  }
0x44: {  	_ =	shalt  }
0x45: {  	_ =	shalt  }
0x46: {  	_ =	shalt  }
0x47: {  	_ =	shalt  }
0x48: {  	_ =	shalt  }
0x49: {  	_ =	shalt  }
0x4a: {  	_ =	shalt  }
0x4b: {  	_ =	shalt  }
0x4c: {  	_ =	shalt  }
0x4d: {  	_ =	shalt  }
0x4e: {  	_ =	shalt  }
0x4f: {  	_ =	shalt  }
0x50: {  	_ =	shalt  }
0x51: {  	_ =	shalt  }
0x52: {  	_ =	shalt  }
0x53: {  	_ =	shalt  }
0x54: {  	_ =	shalt  }
0x55: {  	_ =	shalt  }
0x56: {  	_ =	shalt  }
0x57: {  	_ =	shalt  }
0x58: {  	_ =	shalt  }
0x59: {  	_ =	shalt  }
0x5a: {  	_ =	shalt  }
0x5b: {  	_ =	shalt  }
0x5c: {  	_ =	shalt  }
0x5d: {  	_ =	shalt  }
0x5e: {  	_ =	shalt  }
0x5f: {  	_ =	shalt  }
0x60: {  	_ =	shalt  }
0x61: {  	_ =	shalt  }
0x62: {  	_ =	shalt  }
0x63: {  	_ =	shalt  }
0x64: {  	_ =	shalt  }
0x65: {  	_ =	shalt  }
0x66: {  	_ =	shalt  }
0x67: {  	_ =	shalt  }
0x68: {  	_ =	shalt  }
0x69: {  	_ =	shalt  }
0x6a: {  	_ =	shalt  }
0x6b: {  	_ =	shalt  }
0x6c: {  	_ =	shalt  }
0x6d: {  	_ =	shalt  }
0x6e: {  	_ =	shalt  }
0x6f: {  	_ =	shalt  }
0x70: {  	_ =	shalt  }
0x71: {  	_ =	shalt  }
0x72: {  	_ =	shalt  }
0x73: {  	_ =	shalt  }
0x74: {  	_ =	shalt  }
0x75: {  	_ =	shalt  }
0x76: {  	_ =	shalt  }
0x77: {  	_ =	shalt  }
0x78: {  	_ =	shalt  }
0x79: {  	_ =	shalt  }
0x7a: {  	_ =	shalt  }
0x7b: {  	_ =	shalt  }
0x7c: {  	_ =	shalt  }
0x7d: {  	_ =	shalt  }
0x7e: {  	_ =	shalt  }
0x7f: {  	_ =	shalt  }
0x80: {  	_ =	shalt  }
0x81: {  	_ =	shalt  }
0x82: {  	_ =	shalt  }
0x83: {  	_ =	shalt  }
0x84: {  	_ =	shalt  }
0x85: {  	_ =	shalt  }
0x86: {  	_ =	shalt  }
0x87: {  	_ =	shalt  }
.Lfunc_end0:
.L_simem_size_0:
called_computation.5_lowered:
.L_overlay_start_0:
0x88: {  	s2 =	sld [smem:$0x3FD9]  }
0x89: {  	s3 =	sld [smem:$0x3FFE];
	_ =	sdelay $0x1  }
0x8a: {  	s1 =	srdreg.scid  }
0x8b: {  	s0 =	sand.u32 $0x1, s1  }
0x8c: {  	s17 =	sshll.u32 s0, $0xA;
	s2 =	sadd.s32 s3, s2  }
0x8d: {  	s2 =	sadd.s32 s2, s17  }
0x8e: {  	[smem:$0x3FB2] =	sst s2  }
0x8f: {  	_ = 	snop  }
0x90: {  	s2 =	sld [smem:$0x3FD0];
	(tm) =	ssettm $0x1  }
0x91: {  	s18 =	sld [smem:$0x3FFB];
	_ =	sdelay $0x3  }
0x92: {  	_ =	strace s18  }
0x93: {  	s3 =	sld [smem:$0x3FFC];
	_ =	sdelay $0x3  }
0x94: {  	_ =	strace s3  }
0x95: {  	s3 =	sld [smem:$0x3FFD];
	_ =	sdelay $0x3  }
0x96: {  	_ =	strace s3  }
0x97: {  	_ =	strace $0x8FFFFFFF  }
0x98: {  	s19 =	sld [smem:$0x3FDB];
	_ =	sdelay $0x1  }
0x99: {  	s4 =	simm.s32 $_scs_section_size  }
0x9a: {  	s5 =	simm.s32 $_size__tile_overlayer_lowered;
	s6 =	simm.s32 $_tile_overlayer_lowered  }
0x9b: {  	s22 =	simm.s32 $0x1BFF;
	s21 =	sshll.u32 s6, $0x1;
	s3 =	sadd.s32 s4, s19  }
0x9c: {  	s7 =	simm.s32 $0x0;
	s20 =	sshll.u32 s5, $0x1;
	s5 =	sadd.s32 s21, s3  }
0x9d: {  	[timem:s7], [sflag:s22] =	dma.local [hbm:s5], s20  }
0x9e: {  	_ =	swait.ge [sflag:s22], s20  }
0x9f: {  	s4 =	ssub.s32 $0x0, s20;
	[sflag:s22] =	ssyncset.done $0x0  }
0xa0: {  	[sflag:s22] =	ssyncadd.s32 s4;
	_ =	sdelay $0x1  }
0xa1: {  	s23 =	simm.s32 $0x1B8B  }
0xa2: {  	_ =	swait.ge [sflag:s23], $0x1  }
0xa3: {  	[sflag:s23] =	ssyncset.done $0x0  }
0xa4: {  	s25 =	simm.s32 $0x1B8E;
	s24 =	sld [smem:$0x3FFE];
	[sflag:s23] =	ssyncadd.s32 $0xFFFFFFFF  }
0xa5: {  	s26 =	simm.s32 $execute0_lowered;
	[smem:$0x3FD2] =	sst s25  }
0xa6: {  	s5 =	sshll.u32 s26, $0x1;
	_ =	strace $0x80000055;
	[dreg:$0x1] =	wrdreg $0xFFFFFFFF  }
0xa7: {  	s28 =	simm.s32 $_size_execute0_lowered;
	s3 =	sadd.s32 s3, s5;
	[dreg:$0x0] =	wrdreg $0x0  }
0xa8: {  	s5 =	sshll.u32 s28, $0x1;
	[dreg:$0x2] =	wrdreg s3  }
0xa9: {  	[dreg:$0x3] =	wrdreg s5  }
0xaa: {  	[dreg:$0x4] =	wrdreg $0xC0  }
0xab: {  	_ =	task [dreg:s7], $0x5FFFF  }
0xac: {  	[dreg:$0x1] =	wrdreg $0xFFFFFFFF  }
0xad: {  	[dreg:$0x0] =	wrdreg $0x60  }
0xae: {  	[dreg:$0x2] =	wrdreg s24  }
0xaf: {  	[dreg:$0x3] =	wrdreg s2  }
0xb0: {  	[dreg:$0x4] =	wrdreg $0xB7800  }
0xb1: {  	[dreg:$0x5] =	wrdreg $0x9  }
0xb2: {  	_ =	task.clear_ibuf [dreg:s7], $0x6FFFF;
	_ =	strace $0x90000055  }
0xb3: {  	s29 =	simm.s32 $0x9;
	_ =	strace $0x80000057  }
0xb4: {  	_ =	swait.ge [sflag:s29], $0x1  }
0xb5: {  	[sflag:s29] =	ssyncadd.s32 $0xFFFFFFFF  }
0xb6: {  	_ =	strace $0x90000057  }
0xb7: {  	_ =	sfence  }
0xb8: {  	s30 =	sld [smem:$0x0];
	_ =	sdelay $0x2  }
0xb9: {  	s31 =	sshll.u32 s1, $0xD;
	s1 =	sshrl.u32 s1, $0x2  }
0xba: {  	s3 =	sand.u32 $0x4000, s31;
	s1 =	sadd.s32 s1, s30  }
0xbb: {  	s0 =	sor.u32 s3, s0;
	s1 =	sshll.u32 s1, $0x11  }
0xbc: {  	s0 =	sor.u32 s1, s0  }
0xbd: {  	s0 =	sadd.s32 $0x8F2B, s0  }
0xbe: {  	[sflag:s0] =	ssyncadd.remote.s32 $0x1  }
0xbf: {  	_ =	sfence.sel $0xFFFF  }
0xc0: {  	[dreg:$0x0] =	wrdreg $0xFFFFFFFF;
	(pc) =	sbr.abs _section_cstart, $3  }
0xc1: {  	[dreg:$0x1] =	wrdreg $0xFFFFFFFF  }
0xc2: {  	_ =	task.clear_ibuf [dreg:s7], $0x2FFFF;
	_ =	strace $0x9FFFFFFF  }
0xc3: {  	(tm) =	ssettm $0x7FFFFFFF  }
tec
execute0_lowered:
.L_overlay_start_1:
0x0: {  	(tag) =	ssettag $0x1  }
0x1: {  	s7 =	rddreg [dreg:$0x0]  }
0x2: {  	s8 =	rddreg [dreg:$0x1]  }
0x3: {  	s0 =	srdreg.scid;
	s2 =	rddreg [dreg:$0x2]  }
0x4: {  	s3 =	simm.s32 $0x0;
	s14 =	simm.s32 $0x50;
	s15 =	simm.s32 $0x6780  }
0x5: {  	s16 =	simm.s32 $0x8F80;
	s17 =	simm.s32 $0x1;
	s18 =	simm.s32 $0x2  }
0x6: {  	s19 =	simm.s32 $0x6480;
	s20 =	simm.s32 $0x6500;
	s6 =	sand.u32 $0x1, s0  }
0x7: {  	s21 =	simm.s32 $0x6580;
	s0 =	stileid.u32;
	s10 =	smul.u32 $0x140000, s6  }
0x8: {  	s22 =	simm.s32 $0x0;
	[smem:$0x7FF] =	sst s3;
	s11 =	smul.u32 $0x14000, s0  }
0x9: {  	s4 =	sadd.s32 $0x12E00, s7;
	s1 =	sshll.u32 s6, $0x4;
	s29 =	smul.u32 $0x50000, s0  }
0xa: {  	s6 =	ssub.s32 $0x2, s6;
	s31 =	sshll.u32 s0, $0x6;
	s9 =	sor.u32 s0, s1  }
0xb: {  	s1 =	rddreg [dreg:$0x3];
	_ =	strace $0x80000056;
	s30 =	sshrl.u32 s6, $0x1  }
0xc: {  	s5 =	smul.u32 $0x4E2, s9;
	s10 =	sadd.s32 s11, s10;
	s11 =	sshrl.u32 s29, $0x2  }
0xd: {  	s13 =	ssub.s32 s6, s30;
	s6 =	sor.u32 $0x1C03, s31;
	s9 =	sshll.u32 s9, $0xB  }
0xe: {  	s10 =	sshrl.u32 s10, $0x3;
	s11 =	sadd.s32 s11, s2;
	s8 =	sadd.s32 s8, s9  }
0xf: {  	s12 =	sadd.s32 s5, s7;
	s5 =	sadd.s32 $0x10600, s7;
	s10 =	sadd.s32 s10, s7  }
0x10: {  	s11 =	sshrl.u32 s11, $0x3;
	s7 =	sadd.s32 $0x6800, s12;
	s9 =	sadd.s32 $0xB3400, s10  }
0x11: {  	s10 =	smax.u32 s13, $0x1;
	s12 =	simm.s32 $0x3;
	s13 =	simm.s32 $0x2780  }
.LBB2_1:
0x12: {  	[spmem:s11], [sflag:s6] =	dma.local [hbm:s5], $0x2800  }
0x13: {  	_ =	swait.ge [sflag:s12], $0x2800  }
0x14: {  	[sflag:s12] =	ssyncset.done $0x0  }
0x15: {  	[sflag:s12] =	ssyncadd.s32 $0xFFFFD800  }
0x16: {  	[tilespmem:s3], [sflag:$0x3] =	stream.linear.gather [hbm4b:s7+s3], $0x2710, $0x38;
	[tilespmem:$0x1F780] =	vst v63  }
0x17: {  	_ =	swait.ge [sflag:s12], $0x2710  }
0x18: {  	[sflag:s12] =	ssyncset.done $0x0  }
0x19: {  	[sflag:s12] =	ssyncadd.s32 $0xFFFFD8F0  }
0x1a: {  	[tilespmem:s13], [sflag:$0x3] =	stream.linear.gather [hbm4b:s8+s3], $0x3E80, $0x38;
	[tilespmem:$0x1F780] =	vst v63  }
0x1b: {  	_ =	swait.ge [sflag:s12], $0x3E80  }
0x1c: {  	[sflag:s12] =	ssyncset.done $0x0  }
0x1d: {  	[sflag:s12] =	ssyncadd.s32 $0xFFFFC180  }
0x1e: {  	[bflag:$0x0] =	sbarrier.arrive $0xFFFF  }
0x1f: {  	[tilespmem:s15], [sflag:$0x1] =	stream.indirect.gather [hbm4b:s4+s14], $0x80, s3, s14, $0xb8;
	[tilespmem:$0x1F780] =	vst v63  }
0x20: {  	_ = 	snop  }
0x21: {  	[tilespmem:s16], [sflag:$0x2] =	stream.indirect.gather [hbm4b:s4+s14], $0x80, s14, s14, $0xb8;
	[tilespmem:$0x1F780] =	vst v63  }
0x22: {  	_ =	swait.ge [sflag:s17], $0x2800  }
0x23: {  	[sflag:s17] =	ssyncset.done $0x0  }
0x24: {  	s23 =	simm.s32 $0x2780;
	[sflag:s17] =	ssyncadd.s32 $0xFFFFD800  }
0x25: {  	[spmem:s2] =	stream.indirect.scatter.add.f32 [tilespmem:s15], [sflag:$0x3], $0x80, s23, s14, $0xb8;
	[tilespmem:$0x1F780] =	vst v63  }
0x26: {  	_ =	swait.ge [sflag:s12], $0x2800  }
0x27: {  	[sflag:s12] =	ssyncset.done $0x0  }
0x28: {  	s30 =	simm.s32 $0xA0;
	[sflag:s12] =	ssyncadd.s32 $0xFFFFD800  }
0x29: {  	[tilespmem:s15], [sflag:$0x1] =	stream.indirect.gather [hbm4b:s4+s14], $0x80, s30, s14, $0xb8;
	[tilespmem:$0x1F780] =	vst v63  }
0x2a: {  	_ =	swait.ge [sflag:s18], $0x2800  }
0x2b: {  	[sflag:s18] =	ssyncset.done $0x0  }
0x2c: {  	s31 =	simm.s32 $0x2800;
	[sflag:s18] =	ssyncadd.s32 $0xFFFFD800  }
0x2d: {  	[spmem:s2] =	stream.indirect.scatter.add.f32 [tilespmem:s16], [sflag:$0x3], $0x80, s31, s14, $0xb8;
	[tilespmem:$0x1F780] =	vst v63  }
0x2e: {  	_ =	swait.ge [sflag:s12], $0x2800  }
0x2f: {  	s24 =	simm.s32 $0x400;
	[sflag:s12] =	ssyncset.done $0x0  }
0x30: {  	s25 =	simm.s32 $0xF0;
	s23 =	simm.s32 $0x140;
	[sflag:s12] =	ssyncadd.s32 $0xFFFFD800  }
.LBB2_2:
0x31: {  	[tilespmem:s16], [sflag:$0x2] =	stream.indirect.gather [hbm4b:s4+s14], $0x80, s25, s14, $0xb8;
	[tilespmem:$0x1F780] =	vst v63  }
0x32: {  	s25 =	smov.u32 s24  }
0x33: {  	p0 =	sne.s32 s24, $0xF000;
	s24 =	sadd.s32 $0x400, s24;
	_ =	swait.ge [sflag:s17], $0x2800  }
0x34: {  	s25 =	sshra.s32 s25, $0x2;
	[sflag:s17] =	ssyncset.done $0x0  }
0x35: {  	s26 =	sadd.s32 $0x2780, s25;
	[sflag:s17] =	ssyncadd.s32 $0xFFFFD800  }
0x36: {  	[spmem:s2] =	stream.indirect.scatter.add.f32 [tilespmem:s15], [sflag:$0x3], $0x80, s26, s14, $0xb8;
	[tilespmem:$0x1F780] =	vst v63  }
0x37: {  	_ =	swait.ge [sflag:s12], $0x2800  }
0x38: {  	[sflag:s12] =	ssyncset.done $0x0  }
0x39: {  	[sflag:s12] =	ssyncadd.s32 $0xFFFFD800  }
0x3a: {  	[tilespmem:s15], [sflag:$0x1] =	stream.indirect.gather [hbm4b:s4+s14], $0x80, s23, s14, $0xb8;
	[tilespmem:$0x1F780] =	vst v63  }
0x3b: {  	_ =	swait.ge [sflag:s18], $0x2800  }
0x3c: {  	[sflag:s18] =	ssyncset.done $0x0  }
.Ltmp0:
0x3d: {  	s25 =	sadd.s32 $0x2800, s25;
	[sflag:s18] =	ssyncadd.s32 $0xFFFFD800;
	(pc) =	sbr.rel @p0 .LBB2_2-.Ltmp0, $4  }
0x3e: {  	[spmem:s2] =	stream.indirect.scatter.add.f32 [tilespmem:s16], [sflag:$0x3], $0x80, s25, s14, $0xb8;
	[tilespmem:$0x1F780] =	vst v63  }
0x3f: {  	_ =	swait.ge [sflag:s12], $0x2800  }
0x40: {  	[sflag:s12] =	ssyncset.done $0x0  }
0x41: {  	s25 =	sadd.s32 $0x50, s23;
	s23 =	sadd.s32 $0xA0, s23;
	[sflag:s12] =	ssyncadd.s32 $0xFFFFD800  }
0x42: {  	[tilespmem:s16], [sflag:$0x2] =	stream.indirect.gather [hbm4b:s4+s14], $0x80, s25, s14, $0xb8;
	[tilespmem:$0x1F780] =	vst v63  }
0x43: {  	_ =	swait.ge [sflag:s17], $0x2800  }
0x44: {  	[sflag:s17] =	ssyncset.done $0x0  }
0x45: {  	[sflag:s17] =	ssyncadd.s32 $0xFFFFD800  }
0x46: {  	[spmem:s2] =	stream.indirect.scatter.add.f32 [tilespmem:s15], [sflag:$0x3], $0x80, s19, s14, $0xb8;
	[tilespmem:$0x1F780] =	vst v63  }
0x47: {  	_ =	swait.ge [sflag:s12], $0x2800  }
0x48: {  	[sflag:s12] =	ssyncset.done $0x0  }
0x49: {  	[sflag:s12] =	ssyncadd.s32 $0xFFFFD800  }
0x4a: {  	[tilespmem:s15], [sflag:$0x1] =	stream.indirect.gather [hbm4b:s4+s14], $0x80, s23, s14, $0xb8;
	[tilespmem:$0x1F780] =	vst v63  }
0x4b: {  	_ =	swait.ge [sflag:s18], $0x2800  }
0x4c: {  	[sflag:s18] =	ssyncset.done $0x0  }
0x4d: {  	[sflag:s18] =	ssyncadd.s32 $0xFFFFD800  }
0x4e: {  	[spmem:s2] =	stream.indirect.scatter.add.f32 [tilespmem:s16], [sflag:$0x3], $0x80, s20, s14, $0xb8;
	[tilespmem:$0x1F780] =	vst v63  }
0x4f: {  	_ =	swait.ge [sflag:s12], $0x2800  }
0x50: {  	[sflag:s12] =	ssyncset.done $0x0  }
0x51: {  	[sflag:s12] =	ssyncadd.s32 $0xFFFFD800  }
0x52: {  	_ =	swait.ge [sflag:s17], $0x2800  }
0x53: {  	[sflag:s17] =	ssyncset.done $0x0  }
0x54: {  	[sflag:s17] =	ssyncadd.s32 $0xFFFFD800  }
0x55: {  	[spmem:s2] =	stream.indirect.scatter.add.f32 [tilespmem:s15], [sflag:$0x3], $0x80, s21, s14, $0xb8;
	[tilespmem:$0x1F780] =	vst v63  }
0x56: {  	_ =	swait.ge [sflag:s12], $0x2800  }
0x57: {  	s22 =	sadd.s32 $0x1, s22;
	[sflag:s12] =	ssyncset.done $0x0  }
0x58: {  	p0 =	sne.s32 s22, s10;
	[sflag:s12] =	ssyncadd.s32 $0xFFFFD800  }
.Ltmp1:
0x59: {  	[bflag:$0x0] =	sbarrier.arrive $0xFFFF;
	(pc) =	sbr.rel @p0 .LBB2_1-.Ltmp1, $4  }
0x5a: {  	[hbm:s9], [sflag:s6] =	dma.local [spmem:s11], $0x2800  }
0x5b: {  	_ =	swait.ge [sflag:s12], $0x2800  }
0x5c: {  	[sflag:s12] =	ssyncset.done $0x0  }
0x5d: {  	[sflag:s12] =	ssyncadd.s32 $0xFFFFD800  }
0x5e: {  	_ =	sfence.sel $0x180000  }
0x5f: {  	[bflag:$0x0] =	sbarrier.arrive $0xFFFF  }
0x60: {  	p0 =	sne.s32 s0, $0x0;
	_ =	strace $0x90000056  }
0x61: {  	s0 =	sadd.s32 @!p0 $0x100000, s1;
	[bflag:$0x2] =	sbarrier.arrive $0xFFFF  }
0x62: {  	[sflag:s0] =	ssyncadd.tile.s32 @!p0 $0x1;
	_ =	shalt  }
.Lfunc_end2:
_tile_overlayer_lowered:
.L_overlay_start_2:
0x63: {  	(tag) =	ssettag $0x2  }
0x64: {  	s0 =	rddreg [dreg:$0x0];
	s2 =	stileid.u32  }
0x65: {  	s1 =	rddreg [dreg:$0x1];
	p0 =	sne.s32 s2, $0x0  }
0x66: {  	s3 =	rddreg [dreg:$0x2];
	[bflag:$0x3] =	sbarrier.arrive $0xFFFF;
	s2 =	simm.s32 @!p0 $0x1C03  }
0x67: {  	[timem:s3], [sflag:s2] =	dma.local @!p0 [hbm:s0], s1  }
0x68: {  	s0 =	simm.s32 @!p0 $0x3  }
0x69: {  	_ =	swait.ge @!p0 [sflag:s0], s1  }
0x6a: {  	s1 =	ssub.s32 @!p0 $0x0, s1;
	[sflag:s0] =	ssyncset.done @!p0 $0x0  }
0x6b: {  	[sflag:s0] =	ssyncadd.s32 @!p0 s1  }
0x6c: {  	[bflag:$0x3] =	sbarrier.arrive $0xFFFF  }
0x6d: {  	_ =	shalt  }

// kernel: seg_sum_w128.23.cloned.1.call-start
scs
__scs_entry_jumppad:
0x0: {  	(pc) =	sbr.rel $0x88, $3  }
0x1: {  	(tag) =	ssettag $0x0;
	lr =	simm.s32 $0x1  }
0x2: {  	[smem:$0x3F8B] =	sst lr;
	_ =	strace $0xD0000000  }
0x3: {  	_ = 	snop  }
0x4: {  	_ = 	snop  }
0x5: {  	_ = 	snop  }
0x6: {  	_ = 	snop  }
0x7: {  	_ = 	snop  }
__scs_overlays_trampoline_lowered:
0x8: {  	[smem:$0x3F9A] =	sst s0  }
0x9: {  	[smem:$0x3F9B] =	sst s1  }
0xa: {  	[smem:$0x3F9C] =	sst s2  }
0xb: {  	[smem:$0x3F9D] =	sst s3  }
0xc: {  	[smem:$0x3F9E] =	sst s4  }
0xd: {  	[smem:$0x3F9F] =	sst s5  }
0xe: {  	[smem:$0x3FA0] =	sst s6  }
0xf: {  	[smem:$0x3FA1] =	sst s7  }
0x10: {  	[smem:$0x3FA2] =	sst s8  }
0x11: {  	[smem:$0x3FA3] =	sst s9;
	s0 =	simm.s32 @!p0 $0x0  }
0x12: {  	s1 =	sld [smem:$0x3F89];
	s0 =	simm.s32 @p0 $0x1  }
0x13: {  	[smem:$0x3FA4] =	sst s0;
	s0 =	simm.s32 @!p1 $0x0  }
0x14: {  	s2 =	sld [smem:$0x3F88];
	s0 =	simm.s32 @p1 $0x1  }
0x15: {  	[smem:$0x3FA5] =	sst s0;
	s0 =	simm.s32 @!p2 $0x0  }
0x16: {  	s3 =	sld [smem:$0x3FDB];
	s0 =	simm.s32 @p2 $0x1  }
0x17: {  	s4 =	simm.s32 $0x1BF5;
	[smem:$0x3FA7] =	sst s0  }
0x18: {  	s0 =	sld [smem:$0x3F8A];
	_ =	swait.ge [sflag:s4], $0x0  }
0x19: {  	s7 =	sld [smem:$0x3F8B]  }
0x1a: {  	s8 =	sadd.s32 $0xFFFFE003, lr  }
0x1b: {  	s9 =	sadd.s32 $0xFFFFFEF7, lr;
	s5 =	simm.s32 $0xFFFFFFFF;
	p2 =	slt.u32 s8, $0xFFFFF086  }
0x1c: {  	p1 =	slt.u32 s9, $0xF7A;
	s5 =	simm.s32 @!p2 $0x0  }
0x1d: {  	s5 =	simm.s32 @p1 $0x1;
	p0 =	seq.s32 s7, s2  }
0x1e: {  	s7 =	smul.u32 @!p0 $0xF7A, s2;
	p2 =	seq.s32 @!p0 s5, $0x0  }
0x1f: {  	s9 =	smul.u32 $0xF7A, s1;
	s8 =	simm.s32 @!p0 $0x1BF5;
	p2 =	por !p2, p0  }
0x20: {  	[sflag:s8] =	ssyncset.s32 @!p0 $0xFFFFF086;
	s6 =	sadd.s32 @!p0 s3, s7;
	s7 =	simm.s32 @!p0 $0x108  }
0x21: {  	s3 =	sadd.s32 s3, s9;
	s6 =	sadd.s32 @!p0 $0x88, s6;
	s7 =	simm.s32 @p2 $0x1082  }
0x22: {  	[simem:s7], [sflag:s8] =	dma.local @!p0 [hbm:s6], $0xF7A  }
0x23: {  	s9 =	sor.u32 $0xD0000000, s2;
	s6 =	simm.s32 $0x108;
	_ =	swait.ge @!p0 [sflag:s8], $0x0  }
0x24: {  	s3 =	sadd.s32 $0x88, s3;
	s6 =	simm.s32 @!p1 $0x1082;
	[sflag:s4] =	ssyncset.s32 $0xFFFFF086  }
0x25: {  	[simem:s6], [sflag:s4] =	dma.local [hbm:s3], $0xF7A  }
0x26: {  	[smem:$0x3F8B] =	sst s1;
	(tag) =	ssettag s2;
	_ =	strace s9  }
0x27: {  	s1 =	sld [smem:$0x3F9B]  }
0x28: {  	s2 =	sld [smem:$0x3F9C]  }
0x29: {  	s4 =	sld [smem:$0x3F9E]  }
0x2a: {  	p0 =	seq.s32 s5, $0x0;
	s5 =	sld [smem:$0x3F9F]  }
0x2b: {  	s6 =	sld [smem:$0x3FA0]  }
0x2c: {  	s7 =	sld [smem:$0x3FA1]  }
0x2d: {  	s3 =	simm.s32 $0x108;
	s8 =	sld [smem:$0x3FA2]  }
0x2e: {  	s3 =	simm.s32 @!p0 $0x1082;
	s9 =	sld [smem:$0x3FA3]  }
0x2f: {  	lr =	sadd.s32 s0, s3;
	s0 =	sld [smem:$0x3F9A]  }
0x30: {  	s3 =	sld [smem:$0x3F9D]  }
0x31: {  	[smem:$0x3FA6] =	sst s10  }
0x32: {  	s10 =	sld [smem:$0x3FA4];
	_ =	sdelay $0x3  }
0x33: {  	p0 =	seq.s32 s10, $0x1;
	s10 =	sld [smem:$0x3FA6];
	_ =	sdelay $0x3  }
0x34: {  	[smem:$0x3FA6] =	sst s10  }
0x35: {  	s10 =	sld [smem:$0x3FA5];
	_ =	sdelay $0x3  }
0x36: {  	p1 =	seq.s32 s10, $0x1;
	s10 =	sld [smem:$0x3FA6];
	_ =	sdelay $0x3  }
0x37: {  	[smem:$0x3FA6] =	sst s10  }
0x38: {  	s10 =	sld [smem:$0x3FA7]  }
0x39: {  	_ = 	snop;
	(pc) =	sbr.ind lr, $3  }
0x3a: {  	_ = 	snop  }
0x3b: {  	_ = 	snop  }
0x3c: {  	p2 =	seq.s32 s10, $0x1;
	s10 =	sld [smem:$0x3FA6]  }
0x3d: {  	_ =	shalt  }
0x3e: {  	_ =	shalt  }
0x3f: {  	_ =	shalt  }
0x40: {  	_ =	shalt  }
0x41: {  	_ =	shalt  }
0x42: {  	_ =	shalt  }
0x43: {  	_ =	shalt  }
0x44: {  	_ =	shalt  }
0x45: {  	_ =	shalt  }
0x46: {  	_ =	shalt  }
0x47: {  	_ =	shalt  }
0x48: {  	_ =	shalt  }
0x49: {  	_ =	shalt  }
0x4a: {  	_ =	shalt  }
0x4b: {  	_ =	shalt  }
0x4c: {  	_ =	shalt  }
0x4d: {  	_ =	shalt  }
0x4e: {  	_ =	shalt  }
0x4f: {  	_ =	shalt  }
0x50: {  	_ =	shalt  }
0x51: {  	_ =	shalt  }
0x52: {  	_ =	shalt  }
0x53: {  	_ =	shalt  }
0x54: {  	_ =	shalt  }
0x55: {  	_ =	shalt  }
0x56: {  	_ =	shalt  }
0x57: {  	_ =	shalt  }
0x58: {  	_ =	shalt  }
0x59: {  	_ =	shalt  }
0x5a: {  	_ =	shalt  }
0x5b: {  	_ =	shalt  }
0x5c: {  	_ =	shalt  }
0x5d: {  	_ =	shalt  }
0x5e: {  	_ =	shalt  }
0x5f: {  	_ =	shalt  }
0x60: {  	_ =	shalt  }
0x61: {  	_ =	shalt  }
0x62: {  	_ =	shalt  }
0x63: {  	_ =	shalt  }
0x64: {  	_ =	shalt  }
0x65: {  	_ =	shalt  }
0x66: {  	_ =	shalt  }
0x67: {  	_ =	shalt  }
0x68: {  	_ =	shalt  }
0x69: {  	_ =	shalt  }
0x6a: {  	_ =	shalt  }
0x6b: {  	_ =	shalt  }
0x6c: {  	_ =	shalt  }
0x6d: {  	_ =	shalt  }
0x6e: {  	_ =	shalt  }
0x6f: {  	_ =	shalt  }
0x70: {  	_ =	shalt  }
0x71: {  	_ =	shalt  }
0x72: {  	_ =	shalt  }
0x73: {  	_ =	shalt  }
0x74: {  	_ =	shalt  }
0x75: {  	_ =	shalt  }
0x76: {  	_ =	shalt  }
0x77: {  	_ =	shalt  }
0x78: {  	_ =	shalt  }
0x79: {  	_ =	shalt  }
0x7a: {  	_ =	shalt  }
0x7b: {  	_ =	shalt  }
0x7c: {  	_ =	shalt  }
0x7d: {  	_ =	shalt  }
0x7e: {  	_ =	shalt  }
0x7f: {  	_ =	shalt  }
0x80: {  	_ =	shalt  }
0x81: {  	_ =	shalt  }
0x82: {  	_ =	shalt  }
0x83: {  	_ =	shalt  }
0x84: {  	_ =	shalt  }
0x85: {  	_ =	shalt  }
0x86: {  	_ =	shalt  }
0x87: {  	_ =	shalt  }
.Lfunc_end0:
.L_simem_size_0:
called_computation.6_lowered:
.L_overlay_start_0:
0x88: {  	s2 =	sld [smem:$0x3FD9]  }
0x89: {  	s3 =	sld [smem:$0x3FFE];
	_ =	sdelay $0x1  }
0x8a: {  	s1 =	srdreg.scid  }
0x8b: {  	s0 =	sand.u32 $0x1, s1  }
0x8c: {  	s17 =	sshll.u32 s0, $0xA;
	s2 =	sadd.s32 s3, s2  }
0x8d: {  	s2 =	sadd.s32 s2, s17  }
0x8e: {  	[smem:$0x3FB2] =	sst s2  }
0x8f: {  	_ = 	snop  }
0x90: {  	s2 =	sld [smem:$0x3FD0];
	(tm) =	ssettm $0x1  }
0x91: {  	s18 =	sld [smem:$0x3FFB];
	_ =	sdelay $0x3  }
0x92: {  	_ =	strace s18  }
0x93: {  	s3 =	sld [smem:$0x3FFC];
	_ =	sdelay $0x3  }
0x94: {  	_ =	strace s3  }
0x95: {  	s3 =	sld [smem:$0x3FFD];
	_ =	sdelay $0x3  }
0x96: {  	_ =	strace s3  }
0x97: {  	_ =	strace $0x8FFFFFFF  }
0x98: {  	s19 =	sld [smem:$0x3FDB];
	_ =	sdelay $0x1  }
0x99: {  	s4 =	simm.s32 $_scs_section_size  }
0x9a: {  	s5 =	simm.s32 $_size__tile_overlayer_lowered;
	s6 =	simm.s32 $_tile_overlayer_lowered  }
0x9b: {  	s22 =	simm.s32 $0x1BFF;
	s21 =	sshll.u32 s6, $0x1;
	s3 =	sadd.s32 s4, s19  }
0x9c: {  	s7 =	simm.s32 $0x0;
	s20 =	sshll.u32 s5, $0x1;
	s5 =	sadd.s32 s21, s3  }
0x9d: {  	[timem:s7], [sflag:s22] =	dma.local [hbm:s5], s20  }
0x9e: {  	_ =	swait.ge [sflag:s22], s20  }
0x9f: {  	s4 =	ssub.s32 $0x0, s20;
	[sflag:s22] =	ssyncset.done $0x0  }
0xa0: {  	[sflag:s22] =	ssyncadd.s32 s4;
	_ =	sdelay $0x1  }
0xa1: {  	s23 =	simm.s32 $0x1B8B  }
0xa2: {  	_ =	swait.ge [sflag:s23], $0x1  }
0xa3: {  	[sflag:s23] =	ssyncset.done $0x0  }
0xa4: {  	s25 =	simm.s32 $0x1B8E;
	s24 =	sld [smem:$0x3FFE];
	[sflag:s23] =	ssyncadd.s32 $0xFFFFFFFF  }
0xa5: {  	s26 =	simm.s32 $execute0_lowered;
	[smem:$0x3FD2] =	sst s25  }
0xa6: {  	s5 =	sshll.u32 s26, $0x1;
	_ =	strace $0x80000058;
	[dreg:$0x1] =	wrdreg $0xFFFFFFFF  }
0xa7: {  	s28 =	simm.s32 $_size_execute0_lowered;
	s3 =	sadd.s32 s3, s5;
	[dreg:$0x0] =	wrdreg $0x0  }
0xa8: {  	s5 =	sshll.u32 s28, $0x1;
	[dreg:$0x2] =	wrdreg s3  }
0xa9: {  	[dreg:$0x3] =	wrdreg s5  }
0xaa: {  	[dreg:$0x4] =	wrdreg $0xC0  }
0xab: {  	_ =	task [dreg:s7], $0x5FFFF  }
0xac: {  	[dreg:$0x1] =	wrdreg $0xFFFFFFFF  }
0xad: {  	[dreg:$0x0] =	wrdreg $0x60  }
0xae: {  	[dreg:$0x2] =	wrdreg s24  }
0xaf: {  	[dreg:$0x3] =	wrdreg s2  }
0xb0: {  	[dreg:$0x4] =	wrdreg $0xB7800  }
0xb1: {  	[dreg:$0x5] =	wrdreg $0x9  }
0xb2: {  	_ =	task.clear_ibuf [dreg:s7], $0x6FFFF;
	_ =	strace $0x90000058  }
0xb3: {  	s29 =	simm.s32 $0x9;
	_ =	strace $0x8000005A  }
0xb4: {  	_ =	swait.ge [sflag:s29], $0x1  }
0xb5: {  	[sflag:s29] =	ssyncadd.s32 $0xFFFFFFFF  }
0xb6: {  	_ =	strace $0x9000005A  }
0xb7: {  	_ =	sfence  }
0xb8: {  	s30 =	sld [smem:$0x0];
	_ =	sdelay $0x2  }
0xb9: {  	s31 =	sshll.u32 s1, $0xD;
	s1 =	sshrl.u32 s1, $0x2  }
0xba: {  	s3 =	sand.u32 $0x4000, s31;
	s1 =	sadd.s32 s1, s30  }
0xbb: {  	s0 =	sor.u32 s3, s0;
	s1 =	sshll.u32 s1, $0x11  }
0xbc: {  	s0 =	sor.u32 s1, s0  }
0xbd: {  	s0 =	sadd.s32 $0x8F2B, s0  }
0xbe: {  	[sflag:s0] =	ssyncadd.remote.s32 $0x1  }
0xbf: {  	_ =	sfence.sel $0xFFFF  }
0xc0: {  	[dreg:$0x0] =	wrdreg $0xFFFFFFFF;
	(pc) =	sbr.abs _section_cstart, $3  }
0xc1: {  	[dreg:$0x1] =	wrdreg $0xFFFFFFFF  }
0xc2: {  	_ =	task.clear_ibuf [dreg:s7], $0x2FFFF;
	_ =	strace $0x9FFFFFFF  }
0xc3: {  	(tm) =	ssettm $0x7FFFFFFF  }
tec
execute0_lowered:
.L_overlay_start_1:
0x0: {  	(tag) =	ssettag $0x1  }
0x1: {  	s7 =	rddreg [dreg:$0x0]  }
0x2: {  	s8 =	rddreg [dreg:$0x1]  }
0x3: {  	s0 =	srdreg.scid;
	s2 =	rddreg [dreg:$0x2]  }
0x4: {  	s3 =	simm.s32 $0x0;
	s14 =	simm.s32 $0x50;
	s15 =	simm.s32 $0x6780  }
0x5: {  	s16 =	simm.s32 $0x8F80;
	s17 =	simm.s32 $0x1;
	s18 =	simm.s32 $0x2  }
0x6: {  	s19 =	simm.s32 $0x6480;
	s20 =	simm.s32 $0x6500;
	s6 =	sand.u32 $0x1, s0  }
0x7: {  	s21 =	simm.s32 $0x6580;
	s0 =	stileid.u32;
	s10 =	smul.u32 $0x140000, s6  }
0x8: {  	s22 =	simm.s32 $0x0;
	[smem:$0x7FF] =	sst s3;
	s11 =	smul.u32 $0x14000, s0  }
0x9: {  	s4 =	sadd.s32 $0x12E00, s7;
	s1 =	sshll.u32 s6, $0x4;
	s29 =	smul.u32 $0x50000, s0  }
0xa: {  	s6 =	ssub.s32 $0x2, s6;
	s31 =	sshll.u32 s0, $0x6;
	s9 =	sor.u32 s0, s1  }
0xb: {  	s1 =	rddreg [dreg:$0x3];
	_ =	strace $0x80000059;
	s30 =	sshrl.u32 s6, $0x1  }
0xc: {  	s5 =	smul.u32 $0x4E2, s9;
	s10 =	sadd.s32 s11, s10;
	s11 =	sshrl.u32 s29, $0x2  }
0xd: {  	s13 =	ssub.s32 s6, s30;
	s6 =	sor.u32 $0x1C03, s31;
	s9 =	sshll.u32 s9, $0xB  }
0xe: {  	s10 =	sshrl.u32 s10, $0x3;
	s11 =	sadd.s32 s11, s2;
	s8 =	sadd.s32 s8, s9  }
0xf: {  	s12 =	sadd.s32 s5, s7;
	s5 =	sadd.s32 $0x10600, s7;
	s10 =	sadd.s32 s10, s7  }
0x10: {  	s11 =	sshrl.u32 s11, $0x3;
	s7 =	sadd.s32 $0x6800, s12;
	s9 =	sadd.s32 $0x3A000, s10  }
0x11: {  	s10 =	smax.u32 s13, $0x1;
	s12 =	simm.s32 $0x3;
	s13 =	simm.s32 $0x2780  }
.LBB2_1:
0x12: {  	[spmem:s11], [sflag:s6] =	dma.local [hbm:s5], $0x2800  }
0x13: {  	_ =	swait.ge [sflag:s12], $0x2800  }
0x14: {  	[sflag:s12] =	ssyncset.done $0x0  }
0x15: {  	[sflag:s12] =	ssyncadd.s32 $0xFFFFD800  }
0x16: {  	[tilespmem:s3], [sflag:$0x3] =	stream.linear.gather [hbm4b:s7+s3], $0x2710, $0x38;
	[tilespmem:$0x1F780] =	vst v63  }
0x17: {  	_ =	swait.ge [sflag:s12], $0x2710  }
0x18: {  	[sflag:s12] =	ssyncset.done $0x0  }
0x19: {  	[sflag:s12] =	ssyncadd.s32 $0xFFFFD8F0  }
0x1a: {  	[tilespmem:s13], [sflag:$0x3] =	stream.linear.gather [hbm4b:s8+s3], $0x3E80, $0x38;
	[tilespmem:$0x1F780] =	vst v63  }
0x1b: {  	_ =	swait.ge [sflag:s12], $0x3E80  }
0x1c: {  	[sflag:s12] =	ssyncset.done $0x0  }
0x1d: {  	[sflag:s12] =	ssyncadd.s32 $0xFFFFC180  }
0x1e: {  	[bflag:$0x0] =	sbarrier.arrive $0xFFFF  }
0x1f: {  	[tilespmem:s15], [sflag:$0x1] =	stream.indirect.gather [hbm4b:s4+s14], $0x80, s3, s14, $0xb8;
	[tilespmem:$0x1F780] =	vst v63  }
0x20: {  	_ = 	snop  }
0x21: {  	[tilespmem:s16], [sflag:$0x2] =	stream.indirect.gather [hbm4b:s4+s14], $0x80, s14, s14, $0xb8;
	[tilespmem:$0x1F780] =	vst v63  }
0x22: {  	_ =	swait.ge [sflag:s17], $0x2800  }
0x23: {  	[sflag:s17] =	ssyncset.done $0x0  }
0x24: {  	s23 =	simm.s32 $0x2780;
	[sflag:s17] =	ssyncadd.s32 $0xFFFFD800  }
0x25: {  	[spmem:s2] =	stream.indirect.scatter.add.f32 [tilespmem:s15], [sflag:$0x3], $0x80, s23, s14, $0xb8;
	[tilespmem:$0x1F780] =	vst v63  }
0x26: {  	_ =	swait.ge [sflag:s12], $0x2800  }
0x27: {  	[sflag:s12] =	ssyncset.done $0x0  }
0x28: {  	s30 =	simm.s32 $0xA0;
	[sflag:s12] =	ssyncadd.s32 $0xFFFFD800  }
0x29: {  	[tilespmem:s15], [sflag:$0x1] =	stream.indirect.gather [hbm4b:s4+s14], $0x80, s30, s14, $0xb8;
	[tilespmem:$0x1F780] =	vst v63  }
0x2a: {  	_ =	swait.ge [sflag:s18], $0x2800  }
0x2b: {  	[sflag:s18] =	ssyncset.done $0x0  }
0x2c: {  	s31 =	simm.s32 $0x2800;
	[sflag:s18] =	ssyncadd.s32 $0xFFFFD800  }
0x2d: {  	[spmem:s2] =	stream.indirect.scatter.add.f32 [tilespmem:s16], [sflag:$0x3], $0x80, s31, s14, $0xb8;
	[tilespmem:$0x1F780] =	vst v63  }
0x2e: {  	_ =	swait.ge [sflag:s12], $0x2800  }
0x2f: {  	s24 =	simm.s32 $0x400;
	[sflag:s12] =	ssyncset.done $0x0  }
0x30: {  	s25 =	simm.s32 $0xF0;
	s23 =	simm.s32 $0x140;
	[sflag:s12] =	ssyncadd.s32 $0xFFFFD800  }
.LBB2_2:
0x31: {  	[tilespmem:s16], [sflag:$0x2] =	stream.indirect.gather [hbm4b:s4+s14], $0x80, s25, s14, $0xb8;
	[tilespmem:$0x1F780] =	vst v63  }
0x32: {  	s25 =	smov.u32 s24  }
0x33: {  	p0 =	sne.s32 s24, $0xF000;
	s24 =	sadd.s32 $0x400, s24;
	_ =	swait.ge [sflag:s17], $0x2800  }
0x34: {  	s25 =	sshra.s32 s25, $0x2;
	[sflag:s17] =	ssyncset.done $0x0  }
0x35: {  	s26 =	sadd.s32 $0x2780, s25;
	[sflag:s17] =	ssyncadd.s32 $0xFFFFD800  }
0x36: {  	[spmem:s2] =	stream.indirect.scatter.add.f32 [tilespmem:s15], [sflag:$0x3], $0x80, s26, s14, $0xb8;
	[tilespmem:$0x1F780] =	vst v63  }
0x37: {  	_ =	swait.ge [sflag:s12], $0x2800  }
0x38: {  	[sflag:s12] =	ssyncset.done $0x0  }
0x39: {  	[sflag:s12] =	ssyncadd.s32 $0xFFFFD800  }
0x3a: {  	[tilespmem:s15], [sflag:$0x1] =	stream.indirect.gather [hbm4b:s4+s14], $0x80, s23, s14, $0xb8;
	[tilespmem:$0x1F780] =	vst v63  }
0x3b: {  	_ =	swait.ge [sflag:s18], $0x2800  }
0x3c: {  	[sflag:s18] =	ssyncset.done $0x0  }
.Ltmp0:
0x3d: {  	s25 =	sadd.s32 $0x2800, s25;
	[sflag:s18] =	ssyncadd.s32 $0xFFFFD800;
	(pc) =	sbr.rel @p0 .LBB2_2-.Ltmp0, $4  }
0x3e: {  	[spmem:s2] =	stream.indirect.scatter.add.f32 [tilespmem:s16], [sflag:$0x3], $0x80, s25, s14, $0xb8;
	[tilespmem:$0x1F780] =	vst v63  }
0x3f: {  	_ =	swait.ge [sflag:s12], $0x2800  }
0x40: {  	[sflag:s12] =	ssyncset.done $0x0  }
0x41: {  	s25 =	sadd.s32 $0x50, s23;
	s23 =	sadd.s32 $0xA0, s23;
	[sflag:s12] =	ssyncadd.s32 $0xFFFFD800  }
0x42: {  	[tilespmem:s16], [sflag:$0x2] =	stream.indirect.gather [hbm4b:s4+s14], $0x80, s25, s14, $0xb8;
	[tilespmem:$0x1F780] =	vst v63  }
0x43: {  	_ =	swait.ge [sflag:s17], $0x2800  }
0x44: {  	[sflag:s17] =	ssyncset.done $0x0  }
0x45: {  	[sflag:s17] =	ssyncadd.s32 $0xFFFFD800  }
0x46: {  	[spmem:s2] =	stream.indirect.scatter.add.f32 [tilespmem:s15], [sflag:$0x3], $0x80, s19, s14, $0xb8;
	[tilespmem:$0x1F780] =	vst v63  }
0x47: {  	_ =	swait.ge [sflag:s12], $0x2800  }
0x48: {  	[sflag:s12] =	ssyncset.done $0x0  }
0x49: {  	[sflag:s12] =	ssyncadd.s32 $0xFFFFD800  }
0x4a: {  	[tilespmem:s15], [sflag:$0x1] =	stream.indirect.gather [hbm4b:s4+s14], $0x80, s23, s14, $0xb8;
	[tilespmem:$0x1F780] =	vst v63  }
0x4b: {  	_ =	swait.ge [sflag:s18], $0x2800  }
0x4c: {  	[sflag:s18] =	ssyncset.done $0x0  }
0x4d: {  	[sflag:s18] =	ssyncadd.s32 $0xFFFFD800  }
0x4e: {  	[spmem:s2] =	stream.indirect.scatter.add.f32 [tilespmem:s16], [sflag:$0x3], $0x80, s20, s14, $0xb8;
	[tilespmem:$0x1F780] =	vst v63  }
0x4f: {  	_ =	swait.ge [sflag:s12], $0x2800  }
0x50: {  	[sflag:s12] =	ssyncset.done $0x0  }
0x51: {  	[sflag:s12] =	ssyncadd.s32 $0xFFFFD800  }
0x52: {  	_ =	swait.ge [sflag:s17], $0x2800  }
0x53: {  	[sflag:s17] =	ssyncset.done $0x0  }
0x54: {  	[sflag:s17] =	ssyncadd.s32 $0xFFFFD800  }
0x55: {  	[spmem:s2] =	stream.indirect.scatter.add.f32 [tilespmem:s15], [sflag:$0x3], $0x80, s21, s14, $0xb8;
	[tilespmem:$0x1F780] =	vst v63  }
0x56: {  	_ =	swait.ge [sflag:s12], $0x2800  }
0x57: {  	s22 =	sadd.s32 $0x1, s22;
	[sflag:s12] =	ssyncset.done $0x0  }
0x58: {  	p0 =	sne.s32 s22, s10;
	[sflag:s12] =	ssyncadd.s32 $0xFFFFD800  }
.Ltmp1:
0x59: {  	[bflag:$0x0] =	sbarrier.arrive $0xFFFF;
	(pc) =	sbr.rel @p0 .LBB2_1-.Ltmp1, $4  }
0x5a: {  	[hbm:s9], [sflag:s6] =	dma.local [spmem:s11], $0x2800  }
0x5b: {  	_ =	swait.ge [sflag:s12], $0x2800  }
0x5c: {  	[sflag:s12] =	ssyncset.done $0x0  }
0x5d: {  	[sflag:s12] =	ssyncadd.s32 $0xFFFFD800  }
0x5e: {  	_ =	sfence.sel $0x180000  }
0x5f: {  	[bflag:$0x0] =	sbarrier.arrive $0xFFFF  }
0x60: {  	p0 =	sne.s32 s0, $0x0;
	_ =	strace $0x90000059  }
0x61: {  	s0 =	sadd.s32 @!p0 $0x100000, s1;
	[bflag:$0x2] =	sbarrier.arrive $0xFFFF  }
0x62: {  	[sflag:s0] =	ssyncadd.tile.s32 @!p0 $0x1;
	_ =	shalt  }
.Lfunc_end2:
_tile_overlayer_lowered:
.L_overlay_start_2:
0x63: {  	(tag) =	ssettag $0x2  }
0x64: {  	s0 =	rddreg [dreg:$0x0];
	s2 =	stileid.u32  }
0x65: {  	s1 =	rddreg [dreg:$0x1];
	p0 =	sne.s32 s2, $0x0  }
0x66: {  	s3 =	rddreg [dreg:$0x2];
	[bflag:$0x3] =	sbarrier.arrive $0xFFFF;
	s2 =	simm.s32 @!p0 $0x1C03  }
0x67: {  	[timem:s3], [sflag:s2] =	dma.local @!p0 [hbm:s0], s1  }
0x68: {  	s0 =	simm.s32 @!p0 $0x3  }
0x69: {  	_ =	swait.ge @!p0 [sflag:s0], s1  }
0x6a: {  	s1 =	ssub.s32 @!p0 $0x0, s1;
	[sflag:s0] =	ssyncset.done @!p0 $0x0  }
0x6b: {  	[sflag:s0] =	ssyncadd.s32 @!p0 s1  }
0x6c: {  	[bflag:$0x3] =	sbarrier.arrive $0xFFFF  }
0x6d: {  	_ =	shalt  }

// kernel: seg_sum_w128.8.cloned.1.call-start
scs
__scs_entry_jumppad:
0x0: {  	(pc) =	sbr.rel $0x88, $3  }
0x1: {  	(tag) =	ssettag $0x0;
	lr =	simm.s32 $0x1  }
0x2: {  	[smem:$0x3F8B] =	sst lr;
	_ =	strace $0xD0000000  }
0x3: {  	_ = 	snop  }
0x4: {  	_ = 	snop  }
0x5: {  	_ = 	snop  }
0x6: {  	_ = 	snop  }
0x7: {  	_ = 	snop  }
__scs_overlays_trampoline_lowered:
0x8: {  	[smem:$0x3F9A] =	sst s0  }
0x9: {  	[smem:$0x3F9B] =	sst s1  }
0xa: {  	[smem:$0x3F9C] =	sst s2  }
0xb: {  	[smem:$0x3F9D] =	sst s3  }
0xc: {  	[smem:$0x3F9E] =	sst s4  }
0xd: {  	[smem:$0x3F9F] =	sst s5  }
0xe: {  	[smem:$0x3FA0] =	sst s6  }
0xf: {  	[smem:$0x3FA1] =	sst s7  }
0x10: {  	[smem:$0x3FA2] =	sst s8  }
0x11: {  	[smem:$0x3FA3] =	sst s9;
	s0 =	simm.s32 @!p0 $0x0  }
0x12: {  	s1 =	sld [smem:$0x3F89];
	s0 =	simm.s32 @p0 $0x1  }
0x13: {  	[smem:$0x3FA4] =	sst s0;
	s0 =	simm.s32 @!p1 $0x0  }
0x14: {  	s2 =	sld [smem:$0x3F88];
	s0 =	simm.s32 @p1 $0x1  }
0x15: {  	[smem:$0x3FA5] =	sst s0;
	s0 =	simm.s32 @!p2 $0x0  }
0x16: {  	s3 =	sld [smem:$0x3FDB];
	s0 =	simm.s32 @p2 $0x1  }
0x17: {  	s4 =	simm.s32 $0x1BF5;
	[smem:$0x3FA7] =	sst s0  }
0x18: {  	s0 =	sld [smem:$0x3F8A];
	_ =	swait.ge [sflag:s4], $0x0  }
0x19: {  	s7 =	sld [smem:$0x3F8B]  }
0x1a: {  	s8 =	sadd.s32 $0xFFFFE003, lr  }
0x1b: {  	s9 =	sadd.s32 $0xFFFFFEF7, lr;
	s5 =	simm.s32 $0xFFFFFFFF;
	p2 =	slt.u32 s8, $0xFFFFF086  }
0x1c: {  	p1 =	slt.u32 s9, $0xF7A;
	s5 =	simm.s32 @!p2 $0x0  }
0x1d: {  	s5 =	simm.s32 @p1 $0x1;
	p0 =	seq.s32 s7, s2  }
0x1e: {  	s7 =	smul.u32 @!p0 $0xF7A, s2;
	p2 =	seq.s32 @!p0 s5, $0x0  }
0x1f: {  	s9 =	smul.u32 $0xF7A, s1;
	s8 =	simm.s32 @!p0 $0x1BF5;
	p2 =	por !p2, p0  }
0x20: {  	[sflag:s8] =	ssyncset.s32 @!p0 $0xFFFFF086;
	s6 =	sadd.s32 @!p0 s3, s7;
	s7 =	simm.s32 @!p0 $0x108  }
0x21: {  	s3 =	sadd.s32 s3, s9;
	s6 =	sadd.s32 @!p0 $0x88, s6;
	s7 =	simm.s32 @p2 $0x1082  }
0x22: {  	[simem:s7], [sflag:s8] =	dma.local @!p0 [hbm:s6], $0xF7A  }
0x23: {  	s9 =	sor.u32 $0xD0000000, s2;
	s6 =	simm.s32 $0x108;
	_ =	swait.ge @!p0 [sflag:s8], $0x0  }
0x24: {  	s3 =	sadd.s32 $0x88, s3;
	s6 =	simm.s32 @!p1 $0x1082;
	[sflag:s4] =	ssyncset.s32 $0xFFFFF086  }
0x25: {  	[simem:s6], [sflag:s4] =	dma.local [hbm:s3], $0xF7A  }
0x26: {  	[smem:$0x3F8B] =	sst s1;
	(tag) =	ssettag s2;
	_ =	strace s9  }
0x27: {  	s1 =	sld [smem:$0x3F9B]  }
0x28: {  	s2 =	sld [smem:$0x3F9C]  }
0x29: {  	s4 =	sld [smem:$0x3F9E]  }
0x2a: {  	p0 =	seq.s32 s5, $0x0;
	s5 =	sld [smem:$0x3F9F]  }
0x2b: {  	s6 =	sld [smem:$0x3FA0]  }
0x2c: {  	s7 =	sld [smem:$0x3FA1]  }
0x2d: {  	s3 =	simm.s32 $0x108;
	s8 =	sld [smem:$0x3FA2]  }
0x2e: {  	s3 =	simm.s32 @!p0 $0x1082;
	s9 =	sld [smem:$0x3FA3]  }
0x2f: {  	lr =	sadd.s32 s0, s3;
	s0 =	sld [smem:$0x3F9A]  }
0x30: {  	s3 =	sld [smem:$0x3F9D]  }
0x31: {  	[smem:$0x3FA6] =	sst s10  }
0x32: {  	s10 =	sld [smem:$0x3FA4];
	_ =	sdelay $0x3  }
0x33: {  	p0 =	seq.s32 s10, $0x1;
	s10 =	sld [smem:$0x3FA6];
	_ =	sdelay $0x3  }
0x34: {  	[smem:$0x3FA6] =	sst s10  }
0x35: {  	s10 =	sld [smem:$0x3FA5];
	_ =	sdelay $0x3  }
0x36: {  	p1 =	seq.s32 s10, $0x1;
	s10 =	sld [smem:$0x3FA6];
	_ =	sdelay $0x3  }
0x37: {  	[smem:$0x3FA6] =	sst s10  }
0x38: {  	s10 =	sld [smem:$0x3FA7]  }
0x39: {  	_ = 	snop;
	(pc) =	sbr.ind lr, $3  }
0x3a: {  	_ = 	snop  }
0x3b: {  	_ = 	snop  }
0x3c: {  	p2 =	seq.s32 s10, $0x1;
	s10 =	sld [smem:$0x3FA6]  }
0x3d: {  	_ =	shalt  }
0x3e: {  	_ =	shalt  }
0x3f: {  	_ =	shalt  }
0x40: {  	_ =	shalt  }
0x41: {  	_ =	shalt  }
0x42: {  	_ =	shalt  }
0x43: {  	_ =	shalt  }
0x44: {  	_ =	shalt  }
0x45: {  	_ =	shalt  }
0x46: {  	_ =	shalt  }
0x47: {  	_ =	shalt  }
0x48: {  	_ =	shalt  }
0x49: {  	_ =	shalt  }
0x4a: {  	_ =	shalt  }
0x4b: {  	_ =	shalt  }
0x4c: {  	_ =	shalt  }
0x4d: {  	_ =	shalt  }
0x4e: {  	_ =	shalt  }
0x4f: {  	_ =	shalt  }
0x50: {  	_ =	shalt  }
0x51: {  	_ =	shalt  }
0x52: {  	_ =	shalt  }
0x53: {  	_ =	shalt  }
0x54: {  	_ =	shalt  }
0x55: {  	_ =	shalt  }
0x56: {  	_ =	shalt  }
0x57: {  	_ =	shalt  }
0x58: {  	_ =	shalt  }
0x59: {  	_ =	shalt  }
0x5a: {  	_ =	shalt  }
0x5b: {  	_ =	shalt  }
0x5c: {  	_ =	shalt  }
0x5d: {  	_ =	shalt  }
0x5e: {  	_ =	shalt  }
0x5f: {  	_ =	shalt  }
0x60: {  	_ =	shalt  }
0x61: {  	_ =	shalt  }
0x62: {  	_ =	shalt  }
0x63: {  	_ =	shalt  }
0x64: {  	_ =	shalt  }
0x65: {  	_ =	shalt  }
0x66: {  	_ =	shalt  }
0x67: {  	_ =	shalt  }
0x68: {  	_ =	shalt  }
0x69: {  	_ =	shalt  }
0x6a: {  	_ =	shalt  }
0x6b: {  	_ =	shalt  }
0x6c: {  	_ =	shalt  }
0x6d: {  	_ =	shalt  }
0x6e: {  	_ =	shalt  }
0x6f: {  	_ =	shalt  }
0x70: {  	_ =	shalt  }
0x71: {  	_ =	shalt  }
0x72: {  	_ =	shalt  }
0x73: {  	_ =	shalt  }
0x74: {  	_ =	shalt  }
0x75: {  	_ =	shalt  }
0x76: {  	_ =	shalt  }
0x77: {  	_ =	shalt  }
0x78: {  	_ =	shalt  }
0x79: {  	_ =	shalt  }
0x7a: {  	_ =	shalt  }
0x7b: {  	_ =	shalt  }
0x7c: {  	_ =	shalt  }
0x7d: {  	_ =	shalt  }
0x7e: {  	_ =	shalt  }
0x7f: {  	_ =	shalt  }
0x80: {  	_ =	shalt  }
0x81: {  	_ =	shalt  }
0x82: {  	_ =	shalt  }
0x83: {  	_ =	shalt  }
0x84: {  	_ =	shalt  }
0x85: {  	_ =	shalt  }
0x86: {  	_ =	shalt  }
0x87: {  	_ =	shalt  }
.Lfunc_end0:
.L_simem_size_0:
called_computation.1_lowered:
.L_overlay_start_0:
0x88: {  	s2 =	sld [smem:$0x3FD9]  }
0x89: {  	s3 =	sld [smem:$0x3FFE];
	_ =	sdelay $0x1  }
0x8a: {  	s1 =	srdreg.scid  }
0x8b: {  	s0 =	sand.u32 $0x1, s1  }
0x8c: {  	s17 =	sshll.u32 s0, $0xA;
	s2 =	sadd.s32 s3, s2  }
0x8d: {  	s2 =	sadd.s32 s2, s17  }
0x8e: {  	[smem:$0x3FB2] =	sst s2  }
0x8f: {  	_ = 	snop  }
0x90: {  	s2 =	sld [smem:$0x3FC9]  }
0x91: {  	s18 =	sld [smem:$0x3FD0];
	(tm) =	ssettm $0x1  }
0x92: {  	s4 =	sld [smem:$0x3FFB];
	_ =	sdelay $0x3  }
0x93: {  	_ =	strace s4  }
0x94: {  	s4 =	sld [smem:$0x3FFC];
	_ =	sdelay $0x3  }
0x95: {  	_ =	strace s4  }
0x96: {  	s4 =	sld [smem:$0x3FFD];
	_ =	sdelay $0x3  }
0x97: {  	_ =	strace s4  }
0x98: {  	_ =	strace $0x8FFFFFFF  }
0x99: {  	s19 =	sld [smem:$0x3FDB];
	_ =	sdelay $0x1  }
0x9a: {  	s5 =	simm.s32 $_scs_section_size  }
0x9b: {  	s6 =	simm.s32 $_size__tile_overlayer_lowered;
	s7 =	simm.s32 $_tile_overlayer_lowered  }
0x9c: {  	s22 =	simm.s32 $0x1BFF;
	s21 =	sshll.u32 s7, $0x1;
	s4 =	sadd.s32 s5, s19  }
0x9d: {  	s8 =	simm.s32 $0x0;
	s20 =	sshll.u32 s6, $0x1;
	s6 =	sadd.s32 s21, s4  }
0x9e: {  	[timem:s8], [sflag:s22] =	dma.local [hbm:s6], s20  }
0x9f: {  	_ =	swait.ge [sflag:s22], s20  }
0xa0: {  	s5 =	ssub.s32 $0x0, s20;
	[sflag:s22] =	ssyncset.done $0x0  }
0xa1: {  	[sflag:s22] =	ssyncadd.s32 s5;
	_ =	sdelay $0x1  }
0xa2: {  	s23 =	simm.s32 $0x1B8B  }
0xa3: {  	_ =	swait.ge [sflag:s23], $0x1  }
0xa4: {  	[sflag:s23] =	ssyncset.done $0x0  }
0xa5: {  	s25 =	simm.s32 $0x1B8E;
	s24 =	sld [smem:$0x3FFE];
	[sflag:s23] =	ssyncadd.s32 $0xFFFFFFFF  }
0xa6: {  	s26 =	simm.s32 $execute0_lowered;
	[smem:$0x3FD2] =	sst s25  }
0xa7: {  	s6 =	sshll.u32 s26, $0x1;
	_ =	strace $0x80000046;
	[dreg:$0x1] =	wrdreg $0xFFFFFFFF  }
0xa8: {  	s28 =	simm.s32 $_size_execute0_lowered;
	s4 =	sadd.s32 s4, s6;
	[dreg:$0x0] =	wrdreg $0x0  }
0xa9: {  	s6 =	sshll.u32 s28, $0x1;
	[dreg:$0x2] =	wrdreg s4  }
0xaa: {  	[dreg:$0x3] =	wrdreg s6  }
0xab: {  	[dreg:$0x4] =	wrdreg $0xC0  }
0xac: {  	_ =	task [dreg:s8], $0x5FFFF  }
0xad: {  	[dreg:$0x1] =	wrdreg $0xFFFFFFFF  }
0xae: {  	[dreg:$0x0] =	wrdreg $0x60  }
0xaf: {  	[dreg:$0x2] =	wrdreg s2  }
0xb0: {  	[dreg:$0x3] =	wrdreg s24  }
0xb1: {  	[dreg:$0x4] =	wrdreg s18  }
0xb2: {  	[dreg:$0x5] =	wrdreg $0xB7800  }
0xb3: {  	[dreg:$0x6] =	wrdreg $0xA  }
0xb4: {  	_ =	task.clear_ibuf [dreg:s8], $0x7FFFF;
	_ =	strace $0x90000046  }
0xb5: {  	s29 =	simm.s32 $0xA;
	_ =	strace $0x80000048  }
0xb6: {  	_ =	swait.ge [sflag:s29], $0x1  }
0xb7: {  	[sflag:s29] =	ssyncadd.s32 $0xFFFFFFFF  }
0xb8: {  	_ =	strace $0x90000048  }
0xb9: {  	_ =	sfence  }
0xba: {  	s30 =	sld [smem:$0x0];
	_ =	sdelay $0x2  }
0xbb: {  	s31 =	sshll.u32 s1, $0xD;
	s1 =	sshrl.u32 s1, $0x2  }
0xbc: {  	s3 =	sand.u32 $0x4000, s31;
	s1 =	sadd.s32 s1, s30  }
0xbd: {  	s0 =	sor.u32 s3, s0;
	s1 =	sshll.u32 s1, $0x11  }
0xbe: {  	s0 =	sor.u32 s1, s0  }
0xbf: {  	s0 =	sadd.s32 $0x8F2B, s0  }
0xc0: {  	[sflag:s0] =	ssyncadd.remote.s32 $0x1  }
0xc1: {  	_ =	sfence.sel $0xFFFF  }
0xc2: {  	[dreg:$0x0] =	wrdreg $0xFFFFFFFF;
	(pc) =	sbr.abs _section_cstart, $3  }
0xc3: {  	[dreg:$0x1] =	wrdreg $0xFFFFFFFF  }
0xc4: {  	_ =	task.clear_ibuf [dreg:s8], $0x2FFFF;
	_ =	strace $0x9FFFFFFF  }
0xc5: {  	(tm) =	ssettm $0x7FFFFFFF  }
tec
execute0_lowered:
.L_overlay_start_1:
0x0: {  	(tag) =	ssettag $0x1  }
0x1: {  	s1 =	rddreg [dreg:$0x0]  }
0x2: {  	s7 =	rddreg [dreg:$0x1]  }
0x3: {  	s0 =	srdreg.scid;
	s8 =	rddreg [dreg:$0x2]  }
0x4: {  	s3 =	rddreg [dreg:$0x3];
	s4 =	simm.s32 $0x0;
	s14 =	simm.s32 $0x50  }
0x5: {  	s15 =	simm.s32 $0x6780;
	s16 =	simm.s32 $0x8F80;
	s17 =	simm.s32 $0x1  }
0x6: {  	s18 =	simm.s32 $0x2;
	s19 =	simm.s32 $0x6480;
	s6 =	sand.u32 $0x1, s0  }
0x7: {  	s20 =	simm.s32 $0x6500;
	s0 =	stileid.u32;
	s10 =	smul.u32 $0x140000, s6  }
0x8: {  	s21 =	simm.s32 $0x6580;
	s22 =	simm.s32 $0x0;
	s11 =	smul.u32 $0x14000, s0  }
0x9: {  	[smem:$0x7FF] =	sst s4;
	s2 =	sshll.u32 s6, $0x4;
	s29 =	smul.u32 $0x50000, s0  }
0xa: {  	s6 =	ssub.s32 $0x2, s6;
	s31 =	sshll.u32 s0, $0x6;
	s9 =	sor.u32 s0, s2  }
0xb: {  	s2 =	rddreg [dreg:$0x4];
	_ =	strace $0x80000047;
	s30 =	sshrl.u32 s6, $0x1  }
0xc: {  	s5 =	smul.u32 $0x4E2, s9;
	s10 =	sadd.s32 s11, s10;
	s11 =	sshrl.u32 s29, $0x2  }
0xd: {  	s13 =	ssub.s32 s6, s30;
	s6 =	sor.u32 $0x1C03, s31;
	s9 =	sshll.u32 s9, $0xB  }
0xe: {  	s10 =	sshrl.u32 s10, $0x3;
	s11 =	sadd.s32 s11, s3;
	s8 =	sadd.s32 s8, s9  }
0xf: {  	s12 =	sadd.s32 s5, s7;
	s5 =	sadd.s32 $0x10600, s7;
	s10 =	sadd.s32 s10, s7  }
0x10: {  	s11 =	sshrl.u32 s11, $0x3;
	s7 =	sadd.s32 $0x6800, s12;
	s9 =	sadd.s32 $0x12E00, s10  }
0x11: {  	s10 =	smax.u32 s13, $0x1;
	s12 =	simm.s32 $0x3;
	s13 =	simm.s32 $0x2780  }
.LBB2_1:
0x12: {  	[spmem:s11], [sflag:s6] =	dma.local [hbm:s5], $0x2800  }
0x13: {  	_ =	swait.ge [sflag:s12], $0x2800  }
0x14: {  	[sflag:s12] =	ssyncset.done $0x0  }
0x15: {  	[sflag:s12] =	ssyncadd.s32 $0xFFFFD800  }
0x16: {  	[tilespmem:s4], [sflag:$0x3] =	stream.linear.gather [hbm4b:s7+s4], $0x2710, $0x38;
	[tilespmem:$0x1F780] =	vst v63  }
0x17: {  	_ =	swait.ge [sflag:s12], $0x2710  }
0x18: {  	[sflag:s12] =	ssyncset.done $0x0  }
0x19: {  	[sflag:s12] =	ssyncadd.s32 $0xFFFFD8F0  }
0x1a: {  	[tilespmem:s13], [sflag:$0x3] =	stream.linear.gather [hbm4b:s8+s4], $0x3E80, $0x38;
	[tilespmem:$0x1F780] =	vst v63  }
0x1b: {  	_ =	swait.ge [sflag:s12], $0x3E80  }
0x1c: {  	[sflag:s12] =	ssyncset.done $0x0  }
0x1d: {  	[sflag:s12] =	ssyncadd.s32 $0xFFFFC180  }
0x1e: {  	[bflag:$0x0] =	sbarrier.arrive $0xFFFF  }
0x1f: {  	[tilespmem:s15], [sflag:$0x1] =	stream.indirect.gather [hbm4b:s1+s14], $0x80, s4, s14, $0xb8;
	[tilespmem:$0x1F780] =	vst v63  }
0x20: {  	_ = 	snop  }
0x21: {  	[tilespmem:s16], [sflag:$0x2] =	stream.indirect.gather [hbm4b:s1+s14], $0x80, s14, s14, $0xb8;
	[tilespmem:$0x1F780] =	vst v63  }
0x22: {  	_ =	swait.ge [sflag:s17], $0x2800  }
0x23: {  	[sflag:s17] =	ssyncset.done $0x0  }
0x24: {  	s23 =	simm.s32 $0x2780;
	[sflag:s17] =	ssyncadd.s32 $0xFFFFD800  }
0x25: {  	[spmem:s3] =	stream.indirect.scatter.add.f32 [tilespmem:s15], [sflag:$0x3], $0x80, s23, s14, $0xb8;
	[tilespmem:$0x1F780] =	vst v63  }
0x26: {  	_ =	swait.ge [sflag:s12], $0x2800  }
0x27: {  	[sflag:s12] =	ssyncset.done $0x0  }
0x28: {  	s30 =	simm.s32 $0xA0;
	[sflag:s12] =	ssyncadd.s32 $0xFFFFD800  }
0x29: {  	[tilespmem:s15], [sflag:$0x1] =	stream.indirect.gather [hbm4b:s1+s14], $0x80, s30, s14, $0xb8;
	[tilespmem:$0x1F780] =	vst v63  }
0x2a: {  	_ =	swait.ge [sflag:s18], $0x2800  }
0x2b: {  	[sflag:s18] =	ssyncset.done $0x0  }
0x2c: {  	s31 =	simm.s32 $0x2800;
	[sflag:s18] =	ssyncadd.s32 $0xFFFFD800  }
0x2d: {  	[spmem:s3] =	stream.indirect.scatter.add.f32 [tilespmem:s16], [sflag:$0x3], $0x80, s31, s14, $0xb8;
	[tilespmem:$0x1F780] =	vst v63  }
0x2e: {  	_ =	swait.ge [sflag:s12], $0x2800  }
0x2f: {  	s24 =	simm.s32 $0x400;
	[sflag:s12] =	ssyncset.done $0x0  }
0x30: {  	s25 =	simm.s32 $0xF0;
	s23 =	simm.s32 $0x140;
	[sflag:s12] =	ssyncadd.s32 $0xFFFFD800  }
.LBB2_2:
0x31: {  	[tilespmem:s16], [sflag:$0x2] =	stream.indirect.gather [hbm4b:s1+s14], $0x80, s25, s14, $0xb8;
	[tilespmem:$0x1F780] =	vst v63  }
0x32: {  	s25 =	smov.u32 s24  }
0x33: {  	p0 =	sne.s32 s24, $0xF000;
	s24 =	sadd.s32 $0x400, s24;
	_ =	swait.ge [sflag:s17], $0x2800  }
0x34: {  	s25 =	sshra.s32 s25, $0x2;
	[sflag:s17] =	ssyncset.done $0x0  }
0x35: {  	s26 =	sadd.s32 $0x2780, s25;
	[sflag:s17] =	ssyncadd.s32 $0xFFFFD800  }
0x36: {  	[spmem:s3] =	stream.indirect.scatter.add.f32 [tilespmem:s15], [sflag:$0x3], $0x80, s26, s14, $0xb8;
	[tilespmem:$0x1F780] =	vst v63  }
0x37: {  	_ =	swait.ge [sflag:s12], $0x2800  }
0x38: {  	[sflag:s12] =	ssyncset.done $0x0  }
0x39: {  	[sflag:s12] =	ssyncadd.s32 $0xFFFFD800  }
0x3a: {  	[tilespmem:s15], [sflag:$0x1] =	stream.indirect.gather [hbm4b:s1+s14], $0x80, s23, s14, $0xb8;
	[tilespmem:$0x1F780] =	vst v63  }
0x3b: {  	_ =	swait.ge [sflag:s18], $0x2800  }
0x3c: {  	[sflag:s18] =	ssyncset.done $0x0  }
.Ltmp0:
0x3d: {  	s25 =	sadd.s32 $0x2800, s25;
	[sflag:s18] =	ssyncadd.s32 $0xFFFFD800;
	(pc) =	sbr.rel @p0 .LBB2_2-.Ltmp0, $4  }
0x3e: {  	[spmem:s3] =	stream.indirect.scatter.add.f32 [tilespmem:s16], [sflag:$0x3], $0x80, s25, s14, $0xb8;
	[tilespmem:$0x1F780] =	vst v63  }
0x3f: {  	_ =	swait.ge [sflag:s12], $0x2800  }
0x40: {  	[sflag:s12] =	ssyncset.done $0x0  }
0x41: {  	s25 =	sadd.s32 $0x50, s23;
	s23 =	sadd.s32 $0xA0, s23;
	[sflag:s12] =	ssyncadd.s32 $0xFFFFD800  }
0x42: {  	[tilespmem:s16], [sflag:$0x2] =	stream.indirect.gather [hbm4b:s1+s14], $0x80, s25, s14, $0xb8;
	[tilespmem:$0x1F780] =	vst v63  }
0x43: {  	_ =	swait.ge [sflag:s17], $0x2800  }
0x44: {  	[sflag:s17] =	ssyncset.done $0x0  }
0x45: {  	[sflag:s17] =	ssyncadd.s32 $0xFFFFD800  }
0x46: {  	[spmem:s3] =	stream.indirect.scatter.add.f32 [tilespmem:s15], [sflag:$0x3], $0x80, s19, s14, $0xb8;
	[tilespmem:$0x1F780] =	vst v63  }
0x47: {  	_ =	swait.ge [sflag:s12], $0x2800  }
0x48: {  	[sflag:s12] =	ssyncset.done $0x0  }
0x49: {  	[sflag:s12] =	ssyncadd.s32 $0xFFFFD800  }
0x4a: {  	[tilespmem:s15], [sflag:$0x1] =	stream.indirect.gather [hbm4b:s1+s14], $0x80, s23, s14, $0xb8;
	[tilespmem:$0x1F780] =	vst v63  }
0x4b: {  	_ =	swait.ge [sflag:s18], $0x2800  }
0x4c: {  	[sflag:s18] =	ssyncset.done $0x0  }
0x4d: {  	[sflag:s18] =	ssyncadd.s32 $0xFFFFD800  }
0x4e: {  	[spmem:s3] =	stream.indirect.scatter.add.f32 [tilespmem:s16], [sflag:$0x3], $0x80, s20, s14, $0xb8;
	[tilespmem:$0x1F780] =	vst v63  }
0x4f: {  	_ =	swait.ge [sflag:s12], $0x2800  }
0x50: {  	[sflag:s12] =	ssyncset.done $0x0  }
0x51: {  	[sflag:s12] =	ssyncadd.s32 $0xFFFFD800  }
0x52: {  	_ =	swait.ge [sflag:s17], $0x2800  }
0x53: {  	[sflag:s17] =	ssyncset.done $0x0  }
0x54: {  	[sflag:s17] =	ssyncadd.s32 $0xFFFFD800  }
0x55: {  	[spmem:s3] =	stream.indirect.scatter.add.f32 [tilespmem:s15], [sflag:$0x3], $0x80, s21, s14, $0xb8;
	[tilespmem:$0x1F780] =	vst v63  }
0x56: {  	_ =	swait.ge [sflag:s12], $0x2800  }
0x57: {  	s22 =	sadd.s32 $0x1, s22;
	[sflag:s12] =	ssyncset.done $0x0  }
0x58: {  	p0 =	sne.s32 s22, s10;
	[sflag:s12] =	ssyncadd.s32 $0xFFFFD800  }
.Ltmp1:
0x59: {  	[bflag:$0x0] =	sbarrier.arrive $0xFFFF;
	(pc) =	sbr.rel @p0 .LBB2_1-.Ltmp1, $4  }
0x5a: {  	[hbm:s9], [sflag:s6] =	dma.local [spmem:s11], $0x2800  }
0x5b: {  	_ =	swait.ge [sflag:s12], $0x2800  }
0x5c: {  	[sflag:s12] =	ssyncset.done $0x0  }
0x5d: {  	[sflag:s12] =	ssyncadd.s32 $0xFFFFD800  }
0x5e: {  	_ =	sfence.sel $0x180000  }
0x5f: {  	[bflag:$0x0] =	sbarrier.arrive $0xFFFF  }
0x60: {  	p0 =	sne.s32 s0, $0x0;
	_ =	strace $0x90000047  }
0x61: {  	s0 =	sadd.s32 @!p0 $0x100000, s2;
	[bflag:$0x2] =	sbarrier.arrive $0xFFFF  }
0x62: {  	[sflag:s0] =	ssyncadd.tile.s32 @!p0 $0x1;
	_ =	shalt  }
.Lfunc_end2:
_tile_overlayer_lowered:
.L_overlay_start_2:
0x63: {  	(tag) =	ssettag $0x2  }
0x64: {  	s0 =	rddreg [dreg:$0x0];
	s2 =	stileid.u32  }
0x65: {  	s1 =	rddreg [dreg:$0x1];
	p0 =	sne.s32 s2, $0x0  }
0x66: {  	s3 =	rddreg [dreg:$0x2];
	[bflag:$0x3] =	sbarrier.arrive $0xFFFF;
	s2 =	simm.s32 @!p0 $0x1C03  }
0x67: {  	[timem:s3], [sflag:s2] =	dma.local @!p0 [hbm:s0], s1  }
0x68: {  	s0 =	simm.s32 @!p0 $0x3  }
0x69: {  	_ =	swait.ge @!p0 [sflag:s0], s1  }
0x6a: {  	s1 =	ssub.s32 @!p0 $0x0, s1;
	[sflag:s0] =	ssyncset.done @!p0 $0x0  }
0x6b: {  	[sflag:s0] =	ssyncadd.s32 @!p0 s1  }
0x6c: {  	[bflag:$0x3] =	sbarrier.arrive $0xFFFF  }
0x6d: {  	_ =	shalt  }

</sc_bundles>
